<compile_context>
chip_gen: v7x
topology: tpu7x:2x2x1
jax: 0.10.2.dev20260603
libtpu: 0.0.44.dev20260713+nightly
codegen_flags: <defaults>
</compile_context>

<pallas_src>
import functools

import jax
import jax.numpy as jnp
from jax import lax
from jax.experimental import pallas as pl
from jax.experimental.pallas import tpu as pltpu
from jax.experimental.pallas import tpu_sc as plsc

S = 8192
D = 2048
NC = 2
NS = 16
L = 16
NW = NC * NS
CHUNK = S // NW
NV = CHUNK // L
B = 8
NLR = CHUNK // B
NBUF = 5


def _body(inputs_hbm, mask_hbm, source_hbm, out_hbm,
          mask_v, buf0, buf1, buf2, buf3, buf4,
          mlist_src, mlist_pos, ulist_gidx, ulist_pos,
          sem_g0, sem_g1, sem_g2, sem_g3, sem_g4,
          sem_s0, sem_s1, sem_s2, sem_s3, sem_s4):
    wid = lax.axis_index("s") * NC + lax.axis_index("c")
    base = wid * CHUNK

    pltpu.sync_copy(mask_hbm, mask_v)

    iota = lax.iota(jnp.int32, L)
    zero16 = jnp.zeros((L,), jnp.int32)

    def pf_body(j, acc):
        a = acc + mask_v[pl.ds(j * 4 * L, L)]
        a = a + mask_v[pl.ds((j * 4 + 1) * L, L)]
        a = a + mask_v[pl.ds((j * 4 + 2) * L, L)]
        return a + mask_v[pl.ds((j * 4 + 3) * L, L)]

    acc = lax.fori_loop(0, wid * (NV // 4), pf_body, zero16)
    carry = jnp.full((L,), jnp.sum(acc, axis=0), jnp.int32)

    off_m = zero16
    off_u = zero16
    for j in range(NV):
        v = mask_v[pl.ds(base + j * L, L)]
        m = v > 0
        um = jnp.logical_not(m)
        cs = plsc.cumsum(v)
        pcnt = plsc.all_reduce_population_count(m)
        src_idx = carry + cs - 1
        p = base + j * L + iota
        dest = off_m + cs - 1
        plsc.store_scatter(mlist_src, [dest >> 3, dest & 7], src_idx, mask=m)
        plsc.store_scatter(mlist_pos, [dest >> 3, dest & 7], p, mask=m)
        dest_u = off_u + plsc.cumsum(1 - v) - 1
        plsc.store_scatter(ulist_gidx, [dest_u >> 3, dest_u & 7], p, mask=um)
        plsc.store_scatter(ulist_pos, [dest_u >> 3, dest_u & 7], p, mask=um)
        off_m = off_m + pcnt
        off_u = off_u + (L - pcnt)
        carry = carry + pcnt

    nm = jnp.max(off_m, axis=0)
    nu = CHUNK - nm

    def tail_fix(lst_a, lst_b, n):
        @pl.when(lax.rem(n, B) != 0)
        def _():
            full = n >> 3
            tsel = lax.rem(full * B + iota, jnp.full((L,), n, jnp.int32))
            row = tsel >> 3
            col = tsel & 7
            lane_ok = iota < B
            full_b = jnp.full((L,), full, jnp.int32)
            plsc.store_scatter(lst_a, [full_b, iota],
                               plsc.load_gather(lst_a, [row, col]),
                               mask=lane_ok)
            plsc.store_scatter(lst_b, [full_b, iota],
                               plsc.load_gather(lst_b, [row, col]),
                               mask=lane_ok)

    tail_fix(ulist_gidx, ulist_pos, nu)
    tail_fix(mlist_src, mlist_pos, nm)

    n_mb = (nm + (B - 1)) >> 3
    n_ub = (nu + (B - 1)) >> 3
    nt = n_ub + n_mb

    bufs = (buf0, buf1, buf2, buf3, buf4)
    gsems = (sem_g0, sem_g1, sem_g2, sem_g3, sem_g4)
    ssems = (sem_s0, sem_s1, sem_s2, sem_s3, sem_s4)

    def gat(g, k):
        @pl.when(g < n_ub)
        def _():
            pltpu.async_copy(inputs_hbm.at[ulist_gidx.at[g]], bufs[k],
                             gsems[k])

        @pl.when(g >= n_ub)
        def _():
            pltpu.async_copy(source_hbm.at[mlist_src.at[g - n_ub]], bufs[k],
                             gsems[k])

    def wgat(k):
        pltpu.make_async_copy(inputs_hbm.at[ulist_gidx.at[0]], bufs[k],
                              gsems[k]).wait()

    def sct(g, k):
        @pl.when(g < n_ub)
        def _():
            pltpu.async_copy(bufs[k], out_hbm.at[ulist_pos.at[g]], ssems[k])

        @pl.when(g >= n_ub)
        def _():
            pltpu.async_copy(bufs[k], out_hbm.at[mlist_pos.at[g - n_ub]],
                             ssems[k])

    def wsct(k):
        pltpu.make_async_copy(bufs[k], out_hbm.at[ulist_pos.at[0]],
                              ssems[k]).wait()

    for k in range(NBUF - 1):
        gat(k, k)

    def loop_body(t, _):
        for k in range(NBUF):
            g = NBUF * t + k

            @pl.when(g < nt)
            def _():
                @pl.when(g >= 1)
                def _():
                    wsct((k + NBUF - 1) % NBUF)

                @pl.when(g + NBUF - 1 < nt)
                def _():
                    gat(g + NBUF - 1, (k + NBUF - 1) % NBUF)
                wgat(k)
                sct(g, k)
        return 0

    lax.fori_loop(0, (nt + NBUF - 1) // NBUF, loop_body, 0)
    for k in range(NBUF):
        @pl.when(lax.rem(nt - 1, NBUF) == k)
        def _():
            wsct(k)


@functools.partial(
    pl.kernel,
    out_type=jax.ShapeDtypeStruct((S, D), jnp.float32),
    mesh=plsc.VectorSubcoreMesh(core_axis_name="c", subcore_axis_name="s"),
    compiler_params=pltpu.CompilerParams(needs_layout_passes=False),
    scratch_types=[
        pltpu.VMEM((S,), jnp.int32),
        pltpu.VMEM((B, D), jnp.float32),
        pltpu.VMEM((B, D), jnp.float32),
        pltpu.VMEM((B, D), jnp.float32),
        pltpu.VMEM((B, D), jnp.float32),
        pltpu.VMEM((B, D), jnp.float32),
        pltpu.VMEM((NLR, B), jnp.int32),
        pltpu.VMEM((NLR, B), jnp.int32),
        pltpu.VMEM((NLR, B), jnp.int32),
        pltpu.VMEM((NLR, B), jnp.int32),
        pltpu.SemaphoreType.DMA,
        pltpu.SemaphoreType.DMA,
        pltpu.SemaphoreType.DMA,
        pltpu.SemaphoreType.DMA,
        pltpu.SemaphoreType.DMA,
        pltpu.SemaphoreType.DMA,
        pltpu.SemaphoreType.DMA,
        pltpu.SemaphoreType.DMA,
        pltpu.SemaphoreType.DMA,
        pltpu.SemaphoreType.DMA,
    ],
)
def _sc_masked_scatter(inputs_hbm, mask_hbm, source_hbm, out_hbm, *scratch):
    _body(inputs_hbm, mask_hbm, source_hbm, out_hbm, *scratch)


def kernel(inputs_embeds, mask_1d, source):
    mask_i32 = mask_1d.astype(jnp.int32)
    return _sc_masked_scatter(inputs_embeds, mask_i32, source)

# --- scband reference (transcript-rebuilt; emitter-appended) ---
"""Pipeline reference for scband-masked-scatter-new-decomp-4269197492489 (READ-ONLY COPY).

The authoritative reference and input builder live on the scoring server;
editing this copy changes nothing except your own understanding.
"""

import jax, jax.numpy as jnp
import numpy as np


def setup_inputs(seed: int = 0) -> dict:
    key = jax.random.key(seed)
    k1, k2, k3 = jax.random.split(key, 3)
    S, D = 8192, 2048
    inputs_embeds = jax.random.normal(k1, (S, D), dtype=jnp.float32)
    mask_1d = jax.random.randint(k2, (S,), 0, 2).astype(jnp.bool_)
    source = jax.random.normal(k3, (S, D), dtype=jnp.float32)
    return {"inputs_embeds": inputs_embeds, "mask_1d": mask_1d, "source": source}


def reference(inputs_embeds, mask_1d, source):
    mask_i = mask_1d.astype(jnp.int32)
    source_idx = jnp.cumsum(mask_i, axis=0) - 1
    source_idx = jnp.clip(source_idx, 0, source.shape[0] - 1)
    gathered_rows = jnp.take(source, source_idx, axis=0)
    return jnp.where(mask_1d[:, None], gathered_rows, inputs_embeds)

if __name__ == "__main__":
    import jax
    _d = setup_inputs()
    print(jax.jit(kernel)(*tuple(_d.values())))

</pallas_src>

<mosaic_0001>
#map = affine_map<(d0, d1) -> (0, 0)>
#map1 = affine_map<(d0, d1) -> (0)>
module attributes {stable_mosaic.version = 14 : i64} {
  func.func @_sc_masked_scatter(%arg0: i32, %arg1: i32, %arg2: memref<8192x2048xf32, #tpu.memory_space<hbm>>, %arg3: memref<8192xi32, #tpu.memory_space<hbm>>, %arg4: memref<8192x2048xf32, #tpu.memory_space<hbm>>, %arg5: memref<8192x2048xf32, #tpu.memory_space<hbm>>, %arg6: memref<8192xi32, #tpu.memory_space<vmem>>, %arg7: memref<8x2048xf32, #tpu.memory_space<vmem>>, %arg8: memref<8x2048xf32, #tpu.memory_space<vmem>>, %arg9: memref<8x2048xf32, #tpu.memory_space<vmem>>, %arg10: memref<8x2048xf32, #tpu.memory_space<vmem>>, %arg11: memref<8x2048xf32, #tpu.memory_space<vmem>>, %arg12: memref<32x8xi32, #tpu.memory_space<vmem>>, %arg13: memref<32x8xi32, #tpu.memory_space<vmem>>, %arg14: memref<32x8xi32, #tpu.memory_space<vmem>>, %arg15: memref<32x8xi32, #tpu.memory_space<vmem>>, %arg16: memref<!tpu.dma_semaphore, #tpu.memory_space<semaphore_mem>>, %arg17: memref<!tpu.dma_semaphore, #tpu.memory_space<semaphore_mem>>, %arg18: memref<!tpu.dma_semaphore, #tpu.memory_space<semaphore_mem>>, %arg19: memref<!tpu.dma_semaphore, #tpu.memory_space<semaphore_mem>>, %arg20: memref<!tpu.dma_semaphore, #tpu.memory_space<semaphore_mem>>, %arg21: memref<!tpu.dma_semaphore, #tpu.memory_space<semaphore_mem>>, %arg22: memref<!tpu.dma_semaphore, #tpu.memory_space<semaphore_mem>>, %arg23: memref<!tpu.dma_semaphore, #tpu.memory_space<semaphore_mem>>, %arg24: memref<!tpu.dma_semaphore, #tpu.memory_space<semaphore_mem>>, %arg25: memref<!tpu.dma_semaphore, #tpu.memory_space<semaphore_mem>>) attributes {dimension_semantics = [#tpu.dimension_semantics<core_parallel>, #tpu.dimension_semantics<subcore_parallel>], iteration_bounds = array<i64: 2, 16>, scalar_prefetch = 0 : i64, scratch_operands = 20 : i64, tpu.core_type = #tpu.core_type<sc_vector_subcore>, window_params = [{transform_indices = #map}, {transform_indices = #map1}, {transform_indices = #map}, {transform_indices = #map}]} {
    %mul3A = arith.constant 2 : i32
    %mul3A_0 = arith.muli %arg1, %mul3A : i32
    %add3A = arith.addi %mul3A_0, %arg0 : i32
    %mul3A_1 = arith.constant 256 : i32
    %mul3A_2 = arith.muli %add3A, %mul3A_1 : i32
    "tpu.region"() ({
      %run_scoped3A = tpu.sem_alloc : memref<!tpu.dma_semaphore, #tpu.memory_space<semaphore_mem>>
      tpu.enqueue_dma source(%arg3 : memref<8192xi32, #tpu.memory_space<hbm>>) target(%arg6 : memref<8192xi32, #tpu.memory_space<vmem>>) target_semaphore(%run_scoped3A : memref<!tpu.dma_semaphore, #tpu.memory_space<semaphore_mem>>)
      tpu.wait_dma2 semaphore(%run_scoped3A : memref<!tpu.dma_semaphore, #tpu.memory_space<semaphore_mem>>) src(%arg3 : memref<8192xi32, #tpu.memory_space<hbm>>) dst(%arg6 : memref<8192xi32, #tpu.memory_space<vmem>>)
      tpu.yield
    }) : () -> ()
    %iota3A = tpu.iota {dimensions = array<i32: 0>} : vector<16xi32>
    %broadcast_in_dim3A = arith.constant 0 : i32
    %broadcast_in_dim3A_3 = vector.broadcast %broadcast_in_dim3A : i32 to vector<16xi32>
    %mul3A_4 = arith.constant 4 : i32
    %mul3A_5 = arith.muli %add3A, %mul3A_4 : i32
    %while3A = arith.constant 0 : i32
    %while3A_6 = arith.subi %mul3A_5, %while3A : i32
    %while3A_7 = arith.addi %while3A, %while3A_6 : i32
    %while3A_8 = arith.constant 1 : i32
    %while3A_9 = arith.divsi %while3A_6, %while3A_8 : i32
    %while3A_10 = arith.muli %while3A_9, %while3A_8 : i32
    %while3A_11 = arith.addi %while3A, %while3A_10 : i32
    %while3A_12 = arith.constant 1 : i32
    %while3A_13 = scf.for %while3A_1199 = %while3A to %while3A_11 step %while3A_12 iter_args(%while3A_1200 = %broadcast_in_dim3A_3) -> (vector<16xi32>)  : i32 {
      %mul3A_1201 = arith.constant 4 : i32
      %mul3A_1202 = arith.muli %while3A_1199, %mul3A_1201 : i32
      %mul3A_1203 = arith.constant 16 : i32
      %mul3A_1204 = arith.muli %mul3A_1202, %mul3A_1203 : i32
      %get3A_1205 = arith.index_cast %mul3A_1204 : i32 to index
      %get3A_1206 = tpu.vector_load %arg6[%get3A_1205] {strides = array<i32>} : memref<8192xi32, #tpu.memory_space<vmem>>, vector<16xi32>,
      %add3A_1207 = arith.addi %while3A_1200, %get3A_1206 : vector<16xi32>
      %mul3A_1208 = arith.constant 4 : i32
      %mul3A_1209 = arith.muli %while3A_1199, %mul3A_1208 : i32
      %add3A_1210 = arith.constant 1 : i32
      %add3A_1211 = arith.addi %mul3A_1209, %add3A_1210 : i32
      %mul3A_1212 = arith.constant 16 : i32
      %mul3A_1213 = arith.muli %add3A_1211, %mul3A_1212 : i32
      %get3A_1214 = arith.index_cast %mul3A_1213 : i32 to index
      %get3A_1215 = tpu.vector_load %arg6[%get3A_1214] {strides = array<i32>} : memref<8192xi32, #tpu.memory_space<vmem>>, vector<16xi32>,
      %add3A_1216 = arith.addi %add3A_1207, %get3A_1215 : vector<16xi32>
      %mul3A_1217 = arith.constant 4 : i32
      %mul3A_1218 = arith.muli %while3A_1199, %mul3A_1217 : i32
      %add3A_1219 = arith.constant 2 : i32
      %add3A_1220 = arith.addi %mul3A_1218, %add3A_1219 : i32
      %mul3A_1221 = arith.constant 16 : i32
      %mul3A_1222 = arith.muli %add3A_1220, %mul3A_1221 : i32
      %get3A_1223 = arith.index_cast %mul3A_1222 : i32 to index
      %get3A_1224 = tpu.vector_load %arg6[%get3A_1223] {strides = array<i32>} : memref<8192xi32, #tpu.memory_space<vmem>>, vector<16xi32>,
      %add3A_1225 = arith.addi %add3A_1216, %get3A_1224 : vector<16xi32>
      %mul3A_1226 = arith.constant 4 : i32
      %mul3A_1227 = arith.muli %while3A_1199, %mul3A_1226 : i32
      %add3A_1228 = arith.constant 3 : i32
      %add3A_1229 = arith.addi %mul3A_1227, %add3A_1228 : i32
      %mul3A_1230 = arith.constant 16 : i32
      %mul3A_1231 = arith.muli %add3A_1229, %mul3A_1230 : i32
      %get3A_1232 = arith.index_cast %mul3A_1231 : i32 to index
      %get3A_1233 = tpu.vector_load %arg6[%get3A_1232] {strides = array<i32>} : memref<8192xi32, #tpu.memory_space<vmem>>, vector<16xi32>,
      %add3A_1234 = arith.addi %add3A_1225, %get3A_1233 : vector<16xi32>
      scf.yield %add3A_1234 : vector<16xi32>
    }
    %while3A_14 = arith.constant 1 : i32
    %while3A_15 = scf.for %while3A_1199 = %while3A_11 to %while3A_7 step %while3A_14 iter_args(%while3A_1200 = %while3A_13) -> (vector<16xi32>)  : i32 {
      %mul3A_1201 = arith.constant 4 : i32
      %mul3A_1202 = arith.muli %while3A_1199, %mul3A_1201 : i32
      %mul3A_1203 = arith.constant 16 : i32
      %mul3A_1204 = arith.muli %mul3A_1202, %mul3A_1203 : i32
      %get3A_1205 = arith.index_cast %mul3A_1204 : i32 to index
      %get3A_1206 = tpu.vector_load %arg6[%get3A_1205] {strides = array<i32>} : memref<8192xi32, #tpu.memory_space<vmem>>, vector<16xi32>,
      %add3A_1207 = arith.addi %while3A_1200, %get3A_1206 : vector<16xi32>
      %mul3A_1208 = arith.constant 4 : i32
      %mul3A_1209 = arith.muli %while3A_1199, %mul3A_1208 : i32
      %add3A_1210 = arith.constant 1 : i32
      %add3A_1211 = arith.addi %mul3A_1209, %add3A_1210 : i32
      %mul3A_1212 = arith.constant 16 : i32
      %mul3A_1213 = arith.muli %add3A_1211, %mul3A_1212 : i32
      %get3A_1214 = arith.index_cast %mul3A_1213 : i32 to index
      %get3A_1215 = tpu.vector_load %arg6[%get3A_1214] {strides = array<i32>} : memref<8192xi32, #tpu.memory_space<vmem>>, vector<16xi32>,
      %add3A_1216 = arith.addi %add3A_1207, %get3A_1215 : vector<16xi32>
      %mul3A_1217 = arith.constant 4 : i32
      %mul3A_1218 = arith.muli %while3A_1199, %mul3A_1217 : i32
      %add3A_1219 = arith.constant 2 : i32
      %add3A_1220 = arith.addi %mul3A_1218, %add3A_1219 : i32
      %mul3A_1221 = arith.constant 16 : i32
      %mul3A_1222 = arith.muli %add3A_1220, %mul3A_1221 : i32
      %get3A_1223 = arith.index_cast %mul3A_1222 : i32 to index
      %get3A_1224 = tpu.vector_load %arg6[%get3A_1223] {strides = array<i32>} : memref<8192xi32, #tpu.memory_space<vmem>>, vector<16xi32>,
      %add3A_1225 = arith.addi %add3A_1216, %get3A_1224 : vector<16xi32>
      %mul3A_1226 = arith.constant 4 : i32
      %mul3A_1227 = arith.muli %while3A_1199, %mul3A_1226 : i32
      %add3A_1228 = arith.constant 3 : i32
      %add3A_1229 = arith.addi %mul3A_1227, %add3A_1228 : i32
      %mul3A_1230 = arith.constant 16 : i32
      %mul3A_1231 = arith.muli %add3A_1229, %mul3A_1230 : i32
      %get3A_1232 = arith.index_cast %mul3A_1231 : i32 to index
      %get3A_1233 = tpu.vector_load %arg6[%get3A_1232] {strides = array<i32>} : memref<8192xi32, #tpu.memory_space<vmem>>, vector<16xi32>,
      %add3A_1234 = arith.addi %add3A_1225, %get3A_1233 : vector<16xi32>
      scf.yield %add3A_1234 : vector<16xi32>
    }
    %reduce_sum3A = arith.constant true
    %reduce_sum3A_16 = vector.broadcast %reduce_sum3A : i1 to vector<16xi1>
    %reduce_sum3A_17 = tpu.scan <sum>, %while3A_15 masked %reduce_sum3A_16 : vector<16xi32>, vector<16xi1> -> vector<16xi32>
    %reduce_sum3A_18 = vector.extract %reduce_sum3A_17[15] : i32 from vector<16xi32>
    %broadcast_in_dim3A_19 = vector.broadcast %reduce_sum3A_18 : i32 to vector<16xi32>
    %add3A_20 = arith.constant 0 : i32
    %add3A_21 = arith.addi %mul3A_2, %add3A_20 : i32
    %get3A = arith.index_cast %add3A_21 : i32 to index
    %get3A_22 = tpu.vector_load %arg6[%get3A] {strides = array<i32>} : memref<8192xi32, #tpu.memory_space<vmem>>, vector<16xi32>,
    %gt3A = arith.constant 0 : i32
    %gt3A_23 = vector.broadcast %gt3A : i32 to vector<16xi32>
    %gt3A_24 = arith.cmpi sgt, %get3A_22, %gt3A_23 : vector<16xi32>
    %not3A = arith.constant dense<true> : vector<16xi1>
    %not3A_25 = arith.xori %gt3A_24, %not3A : vector<16xi1>
    %broadcast_in_dim3A_26 = arith.constant true
    %broadcast_in_dim3A_27 = vector.broadcast %broadcast_in_dim3A_26 : i1 to vector<16xi1>
    %masked_cumsum3A = tpu.scan <sum>, %get3A_22 masked %broadcast_in_dim3A_27 : vector<16xi32>, vector<16xi1> -> vector<16xi32>
    %all_reduce_population_count3A = tpu.all_reduce %gt3A_24 {dim = 0 : i64, kind = #tpu.reduction_kind<sum>} : vector<16xi1> -> vector<16xi32>
    %add3A_28 = arith.addi %broadcast_in_dim3A_19, %masked_cumsum3A : vector<16xi32>
    %sub3A = arith.constant 1 : i32
    %sub3A_29 = vector.broadcast %sub3A : i32 to vector<16xi32>
    %sub3A_30 = arith.subi %add3A_28, %sub3A_29 : vector<16xi32>
    %add3A_31 = arith.constant 0 : i32
    %add3A_32 = arith.addi %mul3A_2, %add3A_31 : i32
    %add3A_33 = vector.broadcast %add3A_32 : i32 to vector<16xi32>
    %add3A_34 = arith.addi %add3A_33, %iota3A : vector<16xi32>
    %add3A_35 = arith.addi %broadcast_in_dim3A_3, %masked_cumsum3A : vector<16xi32>
    %sub3A_36 = arith.constant 1 : i32
    %sub3A_37 = vector.broadcast %sub3A_36 : i32 to vector<16xi32>
    %sub3A_38 = arith.subi %add3A_35, %sub3A_37 : vector<16xi32>
    %shift_right_arithmetic3A = arith.constant 3 : i32
    %shift_right_arithmetic3A_39 = vector.broadcast %shift_right_arithmetic3A : i32 to vector<16xi32>
    %shift_right_arithmetic3A_40 = arith.shrsi %sub3A_38, %shift_right_arithmetic3A_39 : vector<16xi32>
    %and3A = arith.constant 7 : i32
    %and3A_41 = vector.broadcast %and3A : i32 to vector<16xi32>
    %and3A_42 = arith.andi %sub3A_38, %and3A_41 : vector<16xi32>
    tpu.vector_store_idx %arg12[%shift_right_arithmetic3A_40, %and3A_42], %sub3A_30 masked %gt3A_24 : memref<32x8xi32, #tpu.memory_space<vmem>>[vector<16xi32>, vector<16xi32>], vector<16xi32>, vector<16xi1>
    %shift_right_arithmetic3A_43 = arith.constant 3 : i32
    %shift_right_arithmetic3A_44 = vector.broadcast %shift_right_arithmetic3A_43 : i32 to vector<16xi32>
    %shift_right_arithmetic3A_45 = arith.shrsi %sub3A_38, %shift_right_arithmetic3A_44 : vector<16xi32>
    %and3A_46 = arith.constant 7 : i32
    %and3A_47 = vector.broadcast %and3A_46 : i32 to vector<16xi32>
    %and3A_48 = arith.andi %sub3A_38, %and3A_47 : vector<16xi32>
    tpu.vector_store_idx %arg13[%shift_right_arithmetic3A_45, %and3A_48], %add3A_34 masked %gt3A_24 : memref<32x8xi32, #tpu.memory_space<vmem>>[vector<16xi32>, vector<16xi32>], vector<16xi32>, vector<16xi1>
    %sub3A_49 = arith.constant 1 : i32
    %sub3A_50 = vector.broadcast %sub3A_49 : i32 to vector<16xi32>
    %sub3A_51 = arith.subi %sub3A_50, %get3A_22 : vector<16xi32>
    %broadcast_in_dim3A_52 = arith.constant true
    %broadcast_in_dim3A_53 = vector.broadcast %broadcast_in_dim3A_52 : i1 to vector<16xi1>
    %masked_cumsum3A_54 = tpu.scan <sum>, %sub3A_51 masked %broadcast_in_dim3A_53 : vector<16xi32>, vector<16xi1> -> vector<16xi32>
    %add3A_55 = arith.addi %broadcast_in_dim3A_3, %masked_cumsum3A_54 : vector<16xi32>
    %sub3A_56 = arith.constant 1 : i32
    %sub3A_57 = vector.broadcast %sub3A_56 : i32 to vector<16xi32>
    %sub3A_58 = arith.subi %add3A_55, %sub3A_57 : vector<16xi32>
    %shift_right_arithmetic3A_59 = arith.constant 3 : i32
    %shift_right_arithmetic3A_60 = vector.broadcast %shift_right_arithmetic3A_59 : i32 to vector<16xi32>
    %shift_right_arithmetic3A_61 = arith.shrsi %sub3A_58, %shift_right_arithmetic3A_60 : vector<16xi32>
    %and3A_62 = arith.constant 7 : i32
    %and3A_63 = vector.broadcast %and3A_62 : i32 to vector<16xi32>
    %and3A_64 = arith.andi %sub3A_58, %and3A_63 : vector<16xi32>
    tpu.vector_store_idx %arg14[%shift_right_arithmetic3A_61, %and3A_64], %add3A_34 masked %not3A_25 : memref<32x8xi32, #tpu.memory_space<vmem>>[vector<16xi32>, vector<16xi32>], vector<16xi32>, vector<16xi1>
    %shift_right_arithmetic3A_65 = arith.constant 3 : i32
    %shift_right_arithmetic3A_66 = vector.broadcast %shift_right_arithmetic3A_65 : i32 to vector<16xi32>
    %shift_right_arithmetic3A_67 = arith.shrsi %sub3A_58, %shift_right_arithmetic3A_66 : vector<16xi32>
    %and3A_68 = arith.constant 7 : i32
    %and3A_69 = vector.broadcast %and3A_68 : i32 to vector<16xi32>
    %and3A_70 = arith.andi %sub3A_58, %and3A_69 : vector<16xi32>
    tpu.vector_store_idx %arg15[%shift_right_arithmetic3A_67, %and3A_70], %add3A_34 masked %not3A_25 : memref<32x8xi32, #tpu.memory_space<vmem>>[vector<16xi32>, vector<16xi32>], vector<16xi32>, vector<16xi1>
    %add3A_71 = arith.addi %broadcast_in_dim3A_3, %all_reduce_population_count3A : vector<16xi32>
    %sub3A_72 = arith.constant 16 : i32
    %sub3A_73 = vector.broadcast %sub3A_72 : i32 to vector<16xi32>
    %sub3A_74 = arith.subi %sub3A_73, %all_reduce_population_count3A : vector<16xi32>
    %add3A_75 = arith.addi %broadcast_in_dim3A_3, %sub3A_74 : vector<16xi32>
    %add3A_76 = arith.addi %broadcast_in_dim3A_19, %all_reduce_population_count3A : vector<16xi32>
    %add3A_77 = arith.constant 16 : i32
    %add3A_78 = arith.addi %mul3A_2, %add3A_77 : i32
    %get3A_79 = arith.index_cast %add3A_78 : i32 to index
    %get3A_80 = tpu.vector_load %arg6[%get3A_79] {strides = array<i32>} : memref<8192xi32, #tpu.memory_space<vmem>>, vector<16xi32>,
    %gt3A_81 = arith.constant 0 : i32
    %gt3A_82 = vector.broadcast %gt3A_81 : i32 to vector<16xi32>
    %gt3A_83 = arith.cmpi sgt, %get3A_80, %gt3A_82 : vector<16xi32>
    %not3A_84 = arith.constant dense<true> : vector<16xi1>
    %not3A_85 = arith.xori %gt3A_83, %not3A_84 : vector<16xi1>
    %broadcast_in_dim3A_86 = arith.constant true
    %broadcast_in_dim3A_87 = vector.broadcast %broadcast_in_dim3A_86 : i1 to vector<16xi1>
    %masked_cumsum3A_88 = tpu.scan <sum>, %get3A_80 masked %broadcast_in_dim3A_87 : vector<16xi32>, vector<16xi1> -> vector<16xi32>
    %all_reduce_population_count3A_89 = tpu.all_reduce %gt3A_83 {dim = 0 : i64, kind = #tpu.reduction_kind<sum>} : vector<16xi1> -> vector<16xi32>
    %add3A_90 = arith.addi %add3A_76, %masked_cumsum3A_88 : vector<16xi32>
    %sub3A_91 = arith.constant 1 : i32
    %sub3A_92 = vector.broadcast %sub3A_91 : i32 to vector<16xi32>
    %sub3A_93 = arith.subi %add3A_90, %sub3A_92 : vector<16xi32>
    %add3A_94 = arith.constant 16 : i32
    %add3A_95 = arith.addi %mul3A_2, %add3A_94 : i32
    %add3A_96 = vector.broadcast %add3A_95 : i32 to vector<16xi32>
    %add3A_97 = arith.addi %add3A_96, %iota3A : vector<16xi32>
    %add3A_98 = arith.addi %add3A_71, %masked_cumsum3A_88 : vector<16xi32>
    %sub3A_99 = arith.constant 1 : i32
    %sub3A_100 = vector.broadcast %sub3A_99 : i32 to vector<16xi32>
    %sub3A_101 = arith.subi %add3A_98, %sub3A_100 : vector<16xi32>
    %shift_right_arithmetic3A_102 = arith.constant 3 : i32
    %shift_right_arithmetic3A_103 = vector.broadcast %shift_right_arithmetic3A_102 : i32 to vector<16xi32>
    %shift_right_arithmetic3A_104 = arith.shrsi %sub3A_101, %shift_right_arithmetic3A_103 : vector<16xi32>
    %and3A_105 = arith.constant 7 : i32
    %and3A_106 = vector.broadcast %and3A_105 : i32 to vector<16xi32>
    %and3A_107 = arith.andi %sub3A_101, %and3A_106 : vector<16xi32>
    tpu.vector_store_idx %arg12[%shift_right_arithmetic3A_104, %and3A_107], %sub3A_93 masked %gt3A_83 : memref<32x8xi32, #tpu.memory_space<vmem>>[vector<16xi32>, vector<16xi32>], vector<16xi32>, vector<16xi1>
    %shift_right_arithmetic3A_108 = arith.constant 3 : i32
    %shift_right_arithmetic3A_109 = vector.broadcast %shift_right_arithmetic3A_108 : i32 to vector<16xi32>
    %shift_right_arithmetic3A_110 = arith.shrsi %sub3A_101, %shift_right_arithmetic3A_109 : vector<16xi32>
    %and3A_111 = arith.constant 7 : i32
    %and3A_112 = vector.broadcast %and3A_111 : i32 to vector<16xi32>
    %and3A_113 = arith.andi %sub3A_101, %and3A_112 : vector<16xi32>
    tpu.vector_store_idx %arg13[%shift_right_arithmetic3A_110, %and3A_113], %add3A_97 masked %gt3A_83 : memref<32x8xi32, #tpu.memory_space<vmem>>[vector<16xi32>, vector<16xi32>], vector<16xi32>, vector<16xi1>
    %sub3A_114 = arith.constant 1 : i32
    %sub3A_115 = vector.broadcast %sub3A_114 : i32 to vector<16xi32>
    %sub3A_116 = arith.subi %sub3A_115, %get3A_80 : vector<16xi32>
    %broadcast_in_dim3A_117 = arith.constant true
    %broadcast_in_dim3A_118 = vector.broadcast %broadcast_in_dim3A_117 : i1 to vector<16xi1>
    %masked_cumsum3A_119 = tpu.scan <sum>, %sub3A_116 masked %broadcast_in_dim3A_118 : vector<16xi32>, vector<16xi1> -> vector<16xi32>
    %add3A_120 = arith.addi %add3A_75, %masked_cumsum3A_119 : vector<16xi32>
    %sub3A_121 = arith.constant 1 : i32
    %sub3A_122 = vector.broadcast %sub3A_121 : i32 to vector<16xi32>
    %sub3A_123 = arith.subi %add3A_120, %sub3A_122 : vector<16xi32>
    %shift_right_arithmetic3A_124 = arith.constant 3 : i32
    %shift_right_arithmetic3A_125 = vector.broadcast %shift_right_arithmetic3A_124 : i32 to vector<16xi32>
    %shift_right_arithmetic3A_126 = arith.shrsi %sub3A_123, %shift_right_arithmetic3A_125 : vector<16xi32>
    %and3A_127 = arith.constant 7 : i32
    %and3A_128 = vector.broadcast %and3A_127 : i32 to vector<16xi32>
    %and3A_129 = arith.andi %sub3A_123, %and3A_128 : vector<16xi32>
    tpu.vector_store_idx %arg14[%shift_right_arithmetic3A_126, %and3A_129], %add3A_97 masked %not3A_85 : memref<32x8xi32, #tpu.memory_space<vmem>>[vector<16xi32>, vector<16xi32>], vector<16xi32>, vector<16xi1>
    %shift_right_arithmetic3A_130 = arith.constant 3 : i32
    %shift_right_arithmetic3A_131 = vector.broadcast %shift_right_arithmetic3A_130 : i32 to vector<16xi32>
    %shift_right_arithmetic3A_132 = arith.shrsi %sub3A_123, %shift_right_arithmetic3A_131 : vector<16xi32>
    %and3A_133 = arith.constant 7 : i32
    %and3A_134 = vector.broadcast %and3A_133 : i32 to vector<16xi32>
    %and3A_135 = arith.andi %sub3A_123, %and3A_134 : vector<16xi32>
    tpu.vector_store_idx %arg15[%shift_right_arithmetic3A_132, %and3A_135], %add3A_97 masked %not3A_85 : memref<32x8xi32, #tpu.memory_space<vmem>>[vector<16xi32>, vector<16xi32>], vector<16xi32>, vector<16xi1>
    %add3A_136 = arith.addi %add3A_71, %all_reduce_population_count3A_89 : vector<16xi32>
    %sub3A_137 = arith.constant 16 : i32
    %sub3A_138 = vector.broadcast %sub3A_137 : i32 to vector<16xi32>
    %sub3A_139 = arith.subi %sub3A_138, %all_reduce_population_count3A_89 : vector<16xi32>
    %add3A_140 = arith.addi %add3A_75, %sub3A_139 : vector<16xi32>
    %add3A_141 = arith.addi %add3A_76, %all_reduce_population_count3A_89 : vector<16xi32>
    %add3A_142 = arith.constant 32 : i32
    %add3A_143 = arith.addi %mul3A_2, %add3A_142 : i32
    %get3A_144 = arith.index_cast %add3A_143 : i32 to index
    %get3A_145 = tpu.vector_load %arg6[%get3A_144] {strides = array<i32>} : memref<8192xi32, #tpu.memory_space<vmem>>, vector<16xi32>,
    %gt3A_146 = arith.constant 0 : i32
    %gt3A_147 = vector.broadcast %gt3A_146 : i32 to vector<16xi32>
    %gt3A_148 = arith.cmpi sgt, %get3A_145, %gt3A_147 : vector<16xi32>
    %not3A_149 = arith.constant dense<true> : vector<16xi1>
    %not3A_150 = arith.xori %gt3A_148, %not3A_149 : vector<16xi1>
    %broadcast_in_dim3A_151 = arith.constant true
    %broadcast_in_dim3A_152 = vector.broadcast %broadcast_in_dim3A_151 : i1 to vector<16xi1>
    %masked_cumsum3A_153 = tpu.scan <sum>, %get3A_145 masked %broadcast_in_dim3A_152 : vector<16xi32>, vector<16xi1> -> vector<16xi32>
    %all_reduce_population_count3A_154 = tpu.all_reduce %gt3A_148 {dim = 0 : i64, kind = #tpu.reduction_kind<sum>} : vector<16xi1> -> vector<16xi32>
    %add3A_155 = arith.addi %add3A_141, %masked_cumsum3A_153 : vector<16xi32>
    %sub3A_156 = arith.constant 1 : i32
    %sub3A_157 = vector.broadcast %sub3A_156 : i32 to vector<16xi32>
    %sub3A_158 = arith.subi %add3A_155, %sub3A_157 : vector<16xi32>
    %add3A_159 = arith.constant 32 : i32
    %add3A_160 = arith.addi %mul3A_2, %add3A_159 : i32
    %add3A_161 = vector.broadcast %add3A_160 : i32 to vector<16xi32>
    %add3A_162 = arith.addi %add3A_161, %iota3A : vector<16xi32>
    %add3A_163 = arith.addi %add3A_136, %masked_cumsum3A_153 : vector<16xi32>
    %sub3A_164 = arith.constant 1 : i32
    %sub3A_165 = vector.broadcast %sub3A_164 : i32 to vector<16xi32>
    %sub3A_166 = arith.subi %add3A_163, %sub3A_165 : vector<16xi32>
    %shift_right_arithmetic3A_167 = arith.constant 3 : i32
    %shift_right_arithmetic3A_168 = vector.broadcast %shift_right_arithmetic3A_167 : i32 to vector<16xi32>
    %shift_right_arithmetic3A_169 = arith.shrsi %sub3A_166, %shift_right_arithmetic3A_168 : vector<16xi32>
    %and3A_170 = arith.constant 7 : i32
    %and3A_171 = vector.broadcast %and3A_170 : i32 to vector<16xi32>
    %and3A_172 = arith.andi %sub3A_166, %and3A_171 : vector<16xi32>
    tpu.vector_store_idx %arg12[%shift_right_arithmetic3A_169, %and3A_172], %sub3A_158 masked %gt3A_148 : memref<32x8xi32, #tpu.memory_space<vmem>>[vector<16xi32>, vector<16xi32>], vector<16xi32>, vector<16xi1>
    %shift_right_arithmetic3A_173 = arith.constant 3 : i32
    %shift_right_arithmetic3A_174 = vector.broadcast %shift_right_arithmetic3A_173 : i32 to vector<16xi32>
    %shift_right_arithmetic3A_175 = arith.shrsi %sub3A_166, %shift_right_arithmetic3A_174 : vector<16xi32>
    %and3A_176 = arith.constant 7 : i32
    %and3A_177 = vector.broadcast %and3A_176 : i32 to vector<16xi32>
    %and3A_178 = arith.andi %sub3A_166, %and3A_177 : vector<16xi32>
    tpu.vector_store_idx %arg13[%shift_right_arithmetic3A_175, %and3A_178], %add3A_162 masked %gt3A_148 : memref<32x8xi32, #tpu.memory_space<vmem>>[vector<16xi32>, vector<16xi32>], vector<16xi32>, vector<16xi1>
    %sub3A_179 = arith.constant 1 : i32
    %sub3A_180 = vector.broadcast %sub3A_179 : i32 to vector<16xi32>
    %sub3A_181 = arith.subi %sub3A_180, %get3A_145 : vector<16xi32>
    %broadcast_in_dim3A_182 = arith.constant true
    %broadcast_in_dim3A_183 = vector.broadcast %broadcast_in_dim3A_182 : i1 to vector<16xi1>
    %masked_cumsum3A_184 = tpu.scan <sum>, %sub3A_181 masked %broadcast_in_dim3A_183 : vector<16xi32>, vector<16xi1> -> vector<16xi32>
    %add3A_185 = arith.addi %add3A_140, %masked_cumsum3A_184 : vector<16xi32>
    %sub3A_186 = arith.constant 1 : i32
    %sub3A_187 = vector.broadcast %sub3A_186 : i32 to vector<16xi32>
    %sub3A_188 = arith.subi %add3A_185, %sub3A_187 : vector<16xi32>
    %shift_right_arithmetic3A_189 = arith.constant 3 : i32
    %shift_right_arithmetic3A_190 = vector.broadcast %shift_right_arithmetic3A_189 : i32 to vector<16xi32>
    %shift_right_arithmetic3A_191 = arith.shrsi %sub3A_188, %shift_right_arithmetic3A_190 : vector<16xi32>
    %and3A_192 = arith.constant 7 : i32
    %and3A_193 = vector.broadcast %and3A_192 : i32 to vector<16xi32>
    %and3A_194 = arith.andi %sub3A_188, %and3A_193 : vector<16xi32>
    tpu.vector_store_idx %arg14[%shift_right_arithmetic3A_191, %and3A_194], %add3A_162 masked %not3A_150 : memref<32x8xi32, #tpu.memory_space<vmem>>[vector<16xi32>, vector<16xi32>], vector<16xi32>, vector<16xi1>
    %shift_right_arithmetic3A_195 = arith.constant 3 : i32
    %shift_right_arithmetic3A_196 = vector.broadcast %shift_right_arithmetic3A_195 : i32 to vector<16xi32>
    %shift_right_arithmetic3A_197 = arith.shrsi %sub3A_188, %shift_right_arithmetic3A_196 : vector<16xi32>
    %and3A_198 = arith.constant 7 : i32
    %and3A_199 = vector.broadcast %and3A_198 : i32 to vector<16xi32>
    %and3A_200 = arith.andi %sub3A_188, %and3A_199 : vector<16xi32>
    tpu.vector_store_idx %arg15[%shift_right_arithmetic3A_197, %and3A_200], %add3A_162 masked %not3A_150 : memref<32x8xi32, #tpu.memory_space<vmem>>[vector<16xi32>, vector<16xi32>], vector<16xi32>, vector<16xi1>
    %add3A_201 = arith.addi %add3A_136, %all_reduce_population_count3A_154 : vector<16xi32>
    %sub3A_202 = arith.constant 16 : i32
    %sub3A_203 = vector.broadcast %sub3A_202 : i32 to vector<16xi32>
    %sub3A_204 = arith.subi %sub3A_203, %all_reduce_population_count3A_154 : vector<16xi32>
    %add3A_205 = arith.addi %add3A_140, %sub3A_204 : vector<16xi32>
    %add3A_206 = arith.addi %add3A_141, %all_reduce_population_count3A_154 : vector<16xi32>
    %add3A_207 = arith.constant 48 : i32
    %add3A_208 = arith.addi %mul3A_2, %add3A_207 : i32
    %get3A_209 = arith.index_cast %add3A_208 : i32 to index
    %get3A_210 = tpu.vector_load %arg6[%get3A_209] {strides = array<i32>} : memref<8192xi32, #tpu.memory_space<vmem>>, vector<16xi32>,
    %gt3A_211 = arith.constant 0 : i32
    %gt3A_212 = vector.broadcast %gt3A_211 : i32 to vector<16xi32>
    %gt3A_213 = arith.cmpi sgt, %get3A_210, %gt3A_212 : vector<16xi32>
    %not3A_214 = arith.constant dense<true> : vector<16xi1>
    %not3A_215 = arith.xori %gt3A_213, %not3A_214 : vector<16xi1>
    %broadcast_in_dim3A_216 = arith.constant true
    %broadcast_in_dim3A_217 = vector.broadcast %broadcast_in_dim3A_216 : i1 to vector<16xi1>
    %masked_cumsum3A_218 = tpu.scan <sum>, %get3A_210 masked %broadcast_in_dim3A_217 : vector<16xi32>, vector<16xi1> -> vector<16xi32>
    %all_reduce_population_count3A_219 = tpu.all_reduce %gt3A_213 {dim = 0 : i64, kind = #tpu.reduction_kind<sum>} : vector<16xi1> -> vector<16xi32>
    %add3A_220 = arith.addi %add3A_206, %masked_cumsum3A_218 : vector<16xi32>
    %sub3A_221 = arith.constant 1 : i32
    %sub3A_222 = vector.broadcast %sub3A_221 : i32 to vector<16xi32>
    %sub3A_223 = arith.subi %add3A_220, %sub3A_222 : vector<16xi32>
    %add3A_224 = arith.constant 48 : i32
    %add3A_225 = arith.addi %mul3A_2, %add3A_224 : i32
    %add3A_226 = vector.broadcast %add3A_225 : i32 to vector<16xi32>
    %add3A_227 = arith.addi %add3A_226, %iota3A : vector<16xi32>
    %add3A_228 = arith.addi %add3A_201, %masked_cumsum3A_218 : vector<16xi32>
    %sub3A_229 = arith.constant 1 : i32
    %sub3A_230 = vector.broadcast %sub3A_229 : i32 to vector<16xi32>
    %sub3A_231 = arith.subi %add3A_228, %sub3A_230 : vector<16xi32>
    %shift_right_arithmetic3A_232 = arith.constant 3 : i32
    %shift_right_arithmetic3A_233 = vector.broadcast %shift_right_arithmetic3A_232 : i32 to vector<16xi32>
    %shift_right_arithmetic3A_234 = arith.shrsi %sub3A_231, %shift_right_arithmetic3A_233 : vector<16xi32>
    %and3A_235 = arith.constant 7 : i32
    %and3A_236 = vector.broadcast %and3A_235 : i32 to vector<16xi32>
    %and3A_237 = arith.andi %sub3A_231, %and3A_236 : vector<16xi32>
    tpu.vector_store_idx %arg12[%shift_right_arithmetic3A_234, %and3A_237], %sub3A_223 masked %gt3A_213 : memref<32x8xi32, #tpu.memory_space<vmem>>[vector<16xi32>, vector<16xi32>], vector<16xi32>, vector<16xi1>
    %shift_right_arithmetic3A_238 = arith.constant 3 : i32
    %shift_right_arithmetic3A_239 = vector.broadcast %shift_right_arithmetic3A_238 : i32 to vector<16xi32>
    %shift_right_arithmetic3A_240 = arith.shrsi %sub3A_231, %shift_right_arithmetic3A_239 : vector<16xi32>
    %and3A_241 = arith.constant 7 : i32
    %and3A_242 = vector.broadcast %and3A_241 : i32 to vector<16xi32>
    %and3A_243 = arith.andi %sub3A_231, %and3A_242 : vector<16xi32>
    tpu.vector_store_idx %arg13[%shift_right_arithmetic3A_240, %and3A_243], %add3A_227 masked %gt3A_213 : memref<32x8xi32, #tpu.memory_space<vmem>>[vector<16xi32>, vector<16xi32>], vector<16xi32>, vector<16xi1>
    %sub3A_244 = arith.constant 1 : i32
    %sub3A_245 = vector.broadcast %sub3A_244 : i32 to vector<16xi32>
    %sub3A_246 = arith.subi %sub3A_245, %get3A_210 : vector<16xi32>
    %broadcast_in_dim3A_247 = arith.constant true
    %broadcast_in_dim3A_248 = vector.broadcast %broadcast_in_dim3A_247 : i1 to vector<16xi1>
    %masked_cumsum3A_249 = tpu.scan <sum>, %sub3A_246 masked %broadcast_in_dim3A_248 : vector<16xi32>, vector<16xi1> -> vector<16xi32>
    %add3A_250 = arith.addi %add3A_205, %masked_cumsum3A_249 : vector<16xi32>
    %sub3A_251 = arith.constant 1 : i32
    %sub3A_252 = vector.broadcast %sub3A_251 : i32 to vector<16xi32>
    %sub3A_253 = arith.subi %add3A_250, %sub3A_252 : vector<16xi32>
    %shift_right_arithmetic3A_254 = arith.constant 3 : i32
    %shift_right_arithmetic3A_255 = vector.broadcast %shift_right_arithmetic3A_254 : i32 to vector<16xi32>
    %shift_right_arithmetic3A_256 = arith.shrsi %sub3A_253, %shift_right_arithmetic3A_255 : vector<16xi32>
    %and3A_257 = arith.constant 7 : i32
    %and3A_258 = vector.broadcast %and3A_257 : i32 to vector<16xi32>
    %and3A_259 = arith.andi %sub3A_253, %and3A_258 : vector<16xi32>
    tpu.vector_store_idx %arg14[%shift_right_arithmetic3A_256, %and3A_259], %add3A_227 masked %not3A_215 : memref<32x8xi32, #tpu.memory_space<vmem>>[vector<16xi32>, vector<16xi32>], vector<16xi32>, vector<16xi1>
    %shift_right_arithmetic3A_260 = arith.constant 3 : i32
    %shift_right_arithmetic3A_261 = vector.broadcast %shift_right_arithmetic3A_260 : i32 to vector<16xi32>
    %shift_right_arithmetic3A_262 = arith.shrsi %sub3A_253, %shift_right_arithmetic3A_261 : vector<16xi32>
    %and3A_263 = arith.constant 7 : i32
    %and3A_264 = vector.broadcast %and3A_263 : i32 to vector<16xi32>
    %and3A_265 = arith.andi %sub3A_253, %and3A_264 : vector<16xi32>
    tpu.vector_store_idx %arg15[%shift_right_arithmetic3A_262, %and3A_265], %add3A_227 masked %not3A_215 : memref<32x8xi32, #tpu.memory_space<vmem>>[vector<16xi32>, vector<16xi32>], vector<16xi32>, vector<16xi1>
    %add3A_266 = arith.addi %add3A_201, %all_reduce_population_count3A_219 : vector<16xi32>
    %sub3A_267 = arith.constant 16 : i32
    %sub3A_268 = vector.broadcast %sub3A_267 : i32 to vector<16xi32>
    %sub3A_269 = arith.subi %sub3A_268, %all_reduce_population_count3A_219 : vector<16xi32>
    %add3A_270 = arith.addi %add3A_205, %sub3A_269 : vector<16xi32>
    %add3A_271 = arith.addi %add3A_206, %all_reduce_population_count3A_219 : vector<16xi32>
    %add3A_272 = arith.constant 64 : i32
    %add3A_273 = arith.addi %mul3A_2, %add3A_272 : i32
    %get3A_274 = arith.index_cast %add3A_273 : i32 to index
    %get3A_275 = tpu.vector_load %arg6[%get3A_274] {strides = array<i32>} : memref<8192xi32, #tpu.memory_space<vmem>>, vector<16xi32>,
    %gt3A_276 = arith.constant 0 : i32
    %gt3A_277 = vector.broadcast %gt3A_276 : i32 to vector<16xi32>
    %gt3A_278 = arith.cmpi sgt, %get3A_275, %gt3A_277 : vector<16xi32>
    %not3A_279 = arith.constant dense<true> : vector<16xi1>
    %not3A_280 = arith.xori %gt3A_278, %not3A_279 : vector<16xi1>
    %broadcast_in_dim3A_281 = arith.constant true
    %broadcast_in_dim3A_282 = vector.broadcast %broadcast_in_dim3A_281 : i1 to vector<16xi1>
    %masked_cumsum3A_283 = tpu.scan <sum>, %get3A_275 masked %broadcast_in_dim3A_282 : vector<16xi32>, vector<16xi1> -> vector<16xi32>
    %all_reduce_population_count3A_284 = tpu.all_reduce %gt3A_278 {dim = 0 : i64, kind = #tpu.reduction_kind<sum>} : vector<16xi1> -> vector<16xi32>
    %add3A_285 = arith.addi %add3A_271, %masked_cumsum3A_283 : vector<16xi32>
    %sub3A_286 = arith.constant 1 : i32
    %sub3A_287 = vector.broadcast %sub3A_286 : i32 to vector<16xi32>
    %sub3A_288 = arith.subi %add3A_285, %sub3A_287 : vector<16xi32>
    %add3A_289 = arith.constant 64 : i32
    %add3A_290 = arith.addi %mul3A_2, %add3A_289 : i32
    %add3A_291 = vector.broadcast %add3A_290 : i32 to vector<16xi32>
    %add3A_292 = arith.addi %add3A_291, %iota3A : vector<16xi32>
    %add3A_293 = arith.addi %add3A_266, %masked_cumsum3A_283 : vector<16xi32>
    %sub3A_294 = arith.constant 1 : i32
    %sub3A_295 = vector.broadcast %sub3A_294 : i32 to vector<16xi32>
    %sub3A_296 = arith.subi %add3A_293, %sub3A_295 : vector<16xi32>
    %shift_right_arithmetic3A_297 = arith.constant 3 : i32
    %shift_right_arithmetic3A_298 = vector.broadcast %shift_right_arithmetic3A_297 : i32 to vector<16xi32>
    %shift_right_arithmetic3A_299 = arith.shrsi %sub3A_296, %shift_right_arithmetic3A_298 : vector<16xi32>
    %and3A_300 = arith.constant 7 : i32
    %and3A_301 = vector.broadcast %and3A_300 : i32 to vector<16xi32>
    %and3A_302 = arith.andi %sub3A_296, %and3A_301 : vector<16xi32>
    tpu.vector_store_idx %arg12[%shift_right_arithmetic3A_299, %and3A_302], %sub3A_288 masked %gt3A_278 : memref<32x8xi32, #tpu.memory_space<vmem>>[vector<16xi32>, vector<16xi32>], vector<16xi32>, vector<16xi1>
    %shift_right_arithmetic3A_303 = arith.constant 3 : i32
    %shift_right_arithmetic3A_304 = vector.broadcast %shift_right_arithmetic3A_303 : i32 to vector<16xi32>
    %shift_right_arithmetic3A_305 = arith.shrsi %sub3A_296, %shift_right_arithmetic3A_304 : vector<16xi32>
    %and3A_306 = arith.constant 7 : i32
    %and3A_307 = vector.broadcast %and3A_306 : i32 to vector<16xi32>
    %and3A_308 = arith.andi %sub3A_296, %and3A_307 : vector<16xi32>
    tpu.vector_store_idx %arg13[%shift_right_arithmetic3A_305, %and3A_308], %add3A_292 masked %gt3A_278 : memref<32x8xi32, #tpu.memory_space<vmem>>[vector<16xi32>, vector<16xi32>], vector<16xi32>, vector<16xi1>
    %sub3A_309 = arith.constant 1 : i32
    %sub3A_310 = vector.broadcast %sub3A_309 : i32 to vector<16xi32>
    %sub3A_311 = arith.subi %sub3A_310, %get3A_275 : vector<16xi32>
    %broadcast_in_dim3A_312 = arith.constant true
    %broadcast_in_dim3A_313 = vector.broadcast %broadcast_in_dim3A_312 : i1 to vector<16xi1>
    %masked_cumsum3A_314 = tpu.scan <sum>, %sub3A_311 masked %broadcast_in_dim3A_313 : vector<16xi32>, vector<16xi1> -> vector<16xi32>
    %add3A_315 = arith.addi %add3A_270, %masked_cumsum3A_314 : vector<16xi32>
    %sub3A_316 = arith.constant 1 : i32
    %sub3A_317 = vector.broadcast %sub3A_316 : i32 to vector<16xi32>
    %sub3A_318 = arith.subi %add3A_315, %sub3A_317 : vector<16xi32>
    %shift_right_arithmetic3A_319 = arith.constant 3 : i32
    %shift_right_arithmetic3A_320 = vector.broadcast %shift_right_arithmetic3A_319 : i32 to vector<16xi32>
    %shift_right_arithmetic3A_321 = arith.shrsi %sub3A_318, %shift_right_arithmetic3A_320 : vector<16xi32>
    %and3A_322 = arith.constant 7 : i32
    %and3A_323 = vector.broadcast %and3A_322 : i32 to vector<16xi32>
    %and3A_324 = arith.andi %sub3A_318, %and3A_323 : vector<16xi32>
    tpu.vector_store_idx %arg14[%shift_right_arithmetic3A_321, %and3A_324], %add3A_292 masked %not3A_280 : memref<32x8xi32, #tpu.memory_space<vmem>>[vector<16xi32>, vector<16xi32>], vector<16xi32>, vector<16xi1>
    %shift_right_arithmetic3A_325 = arith.constant 3 : i32
    %shift_right_arithmetic3A_326 = vector.broadcast %shift_right_arithmetic3A_325 : i32 to vector<16xi32>
    %shift_right_arithmetic3A_327 = arith.shrsi %sub3A_318, %shift_right_arithmetic3A_326 : vector<16xi32>
    %and3A_328 = arith.constant 7 : i32
    %and3A_329 = vector.broadcast %and3A_328 : i32 to vector<16xi32>
    %and3A_330 = arith.andi %sub3A_318, %and3A_329 : vector<16xi32>
    tpu.vector_store_idx %arg15[%shift_right_arithmetic3A_327, %and3A_330], %add3A_292 masked %not3A_280 : memref<32x8xi32, #tpu.memory_space<vmem>>[vector<16xi32>, vector<16xi32>], vector<16xi32>, vector<16xi1>
    %add3A_331 = arith.addi %add3A_266, %all_reduce_population_count3A_284 : vector<16xi32>
    %sub3A_332 = arith.constant 16 : i32
    %sub3A_333 = vector.broadcast %sub3A_332 : i32 to vector<16xi32>
    %sub3A_334 = arith.subi %sub3A_333, %all_reduce_population_count3A_284 : vector<16xi32>
    %add3A_335 = arith.addi %add3A_270, %sub3A_334 : vector<16xi32>
    %add3A_336 = arith.addi %add3A_271, %all_reduce_population_count3A_284 : vector<16xi32>
    %add3A_337 = arith.constant 80 : i32
    %add3A_338 = arith.addi %mul3A_2, %add3A_337 : i32
    %get3A_339 = arith.index_cast %add3A_338 : i32 to index
    %get3A_340 = tpu.vector_load %arg6[%get3A_339] {strides = array<i32>} : memref<8192xi32, #tpu.memory_space<vmem>>, vector<16xi32>,
    %gt3A_341 = arith.constant 0 : i32
    %gt3A_342 = vector.broadcast %gt3A_341 : i32 to vector<16xi32>
    %gt3A_343 = arith.cmpi sgt, %get3A_340, %gt3A_342 : vector<16xi32>
    %not3A_344 = arith.constant dense<true> : vector<16xi1>
    %not3A_345 = arith.xori %gt3A_343, %not3A_344 : vector<16xi1>
    %broadcast_in_dim3A_346 = arith.constant true
    %broadcast_in_dim3A_347 = vector.broadcast %broadcast_in_dim3A_346 : i1 to vector<16xi1>
    %masked_cumsum3A_348 = tpu.scan <sum>, %get3A_340 masked %broadcast_in_dim3A_347 : vector<16xi32>, vector<16xi1> -> vector<16xi32>
    %all_reduce_population_count3A_349 = tpu.all_reduce %gt3A_343 {dim = 0 : i64, kind = #tpu.reduction_kind<sum>} : vector<16xi1> -> vector<16xi32>
    %add3A_350 = arith.addi %add3A_336, %masked_cumsum3A_348 : vector<16xi32>
    %sub3A_351 = arith.constant 1 : i32
    %sub3A_352 = vector.broadcast %sub3A_351 : i32 to vector<16xi32>
    %sub3A_353 = arith.subi %add3A_350, %sub3A_352 : vector<16xi32>
    %add3A_354 = arith.constant 80 : i32
    %add3A_355 = arith.addi %mul3A_2, %add3A_354 : i32
    %add3A_356 = vector.broadcast %add3A_355 : i32 to vector<16xi32>
    %add3A_357 = arith.addi %add3A_356, %iota3A : vector<16xi32>
    %add3A_358 = arith.addi %add3A_331, %masked_cumsum3A_348 : vector<16xi32>
    %sub3A_359 = arith.constant 1 : i32
    %sub3A_360 = vector.broadcast %sub3A_359 : i32 to vector<16xi32>
    %sub3A_361 = arith.subi %add3A_358, %sub3A_360 : vector<16xi32>
    %shift_right_arithmetic3A_362 = arith.constant 3 : i32
    %shift_right_arithmetic3A_363 = vector.broadcast %shift_right_arithmetic3A_362 : i32 to vector<16xi32>
    %shift_right_arithmetic3A_364 = arith.shrsi %sub3A_361, %shift_right_arithmetic3A_363 : vector<16xi32>
    %and3A_365 = arith.constant 7 : i32
    %and3A_366 = vector.broadcast %and3A_365 : i32 to vector<16xi32>
    %and3A_367 = arith.andi %sub3A_361, %and3A_366 : vector<16xi32>
    tpu.vector_store_idx %arg12[%shift_right_arithmetic3A_364, %and3A_367], %sub3A_353 masked %gt3A_343 : memref<32x8xi32, #tpu.memory_space<vmem>>[vector<16xi32>, vector<16xi32>], vector<16xi32>, vector<16xi1>
    %shift_right_arithmetic3A_368 = arith.constant 3 : i32
    %shift_right_arithmetic3A_369 = vector.broadcast %shift_right_arithmetic3A_368 : i32 to vector<16xi32>
    %shift_right_arithmetic3A_370 = arith.shrsi %sub3A_361, %shift_right_arithmetic3A_369 : vector<16xi32>
    %and3A_371 = arith.constant 7 : i32
    %and3A_372 = vector.broadcast %and3A_371 : i32 to vector<16xi32>
    %and3A_373 = arith.andi %sub3A_361, %and3A_372 : vector<16xi32>
    tpu.vector_store_idx %arg13[%shift_right_arithmetic3A_370, %and3A_373], %add3A_357 masked %gt3A_343 : memref<32x8xi32, #tpu.memory_space<vmem>>[vector<16xi32>, vector<16xi32>], vector<16xi32>, vector<16xi1>
    %sub3A_374 = arith.constant 1 : i32
    %sub3A_375 = vector.broadcast %sub3A_374 : i32 to vector<16xi32>
    %sub3A_376 = arith.subi %sub3A_375, %get3A_340 : vector<16xi32>
    %broadcast_in_dim3A_377 = arith.constant true
    %broadcast_in_dim3A_378 = vector.broadcast %broadcast_in_dim3A_377 : i1 to vector<16xi1>
    %masked_cumsum3A_379 = tpu.scan <sum>, %sub3A_376 masked %broadcast_in_dim3A_378 : vector<16xi32>, vector<16xi1> -> vector<16xi32>
    %add3A_380 = arith.addi %add3A_335, %masked_cumsum3A_379 : vector<16xi32>
    %sub3A_381 = arith.constant 1 : i32
    %sub3A_382 = vector.broadcast %sub3A_381 : i32 to vector<16xi32>
    %sub3A_383 = arith.subi %add3A_380, %sub3A_382 : vector<16xi32>
    %shift_right_arithmetic3A_384 = arith.constant 3 : i32
    %shift_right_arithmetic3A_385 = vector.broadcast %shift_right_arithmetic3A_384 : i32 to vector<16xi32>
    %shift_right_arithmetic3A_386 = arith.shrsi %sub3A_383, %shift_right_arithmetic3A_385 : vector<16xi32>
    %and3A_387 = arith.constant 7 : i32
    %and3A_388 = vector.broadcast %and3A_387 : i32 to vector<16xi32>
    %and3A_389 = arith.andi %sub3A_383, %and3A_388 : vector<16xi32>
    tpu.vector_store_idx %arg14[%shift_right_arithmetic3A_386, %and3A_389], %add3A_357 masked %not3A_345 : memref<32x8xi32, #tpu.memory_space<vmem>>[vector<16xi32>, vector<16xi32>], vector<16xi32>, vector<16xi1>
    %shift_right_arithmetic3A_390 = arith.constant 3 : i32
    %shift_right_arithmetic3A_391 = vector.broadcast %shift_right_arithmetic3A_390 : i32 to vector<16xi32>
    %shift_right_arithmetic3A_392 = arith.shrsi %sub3A_383, %shift_right_arithmetic3A_391 : vector<16xi32>
    %and3A_393 = arith.constant 7 : i32
    %and3A_394 = vector.broadcast %and3A_393 : i32 to vector<16xi32>
    %and3A_395 = arith.andi %sub3A_383, %and3A_394 : vector<16xi32>
    tpu.vector_store_idx %arg15[%shift_right_arithmetic3A_392, %and3A_395], %add3A_357 masked %not3A_345 : memref<32x8xi32, #tpu.memory_space<vmem>>[vector<16xi32>, vector<16xi32>], vector<16xi32>, vector<16xi1>
    %add3A_396 = arith.addi %add3A_331, %all_reduce_population_count3A_349 : vector<16xi32>
    %sub3A_397 = arith.constant 16 : i32
    %sub3A_398 = vector.broadcast %sub3A_397 : i32 to vector<16xi32>
    %sub3A_399 = arith.subi %sub3A_398, %all_reduce_population_count3A_349 : vector<16xi32>
    %add3A_400 = arith.addi %add3A_335, %sub3A_399 : vector<16xi32>
    %add3A_401 = arith.addi %add3A_336, %all_reduce_population_count3A_349 : vector<16xi32>
    %add3A_402 = arith.constant 96 : i32
    %add3A_403 = arith.addi %mul3A_2, %add3A_402 : i32
    %get3A_404 = arith.index_cast %add3A_403 : i32 to index
    %get3A_405 = tpu.vector_load %arg6[%get3A_404] {strides = array<i32>} : memref<8192xi32, #tpu.memory_space<vmem>>, vector<16xi32>,
    %gt3A_406 = arith.constant 0 : i32
    %gt3A_407 = vector.broadcast %gt3A_406 : i32 to vector<16xi32>
    %gt3A_408 = arith.cmpi sgt, %get3A_405, %gt3A_407 : vector<16xi32>
    %not3A_409 = arith.constant dense<true> : vector<16xi1>
    %not3A_410 = arith.xori %gt3A_408, %not3A_409 : vector<16xi1>
    %broadcast_in_dim3A_411 = arith.constant true
    %broadcast_in_dim3A_412 = vector.broadcast %broadcast_in_dim3A_411 : i1 to vector<16xi1>
    %masked_cumsum3A_413 = tpu.scan <sum>, %get3A_405 masked %broadcast_in_dim3A_412 : vector<16xi32>, vector<16xi1> -> vector<16xi32>
    %all_reduce_population_count3A_414 = tpu.all_reduce %gt3A_408 {dim = 0 : i64, kind = #tpu.reduction_kind<sum>} : vector<16xi1> -> vector<16xi32>
    %add3A_415 = arith.addi %add3A_401, %masked_cumsum3A_413 : vector<16xi32>
    %sub3A_416 = arith.constant 1 : i32
    %sub3A_417 = vector.broadcast %sub3A_416 : i32 to vector<16xi32>
    %sub3A_418 = arith.subi %add3A_415, %sub3A_417 : vector<16xi32>
    %add3A_419 = arith.constant 96 : i32
    %add3A_420 = arith.addi %mul3A_2, %add3A_419 : i32
    %add3A_421 = vector.broadcast %add3A_420 : i32 to vector<16xi32>
    %add3A_422 = arith.addi %add3A_421, %iota3A : vector<16xi32>
    %add3A_423 = arith.addi %add3A_396, %masked_cumsum3A_413 : vector<16xi32>
    %sub3A_424 = arith.constant 1 : i32
    %sub3A_425 = vector.broadcast %sub3A_424 : i32 to vector<16xi32>
    %sub3A_426 = arith.subi %add3A_423, %sub3A_425 : vector<16xi32>
    %shift_right_arithmetic3A_427 = arith.constant 3 : i32
    %shift_right_arithmetic3A_428 = vector.broadcast %shift_right_arithmetic3A_427 : i32 to vector<16xi32>
    %shift_right_arithmetic3A_429 = arith.shrsi %sub3A_426, %shift_right_arithmetic3A_428 : vector<16xi32>
    %and3A_430 = arith.constant 7 : i32
    %and3A_431 = vector.broadcast %and3A_430 : i32 to vector<16xi32>
    %and3A_432 = arith.andi %sub3A_426, %and3A_431 : vector<16xi32>
    tpu.vector_store_idx %arg12[%shift_right_arithmetic3A_429, %and3A_432], %sub3A_418 masked %gt3A_408 : memref<32x8xi32, #tpu.memory_space<vmem>>[vector<16xi32>, vector<16xi32>], vector<16xi32>, vector<16xi1>
    %shift_right_arithmetic3A_433 = arith.constant 3 : i32
    %shift_right_arithmetic3A_434 = vector.broadcast %shift_right_arithmetic3A_433 : i32 to vector<16xi32>
    %shift_right_arithmetic3A_435 = arith.shrsi %sub3A_426, %shift_right_arithmetic3A_434 : vector<16xi32>
    %and3A_436 = arith.constant 7 : i32
    %and3A_437 = vector.broadcast %and3A_436 : i32 to vector<16xi32>
    %and3A_438 = arith.andi %sub3A_426, %and3A_437 : vector<16xi32>
    tpu.vector_store_idx %arg13[%shift_right_arithmetic3A_435, %and3A_438], %add3A_422 masked %gt3A_408 : memref<32x8xi32, #tpu.memory_space<vmem>>[vector<16xi32>, vector<16xi32>], vector<16xi32>, vector<16xi1>
    %sub3A_439 = arith.constant 1 : i32
    %sub3A_440 = vector.broadcast %sub3A_439 : i32 to vector<16xi32>
    %sub3A_441 = arith.subi %sub3A_440, %get3A_405 : vector<16xi32>
    %broadcast_in_dim3A_442 = arith.constant true
    %broadcast_in_dim3A_443 = vector.broadcast %broadcast_in_dim3A_442 : i1 to vector<16xi1>
    %masked_cumsum3A_444 = tpu.scan <sum>, %sub3A_441 masked %broadcast_in_dim3A_443 : vector<16xi32>, vector<16xi1> -> vector<16xi32>
    %add3A_445 = arith.addi %add3A_400, %masked_cumsum3A_444 : vector<16xi32>
    %sub3A_446 = arith.constant 1 : i32
    %sub3A_447 = vector.broadcast %sub3A_446 : i32 to vector<16xi32>
    %sub3A_448 = arith.subi %add3A_445, %sub3A_447 : vector<16xi32>
    %shift_right_arithmetic3A_449 = arith.constant 3 : i32
    %shift_right_arithmetic3A_450 = vector.broadcast %shift_right_arithmetic3A_449 : i32 to vector<16xi32>
    %shift_right_arithmetic3A_451 = arith.shrsi %sub3A_448, %shift_right_arithmetic3A_450 : vector<16xi32>
    %and3A_452 = arith.constant 7 : i32
    %and3A_453 = vector.broadcast %and3A_452 : i32 to vector<16xi32>
    %and3A_454 = arith.andi %sub3A_448, %and3A_453 : vector<16xi32>
    tpu.vector_store_idx %arg14[%shift_right_arithmetic3A_451, %and3A_454], %add3A_422 masked %not3A_410 : memref<32x8xi32, #tpu.memory_space<vmem>>[vector<16xi32>, vector<16xi32>], vector<16xi32>, vector<16xi1>
    %shift_right_arithmetic3A_455 = arith.constant 3 : i32
    %shift_right_arithmetic3A_456 = vector.broadcast %shift_right_arithmetic3A_455 : i32 to vector<16xi32>
    %shift_right_arithmetic3A_457 = arith.shrsi %sub3A_448, %shift_right_arithmetic3A_456 : vector<16xi32>
    %and3A_458 = arith.constant 7 : i32
    %and3A_459 = vector.broadcast %and3A_458 : i32 to vector<16xi32>
    %and3A_460 = arith.andi %sub3A_448, %and3A_459 : vector<16xi32>
    tpu.vector_store_idx %arg15[%shift_right_arithmetic3A_457, %and3A_460], %add3A_422 masked %not3A_410 : memref<32x8xi32, #tpu.memory_space<vmem>>[vector<16xi32>, vector<16xi32>], vector<16xi32>, vector<16xi1>
    %add3A_461 = arith.addi %add3A_396, %all_reduce_population_count3A_414 : vector<16xi32>
    %sub3A_462 = arith.constant 16 : i32
    %sub3A_463 = vector.broadcast %sub3A_462 : i32 to vector<16xi32>
    %sub3A_464 = arith.subi %sub3A_463, %all_reduce_population_count3A_414 : vector<16xi32>
    %add3A_465 = arith.addi %add3A_400, %sub3A_464 : vector<16xi32>
    %add3A_466 = arith.addi %add3A_401, %all_reduce_population_count3A_414 : vector<16xi32>
    %add3A_467 = arith.constant 112 : i32
    %add3A_468 = arith.addi %mul3A_2, %add3A_467 : i32
    %get3A_469 = arith.index_cast %add3A_468 : i32 to index
    %get3A_470 = tpu.vector_load %arg6[%get3A_469] {strides = array<i32>} : memref<8192xi32, #tpu.memory_space<vmem>>, vector<16xi32>,
    %gt3A_471 = arith.constant 0 : i32
    %gt3A_472 = vector.broadcast %gt3A_471 : i32 to vector<16xi32>
    %gt3A_473 = arith.cmpi sgt, %get3A_470, %gt3A_472 : vector<16xi32>
    %not3A_474 = arith.constant dense<true> : vector<16xi1>
    %not3A_475 = arith.xori %gt3A_473, %not3A_474 : vector<16xi1>
    %broadcast_in_dim3A_476 = arith.constant true
    %broadcast_in_dim3A_477 = vector.broadcast %broadcast_in_dim3A_476 : i1 to vector<16xi1>
    %masked_cumsum3A_478 = tpu.scan <sum>, %get3A_470 masked %broadcast_in_dim3A_477 : vector<16xi32>, vector<16xi1> -> vector<16xi32>
    %all_reduce_population_count3A_479 = tpu.all_reduce %gt3A_473 {dim = 0 : i64, kind = #tpu.reduction_kind<sum>} : vector<16xi1> -> vector<16xi32>
    %add3A_480 = arith.addi %add3A_466, %masked_cumsum3A_478 : vector<16xi32>
    %sub3A_481 = arith.constant 1 : i32
    %sub3A_482 = vector.broadcast %sub3A_481 : i32 to vector<16xi32>
    %sub3A_483 = arith.subi %add3A_480, %sub3A_482 : vector<16xi32>
    %add3A_484 = arith.constant 112 : i32
    %add3A_485 = arith.addi %mul3A_2, %add3A_484 : i32
    %add3A_486 = vector.broadcast %add3A_485 : i32 to vector<16xi32>
    %add3A_487 = arith.addi %add3A_486, %iota3A : vector<16xi32>
    %add3A_488 = arith.addi %add3A_461, %masked_cumsum3A_478 : vector<16xi32>
    %sub3A_489 = arith.constant 1 : i32
    %sub3A_490 = vector.broadcast %sub3A_489 : i32 to vector<16xi32>
    %sub3A_491 = arith.subi %add3A_488, %sub3A_490 : vector<16xi32>
    %shift_right_arithmetic3A_492 = arith.constant 3 : i32
    %shift_right_arithmetic3A_493 = vector.broadcast %shift_right_arithmetic3A_492 : i32 to vector<16xi32>
    %shift_right_arithmetic3A_494 = arith.shrsi %sub3A_491, %shift_right_arithmetic3A_493 : vector<16xi32>
    %and3A_495 = arith.constant 7 : i32
    %and3A_496 = vector.broadcast %and3A_495 : i32 to vector<16xi32>
    %and3A_497 = arith.andi %sub3A_491, %and3A_496 : vector<16xi32>
    tpu.vector_store_idx %arg12[%shift_right_arithmetic3A_494, %and3A_497], %sub3A_483 masked %gt3A_473 : memref<32x8xi32, #tpu.memory_space<vmem>>[vector<16xi32>, vector<16xi32>], vector<16xi32>, vector<16xi1>
    %shift_right_arithmetic3A_498 = arith.constant 3 : i32
    %shift_right_arithmetic3A_499 = vector.broadcast %shift_right_arithmetic3A_498 : i32 to vector<16xi32>
    %shift_right_arithmetic3A_500 = arith.shrsi %sub3A_491, %shift_right_arithmetic3A_499 : vector<16xi32>
    %and3A_501 = arith.constant 7 : i32
    %and3A_502 = vector.broadcast %and3A_501 : i32 to vector<16xi32>
    %and3A_503 = arith.andi %sub3A_491, %and3A_502 : vector<16xi32>
    tpu.vector_store_idx %arg13[%shift_right_arithmetic3A_500, %and3A_503], %add3A_487 masked %gt3A_473 : memref<32x8xi32, #tpu.memory_space<vmem>>[vector<16xi32>, vector<16xi32>], vector<16xi32>, vector<16xi1>
    %sub3A_504 = arith.constant 1 : i32
    %sub3A_505 = vector.broadcast %sub3A_504 : i32 to vector<16xi32>
    %sub3A_506 = arith.subi %sub3A_505, %get3A_470 : vector<16xi32>
    %broadcast_in_dim3A_507 = arith.constant true
    %broadcast_in_dim3A_508 = vector.broadcast %broadcast_in_dim3A_507 : i1 to vector<16xi1>
    %masked_cumsum3A_509 = tpu.scan <sum>, %sub3A_506 masked %broadcast_in_dim3A_508 : vector<16xi32>, vector<16xi1> -> vector<16xi32>
    %add3A_510 = arith.addi %add3A_465, %masked_cumsum3A_509 : vector<16xi32>
    %sub3A_511 = arith.constant 1 : i32
    %sub3A_512 = vector.broadcast %sub3A_511 : i32 to vector<16xi32>
    %sub3A_513 = arith.subi %add3A_510, %sub3A_512 : vector<16xi32>
    %shift_right_arithmetic3A_514 = arith.constant 3 : i32
    %shift_right_arithmetic3A_515 = vector.broadcast %shift_right_arithmetic3A_514 : i32 to vector<16xi32>
    %shift_right_arithmetic3A_516 = arith.shrsi %sub3A_513, %shift_right_arithmetic3A_515 : vector<16xi32>
    %and3A_517 = arith.constant 7 : i32
    %and3A_518 = vector.broadcast %and3A_517 : i32 to vector<16xi32>
    %and3A_519 = arith.andi %sub3A_513, %and3A_518 : vector<16xi32>
    tpu.vector_store_idx %arg14[%shift_right_arithmetic3A_516, %and3A_519], %add3A_487 masked %not3A_475 : memref<32x8xi32, #tpu.memory_space<vmem>>[vector<16xi32>, vector<16xi32>], vector<16xi32>, vector<16xi1>
    %shift_right_arithmetic3A_520 = arith.constant 3 : i32
    %shift_right_arithmetic3A_521 = vector.broadcast %shift_right_arithmetic3A_520 : i32 to vector<16xi32>
    %shift_right_arithmetic3A_522 = arith.shrsi %sub3A_513, %shift_right_arithmetic3A_521 : vector<16xi32>
    %and3A_523 = arith.constant 7 : i32
    %and3A_524 = vector.broadcast %and3A_523 : i32 to vector<16xi32>
    %and3A_525 = arith.andi %sub3A_513, %and3A_524 : vector<16xi32>
    tpu.vector_store_idx %arg15[%shift_right_arithmetic3A_522, %and3A_525], %add3A_487 masked %not3A_475 : memref<32x8xi32, #tpu.memory_space<vmem>>[vector<16xi32>, vector<16xi32>], vector<16xi32>, vector<16xi1>
    %add3A_526 = arith.addi %add3A_461, %all_reduce_population_count3A_479 : vector<16xi32>
    %sub3A_527 = arith.constant 16 : i32
    %sub3A_528 = vector.broadcast %sub3A_527 : i32 to vector<16xi32>
    %sub3A_529 = arith.subi %sub3A_528, %all_reduce_population_count3A_479 : vector<16xi32>
    %add3A_530 = arith.addi %add3A_465, %sub3A_529 : vector<16xi32>
    %add3A_531 = arith.addi %add3A_466, %all_reduce_population_count3A_479 : vector<16xi32>
    %add3A_532 = arith.constant 128 : i32
    %add3A_533 = arith.addi %mul3A_2, %add3A_532 : i32
    %get3A_534 = arith.index_cast %add3A_533 : i32 to index
    %get3A_535 = tpu.vector_load %arg6[%get3A_534] {strides = array<i32>} : memref<8192xi32, #tpu.memory_space<vmem>>, vector<16xi32>,
    %gt3A_536 = arith.constant 0 : i32
    %gt3A_537 = vector.broadcast %gt3A_536 : i32 to vector<16xi32>
    %gt3A_538 = arith.cmpi sgt, %get3A_535, %gt3A_537 : vector<16xi32>
    %not3A_539 = arith.constant dense<true> : vector<16xi1>
    %not3A_540 = arith.xori %gt3A_538, %not3A_539 : vector<16xi1>
    %broadcast_in_dim3A_541 = arith.constant true
    %broadcast_in_dim3A_542 = vector.broadcast %broadcast_in_dim3A_541 : i1 to vector<16xi1>
    %masked_cumsum3A_543 = tpu.scan <sum>, %get3A_535 masked %broadcast_in_dim3A_542 : vector<16xi32>, vector<16xi1> -> vector<16xi32>
    %all_reduce_population_count3A_544 = tpu.all_reduce %gt3A_538 {dim = 0 : i64, kind = #tpu.reduction_kind<sum>} : vector<16xi1> -> vector<16xi32>
    %add3A_545 = arith.addi %add3A_531, %masked_cumsum3A_543 : vector<16xi32>
    %sub3A_546 = arith.constant 1 : i32
    %sub3A_547 = vector.broadcast %sub3A_546 : i32 to vector<16xi32>
    %sub3A_548 = arith.subi %add3A_545, %sub3A_547 : vector<16xi32>
    %add3A_549 = arith.constant 128 : i32
    %add3A_550 = arith.addi %mul3A_2, %add3A_549 : i32
    %add3A_551 = vector.broadcast %add3A_550 : i32 to vector<16xi32>
    %add3A_552 = arith.addi %add3A_551, %iota3A : vector<16xi32>
    %add3A_553 = arith.addi %add3A_526, %masked_cumsum3A_543 : vector<16xi32>
    %sub3A_554 = arith.constant 1 : i32
    %sub3A_555 = vector.broadcast %sub3A_554 : i32 to vector<16xi32>
    %sub3A_556 = arith.subi %add3A_553, %sub3A_555 : vector<16xi32>
    %shift_right_arithmetic3A_557 = arith.constant 3 : i32
    %shift_right_arithmetic3A_558 = vector.broadcast %shift_right_arithmetic3A_557 : i32 to vector<16xi32>
    %shift_right_arithmetic3A_559 = arith.shrsi %sub3A_556, %shift_right_arithmetic3A_558 : vector<16xi32>
    %and3A_560 = arith.constant 7 : i32
    %and3A_561 = vector.broadcast %and3A_560 : i32 to vector<16xi32>
    %and3A_562 = arith.andi %sub3A_556, %and3A_561 : vector<16xi32>
    tpu.vector_store_idx %arg12[%shift_right_arithmetic3A_559, %and3A_562], %sub3A_548 masked %gt3A_538 : memref<32x8xi32, #tpu.memory_space<vmem>>[vector<16xi32>, vector<16xi32>], vector<16xi32>, vector<16xi1>
    %shift_right_arithmetic3A_563 = arith.constant 3 : i32
    %shift_right_arithmetic3A_564 = vector.broadcast %shift_right_arithmetic3A_563 : i32 to vector<16xi32>
    %shift_right_arithmetic3A_565 = arith.shrsi %sub3A_556, %shift_right_arithmetic3A_564 : vector<16xi32>
    %and3A_566 = arith.constant 7 : i32
    %and3A_567 = vector.broadcast %and3A_566 : i32 to vector<16xi32>
    %and3A_568 = arith.andi %sub3A_556, %and3A_567 : vector<16xi32>
    tpu.vector_store_idx %arg13[%shift_right_arithmetic3A_565, %and3A_568], %add3A_552 masked %gt3A_538 : memref<32x8xi32, #tpu.memory_space<vmem>>[vector<16xi32>, vector<16xi32>], vector<16xi32>, vector<16xi1>
    %sub3A_569 = arith.constant 1 : i32
    %sub3A_570 = vector.broadcast %sub3A_569 : i32 to vector<16xi32>
    %sub3A_571 = arith.subi %sub3A_570, %get3A_535 : vector<16xi32>
    %broadcast_in_dim3A_572 = arith.constant true
    %broadcast_in_dim3A_573 = vector.broadcast %broadcast_in_dim3A_572 : i1 to vector<16xi1>
    %masked_cumsum3A_574 = tpu.scan <sum>, %sub3A_571 masked %broadcast_in_dim3A_573 : vector<16xi32>, vector<16xi1> -> vector<16xi32>
    %add3A_575 = arith.addi %add3A_530, %masked_cumsum3A_574 : vector<16xi32>
    %sub3A_576 = arith.constant 1 : i32
    %sub3A_577 = vector.broadcast %sub3A_576 : i32 to vector<16xi32>
    %sub3A_578 = arith.subi %add3A_575, %sub3A_577 : vector<16xi32>
    %shift_right_arithmetic3A_579 = arith.constant 3 : i32
    %shift_right_arithmetic3A_580 = vector.broadcast %shift_right_arithmetic3A_579 : i32 to vector<16xi32>
    %shift_right_arithmetic3A_581 = arith.shrsi %sub3A_578, %shift_right_arithmetic3A_580 : vector<16xi32>
    %and3A_582 = arith.constant 7 : i32
    %and3A_583 = vector.broadcast %and3A_582 : i32 to vector<16xi32>
    %and3A_584 = arith.andi %sub3A_578, %and3A_583 : vector<16xi32>
    tpu.vector_store_idx %arg14[%shift_right_arithmetic3A_581, %and3A_584], %add3A_552 masked %not3A_540 : memref<32x8xi32, #tpu.memory_space<vmem>>[vector<16xi32>, vector<16xi32>], vector<16xi32>, vector<16xi1>
    %shift_right_arithmetic3A_585 = arith.constant 3 : i32
    %shift_right_arithmetic3A_586 = vector.broadcast %shift_right_arithmetic3A_585 : i32 to vector<16xi32>
    %shift_right_arithmetic3A_587 = arith.shrsi %sub3A_578, %shift_right_arithmetic3A_586 : vector<16xi32>
    %and3A_588 = arith.constant 7 : i32
    %and3A_589 = vector.broadcast %and3A_588 : i32 to vector<16xi32>
    %and3A_590 = arith.andi %sub3A_578, %and3A_589 : vector<16xi32>
    tpu.vector_store_idx %arg15[%shift_right_arithmetic3A_587, %and3A_590], %add3A_552 masked %not3A_540 : memref<32x8xi32, #tpu.memory_space<vmem>>[vector<16xi32>, vector<16xi32>], vector<16xi32>, vector<16xi1>
    %add3A_591 = arith.addi %add3A_526, %all_reduce_population_count3A_544 : vector<16xi32>
    %sub3A_592 = arith.constant 16 : i32
    %sub3A_593 = vector.broadcast %sub3A_592 : i32 to vector<16xi32>
    %sub3A_594 = arith.subi %sub3A_593, %all_reduce_population_count3A_544 : vector<16xi32>
    %add3A_595 = arith.addi %add3A_530, %sub3A_594 : vector<16xi32>
    %add3A_596 = arith.addi %add3A_531, %all_reduce_population_count3A_544 : vector<16xi32>
    %add3A_597 = arith.constant 144 : i32
    %add3A_598 = arith.addi %mul3A_2, %add3A_597 : i32
    %get3A_599 = arith.index_cast %add3A_598 : i32 to index
    %get3A_600 = tpu.vector_load %arg6[%get3A_599] {strides = array<i32>} : memref<8192xi32, #tpu.memory_space<vmem>>, vector<16xi32>,
    %gt3A_601 = arith.constant 0 : i32
    %gt3A_602 = vector.broadcast %gt3A_601 : i32 to vector<16xi32>
    %gt3A_603 = arith.cmpi sgt, %get3A_600, %gt3A_602 : vector<16xi32>
    %not3A_604 = arith.constant dense<true> : vector<16xi1>
    %not3A_605 = arith.xori %gt3A_603, %not3A_604 : vector<16xi1>
    %broadcast_in_dim3A_606 = arith.constant true
    %broadcast_in_dim3A_607 = vector.broadcast %broadcast_in_dim3A_606 : i1 to vector<16xi1>
    %masked_cumsum3A_608 = tpu.scan <sum>, %get3A_600 masked %broadcast_in_dim3A_607 : vector<16xi32>, vector<16xi1> -> vector<16xi32>
    %all_reduce_population_count3A_609 = tpu.all_reduce %gt3A_603 {dim = 0 : i64, kind = #tpu.reduction_kind<sum>} : vector<16xi1> -> vector<16xi32>
    %add3A_610 = arith.addi %add3A_596, %masked_cumsum3A_608 : vector<16xi32>
    %sub3A_611 = arith.constant 1 : i32
    %sub3A_612 = vector.broadcast %sub3A_611 : i32 to vector<16xi32>
    %sub3A_613 = arith.subi %add3A_610, %sub3A_612 : vector<16xi32>
    %add3A_614 = arith.constant 144 : i32
    %add3A_615 = arith.addi %mul3A_2, %add3A_614 : i32
    %add3A_616 = vector.broadcast %add3A_615 : i32 to vector<16xi32>
    %add3A_617 = arith.addi %add3A_616, %iota3A : vector<16xi32>
    %add3A_618 = arith.addi %add3A_591, %masked_cumsum3A_608 : vector<16xi32>
    %sub3A_619 = arith.constant 1 : i32
    %sub3A_620 = vector.broadcast %sub3A_619 : i32 to vector<16xi32>
    %sub3A_621 = arith.subi %add3A_618, %sub3A_620 : vector<16xi32>
    %shift_right_arithmetic3A_622 = arith.constant 3 : i32
    %shift_right_arithmetic3A_623 = vector.broadcast %shift_right_arithmetic3A_622 : i32 to vector<16xi32>
    %shift_right_arithmetic3A_624 = arith.shrsi %sub3A_621, %shift_right_arithmetic3A_623 : vector<16xi32>
    %and3A_625 = arith.constant 7 : i32
    %and3A_626 = vector.broadcast %and3A_625 : i32 to vector<16xi32>
    %and3A_627 = arith.andi %sub3A_621, %and3A_626 : vector<16xi32>
    tpu.vector_store_idx %arg12[%shift_right_arithmetic3A_624, %and3A_627], %sub3A_613 masked %gt3A_603 : memref<32x8xi32, #tpu.memory_space<vmem>>[vector<16xi32>, vector<16xi32>], vector<16xi32>, vector<16xi1>
    %shift_right_arithmetic3A_628 = arith.constant 3 : i32
    %shift_right_arithmetic3A_629 = vector.broadcast %shift_right_arithmetic3A_628 : i32 to vector<16xi32>
    %shift_right_arithmetic3A_630 = arith.shrsi %sub3A_621, %shift_right_arithmetic3A_629 : vector<16xi32>
    %and3A_631 = arith.constant 7 : i32
    %and3A_632 = vector.broadcast %and3A_631 : i32 to vector<16xi32>
    %and3A_633 = arith.andi %sub3A_621, %and3A_632 : vector<16xi32>
    tpu.vector_store_idx %arg13[%shift_right_arithmetic3A_630, %and3A_633], %add3A_617 masked %gt3A_603 : memref<32x8xi32, #tpu.memory_space<vmem>>[vector<16xi32>, vector<16xi32>], vector<16xi32>, vector<16xi1>
    %sub3A_634 = arith.constant 1 : i32
    %sub3A_635 = vector.broadcast %sub3A_634 : i32 to vector<16xi32>
    %sub3A_636 = arith.subi %sub3A_635, %get3A_600 : vector<16xi32>
    %broadcast_in_dim3A_637 = arith.constant true
    %broadcast_in_dim3A_638 = vector.broadcast %broadcast_in_dim3A_637 : i1 to vector<16xi1>
    %masked_cumsum3A_639 = tpu.scan <sum>, %sub3A_636 masked %broadcast_in_dim3A_638 : vector<16xi32>, vector<16xi1> -> vector<16xi32>
    %add3A_640 = arith.addi %add3A_595, %masked_cumsum3A_639 : vector<16xi32>
    %sub3A_641 = arith.constant 1 : i32
    %sub3A_642 = vector.broadcast %sub3A_641 : i32 to vector<16xi32>
    %sub3A_643 = arith.subi %add3A_640, %sub3A_642 : vector<16xi32>
    %shift_right_arithmetic3A_644 = arith.constant 3 : i32
    %shift_right_arithmetic3A_645 = vector.broadcast %shift_right_arithmetic3A_644 : i32 to vector<16xi32>
    %shift_right_arithmetic3A_646 = arith.shrsi %sub3A_643, %shift_right_arithmetic3A_645 : vector<16xi32>
    %and3A_647 = arith.constant 7 : i32
    %and3A_648 = vector.broadcast %and3A_647 : i32 to vector<16xi32>
    %and3A_649 = arith.andi %sub3A_643, %and3A_648 : vector<16xi32>
    tpu.vector_store_idx %arg14[%shift_right_arithmetic3A_646, %and3A_649], %add3A_617 masked %not3A_605 : memref<32x8xi32, #tpu.memory_space<vmem>>[vector<16xi32>, vector<16xi32>], vector<16xi32>, vector<16xi1>
    %shift_right_arithmetic3A_650 = arith.constant 3 : i32
    %shift_right_arithmetic3A_651 = vector.broadcast %shift_right_arithmetic3A_650 : i32 to vector<16xi32>
    %shift_right_arithmetic3A_652 = arith.shrsi %sub3A_643, %shift_right_arithmetic3A_651 : vector<16xi32>
    %and3A_653 = arith.constant 7 : i32
    %and3A_654 = vector.broadcast %and3A_653 : i32 to vector<16xi32>
    %and3A_655 = arith.andi %sub3A_643, %and3A_654 : vector<16xi32>
    tpu.vector_store_idx %arg15[%shift_right_arithmetic3A_652, %and3A_655], %add3A_617 masked %not3A_605 : memref<32x8xi32, #tpu.memory_space<vmem>>[vector<16xi32>, vector<16xi32>], vector<16xi32>, vector<16xi1>
    %add3A_656 = arith.addi %add3A_591, %all_reduce_population_count3A_609 : vector<16xi32>
    %sub3A_657 = arith.constant 16 : i32
    %sub3A_658 = vector.broadcast %sub3A_657 : i32 to vector<16xi32>
    %sub3A_659 = arith.subi %sub3A_658, %all_reduce_population_count3A_609 : vector<16xi32>
    %add3A_660 = arith.addi %add3A_595, %sub3A_659 : vector<16xi32>
    %add3A_661 = arith.addi %add3A_596, %all_reduce_population_count3A_609 : vector<16xi32>
    %add3A_662 = arith.constant 160 : i32
    %add3A_663 = arith.addi %mul3A_2, %add3A_662 : i32
    %get3A_664 = arith.index_cast %add3A_663 : i32 to index
    %get3A_665 = tpu.vector_load %arg6[%get3A_664] {strides = array<i32>} : memref<8192xi32, #tpu.memory_space<vmem>>, vector<16xi32>,
    %gt3A_666 = arith.constant 0 : i32
    %gt3A_667 = vector.broadcast %gt3A_666 : i32 to vector<16xi32>
    %gt3A_668 = arith.cmpi sgt, %get3A_665, %gt3A_667 : vector<16xi32>
    %not3A_669 = arith.constant dense<true> : vector<16xi1>
    %not3A_670 = arith.xori %gt3A_668, %not3A_669 : vector<16xi1>
    %broadcast_in_dim3A_671 = arith.constant true
    %broadcast_in_dim3A_672 = vector.broadcast %broadcast_in_dim3A_671 : i1 to vector<16xi1>
    %masked_cumsum3A_673 = tpu.scan <sum>, %get3A_665 masked %broadcast_in_dim3A_672 : vector<16xi32>, vector<16xi1> -> vector<16xi32>
    %all_reduce_population_count3A_674 = tpu.all_reduce %gt3A_668 {dim = 0 : i64, kind = #tpu.reduction_kind<sum>} : vector<16xi1> -> vector<16xi32>
    %add3A_675 = arith.addi %add3A_661, %masked_cumsum3A_673 : vector<16xi32>
    %sub3A_676 = arith.constant 1 : i32
    %sub3A_677 = vector.broadcast %sub3A_676 : i32 to vector<16xi32>
    %sub3A_678 = arith.subi %add3A_675, %sub3A_677 : vector<16xi32>
    %add3A_679 = arith.constant 160 : i32
    %add3A_680 = arith.addi %mul3A_2, %add3A_679 : i32
    %add3A_681 = vector.broadcast %add3A_680 : i32 to vector<16xi32>
    %add3A_682 = arith.addi %add3A_681, %iota3A : vector<16xi32>
    %add3A_683 = arith.addi %add3A_656, %masked_cumsum3A_673 : vector<16xi32>
    %sub3A_684 = arith.constant 1 : i32
    %sub3A_685 = vector.broadcast %sub3A_684 : i32 to vector<16xi32>
    %sub3A_686 = arith.subi %add3A_683, %sub3A_685 : vector<16xi32>
    %shift_right_arithmetic3A_687 = arith.constant 3 : i32
    %shift_right_arithmetic3A_688 = vector.broadcast %shift_right_arithmetic3A_687 : i32 to vector<16xi32>
    %shift_right_arithmetic3A_689 = arith.shrsi %sub3A_686, %shift_right_arithmetic3A_688 : vector<16xi32>
    %and3A_690 = arith.constant 7 : i32
    %and3A_691 = vector.broadcast %and3A_690 : i32 to vector<16xi32>
    %and3A_692 = arith.andi %sub3A_686, %and3A_691 : vector<16xi32>
    tpu.vector_store_idx %arg12[%shift_right_arithmetic3A_689, %and3A_692], %sub3A_678 masked %gt3A_668 : memref<32x8xi32, #tpu.memory_space<vmem>>[vector<16xi32>, vector<16xi32>], vector<16xi32>, vector<16xi1>
    %shift_right_arithmetic3A_693 = arith.constant 3 : i32
    %shift_right_arithmetic3A_694 = vector.broadcast %shift_right_arithmetic3A_693 : i32 to vector<16xi32>
    %shift_right_arithmetic3A_695 = arith.shrsi %sub3A_686, %shift_right_arithmetic3A_694 : vector<16xi32>
    %and3A_696 = arith.constant 7 : i32
    %and3A_697 = vector.broadcast %and3A_696 : i32 to vector<16xi32>
    %and3A_698 = arith.andi %sub3A_686, %and3A_697 : vector<16xi32>
    tpu.vector_store_idx %arg13[%shift_right_arithmetic3A_695, %and3A_698], %add3A_682 masked %gt3A_668 : memref<32x8xi32, #tpu.memory_space<vmem>>[vector<16xi32>, vector<16xi32>], vector<16xi32>, vector<16xi1>
    %sub3A_699 = arith.constant 1 : i32
    %sub3A_700 = vector.broadcast %sub3A_699 : i32 to vector<16xi32>
    %sub3A_701 = arith.subi %sub3A_700, %get3A_665 : vector<16xi32>
    %broadcast_in_dim3A_702 = arith.constant true
    %broadcast_in_dim3A_703 = vector.broadcast %broadcast_in_dim3A_702 : i1 to vector<16xi1>
    %masked_cumsum3A_704 = tpu.scan <sum>, %sub3A_701 masked %broadcast_in_dim3A_703 : vector<16xi32>, vector<16xi1> -> vector<16xi32>
    %add3A_705 = arith.addi %add3A_660, %masked_cumsum3A_704 : vector<16xi32>
    %sub3A_706 = arith.constant 1 : i32
    %sub3A_707 = vector.broadcast %sub3A_706 : i32 to vector<16xi32>
    %sub3A_708 = arith.subi %add3A_705, %sub3A_707 : vector<16xi32>
    %shift_right_arithmetic3A_709 = arith.constant 3 : i32
    %shift_right_arithmetic3A_710 = vector.broadcast %shift_right_arithmetic3A_709 : i32 to vector<16xi32>
    %shift_right_arithmetic3A_711 = arith.shrsi %sub3A_708, %shift_right_arithmetic3A_710 : vector<16xi32>
    %and3A_712 = arith.constant 7 : i32
    %and3A_713 = vector.broadcast %and3A_712 : i32 to vector<16xi32>
    %and3A_714 = arith.andi %sub3A_708, %and3A_713 : vector<16xi32>
    tpu.vector_store_idx %arg14[%shift_right_arithmetic3A_711, %and3A_714], %add3A_682 masked %not3A_670 : memref<32x8xi32, #tpu.memory_space<vmem>>[vector<16xi32>, vector<16xi32>], vector<16xi32>, vector<16xi1>
    %shift_right_arithmetic3A_715 = arith.constant 3 : i32
    %shift_right_arithmetic3A_716 = vector.broadcast %shift_right_arithmetic3A_715 : i32 to vector<16xi32>
    %shift_right_arithmetic3A_717 = arith.shrsi %sub3A_708, %shift_right_arithmetic3A_716 : vector<16xi32>
    %and3A_718 = arith.constant 7 : i32
    %and3A_719 = vector.broadcast %and3A_718 : i32 to vector<16xi32>
    %and3A_720 = arith.andi %sub3A_708, %and3A_719 : vector<16xi32>
    tpu.vector_store_idx %arg15[%shift_right_arithmetic3A_717, %and3A_720], %add3A_682 masked %not3A_670 : memref<32x8xi32, #tpu.memory_space<vmem>>[vector<16xi32>, vector<16xi32>], vector<16xi32>, vector<16xi1>
    %add3A_721 = arith.addi %add3A_656, %all_reduce_population_count3A_674 : vector<16xi32>
    %sub3A_722 = arith.constant 16 : i32
    %sub3A_723 = vector.broadcast %sub3A_722 : i32 to vector<16xi32>
    %sub3A_724 = arith.subi %sub3A_723, %all_reduce_population_count3A_674 : vector<16xi32>
    %add3A_725 = arith.addi %add3A_660, %sub3A_724 : vector<16xi32>
    %add3A_726 = arith.addi %add3A_661, %all_reduce_population_count3A_674 : vector<16xi32>
    %add3A_727 = arith.constant 176 : i32
    %add3A_728 = arith.addi %mul3A_2, %add3A_727 : i32
    %get3A_729 = arith.index_cast %add3A_728 : i32 to index
    %get3A_730 = tpu.vector_load %arg6[%get3A_729] {strides = array<i32>} : memref<8192xi32, #tpu.memory_space<vmem>>, vector<16xi32>,
    %gt3A_731 = arith.constant 0 : i32
    %gt3A_732 = vector.broadcast %gt3A_731 : i32 to vector<16xi32>
    %gt3A_733 = arith.cmpi sgt, %get3A_730, %gt3A_732 : vector<16xi32>
    %not3A_734 = arith.constant dense<true> : vector<16xi1>
    %not3A_735 = arith.xori %gt3A_733, %not3A_734 : vector<16xi1>
    %broadcast_in_dim3A_736 = arith.constant true
    %broadcast_in_dim3A_737 = vector.broadcast %broadcast_in_dim3A_736 : i1 to vector<16xi1>
    %masked_cumsum3A_738 = tpu.scan <sum>, %get3A_730 masked %broadcast_in_dim3A_737 : vector<16xi32>, vector<16xi1> -> vector<16xi32>
    %all_reduce_population_count3A_739 = tpu.all_reduce %gt3A_733 {dim = 0 : i64, kind = #tpu.reduction_kind<sum>} : vector<16xi1> -> vector<16xi32>
    %add3A_740 = arith.addi %add3A_726, %masked_cumsum3A_738 : vector<16xi32>
    %sub3A_741 = arith.constant 1 : i32
    %sub3A_742 = vector.broadcast %sub3A_741 : i32 to vector<16xi32>
    %sub3A_743 = arith.subi %add3A_740, %sub3A_742 : vector<16xi32>
    %add3A_744 = arith.constant 176 : i32
    %add3A_745 = arith.addi %mul3A_2, %add3A_744 : i32
    %add3A_746 = vector.broadcast %add3A_745 : i32 to vector<16xi32>
    %add3A_747 = arith.addi %add3A_746, %iota3A : vector<16xi32>
    %add3A_748 = arith.addi %add3A_721, %masked_cumsum3A_738 : vector<16xi32>
    %sub3A_749 = arith.constant 1 : i32
    %sub3A_750 = vector.broadcast %sub3A_749 : i32 to vector<16xi32>
    %sub3A_751 = arith.subi %add3A_748, %sub3A_750 : vector<16xi32>
    %shift_right_arithmetic3A_752 = arith.constant 3 : i32
    %shift_right_arithmetic3A_753 = vector.broadcast %shift_right_arithmetic3A_752 : i32 to vector<16xi32>
    %shift_right_arithmetic3A_754 = arith.shrsi %sub3A_751, %shift_right_arithmetic3A_753 : vector<16xi32>
    %and3A_755 = arith.constant 7 : i32
    %and3A_756 = vector.broadcast %and3A_755 : i32 to vector<16xi32>
    %and3A_757 = arith.andi %sub3A_751, %and3A_756 : vector<16xi32>
    tpu.vector_store_idx %arg12[%shift_right_arithmetic3A_754, %and3A_757], %sub3A_743 masked %gt3A_733 : memref<32x8xi32, #tpu.memory_space<vmem>>[vector<16xi32>, vector<16xi32>], vector<16xi32>, vector<16xi1>
    %shift_right_arithmetic3A_758 = arith.constant 3 : i32
    %shift_right_arithmetic3A_759 = vector.broadcast %shift_right_arithmetic3A_758 : i32 to vector<16xi32>
    %shift_right_arithmetic3A_760 = arith.shrsi %sub3A_751, %shift_right_arithmetic3A_759 : vector<16xi32>
    %and3A_761 = arith.constant 7 : i32
    %and3A_762 = vector.broadcast %and3A_761 : i32 to vector<16xi32>
    %and3A_763 = arith.andi %sub3A_751, %and3A_762 : vector<16xi32>
    tpu.vector_store_idx %arg13[%shift_right_arithmetic3A_760, %and3A_763], %add3A_747 masked %gt3A_733 : memref<32x8xi32, #tpu.memory_space<vmem>>[vector<16xi32>, vector<16xi32>], vector<16xi32>, vector<16xi1>
    %sub3A_764 = arith.constant 1 : i32
    %sub3A_765 = vector.broadcast %sub3A_764 : i32 to vector<16xi32>
    %sub3A_766 = arith.subi %sub3A_765, %get3A_730 : vector<16xi32>
    %broadcast_in_dim3A_767 = arith.constant true
    %broadcast_in_dim3A_768 = vector.broadcast %broadcast_in_dim3A_767 : i1 to vector<16xi1>
    %masked_cumsum3A_769 = tpu.scan <sum>, %sub3A_766 masked %broadcast_in_dim3A_768 : vector<16xi32>, vector<16xi1> -> vector<16xi32>
    %add3A_770 = arith.addi %add3A_725, %masked_cumsum3A_769 : vector<16xi32>
    %sub3A_771 = arith.constant 1 : i32
    %sub3A_772 = vector.broadcast %sub3A_771 : i32 to vector<16xi32>
    %sub3A_773 = arith.subi %add3A_770, %sub3A_772 : vector<16xi32>
    %shift_right_arithmetic3A_774 = arith.constant 3 : i32
    %shift_right_arithmetic3A_775 = vector.broadcast %shift_right_arithmetic3A_774 : i32 to vector<16xi32>
    %shift_right_arithmetic3A_776 = arith.shrsi %sub3A_773, %shift_right_arithmetic3A_775 : vector<16xi32>
    %and3A_777 = arith.constant 7 : i32
    %and3A_778 = vector.broadcast %and3A_777 : i32 to vector<16xi32>
    %and3A_779 = arith.andi %sub3A_773, %and3A_778 : vector<16xi32>
    tpu.vector_store_idx %arg14[%shift_right_arithmetic3A_776, %and3A_779], %add3A_747 masked %not3A_735 : memref<32x8xi32, #tpu.memory_space<vmem>>[vector<16xi32>, vector<16xi32>], vector<16xi32>, vector<16xi1>
    %shift_right_arithmetic3A_780 = arith.constant 3 : i32
    %shift_right_arithmetic3A_781 = vector.broadcast %shift_right_arithmetic3A_780 : i32 to vector<16xi32>
    %shift_right_arithmetic3A_782 = arith.shrsi %sub3A_773, %shift_right_arithmetic3A_781 : vector<16xi32>
    %and3A_783 = arith.constant 7 : i32
    %and3A_784 = vector.broadcast %and3A_783 : i32 to vector<16xi32>
    %and3A_785 = arith.andi %sub3A_773, %and3A_784 : vector<16xi32>
    tpu.vector_store_idx %arg15[%shift_right_arithmetic3A_782, %and3A_785], %add3A_747 masked %not3A_735 : memref<32x8xi32, #tpu.memory_space<vmem>>[vector<16xi32>, vector<16xi32>], vector<16xi32>, vector<16xi1>
    %add3A_786 = arith.addi %add3A_721, %all_reduce_population_count3A_739 : vector<16xi32>
    %sub3A_787 = arith.constant 16 : i32
    %sub3A_788 = vector.broadcast %sub3A_787 : i32 to vector<16xi32>
    %sub3A_789 = arith.subi %sub3A_788, %all_reduce_population_count3A_739 : vector<16xi32>
    %add3A_790 = arith.addi %add3A_725, %sub3A_789 : vector<16xi32>
    %add3A_791 = arith.addi %add3A_726, %all_reduce_population_count3A_739 : vector<16xi32>
    %add3A_792 = arith.constant 192 : i32
    %add3A_793 = arith.addi %mul3A_2, %add3A_792 : i32
    %get3A_794 = arith.index_cast %add3A_793 : i32 to index
    %get3A_795 = tpu.vector_load %arg6[%get3A_794] {strides = array<i32>} : memref<8192xi32, #tpu.memory_space<vmem>>, vector<16xi32>,
    %gt3A_796 = arith.constant 0 : i32
    %gt3A_797 = vector.broadcast %gt3A_796 : i32 to vector<16xi32>
    %gt3A_798 = arith.cmpi sgt, %get3A_795, %gt3A_797 : vector<16xi32>
    %not3A_799 = arith.constant dense<true> : vector<16xi1>
    %not3A_800 = arith.xori %gt3A_798, %not3A_799 : vector<16xi1>
    %broadcast_in_dim3A_801 = arith.constant true
    %broadcast_in_dim3A_802 = vector.broadcast %broadcast_in_dim3A_801 : i1 to vector<16xi1>
    %masked_cumsum3A_803 = tpu.scan <sum>, %get3A_795 masked %broadcast_in_dim3A_802 : vector<16xi32>, vector<16xi1> -> vector<16xi32>
    %all_reduce_population_count3A_804 = tpu.all_reduce %gt3A_798 {dim = 0 : i64, kind = #tpu.reduction_kind<sum>} : vector<16xi1> -> vector<16xi32>
    %add3A_805 = arith.addi %add3A_791, %masked_cumsum3A_803 : vector<16xi32>
    %sub3A_806 = arith.constant 1 : i32
    %sub3A_807 = vector.broadcast %sub3A_806 : i32 to vector<16xi32>
    %sub3A_808 = arith.subi %add3A_805, %sub3A_807 : vector<16xi32>
    %add3A_809 = arith.constant 192 : i32
    %add3A_810 = arith.addi %mul3A_2, %add3A_809 : i32
    %add3A_811 = vector.broadcast %add3A_810 : i32 to vector<16xi32>
    %add3A_812 = arith.addi %add3A_811, %iota3A : vector<16xi32>
    %add3A_813 = arith.addi %add3A_786, %masked_cumsum3A_803 : vector<16xi32>
    %sub3A_814 = arith.constant 1 : i32
    %sub3A_815 = vector.broadcast %sub3A_814 : i32 to vector<16xi32>
    %sub3A_816 = arith.subi %add3A_813, %sub3A_815 : vector<16xi32>
    %shift_right_arithmetic3A_817 = arith.constant 3 : i32
    %shift_right_arithmetic3A_818 = vector.broadcast %shift_right_arithmetic3A_817 : i32 to vector<16xi32>
    %shift_right_arithmetic3A_819 = arith.shrsi %sub3A_816, %shift_right_arithmetic3A_818 : vector<16xi32>
    %and3A_820 = arith.constant 7 : i32
    %and3A_821 = vector.broadcast %and3A_820 : i32 to vector<16xi32>
    %and3A_822 = arith.andi %sub3A_816, %and3A_821 : vector<16xi32>
    tpu.vector_store_idx %arg12[%shift_right_arithmetic3A_819, %and3A_822], %sub3A_808 masked %gt3A_798 : memref<32x8xi32, #tpu.memory_space<vmem>>[vector<16xi32>, vector<16xi32>], vector<16xi32>, vector<16xi1>
    %shift_right_arithmetic3A_823 = arith.constant 3 : i32
    %shift_right_arithmetic3A_824 = vector.broadcast %shift_right_arithmetic3A_823 : i32 to vector<16xi32>
    %shift_right_arithmetic3A_825 = arith.shrsi %sub3A_816, %shift_right_arithmetic3A_824 : vector<16xi32>
    %and3A_826 = arith.constant 7 : i32
    %and3A_827 = vector.broadcast %and3A_826 : i32 to vector<16xi32>
    %and3A_828 = arith.andi %sub3A_816, %and3A_827 : vector<16xi32>
    tpu.vector_store_idx %arg13[%shift_right_arithmetic3A_825, %and3A_828], %add3A_812 masked %gt3A_798 : memref<32x8xi32, #tpu.memory_space<vmem>>[vector<16xi32>, vector<16xi32>], vector<16xi32>, vector<16xi1>
    %sub3A_829 = arith.constant 1 : i32
    %sub3A_830 = vector.broadcast %sub3A_829 : i32 to vector<16xi32>
    %sub3A_831 = arith.subi %sub3A_830, %get3A_795 : vector<16xi32>
    %broadcast_in_dim3A_832 = arith.constant true
    %broadcast_in_dim3A_833 = vector.broadcast %broadcast_in_dim3A_832 : i1 to vector<16xi1>
    %masked_cumsum3A_834 = tpu.scan <sum>, %sub3A_831 masked %broadcast_in_dim3A_833 : vector<16xi32>, vector<16xi1> -> vector<16xi32>
    %add3A_835 = arith.addi %add3A_790, %masked_cumsum3A_834 : vector<16xi32>
    %sub3A_836 = arith.constant 1 : i32
    %sub3A_837 = vector.broadcast %sub3A_836 : i32 to vector<16xi32>
    %sub3A_838 = arith.subi %add3A_835, %sub3A_837 : vector<16xi32>
    %shift_right_arithmetic3A_839 = arith.constant 3 : i32
    %shift_right_arithmetic3A_840 = vector.broadcast %shift_right_arithmetic3A_839 : i32 to vector<16xi32>
    %shift_right_arithmetic3A_841 = arith.shrsi %sub3A_838, %shift_right_arithmetic3A_840 : vector<16xi32>
    %and3A_842 = arith.constant 7 : i32
    %and3A_843 = vector.broadcast %and3A_842 : i32 to vector<16xi32>
    %and3A_844 = arith.andi %sub3A_838, %and3A_843 : vector<16xi32>
    tpu.vector_store_idx %arg14[%shift_right_arithmetic3A_841, %and3A_844], %add3A_812 masked %not3A_800 : memref<32x8xi32, #tpu.memory_space<vmem>>[vector<16xi32>, vector<16xi32>], vector<16xi32>, vector<16xi1>
    %shift_right_arithmetic3A_845 = arith.constant 3 : i32
    %shift_right_arithmetic3A_846 = vector.broadcast %shift_right_arithmetic3A_845 : i32 to vector<16xi32>
    %shift_right_arithmetic3A_847 = arith.shrsi %sub3A_838, %shift_right_arithmetic3A_846 : vector<16xi32>
    %and3A_848 = arith.constant 7 : i32
    %and3A_849 = vector.broadcast %and3A_848 : i32 to vector<16xi32>
    %and3A_850 = arith.andi %sub3A_838, %and3A_849 : vector<16xi32>
    tpu.vector_store_idx %arg15[%shift_right_arithmetic3A_847, %and3A_850], %add3A_812 masked %not3A_800 : memref<32x8xi32, #tpu.memory_space<vmem>>[vector<16xi32>, vector<16xi32>], vector<16xi32>, vector<16xi1>
    %add3A_851 = arith.addi %add3A_786, %all_reduce_population_count3A_804 : vector<16xi32>
    %sub3A_852 = arith.constant 16 : i32
    %sub3A_853 = vector.broadcast %sub3A_852 : i32 to vector<16xi32>
    %sub3A_854 = arith.subi %sub3A_853, %all_reduce_population_count3A_804 : vector<16xi32>
    %add3A_855 = arith.addi %add3A_790, %sub3A_854 : vector<16xi32>
    %add3A_856 = arith.addi %add3A_791, %all_reduce_population_count3A_804 : vector<16xi32>
    %add3A_857 = arith.constant 208 : i32
    %add3A_858 = arith.addi %mul3A_2, %add3A_857 : i32
    %get3A_859 = arith.index_cast %add3A_858 : i32 to index
    %get3A_860 = tpu.vector_load %arg6[%get3A_859] {strides = array<i32>} : memref<8192xi32, #tpu.memory_space<vmem>>, vector<16xi32>,
    %gt3A_861 = arith.constant 0 : i32
    %gt3A_862 = vector.broadcast %gt3A_861 : i32 to vector<16xi32>
    %gt3A_863 = arith.cmpi sgt, %get3A_860, %gt3A_862 : vector<16xi32>
    %not3A_864 = arith.constant dense<true> : vector<16xi1>
    %not3A_865 = arith.xori %gt3A_863, %not3A_864 : vector<16xi1>
    %broadcast_in_dim3A_866 = arith.constant true
    %broadcast_in_dim3A_867 = vector.broadcast %broadcast_in_dim3A_866 : i1 to vector<16xi1>
    %masked_cumsum3A_868 = tpu.scan <sum>, %get3A_860 masked %broadcast_in_dim3A_867 : vector<16xi32>, vector<16xi1> -> vector<16xi32>
    %all_reduce_population_count3A_869 = tpu.all_reduce %gt3A_863 {dim = 0 : i64, kind = #tpu.reduction_kind<sum>} : vector<16xi1> -> vector<16xi32>
    %add3A_870 = arith.addi %add3A_856, %masked_cumsum3A_868 : vector<16xi32>
    %sub3A_871 = arith.constant 1 : i32
    %sub3A_872 = vector.broadcast %sub3A_871 : i32 to vector<16xi32>
    %sub3A_873 = arith.subi %add3A_870, %sub3A_872 : vector<16xi32>
    %add3A_874 = arith.constant 208 : i32
    %add3A_875 = arith.addi %mul3A_2, %add3A_874 : i32
    %add3A_876 = vector.broadcast %add3A_875 : i32 to vector<16xi32>
    %add3A_877 = arith.addi %add3A_876, %iota3A : vector<16xi32>
    %add3A_878 = arith.addi %add3A_851, %masked_cumsum3A_868 : vector<16xi32>
    %sub3A_879 = arith.constant 1 : i32
    %sub3A_880 = vector.broadcast %sub3A_879 : i32 to vector<16xi32>
    %sub3A_881 = arith.subi %add3A_878, %sub3A_880 : vector<16xi32>
    %shift_right_arithmetic3A_882 = arith.constant 3 : i32
    %shift_right_arithmetic3A_883 = vector.broadcast %shift_right_arithmetic3A_882 : i32 to vector<16xi32>
    %shift_right_arithmetic3A_884 = arith.shrsi %sub3A_881, %shift_right_arithmetic3A_883 : vector<16xi32>
    %and3A_885 = arith.constant 7 : i32
    %and3A_886 = vector.broadcast %and3A_885 : i32 to vector<16xi32>
    %and3A_887 = arith.andi %sub3A_881, %and3A_886 : vector<16xi32>
    tpu.vector_store_idx %arg12[%shift_right_arithmetic3A_884, %and3A_887], %sub3A_873 masked %gt3A_863 : memref<32x8xi32, #tpu.memory_space<vmem>>[vector<16xi32>, vector<16xi32>], vector<16xi32>, vector<16xi1>
    %shift_right_arithmetic3A_888 = arith.constant 3 : i32
    %shift_right_arithmetic3A_889 = vector.broadcast %shift_right_arithmetic3A_888 : i32 to vector<16xi32>
    %shift_right_arithmetic3A_890 = arith.shrsi %sub3A_881, %shift_right_arithmetic3A_889 : vector<16xi32>
    %and3A_891 = arith.constant 7 : i32
    %and3A_892 = vector.broadcast %and3A_891 : i32 to vector<16xi32>
    %and3A_893 = arith.andi %sub3A_881, %and3A_892 : vector<16xi32>
    tpu.vector_store_idx %arg13[%shift_right_arithmetic3A_890, %and3A_893], %add3A_877 masked %gt3A_863 : memref<32x8xi32, #tpu.memory_space<vmem>>[vector<16xi32>, vector<16xi32>], vector<16xi32>, vector<16xi1>
    %sub3A_894 = arith.constant 1 : i32
    %sub3A_895 = vector.broadcast %sub3A_894 : i32 to vector<16xi32>
    %sub3A_896 = arith.subi %sub3A_895, %get3A_860 : vector<16xi32>
    %broadcast_in_dim3A_897 = arith.constant true
    %broadcast_in_dim3A_898 = vector.broadcast %broadcast_in_dim3A_897 : i1 to vector<16xi1>
    %masked_cumsum3A_899 = tpu.scan <sum>, %sub3A_896 masked %broadcast_in_dim3A_898 : vector<16xi32>, vector<16xi1> -> vector<16xi32>
    %add3A_900 = arith.addi %add3A_855, %masked_cumsum3A_899 : vector<16xi32>
    %sub3A_901 = arith.constant 1 : i32
    %sub3A_902 = vector.broadcast %sub3A_901 : i32 to vector<16xi32>
    %sub3A_903 = arith.subi %add3A_900, %sub3A_902 : vector<16xi32>
    %shift_right_arithmetic3A_904 = arith.constant 3 : i32
    %shift_right_arithmetic3A_905 = vector.broadcast %shift_right_arithmetic3A_904 : i32 to vector<16xi32>
    %shift_right_arithmetic3A_906 = arith.shrsi %sub3A_903, %shift_right_arithmetic3A_905 : vector<16xi32>
    %and3A_907 = arith.constant 7 : i32
    %and3A_908 = vector.broadcast %and3A_907 : i32 to vector<16xi32>
    %and3A_909 = arith.andi %sub3A_903, %and3A_908 : vector<16xi32>
    tpu.vector_store_idx %arg14[%shift_right_arithmetic3A_906, %and3A_909], %add3A_877 masked %not3A_865 : memref<32x8xi32, #tpu.memory_space<vmem>>[vector<16xi32>, vector<16xi32>], vector<16xi32>, vector<16xi1>
    %shift_right_arithmetic3A_910 = arith.constant 3 : i32
    %shift_right_arithmetic3A_911 = vector.broadcast %shift_right_arithmetic3A_910 : i32 to vector<16xi32>
    %shift_right_arithmetic3A_912 = arith.shrsi %sub3A_903, %shift_right_arithmetic3A_911 : vector<16xi32>
    %and3A_913 = arith.constant 7 : i32
    %and3A_914 = vector.broadcast %and3A_913 : i32 to vector<16xi32>
    %and3A_915 = arith.andi %sub3A_903, %and3A_914 : vector<16xi32>
    tpu.vector_store_idx %arg15[%shift_right_arithmetic3A_912, %and3A_915], %add3A_877 masked %not3A_865 : memref<32x8xi32, #tpu.memory_space<vmem>>[vector<16xi32>, vector<16xi32>], vector<16xi32>, vector<16xi1>
    %add3A_916 = arith.addi %add3A_851, %all_reduce_population_count3A_869 : vector<16xi32>
    %sub3A_917 = arith.constant 16 : i32
    %sub3A_918 = vector.broadcast %sub3A_917 : i32 to vector<16xi32>
    %sub3A_919 = arith.subi %sub3A_918, %all_reduce_population_count3A_869 : vector<16xi32>
    %add3A_920 = arith.addi %add3A_855, %sub3A_919 : vector<16xi32>
    %add3A_921 = arith.addi %add3A_856, %all_reduce_population_count3A_869 : vector<16xi32>
    %add3A_922 = arith.constant 224 : i32
    %add3A_923 = arith.addi %mul3A_2, %add3A_922 : i32
    %get3A_924 = arith.index_cast %add3A_923 : i32 to index
    %get3A_925 = tpu.vector_load %arg6[%get3A_924] {strides = array<i32>} : memref<8192xi32, #tpu.memory_space<vmem>>, vector<16xi32>,
    %gt3A_926 = arith.constant 0 : i32
    %gt3A_927 = vector.broadcast %gt3A_926 : i32 to vector<16xi32>
    %gt3A_928 = arith.cmpi sgt, %get3A_925, %gt3A_927 : vector<16xi32>
    %not3A_929 = arith.constant dense<true> : vector<16xi1>
    %not3A_930 = arith.xori %gt3A_928, %not3A_929 : vector<16xi1>
    %broadcast_in_dim3A_931 = arith.constant true
    %broadcast_in_dim3A_932 = vector.broadcast %broadcast_in_dim3A_931 : i1 to vector<16xi1>
    %masked_cumsum3A_933 = tpu.scan <sum>, %get3A_925 masked %broadcast_in_dim3A_932 : vector<16xi32>, vector<16xi1> -> vector<16xi32>
    %all_reduce_population_count3A_934 = tpu.all_reduce %gt3A_928 {dim = 0 : i64, kind = #tpu.reduction_kind<sum>} : vector<16xi1> -> vector<16xi32>
    %add3A_935 = arith.addi %add3A_921, %masked_cumsum3A_933 : vector<16xi32>
    %sub3A_936 = arith.constant 1 : i32
    %sub3A_937 = vector.broadcast %sub3A_936 : i32 to vector<16xi32>
    %sub3A_938 = arith.subi %add3A_935, %sub3A_937 : vector<16xi32>
    %add3A_939 = arith.constant 224 : i32
    %add3A_940 = arith.addi %mul3A_2, %add3A_939 : i32
    %add3A_941 = vector.broadcast %add3A_940 : i32 to vector<16xi32>
    %add3A_942 = arith.addi %add3A_941, %iota3A : vector<16xi32>
    %add3A_943 = arith.addi %add3A_916, %masked_cumsum3A_933 : vector<16xi32>
    %sub3A_944 = arith.constant 1 : i32
    %sub3A_945 = vector.broadcast %sub3A_944 : i32 to vector<16xi32>
    %sub3A_946 = arith.subi %add3A_943, %sub3A_945 : vector<16xi32>
    %shift_right_arithmetic3A_947 = arith.constant 3 : i32
    %shift_right_arithmetic3A_948 = vector.broadcast %shift_right_arithmetic3A_947 : i32 to vector<16xi32>
    %shift_right_arithmetic3A_949 = arith.shrsi %sub3A_946, %shift_right_arithmetic3A_948 : vector<16xi32>
    %and3A_950 = arith.constant 7 : i32
    %and3A_951 = vector.broadcast %and3A_950 : i32 to vector<16xi32>
    %and3A_952 = arith.andi %sub3A_946, %and3A_951 : vector<16xi32>
    tpu.vector_store_idx %arg12[%shift_right_arithmetic3A_949, %and3A_952], %sub3A_938 masked %gt3A_928 : memref<32x8xi32, #tpu.memory_space<vmem>>[vector<16xi32>, vector<16xi32>], vector<16xi32>, vector<16xi1>
    %shift_right_arithmetic3A_953 = arith.constant 3 : i32
    %shift_right_arithmetic3A_954 = vector.broadcast %shift_right_arithmetic3A_953 : i32 to vector<16xi32>
    %shift_right_arithmetic3A_955 = arith.shrsi %sub3A_946, %shift_right_arithmetic3A_954 : vector<16xi32>
    %and3A_956 = arith.constant 7 : i32
    %and3A_957 = vector.broadcast %and3A_956 : i32 to vector<16xi32>
    %and3A_958 = arith.andi %sub3A_946, %and3A_957 : vector<16xi32>
    tpu.vector_store_idx %arg13[%shift_right_arithmetic3A_955, %and3A_958], %add3A_942 masked %gt3A_928 : memref<32x8xi32, #tpu.memory_space<vmem>>[vector<16xi32>, vector<16xi32>], vector<16xi32>, vector<16xi1>
    %sub3A_959 = arith.constant 1 : i32
    %sub3A_960 = vector.broadcast %sub3A_959 : i32 to vector<16xi32>
    %sub3A_961 = arith.subi %sub3A_960, %get3A_925 : vector<16xi32>
    %broadcast_in_dim3A_962 = arith.constant true
    %broadcast_in_dim3A_963 = vector.broadcast %broadcast_in_dim3A_962 : i1 to vector<16xi1>
    %masked_cumsum3A_964 = tpu.scan <sum>, %sub3A_961 masked %broadcast_in_dim3A_963 : vector<16xi32>, vector<16xi1> -> vector<16xi32>
    %add3A_965 = arith.addi %add3A_920, %masked_cumsum3A_964 : vector<16xi32>
    %sub3A_966 = arith.constant 1 : i32
    %sub3A_967 = vector.broadcast %sub3A_966 : i32 to vector<16xi32>
    %sub3A_968 = arith.subi %add3A_965, %sub3A_967 : vector<16xi32>
    %shift_right_arithmetic3A_969 = arith.constant 3 : i32
    %shift_right_arithmetic3A_970 = vector.broadcast %shift_right_arithmetic3A_969 : i32 to vector<16xi32>
    %shift_right_arithmetic3A_971 = arith.shrsi %sub3A_968, %shift_right_arithmetic3A_970 : vector<16xi32>
    %and3A_972 = arith.constant 7 : i32
    %and3A_973 = vector.broadcast %and3A_972 : i32 to vector<16xi32>
    %and3A_974 = arith.andi %sub3A_968, %and3A_973 : vector<16xi32>
    tpu.vector_store_idx %arg14[%shift_right_arithmetic3A_971, %and3A_974], %add3A_942 masked %not3A_930 : memref<32x8xi32, #tpu.memory_space<vmem>>[vector<16xi32>, vector<16xi32>], vector<16xi32>, vector<16xi1>
    %shift_right_arithmetic3A_975 = arith.constant 3 : i32
    %shift_right_arithmetic3A_976 = vector.broadcast %shift_right_arithmetic3A_975 : i32 to vector<16xi32>
    %shift_right_arithmetic3A_977 = arith.shrsi %sub3A_968, %shift_right_arithmetic3A_976 : vector<16xi32>
    %and3A_978 = arith.constant 7 : i32
    %and3A_979 = vector.broadcast %and3A_978 : i32 to vector<16xi32>
    %and3A_980 = arith.andi %sub3A_968, %and3A_979 : vector<16xi32>
    tpu.vector_store_idx %arg15[%shift_right_arithmetic3A_977, %and3A_980], %add3A_942 masked %not3A_930 : memref<32x8xi32, #tpu.memory_space<vmem>>[vector<16xi32>, vector<16xi32>], vector<16xi32>, vector<16xi1>
    %add3A_981 = arith.addi %add3A_916, %all_reduce_population_count3A_934 : vector<16xi32>
    %sub3A_982 = arith.constant 16 : i32
    %sub3A_983 = vector.broadcast %sub3A_982 : i32 to vector<16xi32>
    %sub3A_984 = arith.subi %sub3A_983, %all_reduce_population_count3A_934 : vector<16xi32>
    %add3A_985 = arith.addi %add3A_920, %sub3A_984 : vector<16xi32>
    %add3A_986 = arith.addi %add3A_921, %all_reduce_population_count3A_934 : vector<16xi32>
    %add3A_987 = arith.constant 240 : i32
    %add3A_988 = arith.addi %mul3A_2, %add3A_987 : i32
    %get3A_989 = arith.index_cast %add3A_988 : i32 to index
    %get3A_990 = tpu.vector_load %arg6[%get3A_989] {strides = array<i32>} : memref<8192xi32, #tpu.memory_space<vmem>>, vector<16xi32>,
    %gt3A_991 = arith.constant 0 : i32
    %gt3A_992 = vector.broadcast %gt3A_991 : i32 to vector<16xi32>
    %gt3A_993 = arith.cmpi sgt, %get3A_990, %gt3A_992 : vector<16xi32>
    %not3A_994 = arith.constant dense<true> : vector<16xi1>
    %not3A_995 = arith.xori %gt3A_993, %not3A_994 : vector<16xi1>
    %broadcast_in_dim3A_996 = arith.constant true
    %broadcast_in_dim3A_997 = vector.broadcast %broadcast_in_dim3A_996 : i1 to vector<16xi1>
    %masked_cumsum3A_998 = tpu.scan <sum>, %get3A_990 masked %broadcast_in_dim3A_997 : vector<16xi32>, vector<16xi1> -> vector<16xi32>
    %all_reduce_population_count3A_999 = tpu.all_reduce %gt3A_993 {dim = 0 : i64, kind = #tpu.reduction_kind<sum>} : vector<16xi1> -> vector<16xi32>
    %add3A_1000 = arith.addi %add3A_986, %masked_cumsum3A_998 : vector<16xi32>
    %sub3A_1001 = arith.constant 1 : i32
    %sub3A_1002 = vector.broadcast %sub3A_1001 : i32 to vector<16xi32>
    %sub3A_1003 = arith.subi %add3A_1000, %sub3A_1002 : vector<16xi32>
    %add3A_1004 = arith.constant 240 : i32
    %add3A_1005 = arith.addi %mul3A_2, %add3A_1004 : i32
    %add3A_1006 = vector.broadcast %add3A_1005 : i32 to vector<16xi32>
    %add3A_1007 = arith.addi %add3A_1006, %iota3A : vector<16xi32>
    %add3A_1008 = arith.addi %add3A_981, %masked_cumsum3A_998 : vector<16xi32>
    %sub3A_1009 = arith.constant 1 : i32
    %sub3A_1010 = vector.broadcast %sub3A_1009 : i32 to vector<16xi32>
    %sub3A_1011 = arith.subi %add3A_1008, %sub3A_1010 : vector<16xi32>
    %shift_right_arithmetic3A_1012 = arith.constant 3 : i32
    %shift_right_arithmetic3A_1013 = vector.broadcast %shift_right_arithmetic3A_1012 : i32 to vector<16xi32>
    %shift_right_arithmetic3A_1014 = arith.shrsi %sub3A_1011, %shift_right_arithmetic3A_1013 : vector<16xi32>
    %and3A_1015 = arith.constant 7 : i32
    %and3A_1016 = vector.broadcast %and3A_1015 : i32 to vector<16xi32>
    %and3A_1017 = arith.andi %sub3A_1011, %and3A_1016 : vector<16xi32>
    tpu.vector_store_idx %arg12[%shift_right_arithmetic3A_1014, %and3A_1017], %sub3A_1003 masked %gt3A_993 : memref<32x8xi32, #tpu.memory_space<vmem>>[vector<16xi32>, vector<16xi32>], vector<16xi32>, vector<16xi1>
    %shift_right_arithmetic3A_1018 = arith.constant 3 : i32
    %shift_right_arithmetic3A_1019 = vector.broadcast %shift_right_arithmetic3A_1018 : i32 to vector<16xi32>
    %shift_right_arithmetic3A_1020 = arith.shrsi %sub3A_1011, %shift_right_arithmetic3A_1019 : vector<16xi32>
    %and3A_1021 = arith.constant 7 : i32
    %and3A_1022 = vector.broadcast %and3A_1021 : i32 to vector<16xi32>
    %and3A_1023 = arith.andi %sub3A_1011, %and3A_1022 : vector<16xi32>
    tpu.vector_store_idx %arg13[%shift_right_arithmetic3A_1020, %and3A_1023], %add3A_1007 masked %gt3A_993 : memref<32x8xi32, #tpu.memory_space<vmem>>[vector<16xi32>, vector<16xi32>], vector<16xi32>, vector<16xi1>
    %sub3A_1024 = arith.constant 1 : i32
    %sub3A_1025 = vector.broadcast %sub3A_1024 : i32 to vector<16xi32>
    %sub3A_1026 = arith.subi %sub3A_1025, %get3A_990 : vector<16xi32>
    %broadcast_in_dim3A_1027 = arith.constant true
    %broadcast_in_dim3A_1028 = vector.broadcast %broadcast_in_dim3A_1027 : i1 to vector<16xi1>
    %masked_cumsum3A_1029 = tpu.scan <sum>, %sub3A_1026 masked %broadcast_in_dim3A_1028 : vector<16xi32>, vector<16xi1> -> vector<16xi32>
    %add3A_1030 = arith.addi %add3A_985, %masked_cumsum3A_1029 : vector<16xi32>
    %sub3A_1031 = arith.constant 1 : i32
    %sub3A_1032 = vector.broadcast %sub3A_1031 : i32 to vector<16xi32>
    %sub3A_1033 = arith.subi %add3A_1030, %sub3A_1032 : vector<16xi32>
    %shift_right_arithmetic3A_1034 = arith.constant 3 : i32
    %shift_right_arithmetic3A_1035 = vector.broadcast %shift_right_arithmetic3A_1034 : i32 to vector<16xi32>
    %shift_right_arithmetic3A_1036 = arith.shrsi %sub3A_1033, %shift_right_arithmetic3A_1035 : vector<16xi32>
    %and3A_1037 = arith.constant 7 : i32
    %and3A_1038 = vector.broadcast %and3A_1037 : i32 to vector<16xi32>
    %and3A_1039 = arith.andi %sub3A_1033, %and3A_1038 : vector<16xi32>
    tpu.vector_store_idx %arg14[%shift_right_arithmetic3A_1036, %and3A_1039], %add3A_1007 masked %not3A_995 : memref<32x8xi32, #tpu.memory_space<vmem>>[vector<16xi32>, vector<16xi32>], vector<16xi32>, vector<16xi1>
    %shift_right_arithmetic3A_1040 = arith.constant 3 : i32
    %shift_right_arithmetic3A_1041 = vector.broadcast %shift_right_arithmetic3A_1040 : i32 to vector<16xi32>
    %shift_right_arithmetic3A_1042 = arith.shrsi %sub3A_1033, %shift_right_arithmetic3A_1041 : vector<16xi32>
    %and3A_1043 = arith.constant 7 : i32
    %and3A_1044 = vector.broadcast %and3A_1043 : i32 to vector<16xi32>
    %and3A_1045 = arith.andi %sub3A_1033, %and3A_1044 : vector<16xi32>
    tpu.vector_store_idx %arg15[%shift_right_arithmetic3A_1042, %and3A_1045], %add3A_1007 masked %not3A_995 : memref<32x8xi32, #tpu.memory_space<vmem>>[vector<16xi32>, vector<16xi32>], vector<16xi32>, vector<16xi1>
    %add3A_1046 = arith.addi %add3A_981, %all_reduce_population_count3A_999 : vector<16xi32>
    %sub3A_1047 = arith.constant 16 : i32
    %sub3A_1048 = vector.broadcast %sub3A_1047 : i32 to vector<16xi32>
    %sub3A_1049 = arith.subi %sub3A_1048, %all_reduce_population_count3A_999 : vector<16xi32>
    %add3A_1050 = arith.addi %add3A_985, %sub3A_1049 : vector<16xi32>
    %add3A_1051 = arith.addi %add3A_986, %all_reduce_population_count3A_999 : vector<16xi32>
    %reduce_max3A = arith.constant true
    %reduce_max3A_1052 = vector.broadcast %reduce_max3A : i1 to vector<16xi1>
    %reduce_max3A_1053 = arith.constant -2147483648 : i32
    %reduce_max3A_1054 = vector.broadcast %reduce_max3A_1053 : i32 to vector<16xi32>
    %reduce_max3A_1055 = arith.xori %add3A_1046, %reduce_max3A_1054 : vector<16xi32>
    %reduce_max3A_1056 = tpu.scan <max>, %reduce_max3A_1055 masked %reduce_max3A_1052 : vector<16xi32>, vector<16xi1> -> vector<16xi32>
    %reduce_max3A_1057 = arith.xori %reduce_max3A_1056, %reduce_max3A_1054 : vector<16xi32>
    %reduce_max3A_1058 = vector.extract %reduce_max3A_1057[15] : i32 from vector<16xi32>
    %sub3A_1059 = arith.constant 256 : i32
    %sub3A_1060 = arith.subi %sub3A_1059, %reduce_max3A_1058 : i32
    %rem3A = arith.constant 8 : i32
    %rem3A_1061 = arith.remsi %sub3A_1060, %rem3A : i32
    %ne3A = arith.constant 0 : i32
    %ne3A_1062 = arith.cmpi ne, %rem3A_1061, %ne3A : i32
    %convert_element_type3A = arith.extui %ne3A_1062 : i1 to i32
    %cond3A = arith.constant 0 : i32
    %cond3A_1063 = arith.cmpi ne, %convert_element_type3A, %cond3A : i32
    scf.if %cond3A_1063 {
      %shift_right_arithmetic3A_1199 = arith.constant 3 : i32
      %shift_right_arithmetic3A_1200 = arith.shrsi %sub3A_1060, %shift_right_arithmetic3A_1199 : i32
      %mul3A_1201 = arith.constant 8 : i32
      %mul3A_1202 = arith.muli %shift_right_arithmetic3A_1200, %mul3A_1201 : i32
      %add3A_1203 = vector.broadcast %mul3A_1202 : i32 to vector<16xi32>
      %add3A_1204 = arith.addi %add3A_1203, %iota3A : vector<16xi32>
      %broadcast_in_dim3A_1205 = vector.broadcast %sub3A_1060 : i32 to vector<16xi32>
      %rem3A_1206 = arith.remsi %add3A_1204, %broadcast_in_dim3A_1205 : vector<16xi32>
      %shift_right_arithmetic3A_1207 = arith.constant 3 : i32
      %shift_right_arithmetic3A_1208 = vector.broadcast %shift_right_arithmetic3A_1207 : i32 to vector<16xi32>
      %shift_right_arithmetic3A_1209 = arith.shrsi %rem3A_1206, %shift_right_arithmetic3A_1208 : vector<16xi32>
      %and3A_1210 = arith.constant 7 : i32
      %and3A_1211 = vector.broadcast %and3A_1210 : i32 to vector<16xi32>
      %and3A_1212 = arith.andi %rem3A_1206, %and3A_1211 : vector<16xi32>
      %lt3A = arith.constant 8 : i32
      %lt3A_1213 = vector.broadcast %lt3A : i32 to vector<16xi32>
      %lt3A_1214 = arith.cmpi slt, %iota3A, %lt3A_1213 : vector<16xi32>
      %broadcast_in_dim3A_1215 = vector.broadcast %shift_right_arithmetic3A_1200 : i32 to vector<16xi32>
      %gather3A = tpu.vector_load_idx %arg14[%shift_right_arithmetic3A_1209, %and3A_1212] : memref<32x8xi32, #tpu.memory_space<vmem>>[vector<16xi32>, vector<16xi32>], vector<16xi32>,
      tpu.vector_store_idx %arg14[%broadcast_in_dim3A_1215, %iota3A], %gather3A masked %lt3A_1214 : memref<32x8xi32, #tpu.memory_space<vmem>>[vector<16xi32>, vector<16xi32>], vector<16xi32>, vector<16xi1>
      %gather3A_1216 = tpu.vector_load_idx %arg15[%shift_right_arithmetic3A_1209, %and3A_1212] : memref<32x8xi32, #tpu.memory_space<vmem>>[vector<16xi32>, vector<16xi32>], vector<16xi32>,
      tpu.vector_store_idx %arg15[%broadcast_in_dim3A_1215, %iota3A], %gather3A_1216 masked %lt3A_1214 : memref<32x8xi32, #tpu.memory_space<vmem>>[vector<16xi32>, vector<16xi32>], vector<16xi32>, vector<16xi1>
    } else {
    }
    %rem3A_1064 = arith.constant 8 : i32
    %rem3A_1065 = arith.remsi %reduce_max3A_1058, %rem3A_1064 : i32
    %ne3A_1066 = arith.constant 0 : i32
    %ne3A_1067 = arith.cmpi ne, %rem3A_1065, %ne3A_1066 : i32
    %convert_element_type3A_1068 = arith.extui %ne3A_1067 : i1 to i32
    %cond3A_1069 = arith.constant 0 : i32
    %cond3A_1070 = arith.cmpi ne, %convert_element_type3A_1068, %cond3A_1069 : i32
    scf.if %cond3A_1070 {
      %shift_right_arithmetic3A_1199 = arith.constant 3 : i32
      %shift_right_arithmetic3A_1200 = arith.shrsi %reduce_max3A_1058, %shift_right_arithmetic3A_1199 : i32
      %mul3A_1201 = arith.constant 8 : i32
      %mul3A_1202 = arith.muli %shift_right_arithmetic3A_1200, %mul3A_1201 : i32
      %add3A_1203 = vector.broadcast %mul3A_1202 : i32 to vector<16xi32>
      %add3A_1204 = arith.addi %add3A_1203, %iota3A : vector<16xi32>
      %broadcast_in_dim3A_1205 = vector.broadcast %reduce_max3A_1058 : i32 to vector<16xi32>
      %rem3A_1206 = arith.remsi %add3A_1204, %broadcast_in_dim3A_1205 : vector<16xi32>
      %shift_right_arithmetic3A_1207 = arith.constant 3 : i32
      %shift_right_arithmetic3A_1208 = vector.broadcast %shift_right_arithmetic3A_1207 : i32 to vector<16xi32>
      %shift_right_arithmetic3A_1209 = arith.shrsi %rem3A_1206, %shift_right_arithmetic3A_1208 : vector<16xi32>
      %and3A_1210 = arith.constant 7 : i32
      %and3A_1211 = vector.broadcast %and3A_1210 : i32 to vector<16xi32>
      %and3A_1212 = arith.andi %rem3A_1206, %and3A_1211 : vector<16xi32>
      %lt3A = arith.constant 8 : i32
      %lt3A_1213 = vector.broadcast %lt3A : i32 to vector<16xi32>
      %lt3A_1214 = arith.cmpi slt, %iota3A, %lt3A_1213 : vector<16xi32>
      %broadcast_in_dim3A_1215 = vector.broadcast %shift_right_arithmetic3A_1200 : i32 to vector<16xi32>
      %gather3A = tpu.vector_load_idx %arg12[%shift_right_arithmetic3A_1209, %and3A_1212] : memref<32x8xi32, #tpu.memory_space<vmem>>[vector<16xi32>, vector<16xi32>], vector<16xi32>,
      tpu.vector_store_idx %arg12[%broadcast_in_dim3A_1215, %iota3A], %gather3A masked %lt3A_1214 : memref<32x8xi32, #tpu.memory_space<vmem>>[vector<16xi32>, vector<16xi32>], vector<16xi32>, vector<16xi1>
      %gather3A_1216 = tpu.vector_load_idx %arg13[%shift_right_arithmetic3A_1209, %and3A_1212] : memref<32x8xi32, #tpu.memory_space<vmem>>[vector<16xi32>, vector<16xi32>], vector<16xi32>,
      tpu.vector_store_idx %arg13[%broadcast_in_dim3A_1215, %iota3A], %gather3A_1216 masked %lt3A_1214 : memref<32x8xi32, #tpu.memory_space<vmem>>[vector<16xi32>, vector<16xi32>], vector<16xi32>, vector<16xi1>
    } else {
    }
    %add3A_1071 = arith.constant 7 : i32
    %add3A_1072 = arith.addi %reduce_max3A_1058, %add3A_1071 : i32
    %shift_right_arithmetic3A_1073 = arith.constant 3 : i32
    %shift_right_arithmetic3A_1074 = arith.shrsi %add3A_1072, %shift_right_arithmetic3A_1073 : i32
    %add3A_1075 = arith.constant 7 : i32
    %add3A_1076 = arith.addi %sub3A_1060, %add3A_1075 : i32
    %shift_right_arithmetic3A_1077 = arith.constant 3 : i32
    %shift_right_arithmetic3A_1078 = arith.shrsi %add3A_1076, %shift_right_arithmetic3A_1077 : i32
    %add3A_1079 = arith.addi %shift_right_arithmetic3A_1078, %shift_right_arithmetic3A_1074 : i32
    %gt3A_1080 = arith.constant 0 : i32
    %gt3A_1081 = arith.cmpi sgt, %shift_right_arithmetic3A_1078, %gt3A_1080 : i32
    %convert_element_type3A_1082 = arith.extui %gt3A_1081 : i1 to i32
    %cond3A_1083 = arith.constant 0 : i32
    %cond3A_1084 = arith.cmpi ne, %convert_element_type3A_1082, %cond3A_1083 : i32
    scf.if %cond3A_1084 {
      %dma_start3A = arith.constant 0 : i32
      %dma_start3A_1199 = arith.constant 0 : i32
      %dma_start3A_1200 = tpu.memref_slice %arg14[%dma_start3A, %dma_start3A_1199] : memref<32x8xi32, #tpu.memory_space<vmem>> -> memref<1x8xi32, #tpu.memory_space<vmem>>
      %dma_start3A_1201 = tpu.memref_squeeze %dma_start3A_1200 : memref<1x8xi32, #tpu.memory_space<vmem>> -> memref<8xi32, #tpu.memory_space<vmem>>
      %dma_start3A_1202 = arith.constant 0 : i32
      %dma_start3A_1203 = arith.constant 0 : i32
      %dma_start3A_1204 = tpu.memref_slice %arg2[%dma_start3A_1202, %dma_start3A_1203] : memref<8192x2048xf32, #tpu.memory_space<hbm>> -> memref<8192x2048xf32, #tpu.memory_space<hbm>>
      tpu.enqueue_indirect_dma source(%dma_start3A_1204 : memref<8192x2048xf32, #tpu.memory_space<hbm>>) target(%arg7 : memref<8x2048xf32, #tpu.memory_space<vmem>>) offsets(%dma_start3A_1201 : memref<8xi32, #tpu.memory_space<vmem>>) semaphore(%arg16 : memref<!tpu.dma_semaphore, #tpu.memory_space<semaphore_mem>>)
    } else {
    }
    %le3A = arith.constant 0 : i32
    %le3A_1085 = arith.cmpi sle, %shift_right_arithmetic3A_1078, %le3A : i32
    %convert_element_type3A_1086 = arith.extui %le3A_1085 : i1 to i32
    %cond3A_1087 = arith.constant 0 : i32
    %cond3A_1088 = arith.cmpi ne, %convert_element_type3A_1086, %cond3A_1087 : i32
    scf.if %cond3A_1088 {
      %sub3A_1199 = arith.constant 0 : i32
      %sub3A_1200 = arith.subi %sub3A_1199, %shift_right_arithmetic3A_1078 : i32
      %dma_start3A = arith.constant 0 : i32
      %dma_start3A_1201 = tpu.memref_slice %arg12[%sub3A_1200, %dma_start3A] : memref<32x8xi32, #tpu.memory_space<vmem>> -> memref<1x8xi32, #tpu.memory_space<vmem>>
      %dma_start3A_1202 = tpu.memref_squeeze %dma_start3A_1201 : memref<1x8xi32, #tpu.memory_space<vmem>> -> memref<8xi32, #tpu.memory_space<vmem>>
      %dma_start3A_1203 = arith.constant 0 : i32
      %dma_start3A_1204 = arith.constant 0 : i32
      %dma_start3A_1205 = tpu.memref_slice %arg4[%dma_start3A_1203, %dma_start3A_1204] : memref<8192x2048xf32, #tpu.memory_space<hbm>> -> memref<8192x2048xf32, #tpu.memory_space<hbm>>
      tpu.enqueue_indirect_dma source(%dma_start3A_1205 : memref<8192x2048xf32, #tpu.memory_space<hbm>>) target(%arg7 : memref<8x2048xf32, #tpu.memory_space<vmem>>) offsets(%dma_start3A_1202 : memref<8xi32, #tpu.memory_space<vmem>>) semaphore(%arg16 : memref<!tpu.dma_semaphore, #tpu.memory_space<semaphore_mem>>)
    } else {
    }
    %gt3A_1089 = arith.constant 1 : i32
    %gt3A_1090 = arith.cmpi sgt, %shift_right_arithmetic3A_1078, %gt3A_1089 : i32
    %convert_element_type3A_1091 = arith.extui %gt3A_1090 : i1 to i32
    %cond3A_1092 = arith.constant 0 : i32
    %cond3A_1093 = arith.cmpi ne, %convert_element_type3A_1091, %cond3A_1092 : i32
    scf.if %cond3A_1093 {
      %dma_start3A = arith.constant 1 : i32
      %dma_start3A_1199 = arith.constant 0 : i32
      %dma_start3A_1200 = tpu.memref_slice %arg14[%dma_start3A, %dma_start3A_1199] : memref<32x8xi32, #tpu.memory_space<vmem>> -> memref<1x8xi32, #tpu.memory_space<vmem>>
      %dma_start3A_1201 = tpu.memref_squeeze %dma_start3A_1200 : memref<1x8xi32, #tpu.memory_space<vmem>> -> memref<8xi32, #tpu.memory_space<vmem>>
      %dma_start3A_1202 = arith.constant 0 : i32
      %dma_start3A_1203 = arith.constant 0 : i32
      %dma_start3A_1204 = tpu.memref_slice %arg2[%dma_start3A_1202, %dma_start3A_1203] : memref<8192x2048xf32, #tpu.memory_space<hbm>> -> memref<8192x2048xf32, #tpu.memory_space<hbm>>
      tpu.enqueue_indirect_dma source(%dma_start3A_1204 : memref<8192x2048xf32, #tpu.memory_space<hbm>>) target(%arg8 : memref<8x2048xf32, #tpu.memory_space<vmem>>) offsets(%dma_start3A_1201 : memref<8xi32, #tpu.memory_space<vmem>>) semaphore(%arg17 : memref<!tpu.dma_semaphore, #tpu.memory_space<semaphore_mem>>)
    } else {
    }
    %le3A_1094 = arith.constant 1 : i32
    %le3A_1095 = arith.cmpi sle, %shift_right_arithmetic3A_1078, %le3A_1094 : i32
    %convert_element_type3A_1096 = arith.extui %le3A_1095 : i1 to i32
    %cond3A_1097 = arith.constant 0 : i32
    %cond3A_1098 = arith.cmpi ne, %convert_element_type3A_1096, %cond3A_1097 : i32
    scf.if %cond3A_1098 {
      %sub3A_1199 = arith.constant 1 : i32
      %sub3A_1200 = arith.subi %sub3A_1199, %shift_right_arithmetic3A_1078 : i32
      %dma_start3A = arith.constant 0 : i32
      %dma_start3A_1201 = tpu.memref_slice %arg12[%sub3A_1200, %dma_start3A] : memref<32x8xi32, #tpu.memory_space<vmem>> -> memref<1x8xi32, #tpu.memory_space<vmem>>
      %dma_start3A_1202 = tpu.memref_squeeze %dma_start3A_1201 : memref<1x8xi32, #tpu.memory_space<vmem>> -> memref<8xi32, #tpu.memory_space<vmem>>
      %dma_start3A_1203 = arith.constant 0 : i32
      %dma_start3A_1204 = arith.constant 0 : i32
      %dma_start3A_1205 = tpu.memref_slice %arg4[%dma_start3A_1203, %dma_start3A_1204] : memref<8192x2048xf32, #tpu.memory_space<hbm>> -> memref<8192x2048xf32, #tpu.memory_space<hbm>>
      tpu.enqueue_indirect_dma source(%dma_start3A_1205 : memref<8192x2048xf32, #tpu.memory_space<hbm>>) target(%arg8 : memref<8x2048xf32, #tpu.memory_space<vmem>>) offsets(%dma_start3A_1202 : memref<8xi32, #tpu.memory_space<vmem>>) semaphore(%arg17 : memref<!tpu.dma_semaphore, #tpu.memory_space<semaphore_mem>>)
    } else {
    }
    %gt3A_1099 = arith.constant 2 : i32
    %gt3A_1100 = arith.cmpi sgt, %shift_right_arithmetic3A_1078, %gt3A_1099 : i32
    %convert_element_type3A_1101 = arith.extui %gt3A_1100 : i1 to i32
    %cond3A_1102 = arith.constant 0 : i32
    %cond3A_1103 = arith.cmpi ne, %convert_element_type3A_1101, %cond3A_1102 : i32
    scf.if %cond3A_1103 {
      %dma_start3A = arith.constant 2 : i32
      %dma_start3A_1199 = arith.constant 0 : i32
      %dma_start3A_1200 = tpu.memref_slice %arg14[%dma_start3A, %dma_start3A_1199] : memref<32x8xi32, #tpu.memory_space<vmem>> -> memref<1x8xi32, #tpu.memory_space<vmem>>
      %dma_start3A_1201 = tpu.memref_squeeze %dma_start3A_1200 : memref<1x8xi32, #tpu.memory_space<vmem>> -> memref<8xi32, #tpu.memory_space<vmem>>
      %dma_start3A_1202 = arith.constant 0 : i32
      %dma_start3A_1203 = arith.constant 0 : i32
      %dma_start3A_1204 = tpu.memref_slice %arg2[%dma_start3A_1202, %dma_start3A_1203] : memref<8192x2048xf32, #tpu.memory_space<hbm>> -> memref<8192x2048xf32, #tpu.memory_space<hbm>>
      tpu.enqueue_indirect_dma source(%dma_start3A_1204 : memref<8192x2048xf32, #tpu.memory_space<hbm>>) target(%arg9 : memref<8x2048xf32, #tpu.memory_space<vmem>>) offsets(%dma_start3A_1201 : memref<8xi32, #tpu.memory_space<vmem>>) semaphore(%arg18 : memref<!tpu.dma_semaphore, #tpu.memory_space<semaphore_mem>>)
    } else {
    }
    %le3A_1104 = arith.constant 2 : i32
    %le3A_1105 = arith.cmpi sle, %shift_right_arithmetic3A_1078, %le3A_1104 : i32
    %convert_element_type3A_1106 = arith.extui %le3A_1105 : i1 to i32
    %cond3A_1107 = arith.constant 0 : i32
    %cond3A_1108 = arith.cmpi ne, %convert_element_type3A_1106, %cond3A_1107 : i32
    scf.if %cond3A_1108 {
      %sub3A_1199 = arith.constant 2 : i32
      %sub3A_1200 = arith.subi %sub3A_1199, %shift_right_arithmetic3A_1078 : i32
      %dma_start3A = arith.constant 0 : i32
      %dma_start3A_1201 = tpu.memref_slice %arg12[%sub3A_1200, %dma_start3A] : memref<32x8xi32, #tpu.memory_space<vmem>> -> memref<1x8xi32, #tpu.memory_space<vmem>>
      %dma_start3A_1202 = tpu.memref_squeeze %dma_start3A_1201 : memref<1x8xi32, #tpu.memory_space<vmem>> -> memref<8xi32, #tpu.memory_space<vmem>>
      %dma_start3A_1203 = arith.constant 0 : i32
      %dma_start3A_1204 = arith.constant 0 : i32
      %dma_start3A_1205 = tpu.memref_slice %arg4[%dma_start3A_1203, %dma_start3A_1204] : memref<8192x2048xf32, #tpu.memory_space<hbm>> -> memref<8192x2048xf32, #tpu.memory_space<hbm>>
      tpu.enqueue_indirect_dma source(%dma_start3A_1205 : memref<8192x2048xf32, #tpu.memory_space<hbm>>) target(%arg9 : memref<8x2048xf32, #tpu.memory_space<vmem>>) offsets(%dma_start3A_1202 : memref<8xi32, #tpu.memory_space<vmem>>) semaphore(%arg18 : memref<!tpu.dma_semaphore, #tpu.memory_space<semaphore_mem>>)
    } else {
    }
    %gt3A_1109 = arith.constant 3 : i32
    %gt3A_1110 = arith.cmpi sgt, %shift_right_arithmetic3A_1078, %gt3A_1109 : i32
    %convert_element_type3A_1111 = arith.extui %gt3A_1110 : i1 to i32
    %cond3A_1112 = arith.constant 0 : i32
    %cond3A_1113 = arith.cmpi ne, %convert_element_type3A_1111, %cond3A_1112 : i32
    scf.if %cond3A_1113 {
      %dma_start3A = arith.constant 3 : i32
      %dma_start3A_1199 = arith.constant 0 : i32
      %dma_start3A_1200 = tpu.memref_slice %arg14[%dma_start3A, %dma_start3A_1199] : memref<32x8xi32, #tpu.memory_space<vmem>> -> memref<1x8xi32, #tpu.memory_space<vmem>>
      %dma_start3A_1201 = tpu.memref_squeeze %dma_start3A_1200 : memref<1x8xi32, #tpu.memory_space<vmem>> -> memref<8xi32, #tpu.memory_space<vmem>>
      %dma_start3A_1202 = arith.constant 0 : i32
      %dma_start3A_1203 = arith.constant 0 : i32
      %dma_start3A_1204 = tpu.memref_slice %arg2[%dma_start3A_1202, %dma_start3A_1203] : memref<8192x2048xf32, #tpu.memory_space<hbm>> -> memref<8192x2048xf32, #tpu.memory_space<hbm>>
      tpu.enqueue_indirect_dma source(%dma_start3A_1204 : memref<8192x2048xf32, #tpu.memory_space<hbm>>) target(%arg10 : memref<8x2048xf32, #tpu.memory_space<vmem>>) offsets(%dma_start3A_1201 : memref<8xi32, #tpu.memory_space<vmem>>) semaphore(%arg19 : memref<!tpu.dma_semaphore, #tpu.memory_space<semaphore_mem>>)
    } else {
    }
    %le3A_1114 = arith.constant 3 : i32
    %le3A_1115 = arith.cmpi sle, %shift_right_arithmetic3A_1078, %le3A_1114 : i32
    %convert_element_type3A_1116 = arith.extui %le3A_1115 : i1 to i32
    %cond3A_1117 = arith.constant 0 : i32
    %cond3A_1118 = arith.cmpi ne, %convert_element_type3A_1116, %cond3A_1117 : i32
    scf.if %cond3A_1118 {
      %sub3A_1199 = arith.constant 3 : i32
      %sub3A_1200 = arith.subi %sub3A_1199, %shift_right_arithmetic3A_1078 : i32
      %dma_start3A = arith.constant 0 : i32
      %dma_start3A_1201 = tpu.memref_slice %arg12[%sub3A_1200, %dma_start3A] : memref<32x8xi32, #tpu.memory_space<vmem>> -> memref<1x8xi32, #tpu.memory_space<vmem>>
      %dma_start3A_1202 = tpu.memref_squeeze %dma_start3A_1201 : memref<1x8xi32, #tpu.memory_space<vmem>> -> memref<8xi32, #tpu.memory_space<vmem>>
      %dma_start3A_1203 = arith.constant 0 : i32
      %dma_start3A_1204 = arith.constant 0 : i32
      %dma_start3A_1205 = tpu.memref_slice %arg4[%dma_start3A_1203, %dma_start3A_1204] : memref<8192x2048xf32, #tpu.memory_space<hbm>> -> memref<8192x2048xf32, #tpu.memory_space<hbm>>
      tpu.enqueue_indirect_dma source(%dma_start3A_1205 : memref<8192x2048xf32, #tpu.memory_space<hbm>>) target(%arg10 : memref<8x2048xf32, #tpu.memory_space<vmem>>) offsets(%dma_start3A_1202 : memref<8xi32, #tpu.memory_space<vmem>>) semaphore(%arg19 : memref<!tpu.dma_semaphore, #tpu.memory_space<semaphore_mem>>)
    } else {
    }
    %add3A_1119 = arith.constant 5 : i32
    %add3A_1120 = arith.addi %add3A_1079, %add3A_1119 : i32
    %sub3A_1121 = arith.constant 1 : i32
    %sub3A_1122 = arith.subi %add3A_1120, %sub3A_1121 : i32
    %jit3A = arith.constant 5 : i32
    %div3A = arith.divsi %sub3A_1122, %jit3A : i32
    %sign3A = arith.constant 0 : i32
    %sign3A_1123 = arith.cmpi sgt, %sub3A_1122, %sign3A : i32
    %sign3A_1124 = arith.extui %sign3A_1123 : i1 to i32
    %sign3A_1125 = arith.constant 0 : i32
    %sign3A_1126 = arith.cmpi slt, %sub3A_1122, %sign3A_1125 : i32
    %sign3A_1127 = arith.extui %sign3A_1126 : i1 to i32
    %sign3A_1128 = arith.subi %sign3A_1124, %sign3A_1127 : i32
    %sign3A_1129 = arith.constant 0 : i32
    %sign3A_1130 = arith.cmpi sgt, %jit3A, %sign3A_1129 : i32
    %sign3A_1131 = arith.extui %sign3A_1130 : i1 to i32
    %sign3A_1132 = arith.constant 0 : i32
    %sign3A_1133 = arith.cmpi slt, %jit3A, %sign3A_1132 : i32
    %sign3A_1134 = arith.extui %sign3A_1133 : i1 to i32
    %sign3A_1135 = arith.subi %sign3A_1131, %sign3A_1134 : i32
    %ne3A_1136 = arith.cmpi ne, %sign3A_1128, %sign3A_1135 : i32
    %rem3A_1137 = arith.remsi %sub3A_1122, %jit3A : i32
    %ne3A_1138 = arith.constant 0 : i32
    %ne3A_1139 = arith.cmpi ne, %rem3A_1137, %ne3A_1138 : i32
    %and3A_1140 = arith.andi %ne3A_1136, %ne3A_1139 : i1
    %sub3A_1141 = arith.constant 1 : i32
    %sub3A_1142 = arith.subi %div3A, %sub3A_1141 : i32
    %select_n3A = arith.select %and3A_1140, %sub3A_1142, %div3A : i32
    %while3A_1143 = arith.constant 0 : i32
    %while3A_1144 = arith.constant 0 : i32
    %while3A_1145 = arith.subi %select_n3A, %while3A_1143 : i32
    %while3A_1146 = arith.addi %while3A_1143, %while3A_1145 : i32
    %while3A_1147 = arith.constant 1 : i32
    %while3A_1148 = arith.divsi %while3A_1145, %while3A_1147 : i32
    %while3A_1149 = arith.muli %while3A_1148, %while3A_1147 : i32
    %while3A_1150 = arith.addi %while3A_1143, %while3A_1149 : i32
    %while3A_1151 = arith.constant 1 : i32
    %while3A_1152 = scf.for %while3A_1199 = %while3A_1143 to %while3A_1150 step %while3A_1151 iter_args(%while3A_1200 = %while3A_1144) -> (i32)  : i32 {
      %mul3A_1201 = arith.constant 5 : i32
      %mul3A_1202 = arith.muli %mul3A_1201, %while3A_1199 : i32
      %add3A_1203 = arith.constant 0 : i32
      %add3A_1204 = arith.addi %mul3A_1202, %add3A_1203 : i32
      %lt3A = arith.cmpi slt, %add3A_1204, %add3A_1079 : i32
      %convert_element_type3A_1205 = arith.extui %lt3A : i1 to i32
      %cond3A_1206 = arith.constant 0 : i32
      %cond3A_1207 = arith.cmpi ne, %convert_element_type3A_1205, %cond3A_1206 : i32
      scf.if %cond3A_1207 {
        %ge3A = arith.constant 1 : i32
        %ge3A_1241 = arith.cmpi sge, %add3A_1204, %ge3A : i32
        %convert_element_type3A_1242 = arith.extui %ge3A_1241 : i1 to i32
        %cond3A_1243 = arith.constant 0 : i32
        %cond3A_1244 = arith.cmpi ne, %convert_element_type3A_1242, %cond3A_1243 : i32
        scf.if %cond3A_1244 {
          %dma_wait3A_1267 = arith.constant 0 : i32
          %dma_wait3A_1268 = arith.constant 0 : i32
          %dma_wait3A_1269 = tpu.memref_slice %arg15[%dma_wait3A_1267, %dma_wait3A_1268] : memref<32x8xi32, #tpu.memory_space<vmem>> -> memref<1x8xi32, #tpu.memory_space<vmem>>
          %dma_wait3A_1270 = tpu.memref_squeeze %dma_wait3A_1269 : memref<1x8xi32, #tpu.memory_space<vmem>> -> memref<8xi32, #tpu.memory_space<vmem>>
          %dma_wait3A_1271 = arith.constant 0 : i32
          %dma_wait3A_1272 = arith.constant 0 : i32
          %dma_wait3A_1273 = tpu.memref_slice %arg5[%dma_wait3A_1271, %dma_wait3A_1272] : memref<8192x2048xf32, #tpu.memory_space<hbm>> -> memref<8192x2048xf32, #tpu.memory_space<hbm>>
          tpu.wait_indirect_dma semaphore(%arg25 : memref<!tpu.dma_semaphore, #tpu.memory_space<semaphore_mem>>) src(%arg11 : memref<8x2048xf32, #tpu.memory_space<vmem>>) dst(%dma_wait3A_1273 : memref<8192x2048xf32, #tpu.memory_space<hbm>>)
        } else {
        }
        %add3A_1245 = arith.constant 5 : i32
        %add3A_1246 = arith.addi %add3A_1204, %add3A_1245 : i32
        %sub3A_1247 = arith.constant 1 : i32
        %sub3A_1248 = arith.subi %add3A_1246, %sub3A_1247 : i32
        %lt3A_1249 = arith.cmpi slt, %sub3A_1248, %add3A_1079 : i32
        %convert_element_type3A_1250 = arith.extui %lt3A_1249 : i1 to i32
        %cond3A_1251 = arith.constant 0 : i32
        %cond3A_1252 = arith.cmpi ne, %convert_element_type3A_1250, %cond3A_1251 : i32
        scf.if %cond3A_1252 {
          %add3A_1267 = arith.constant 5 : i32
          %add3A_1268 = arith.addi %add3A_1204, %add3A_1267 : i32
          %sub3A_1269 = arith.constant 1 : i32
          %sub3A_1270 = arith.subi %add3A_1268, %sub3A_1269 : i32
          %lt3A_1271 = arith.cmpi slt, %sub3A_1270, %shift_right_arithmetic3A_1078 : i32
          %convert_element_type3A_1272 = arith.extui %lt3A_1271 : i1 to i32
          %cond3A_1273 = arith.constant 0 : i32
          %cond3A_1274 = arith.cmpi ne, %convert_element_type3A_1272, %cond3A_1273 : i32
          scf.if %cond3A_1274 {
            %dma_start3A = arith.constant 0 : i32
            %dma_start3A_1279 = tpu.memref_slice %arg14[%sub3A_1270, %dma_start3A] : memref<32x8xi32, #tpu.memory_space<vmem>> -> memref<1x8xi32, #tpu.memory_space<vmem>>
            %dma_start3A_1280 = tpu.memref_squeeze %dma_start3A_1279 : memref<1x8xi32, #tpu.memory_space<vmem>> -> memref<8xi32, #tpu.memory_space<vmem>>
            %dma_start3A_1281 = arith.constant 0 : i32
            %dma_start3A_1282 = arith.constant 0 : i32
            %dma_start3A_1283 = tpu.memref_slice %arg2[%dma_start3A_1281, %dma_start3A_1282] : memref<8192x2048xf32, #tpu.memory_space<hbm>> -> memref<8192x2048xf32, #tpu.memory_space<hbm>>
            tpu.enqueue_indirect_dma source(%dma_start3A_1283 : memref<8192x2048xf32, #tpu.memory_space<hbm>>) target(%arg11 : memref<8x2048xf32, #tpu.memory_space<vmem>>) offsets(%dma_start3A_1280 : memref<8xi32, #tpu.memory_space<vmem>>) semaphore(%arg20 : memref<!tpu.dma_semaphore, #tpu.memory_space<semaphore_mem>>)
          } else {
          }
          %ge3A_1275 = arith.cmpi sge, %sub3A_1270, %shift_right_arithmetic3A_1078 : i32
          %convert_element_type3A_1276 = arith.extui %ge3A_1275 : i1 to i32
          %cond3A_1277 = arith.constant 0 : i32
          %cond3A_1278 = arith.cmpi ne, %convert_element_type3A_1276, %cond3A_1277 : i32
          scf.if %cond3A_1278 {
            %sub3A_1279 = arith.subi %sub3A_1270, %shift_right_arithmetic3A_1078 : i32
            %dma_start3A = arith.constant 0 : i32
            %dma_start3A_1280 = tpu.memref_slice %arg12[%sub3A_1279, %dma_start3A] : memref<32x8xi32, #tpu.memory_space<vmem>> -> memref<1x8xi32, #tpu.memory_space<vmem>>
            %dma_start3A_1281 = tpu.memref_squeeze %dma_start3A_1280 : memref<1x8xi32, #tpu.memory_space<vmem>> -> memref<8xi32, #tpu.memory_space<vmem>>
            %dma_start3A_1282 = arith.constant 0 : i32
            %dma_start3A_1283 = arith.constant 0 : i32
            %dma_start3A_1284 = tpu.memref_slice %arg4[%dma_start3A_1282, %dma_start3A_1283] : memref<8192x2048xf32, #tpu.memory_space<hbm>> -> memref<8192x2048xf32, #tpu.memory_space<hbm>>
            tpu.enqueue_indirect_dma source(%dma_start3A_1284 : memref<8192x2048xf32, #tpu.memory_space<hbm>>) target(%arg11 : memref<8x2048xf32, #tpu.memory_space<vmem>>) offsets(%dma_start3A_1281 : memref<8xi32, #tpu.memory_space<vmem>>) semaphore(%arg20 : memref<!tpu.dma_semaphore, #tpu.memory_space<semaphore_mem>>)
          } else {
          }
        } else {
        }
        %dma_wait3A = arith.constant 0 : i32
        %dma_wait3A_1253 = arith.constant 0 : i32
        %dma_wait3A_1254 = tpu.memref_slice %arg14[%dma_wait3A, %dma_wait3A_1253] : memref<32x8xi32, #tpu.memory_space<vmem>> -> memref<1x8xi32, #tpu.memory_space<vmem>>
        %dma_wait3A_1255 = tpu.memref_squeeze %dma_wait3A_1254 : memref<1x8xi32, #tpu.memory_space<vmem>> -> memref<8xi32, #tpu.memory_space<vmem>>
        %dma_wait3A_1256 = arith.constant 0 : i32
        %dma_wait3A_1257 = arith.constant 0 : i32
        %dma_wait3A_1258 = tpu.memref_slice %arg2[%dma_wait3A_1256, %dma_wait3A_1257] : memref<8192x2048xf32, #tpu.memory_space<hbm>> -> memref<8192x2048xf32, #tpu.memory_space<hbm>>
        tpu.wait_indirect_dma semaphore(%arg16 : memref<!tpu.dma_semaphore, #tpu.memory_space<semaphore_mem>>) src(%dma_wait3A_1258 : memref<8192x2048xf32, #tpu.memory_space<hbm>>) dst(%arg7 : memref<8x2048xf32, #tpu.memory_space<vmem>>)
        %lt3A_1259 = arith.cmpi slt, %add3A_1204, %shift_right_arithmetic3A_1078 : i32
        %convert_element_type3A_1260 = arith.extui %lt3A_1259 : i1 to i32
        %cond3A_1261 = arith.constant 0 : i32
        %cond3A_1262 = arith.cmpi ne, %convert_element_type3A_1260, %cond3A_1261 : i32
        scf.if %cond3A_1262 {
          %dma_start3A = arith.constant 0 : i32
          %dma_start3A_1267 = tpu.memref_slice %arg15[%add3A_1204, %dma_start3A] : memref<32x8xi32, #tpu.memory_space<vmem>> -> memref<1x8xi32, #tpu.memory_space<vmem>>
          %dma_start3A_1268 = tpu.memref_squeeze %dma_start3A_1267 : memref<1x8xi32, #tpu.memory_space<vmem>> -> memref<8xi32, #tpu.memory_space<vmem>>
          %dma_start3A_1269 = arith.constant 0 : i32
          %dma_start3A_1270 = arith.constant 0 : i32
          %dma_start3A_1271 = tpu.memref_slice %arg5[%dma_start3A_1269, %dma_start3A_1270] : memref<8192x2048xf32, #tpu.memory_space<hbm>> -> memref<8192x2048xf32, #tpu.memory_space<hbm>>
          tpu.enqueue_indirect_dma source(%arg7 : memref<8x2048xf32, #tpu.memory_space<vmem>>) target(%dma_start3A_1271 : memref<8192x2048xf32, #tpu.memory_space<hbm>>) offsets(%dma_start3A_1268 : memref<8xi32, #tpu.memory_space<vmem>>) semaphore(%arg21 : memref<!tpu.dma_semaphore, #tpu.memory_space<semaphore_mem>>)
        } else {
        }
        %ge3A_1263 = arith.cmpi sge, %add3A_1204, %shift_right_arithmetic3A_1078 : i32
        %convert_element_type3A_1264 = arith.extui %ge3A_1263 : i1 to i32
        %cond3A_1265 = arith.constant 0 : i32
        %cond3A_1266 = arith.cmpi ne, %convert_element_type3A_1264, %cond3A_1265 : i32
        scf.if %cond3A_1266 {
          %sub3A_1267 = arith.subi %add3A_1204, %shift_right_arithmetic3A_1078 : i32
          %dma_start3A = arith.constant 0 : i32
          %dma_start3A_1268 = tpu.memref_slice %arg13[%sub3A_1267, %dma_start3A] : memref<32x8xi32, #tpu.memory_space<vmem>> -> memref<1x8xi32, #tpu.memory_space<vmem>>
          %dma_start3A_1269 = tpu.memref_squeeze %dma_start3A_1268 : memref<1x8xi32, #tpu.memory_space<vmem>> -> memref<8xi32, #tpu.memory_space<vmem>>
          %dma_start3A_1270 = arith.constant 0 : i32
          %dma_start3A_1271 = arith.constant 0 : i32
          %dma_start3A_1272 = tpu.memref_slice %arg5[%dma_start3A_1270, %dma_start3A_1271] : memref<8192x2048xf32, #tpu.memory_space<hbm>> -> memref<8192x2048xf32, #tpu.memory_space<hbm>>
          tpu.enqueue_indirect_dma source(%arg7 : memref<8x2048xf32, #tpu.memory_space<vmem>>) target(%dma_start3A_1272 : memref<8192x2048xf32, #tpu.memory_space<hbm>>) offsets(%dma_start3A_1269 : memref<8xi32, #tpu.memory_space<vmem>>) semaphore(%arg21 : memref<!tpu.dma_semaphore, #tpu.memory_space<semaphore_mem>>)
        } else {
        }
      } else {
      }
      %mul3A_1208 = arith.constant 5 : i32
      %mul3A_1209 = arith.muli %mul3A_1208, %while3A_1199 : i32
      %add3A_1210 = arith.constant 1 : i32
      %add3A_1211 = arith.addi %mul3A_1209, %add3A_1210 : i32
      %lt3A_1212 = arith.cmpi slt, %add3A_1211, %add3A_1079 : i32
      %convert_element_type3A_1213 = arith.extui %lt3A_1212 : i1 to i32
      %cond3A_1214 = arith.constant 0 : i32
      %cond3A_1215 = arith.cmpi ne, %convert_element_type3A_1213, %cond3A_1214 : i32
      scf.if %cond3A_1215 {
        %ge3A = arith.constant 1 : i32
        %ge3A_1241 = arith.cmpi sge, %add3A_1211, %ge3A : i32
        %convert_element_type3A_1242 = arith.extui %ge3A_1241 : i1 to i32
        %cond3A_1243 = arith.constant 0 : i32
        %cond3A_1244 = arith.cmpi ne, %convert_element_type3A_1242, %cond3A_1243 : i32
        scf.if %cond3A_1244 {
          %dma_wait3A_1267 = arith.constant 0 : i32
          %dma_wait3A_1268 = arith.constant 0 : i32
          %dma_wait3A_1269 = tpu.memref_slice %arg15[%dma_wait3A_1267, %dma_wait3A_1268] : memref<32x8xi32, #tpu.memory_space<vmem>> -> memref<1x8xi32, #tpu.memory_space<vmem>>
          %dma_wait3A_1270 = tpu.memref_squeeze %dma_wait3A_1269 : memref<1x8xi32, #tpu.memory_space<vmem>> -> memref<8xi32, #tpu.memory_space<vmem>>
          %dma_wait3A_1271 = arith.constant 0 : i32
          %dma_wait3A_1272 = arith.constant 0 : i32
          %dma_wait3A_1273 = tpu.memref_slice %arg5[%dma_wait3A_1271, %dma_wait3A_1272] : memref<8192x2048xf32, #tpu.memory_space<hbm>> -> memref<8192x2048xf32, #tpu.memory_space<hbm>>
          tpu.wait_indirect_dma semaphore(%arg21 : memref<!tpu.dma_semaphore, #tpu.memory_space<semaphore_mem>>) src(%arg7 : memref<8x2048xf32, #tpu.memory_space<vmem>>) dst(%dma_wait3A_1273 : memref<8192x2048xf32, #tpu.memory_space<hbm>>)
        } else {
        }
        %add3A_1245 = arith.constant 5 : i32
        %add3A_1246 = arith.addi %add3A_1211, %add3A_1245 : i32
        %sub3A_1247 = arith.constant 1 : i32
        %sub3A_1248 = arith.subi %add3A_1246, %sub3A_1247 : i32
        %lt3A_1249 = arith.cmpi slt, %sub3A_1248, %add3A_1079 : i32
        %convert_element_type3A_1250 = arith.extui %lt3A_1249 : i1 to i32
        %cond3A_1251 = arith.constant 0 : i32
        %cond3A_1252 = arith.cmpi ne, %convert_element_type3A_1250, %cond3A_1251 : i32
        scf.if %cond3A_1252 {
          %add3A_1267 = arith.constant 5 : i32
          %add3A_1268 = arith.addi %add3A_1211, %add3A_1267 : i32
          %sub3A_1269 = arith.constant 1 : i32
          %sub3A_1270 = arith.subi %add3A_1268, %sub3A_1269 : i32
          %lt3A_1271 = arith.cmpi slt, %sub3A_1270, %shift_right_arithmetic3A_1078 : i32
          %convert_element_type3A_1272 = arith.extui %lt3A_1271 : i1 to i32
          %cond3A_1273 = arith.constant 0 : i32
          %cond3A_1274 = arith.cmpi ne, %convert_element_type3A_1272, %cond3A_1273 : i32
          scf.if %cond3A_1274 {
            %dma_start3A = arith.constant 0 : i32
            %dma_start3A_1279 = tpu.memref_slice %arg14[%sub3A_1270, %dma_start3A] : memref<32x8xi32, #tpu.memory_space<vmem>> -> memref<1x8xi32, #tpu.memory_space<vmem>>
            %dma_start3A_1280 = tpu.memref_squeeze %dma_start3A_1279 : memref<1x8xi32, #tpu.memory_space<vmem>> -> memref<8xi32, #tpu.memory_space<vmem>>
            %dma_start3A_1281 = arith.constant 0 : i32
            %dma_start3A_1282 = arith.constant 0 : i32
            %dma_start3A_1283 = tpu.memref_slice %arg2[%dma_start3A_1281, %dma_start3A_1282] : memref<8192x2048xf32, #tpu.memory_space<hbm>> -> memref<8192x2048xf32, #tpu.memory_space<hbm>>
            tpu.enqueue_indirect_dma source(%dma_start3A_1283 : memref<8192x2048xf32, #tpu.memory_space<hbm>>) target(%arg7 : memref<8x2048xf32, #tpu.memory_space<vmem>>) offsets(%dma_start3A_1280 : memref<8xi32, #tpu.memory_space<vmem>>) semaphore(%arg16 : memref<!tpu.dma_semaphore, #tpu.memory_space<semaphore_mem>>)
          } else {
          }
          %ge3A_1275 = arith.cmpi sge, %sub3A_1270, %shift_right_arithmetic3A_1078 : i32
          %convert_element_type3A_1276 = arith.extui %ge3A_1275 : i1 to i32
          %cond3A_1277 = arith.constant 0 : i32
          %cond3A_1278 = arith.cmpi ne, %convert_element_type3A_1276, %cond3A_1277 : i32
          scf.if %cond3A_1278 {
            %sub3A_1279 = arith.subi %sub3A_1270, %shift_right_arithmetic3A_1078 : i32
            %dma_start3A = arith.constant 0 : i32
            %dma_start3A_1280 = tpu.memref_slice %arg12[%sub3A_1279, %dma_start3A] : memref<32x8xi32, #tpu.memory_space<vmem>> -> memref<1x8xi32, #tpu.memory_space<vmem>>
            %dma_start3A_1281 = tpu.memref_squeeze %dma_start3A_1280 : memref<1x8xi32, #tpu.memory_space<vmem>> -> memref<8xi32, #tpu.memory_space<vmem>>
            %dma_start3A_1282 = arith.constant 0 : i32
            %dma_start3A_1283 = arith.constant 0 : i32
            %dma_start3A_1284 = tpu.memref_slice %arg4[%dma_start3A_1282, %dma_start3A_1283] : memref<8192x2048xf32, #tpu.memory_space<hbm>> -> memref<8192x2048xf32, #tpu.memory_space<hbm>>
            tpu.enqueue_indirect_dma source(%dma_start3A_1284 : memref<8192x2048xf32, #tpu.memory_space<hbm>>) target(%arg7 : memref<8x2048xf32, #tpu.memory_space<vmem>>) offsets(%dma_start3A_1281 : memref<8xi32, #tpu.memory_space<vmem>>) semaphore(%arg16 : memref<!tpu.dma_semaphore, #tpu.memory_space<semaphore_mem>>)
          } else {
          }
        } else {
        }
        %dma_wait3A = arith.constant 0 : i32
        %dma_wait3A_1253 = arith.constant 0 : i32
        %dma_wait3A_1254 = tpu.memref_slice %arg14[%dma_wait3A, %dma_wait3A_1253] : memref<32x8xi32, #tpu.memory_space<vmem>> -> memref<1x8xi32, #tpu.memory_space<vmem>>
        %dma_wait3A_1255 = tpu.memref_squeeze %dma_wait3A_1254 : memref<1x8xi32, #tpu.memory_space<vmem>> -> memref<8xi32, #tpu.memory_space<vmem>>
        %dma_wait3A_1256 = arith.constant 0 : i32
        %dma_wait3A_1257 = arith.constant 0 : i32
        %dma_wait3A_1258 = tpu.memref_slice %arg2[%dma_wait3A_1256, %dma_wait3A_1257] : memref<8192x2048xf32, #tpu.memory_space<hbm>> -> memref<8192x2048xf32, #tpu.memory_space<hbm>>
        tpu.wait_indirect_dma semaphore(%arg17 : memref<!tpu.dma_semaphore, #tpu.memory_space<semaphore_mem>>) src(%dma_wait3A_1258 : memref<8192x2048xf32, #tpu.memory_space<hbm>>) dst(%arg8 : memref<8x2048xf32, #tpu.memory_space<vmem>>)
        %lt3A_1259 = arith.cmpi slt, %add3A_1211, %shift_right_arithmetic3A_1078 : i32
        %convert_element_type3A_1260 = arith.extui %lt3A_1259 : i1 to i32
        %cond3A_1261 = arith.constant 0 : i32
        %cond3A_1262 = arith.cmpi ne, %convert_element_type3A_1260, %cond3A_1261 : i32
        scf.if %cond3A_1262 {
          %dma_start3A = arith.constant 0 : i32
          %dma_start3A_1267 = tpu.memref_slice %arg15[%add3A_1211, %dma_start3A] : memref<32x8xi32, #tpu.memory_space<vmem>> -> memref<1x8xi32, #tpu.memory_space<vmem>>
          %dma_start3A_1268 = tpu.memref_squeeze %dma_start3A_1267 : memref<1x8xi32, #tpu.memory_space<vmem>> -> memref<8xi32, #tpu.memory_space<vmem>>
          %dma_start3A_1269 = arith.constant 0 : i32
          %dma_start3A_1270 = arith.constant 0 : i32
          %dma_start3A_1271 = tpu.memref_slice %arg5[%dma_start3A_1269, %dma_start3A_1270] : memref<8192x2048xf32, #tpu.memory_space<hbm>> -> memref<8192x2048xf32, #tpu.memory_space<hbm>>
          tpu.enqueue_indirect_dma source(%arg8 : memref<8x2048xf32, #tpu.memory_space<vmem>>) target(%dma_start3A_1271 : memref<8192x2048xf32, #tpu.memory_space<hbm>>) offsets(%dma_start3A_1268 : memref<8xi32, #tpu.memory_space<vmem>>) semaphore(%arg22 : memref<!tpu.dma_semaphore, #tpu.memory_space<semaphore_mem>>)
        } else {
        }
        %ge3A_1263 = arith.cmpi sge, %add3A_1211, %shift_right_arithmetic3A_1078 : i32
        %convert_element_type3A_1264 = arith.extui %ge3A_1263 : i1 to i32
        %cond3A_1265 = arith.constant 0 : i32
        %cond3A_1266 = arith.cmpi ne, %convert_element_type3A_1264, %cond3A_1265 : i32
        scf.if %cond3A_1266 {
          %sub3A_1267 = arith.subi %add3A_1211, %shift_right_arithmetic3A_1078 : i32
          %dma_start3A = arith.constant 0 : i32
          %dma_start3A_1268 = tpu.memref_slice %arg13[%sub3A_1267, %dma_start3A] : memref<32x8xi32, #tpu.memory_space<vmem>> -> memref<1x8xi32, #tpu.memory_space<vmem>>
          %dma_start3A_1269 = tpu.memref_squeeze %dma_start3A_1268 : memref<1x8xi32, #tpu.memory_space<vmem>> -> memref<8xi32, #tpu.memory_space<vmem>>
          %dma_start3A_1270 = arith.constant 0 : i32
          %dma_start3A_1271 = arith.constant 0 : i32
          %dma_start3A_1272 = tpu.memref_slice %arg5[%dma_start3A_1270, %dma_start3A_1271] : memref<8192x2048xf32, #tpu.memory_space<hbm>> -> memref<8192x2048xf32, #tpu.memory_space<hbm>>
          tpu.enqueue_indirect_dma source(%arg8 : memref<8x2048xf32, #tpu.memory_space<vmem>>) target(%dma_start3A_1272 : memref<8192x2048xf32, #tpu.memory_space<hbm>>) offsets(%dma_start3A_1269 : memref<8xi32, #tpu.memory_space<vmem>>) semaphore(%arg22 : memref<!tpu.dma_semaphore, #tpu.memory_space<semaphore_mem>>)
        } else {
        }
      } else {
      }
      %mul3A_1216 = arith.constant 5 : i32
      %mul3A_1217 = arith.muli %mul3A_1216, %while3A_1199 : i32
      %add3A_1218 = arith.constant 2 : i32
      %add3A_1219 = arith.addi %mul3A_1217, %add3A_1218 : i32
      %lt3A_1220 = arith.cmpi slt, %add3A_1219, %add3A_1079 : i32
      %convert_element_type3A_1221 = arith.extui %lt3A_1220 : i1 to i32
      %cond3A_1222 = arith.constant 0 : i32
      %cond3A_1223 = arith.cmpi ne, %convert_element_type3A_1221, %cond3A_1222 : i32
      scf.if %cond3A_1223 {
        %ge3A = arith.constant 1 : i32
        %ge3A_1241 = arith.cmpi sge, %add3A_1219, %ge3A : i32
        %convert_element_type3A_1242 = arith.extui %ge3A_1241 : i1 to i32
        %cond3A_1243 = arith.constant 0 : i32
        %cond3A_1244 = arith.cmpi ne, %convert_element_type3A_1242, %cond3A_1243 : i32
        scf.if %cond3A_1244 {
          %dma_wait3A_1267 = arith.constant 0 : i32
          %dma_wait3A_1268 = arith.constant 0 : i32
          %dma_wait3A_1269 = tpu.memref_slice %arg15[%dma_wait3A_1267, %dma_wait3A_1268] : memref<32x8xi32, #tpu.memory_space<vmem>> -> memref<1x8xi32, #tpu.memory_space<vmem>>
          %dma_wait3A_1270 = tpu.memref_squeeze %dma_wait3A_1269 : memref<1x8xi32, #tpu.memory_space<vmem>> -> memref<8xi32, #tpu.memory_space<vmem>>
          %dma_wait3A_1271 = arith.constant 0 : i32
          %dma_wait3A_1272 = arith.constant 0 : i32
          %dma_wait3A_1273 = tpu.memref_slice %arg5[%dma_wait3A_1271, %dma_wait3A_1272] : memref<8192x2048xf32, #tpu.memory_space<hbm>> -> memref<8192x2048xf32, #tpu.memory_space<hbm>>
          tpu.wait_indirect_dma semaphore(%arg22 : memref<!tpu.dma_semaphore, #tpu.memory_space<semaphore_mem>>) src(%arg8 : memref<8x2048xf32, #tpu.memory_space<vmem>>) dst(%dma_wait3A_1273 : memref<8192x2048xf32, #tpu.memory_space<hbm>>)
        } else {
        }
        %add3A_1245 = arith.constant 5 : i32
        %add3A_1246 = arith.addi %add3A_1219, %add3A_1245 : i32
        %sub3A_1247 = arith.constant 1 : i32
        %sub3A_1248 = arith.subi %add3A_1246, %sub3A_1247 : i32
        %lt3A_1249 = arith.cmpi slt, %sub3A_1248, %add3A_1079 : i32
        %convert_element_type3A_1250 = arith.extui %lt3A_1249 : i1 to i32
        %cond3A_1251 = arith.constant 0 : i32
        %cond3A_1252 = arith.cmpi ne, %convert_element_type3A_1250, %cond3A_1251 : i32
        scf.if %cond3A_1252 {
          %add3A_1267 = arith.constant 5 : i32
          %add3A_1268 = arith.addi %add3A_1219, %add3A_1267 : i32
          %sub3A_1269 = arith.constant 1 : i32
          %sub3A_1270 = arith.subi %add3A_1268, %sub3A_1269 : i32
          %lt3A_1271 = arith.cmpi slt, %sub3A_1270, %shift_right_arithmetic3A_1078 : i32
          %convert_element_type3A_1272 = arith.extui %lt3A_1271 : i1 to i32
          %cond3A_1273 = arith.constant 0 : i32
          %cond3A_1274 = arith.cmpi ne, %convert_element_type3A_1272, %cond3A_1273 : i32
          scf.if %cond3A_1274 {
            %dma_start3A = arith.constant 0 : i32
            %dma_start3A_1279 = tpu.memref_slice %arg14[%sub3A_1270, %dma_start3A] : memref<32x8xi32, #tpu.memory_space<vmem>> -> memref<1x8xi32, #tpu.memory_space<vmem>>
            %dma_start3A_1280 = tpu.memref_squeeze %dma_start3A_1279 : memref<1x8xi32, #tpu.memory_space<vmem>> -> memref<8xi32, #tpu.memory_space<vmem>>
            %dma_start3A_1281 = arith.constant 0 : i32
            %dma_start3A_1282 = arith.constant 0 : i32
            %dma_start3A_1283 = tpu.memref_slice %arg2[%dma_start3A_1281, %dma_start3A_1282] : memref<8192x2048xf32, #tpu.memory_space<hbm>> -> memref<8192x2048xf32, #tpu.memory_space<hbm>>
            tpu.enqueue_indirect_dma source(%dma_start3A_1283 : memref<8192x2048xf32, #tpu.memory_space<hbm>>) target(%arg8 : memref<8x2048xf32, #tpu.memory_space<vmem>>) offsets(%dma_start3A_1280 : memref<8xi32, #tpu.memory_space<vmem>>) semaphore(%arg17 : memref<!tpu.dma_semaphore, #tpu.memory_space<semaphore_mem>>)
          } else {
          }
          %ge3A_1275 = arith.cmpi sge, %sub3A_1270, %shift_right_arithmetic3A_1078 : i32
          %convert_element_type3A_1276 = arith.extui %ge3A_1275 : i1 to i32
          %cond3A_1277 = arith.constant 0 : i32
          %cond3A_1278 = arith.cmpi ne, %convert_element_type3A_1276, %cond3A_1277 : i32
          scf.if %cond3A_1278 {
            %sub3A_1279 = arith.subi %sub3A_1270, %shift_right_arithmetic3A_1078 : i32
            %dma_start3A = arith.constant 0 : i32
            %dma_start3A_1280 = tpu.memref_slice %arg12[%sub3A_1279, %dma_start3A] : memref<32x8xi32, #tpu.memory_space<vmem>> -> memref<1x8xi32, #tpu.memory_space<vmem>>
            %dma_start3A_1281 = tpu.memref_squeeze %dma_start3A_1280 : memref<1x8xi32, #tpu.memory_space<vmem>> -> memref<8xi32, #tpu.memory_space<vmem>>
            %dma_start3A_1282 = arith.constant 0 : i32
            %dma_start3A_1283 = arith.constant 0 : i32
            %dma_start3A_1284 = tpu.memref_slice %arg4[%dma_start3A_1282, %dma_start3A_1283] : memref<8192x2048xf32, #tpu.memory_space<hbm>> -> memref<8192x2048xf32, #tpu.memory_space<hbm>>
            tpu.enqueue_indirect_dma source(%dma_start3A_1284 : memref<8192x2048xf32, #tpu.memory_space<hbm>>) target(%arg8 : memref<8x2048xf32, #tpu.memory_space<vmem>>) offsets(%dma_start3A_1281 : memref<8xi32, #tpu.memory_space<vmem>>) semaphore(%arg17 : memref<!tpu.dma_semaphore, #tpu.memory_space<semaphore_mem>>)
          } else {
          }
        } else {
        }
        %dma_wait3A = arith.constant 0 : i32
        %dma_wait3A_1253 = arith.constant 0 : i32
        %dma_wait3A_1254 = tpu.memref_slice %arg14[%dma_wait3A, %dma_wait3A_1253] : memref<32x8xi32, #tpu.memory_space<vmem>> -> memref<1x8xi32, #tpu.memory_space<vmem>>
        %dma_wait3A_1255 = tpu.memref_squeeze %dma_wait3A_1254 : memref<1x8xi32, #tpu.memory_space<vmem>> -> memref<8xi32, #tpu.memory_space<vmem>>
        %dma_wait3A_1256 = arith.constant 0 : i32
        %dma_wait3A_1257 = arith.constant 0 : i32
        %dma_wait3A_1258 = tpu.memref_slice %arg2[%dma_wait3A_1256, %dma_wait3A_1257] : memref<8192x2048xf32, #tpu.memory_space<hbm>> -> memref<8192x2048xf32, #tpu.memory_space<hbm>>
        tpu.wait_indirect_dma semaphore(%arg18 : memref<!tpu.dma_semaphore, #tpu.memory_space<semaphore_mem>>) src(%dma_wait3A_1258 : memref<8192x2048xf32, #tpu.memory_space<hbm>>) dst(%arg9 : memref<8x2048xf32, #tpu.memory_space<vmem>>)
        %lt3A_1259 = arith.cmpi slt, %add3A_1219, %shift_right_arithmetic3A_1078 : i32
        %convert_element_type3A_1260 = arith.extui %lt3A_1259 : i1 to i32
        %cond3A_1261 = arith.constant 0 : i32
        %cond3A_1262 = arith.cmpi ne, %convert_element_type3A_1260, %cond3A_1261 : i32
        scf.if %cond3A_1262 {
          %dma_start3A = arith.constant 0 : i32
          %dma_start3A_1267 = tpu.memref_slice %arg15[%add3A_1219, %dma_start3A] : memref<32x8xi32, #tpu.memory_space<vmem>> -> memref<1x8xi32, #tpu.memory_space<vmem>>
          %dma_start3A_1268 = tpu.memref_squeeze %dma_start3A_1267 : memref<1x8xi32, #tpu.memory_space<vmem>> -> memref<8xi32, #tpu.memory_space<vmem>>
          %dma_start3A_1269 = arith.constant 0 : i32
          %dma_start3A_1270 = arith.constant 0 : i32
          %dma_start3A_1271 = tpu.memref_slice %arg5[%dma_start3A_1269, %dma_start3A_1270] : memref<8192x2048xf32, #tpu.memory_space<hbm>> -> memref<8192x2048xf32, #tpu.memory_space<hbm>>
          tpu.enqueue_indirect_dma source(%arg9 : memref<8x2048xf32, #tpu.memory_space<vmem>>) target(%dma_start3A_1271 : memref<8192x2048xf32, #tpu.memory_space<hbm>>) offsets(%dma_start3A_1268 : memref<8xi32, #tpu.memory_space<vmem>>) semaphore(%arg23 : memref<!tpu.dma_semaphore, #tpu.memory_space<semaphore_mem>>)
        } else {
        }
        %ge3A_1263 = arith.cmpi sge, %add3A_1219, %shift_right_arithmetic3A_1078 : i32
        %convert_element_type3A_1264 = arith.extui %ge3A_1263 : i1 to i32
        %cond3A_1265 = arith.constant 0 : i32
        %cond3A_1266 = arith.cmpi ne, %convert_element_type3A_1264, %cond3A_1265 : i32
        scf.if %cond3A_1266 {
          %sub3A_1267 = arith.subi %add3A_1219, %shift_right_arithmetic3A_1078 : i32
          %dma_start3A = arith.constant 0 : i32
          %dma_start3A_1268 = tpu.memref_slice %arg13[%sub3A_1267, %dma_start3A] : memref<32x8xi32, #tpu.memory_space<vmem>> -> memref<1x8xi32, #tpu.memory_space<vmem>>
          %dma_start3A_1269 = tpu.memref_squeeze %dma_start3A_1268 : memref<1x8xi32, #tpu.memory_space<vmem>> -> memref<8xi32, #tpu.memory_space<vmem>>
          %dma_start3A_1270 = arith.constant 0 : i32
          %dma_start3A_1271 = arith.constant 0 : i32
          %dma_start3A_1272 = tpu.memref_slice %arg5[%dma_start3A_1270, %dma_start3A_1271] : memref<8192x2048xf32, #tpu.memory_space<hbm>> -> memref<8192x2048xf32, #tpu.memory_space<hbm>>
          tpu.enqueue_indirect_dma source(%arg9 : memref<8x2048xf32, #tpu.memory_space<vmem>>) target(%dma_start3A_1272 : memref<8192x2048xf32, #tpu.memory_space<hbm>>) offsets(%dma_start3A_1269 : memref<8xi32, #tpu.memory_space<vmem>>) semaphore(%arg23 : memref<!tpu.dma_semaphore, #tpu.memory_space<semaphore_mem>>)
        } else {
        }
      } else {
      }
      %mul3A_1224 = arith.constant 5 : i32
      %mul3A_1225 = arith.muli %mul3A_1224, %while3A_1199 : i32
      %add3A_1226 = arith.constant 3 : i32
      %add3A_1227 = arith.addi %mul3A_1225, %add3A_1226 : i32
      %lt3A_1228 = arith.cmpi slt, %add3A_1227, %add3A_1079 : i32
      %convert_element_type3A_1229 = arith.extui %lt3A_1228 : i1 to i32
      %cond3A_1230 = arith.constant 0 : i32
      %cond3A_1231 = arith.cmpi ne, %convert_element_type3A_1229, %cond3A_1230 : i32
      scf.if %cond3A_1231 {
        %ge3A = arith.constant 1 : i32
        %ge3A_1241 = arith.cmpi sge, %add3A_1227, %ge3A : i32
        %convert_element_type3A_1242 = arith.extui %ge3A_1241 : i1 to i32
        %cond3A_1243 = arith.constant 0 : i32
        %cond3A_1244 = arith.cmpi ne, %convert_element_type3A_1242, %cond3A_1243 : i32
        scf.if %cond3A_1244 {
          %dma_wait3A_1267 = arith.constant 0 : i32
          %dma_wait3A_1268 = arith.constant 0 : i32
          %dma_wait3A_1269 = tpu.memref_slice %arg15[%dma_wait3A_1267, %dma_wait3A_1268] : memref<32x8xi32, #tpu.memory_space<vmem>> -> memref<1x8xi32, #tpu.memory_space<vmem>>
          %dma_wait3A_1270 = tpu.memref_squeeze %dma_wait3A_1269 : memref<1x8xi32, #tpu.memory_space<vmem>> -> memref<8xi32, #tpu.memory_space<vmem>>
          %dma_wait3A_1271 = arith.constant 0 : i32
          %dma_wait3A_1272 = arith.constant 0 : i32
          %dma_wait3A_1273 = tpu.memref_slice %arg5[%dma_wait3A_1271, %dma_wait3A_1272] : memref<8192x2048xf32, #tpu.memory_space<hbm>> -> memref<8192x2048xf32, #tpu.memory_space<hbm>>
          tpu.wait_indirect_dma semaphore(%arg23 : memref<!tpu.dma_semaphore, #tpu.memory_space<semaphore_mem>>) src(%arg9 : memref<8x2048xf32, #tpu.memory_space<vmem>>) dst(%dma_wait3A_1273 : memref<8192x2048xf32, #tpu.memory_space<hbm>>)
        } else {
        }
        %add3A_1245 = arith.constant 5 : i32
        %add3A_1246 = arith.addi %add3A_1227, %add3A_1245 : i32
        %sub3A_1247 = arith.constant 1 : i32
        %sub3A_1248 = arith.subi %add3A_1246, %sub3A_1247 : i32
        %lt3A_1249 = arith.cmpi slt, %sub3A_1248, %add3A_1079 : i32
        %convert_element_type3A_1250 = arith.extui %lt3A_1249 : i1 to i32
        %cond3A_1251 = arith.constant 0 : i32
        %cond3A_1252 = arith.cmpi ne, %convert_element_type3A_1250, %cond3A_1251 : i32
        scf.if %cond3A_1252 {
          %add3A_1267 = arith.constant 5 : i32
          %add3A_1268 = arith.addi %add3A_1227, %add3A_1267 : i32
          %sub3A_1269 = arith.constant 1 : i32
          %sub3A_1270 = arith.subi %add3A_1268, %sub3A_1269 : i32
          %lt3A_1271 = arith.cmpi slt, %sub3A_1270, %shift_right_arithmetic3A_1078 : i32
          %convert_element_type3A_1272 = arith.extui %lt3A_1271 : i1 to i32
          %cond3A_1273 = arith.constant 0 : i32
          %cond3A_1274 = arith.cmpi ne, %convert_element_type3A_1272, %cond3A_1273 : i32
          scf.if %cond3A_1274 {
            %dma_start3A = arith.constant 0 : i32
            %dma_start3A_1279 = tpu.memref_slice %arg14[%sub3A_1270, %dma_start3A] : memref<32x8xi32, #tpu.memory_space<vmem>> -> memref<1x8xi32, #tpu.memory_space<vmem>>
            %dma_start3A_1280 = tpu.memref_squeeze %dma_start3A_1279 : memref<1x8xi32, #tpu.memory_space<vmem>> -> memref<8xi32, #tpu.memory_space<vmem>>
            %dma_start3A_1281 = arith.constant 0 : i32
            %dma_start3A_1282 = arith.constant 0 : i32
            %dma_start3A_1283 = tpu.memref_slice %arg2[%dma_start3A_1281, %dma_start3A_1282] : memref<8192x2048xf32, #tpu.memory_space<hbm>> -> memref<8192x2048xf32, #tpu.memory_space<hbm>>
            tpu.enqueue_indirect_dma source(%dma_start3A_1283 : memref<8192x2048xf32, #tpu.memory_space<hbm>>) target(%arg9 : memref<8x2048xf32, #tpu.memory_space<vmem>>) offsets(%dma_start3A_1280 : memref<8xi32, #tpu.memory_space<vmem>>) semaphore(%arg18 : memref<!tpu.dma_semaphore, #tpu.memory_space<semaphore_mem>>)
          } else {
          }
          %ge3A_1275 = arith.cmpi sge, %sub3A_1270, %shift_right_arithmetic3A_1078 : i32
          %convert_element_type3A_1276 = arith.extui %ge3A_1275 : i1 to i32
          %cond3A_1277 = arith.constant 0 : i32
          %cond3A_1278 = arith.cmpi ne, %convert_element_type3A_1276, %cond3A_1277 : i32
          scf.if %cond3A_1278 {
            %sub3A_1279 = arith.subi %sub3A_1270, %shift_right_arithmetic3A_1078 : i32
            %dma_start3A = arith.constant 0 : i32
            %dma_start3A_1280 = tpu.memref_slice %arg12[%sub3A_1279, %dma_start3A] : memref<32x8xi32, #tpu.memory_space<vmem>> -> memref<1x8xi32, #tpu.memory_space<vmem>>
            %dma_start3A_1281 = tpu.memref_squeeze %dma_start3A_1280 : memref<1x8xi32, #tpu.memory_space<vmem>> -> memref<8xi32, #tpu.memory_space<vmem>>
            %dma_start3A_1282 = arith.constant 0 : i32
            %dma_start3A_1283 = arith.constant 0 : i32
            %dma_start3A_1284 = tpu.memref_slice %arg4[%dma_start3A_1282, %dma_start3A_1283] : memref<8192x2048xf32, #tpu.memory_space<hbm>> -> memref<8192x2048xf32, #tpu.memory_space<hbm>>
            tpu.enqueue_indirect_dma source(%dma_start3A_1284 : memref<8192x2048xf32, #tpu.memory_space<hbm>>) target(%arg9 : memref<8x2048xf32, #tpu.memory_space<vmem>>) offsets(%dma_start3A_1281 : memref<8xi32, #tpu.memory_space<vmem>>) semaphore(%arg18 : memref<!tpu.dma_semaphore, #tpu.memory_space<semaphore_mem>>)
          } else {
          }
        } else {
        }
        %dma_wait3A = arith.constant 0 : i32
        %dma_wait3A_1253 = arith.constant 0 : i32
        %dma_wait3A_1254 = tpu.memref_slice %arg14[%dma_wait3A, %dma_wait3A_1253] : memref<32x8xi32, #tpu.memory_space<vmem>> -> memref<1x8xi32, #tpu.memory_space<vmem>>
        %dma_wait3A_1255 = tpu.memref_squeeze %dma_wait3A_1254 : memref<1x8xi32, #tpu.memory_space<vmem>> -> memref<8xi32, #tpu.memory_space<vmem>>
        %dma_wait3A_1256 = arith.constant 0 : i32
        %dma_wait3A_1257 = arith.constant 0 : i32
        %dma_wait3A_1258 = tpu.memref_slice %arg2[%dma_wait3A_1256, %dma_wait3A_1257] : memref<8192x2048xf32, #tpu.memory_space<hbm>> -> memref<8192x2048xf32, #tpu.memory_space<hbm>>
        tpu.wait_indirect_dma semaphore(%arg19 : memref<!tpu.dma_semaphore, #tpu.memory_space<semaphore_mem>>) src(%dma_wait3A_1258 : memref<8192x2048xf32, #tpu.memory_space<hbm>>) dst(%arg10 : memref<8x2048xf32, #tpu.memory_space<vmem>>)
        %lt3A_1259 = arith.cmpi slt, %add3A_1227, %shift_right_arithmetic3A_1078 : i32
        %convert_element_type3A_1260 = arith.extui %lt3A_1259 : i1 to i32
        %cond3A_1261 = arith.constant 0 : i32
        %cond3A_1262 = arith.cmpi ne, %convert_element_type3A_1260, %cond3A_1261 : i32
        scf.if %cond3A_1262 {
          %dma_start3A = arith.constant 0 : i32
          %dma_start3A_1267 = tpu.memref_slice %arg15[%add3A_1227, %dma_start3A] : memref<32x8xi32, #tpu.memory_space<vmem>> -> memref<1x8xi32, #tpu.memory_space<vmem>>
          %dma_start3A_1268 = tpu.memref_squeeze %dma_start3A_1267 : memref<1x8xi32, #tpu.memory_space<vmem>> -> memref<8xi32, #tpu.memory_space<vmem>>
          %dma_start3A_1269 = arith.constant 0 : i32
          %dma_start3A_1270 = arith.constant 0 : i32
          %dma_start3A_1271 = tpu.memref_slice %arg5[%dma_start3A_1269, %dma_start3A_1270] : memref<8192x2048xf32, #tpu.memory_space<hbm>> -> memref<8192x2048xf32, #tpu.memory_space<hbm>>
          tpu.enqueue_indirect_dma source(%arg10 : memref<8x2048xf32, #tpu.memory_space<vmem>>) target(%dma_start3A_1271 : memref<8192x2048xf32, #tpu.memory_space<hbm>>) offsets(%dma_start3A_1268 : memref<8xi32, #tpu.memory_space<vmem>>) semaphore(%arg24 : memref<!tpu.dma_semaphore, #tpu.memory_space<semaphore_mem>>)
        } else {
        }
        %ge3A_1263 = arith.cmpi sge, %add3A_1227, %shift_right_arithmetic3A_1078 : i32
        %convert_element_type3A_1264 = arith.extui %ge3A_1263 : i1 to i32
        %cond3A_1265 = arith.constant 0 : i32
        %cond3A_1266 = arith.cmpi ne, %convert_element_type3A_1264, %cond3A_1265 : i32
        scf.if %cond3A_1266 {
          %sub3A_1267 = arith.subi %add3A_1227, %shift_right_arithmetic3A_1078 : i32
          %dma_start3A = arith.constant 0 : i32
          %dma_start3A_1268 = tpu.memref_slice %arg13[%sub3A_1267, %dma_start3A] : memref<32x8xi32, #tpu.memory_space<vmem>> -> memref<1x8xi32, #tpu.memory_space<vmem>>
          %dma_start3A_1269 = tpu.memref_squeeze %dma_start3A_1268 : memref<1x8xi32, #tpu.memory_space<vmem>> -> memref<8xi32, #tpu.memory_space<vmem>>
          %dma_start3A_1270 = arith.constant 0 : i32
          %dma_start3A_1271 = arith.constant 0 : i32
          %dma_start3A_1272 = tpu.memref_slice %arg5[%dma_start3A_1270, %dma_start3A_1271] : memref<8192x2048xf32, #tpu.memory_space<hbm>> -> memref<8192x2048xf32, #tpu.memory_space<hbm>>
          tpu.enqueue_indirect_dma source(%arg10 : memref<8x2048xf32, #tpu.memory_space<vmem>>) target(%dma_start3A_1272 : memref<8192x2048xf32, #tpu.memory_space<hbm>>) offsets(%dma_start3A_1269 : memref<8xi32, #tpu.memory_space<vmem>>) semaphore(%arg24 : memref<!tpu.dma_semaphore, #tpu.memory_space<semaphore_mem>>)
        } else {
        }
      } else {
      }
      %mul3A_1232 = arith.constant 5 : i32
      %mul3A_1233 = arith.muli %mul3A_1232, %while3A_1199 : i32
      %add3A_1234 = arith.constant 4 : i32
      %add3A_1235 = arith.addi %mul3A_1233, %add3A_1234 : i32
      %lt3A_1236 = arith.cmpi slt, %add3A_1235, %add3A_1079 : i32
      %convert_element_type3A_1237 = arith.extui %lt3A_1236 : i1 to i32
      %cond3A_1238 = arith.constant 0 : i32
      %cond3A_1239 = arith.cmpi ne, %convert_element_type3A_1237, %cond3A_1238 : i32
      scf.if %cond3A_1239 {
        %ge3A = arith.constant 1 : i32
        %ge3A_1241 = arith.cmpi sge, %add3A_1235, %ge3A : i32
        %convert_element_type3A_1242 = arith.extui %ge3A_1241 : i1 to i32
        %cond3A_1243 = arith.constant 0 : i32
        %cond3A_1244 = arith.cmpi ne, %convert_element_type3A_1242, %cond3A_1243 : i32
        scf.if %cond3A_1244 {
          %dma_wait3A_1267 = arith.constant 0 : i32
          %dma_wait3A_1268 = arith.constant 0 : i32
          %dma_wait3A_1269 = tpu.memref_slice %arg15[%dma_wait3A_1267, %dma_wait3A_1268] : memref<32x8xi32, #tpu.memory_space<vmem>> -> memref<1x8xi32, #tpu.memory_space<vmem>>
          %dma_wait3A_1270 = tpu.memref_squeeze %dma_wait3A_1269 : memref<1x8xi32, #tpu.memory_space<vmem>> -> memref<8xi32, #tpu.memory_space<vmem>>
          %dma_wait3A_1271 = arith.constant 0 : i32
          %dma_wait3A_1272 = arith.constant 0 : i32
          %dma_wait3A_1273 = tpu.memref_slice %arg5[%dma_wait3A_1271, %dma_wait3A_1272] : memref<8192x2048xf32, #tpu.memory_space<hbm>> -> memref<8192x2048xf32, #tpu.memory_space<hbm>>
          tpu.wait_indirect_dma semaphore(%arg24 : memref<!tpu.dma_semaphore, #tpu.memory_space<semaphore_mem>>) src(%arg10 : memref<8x2048xf32, #tpu.memory_space<vmem>>) dst(%dma_wait3A_1273 : memref<8192x2048xf32, #tpu.memory_space<hbm>>)
        } else {
        }
        %add3A_1245 = arith.constant 5 : i32
        %add3A_1246 = arith.addi %add3A_1235, %add3A_1245 : i32
        %sub3A_1247 = arith.constant 1 : i32
        %sub3A_1248 = arith.subi %add3A_1246, %sub3A_1247 : i32
        %lt3A_1249 = arith.cmpi slt, %sub3A_1248, %add3A_1079 : i32
        %convert_element_type3A_1250 = arith.extui %lt3A_1249 : i1 to i32
        %cond3A_1251 = arith.constant 0 : i32
        %cond3A_1252 = arith.cmpi ne, %convert_element_type3A_1250, %cond3A_1251 : i32
        scf.if %cond3A_1252 {
          %add3A_1267 = arith.constant 5 : i32
          %add3A_1268 = arith.addi %add3A_1235, %add3A_1267 : i32
          %sub3A_1269 = arith.constant 1 : i32
          %sub3A_1270 = arith.subi %add3A_1268, %sub3A_1269 : i32
          %lt3A_1271 = arith.cmpi slt, %sub3A_1270, %shift_right_arithmetic3A_1078 : i32
          %convert_element_type3A_1272 = arith.extui %lt3A_1271 : i1 to i32
          %cond3A_1273 = arith.constant 0 : i32
          %cond3A_1274 = arith.cmpi ne, %convert_element_type3A_1272, %cond3A_1273 : i32
          scf.if %cond3A_1274 {
            %dma_start3A = arith.constant 0 : i32
            %dma_start3A_1279 = tpu.memref_slice %arg14[%sub3A_1270, %dma_start3A] : memref<32x8xi32, #tpu.memory_space<vmem>> -> memref<1x8xi32, #tpu.memory_space<vmem>>
            %dma_start3A_1280 = tpu.memref_squeeze %dma_start3A_1279 : memref<1x8xi32, #tpu.memory_space<vmem>> -> memref<8xi32, #tpu.memory_space<vmem>>
            %dma_start3A_1281 = arith.constant 0 : i32
            %dma_start3A_1282 = arith.constant 0 : i32
            %dma_start3A_1283 = tpu.memref_slice %arg2[%dma_start3A_1281, %dma_start3A_1282] : memref<8192x2048xf32, #tpu.memory_space<hbm>> -> memref<8192x2048xf32, #tpu.memory_space<hbm>>
            tpu.enqueue_indirect_dma source(%dma_start3A_1283 : memref<8192x2048xf32, #tpu.memory_space<hbm>>) target(%arg10 : memref<8x2048xf32, #tpu.memory_space<vmem>>) offsets(%dma_start3A_1280 : memref<8xi32, #tpu.memory_space<vmem>>) semaphore(%arg19 : memref<!tpu.dma_semaphore, #tpu.memory_space<semaphore_mem>>)
          } else {
          }
          %ge3A_1275 = arith.cmpi sge, %sub3A_1270, %shift_right_arithmetic3A_1078 : i32
          %convert_element_type3A_1276 = arith.extui %ge3A_1275 : i1 to i32
          %cond3A_1277 = arith.constant 0 : i32
          %cond3A_1278 = arith.cmpi ne, %convert_element_type3A_1276, %cond3A_1277 : i32
          scf.if %cond3A_1278 {
            %sub3A_1279 = arith.subi %sub3A_1270, %shift_right_arithmetic3A_1078 : i32
            %dma_start3A = arith.constant 0 : i32
            %dma_start3A_1280 = tpu.memref_slice %arg12[%sub3A_1279, %dma_start3A] : memref<32x8xi32, #tpu.memory_space<vmem>> -> memref<1x8xi32, #tpu.memory_space<vmem>>
            %dma_start3A_1281 = tpu.memref_squeeze %dma_start3A_1280 : memref<1x8xi32, #tpu.memory_space<vmem>> -> memref<8xi32, #tpu.memory_space<vmem>>
            %dma_start3A_1282 = arith.constant 0 : i32
            %dma_start3A_1283 = arith.constant 0 : i32
            %dma_start3A_1284 = tpu.memref_slice %arg4[%dma_start3A_1282, %dma_start3A_1283] : memref<8192x2048xf32, #tpu.memory_space<hbm>> -> memref<8192x2048xf32, #tpu.memory_space<hbm>>
            tpu.enqueue_indirect_dma source(%dma_start3A_1284 : memref<8192x2048xf32, #tpu.memory_space<hbm>>) target(%arg10 : memref<8x2048xf32, #tpu.memory_space<vmem>>) offsets(%dma_start3A_1281 : memref<8xi32, #tpu.memory_space<vmem>>) semaphore(%arg19 : memref<!tpu.dma_semaphore, #tpu.memory_space<semaphore_mem>>)
          } else {
          }
        } else {
        }
        %dma_wait3A = arith.constant 0 : i32
        %dma_wait3A_1253 = arith.constant 0 : i32
        %dma_wait3A_1254 = tpu.memref_slice %arg14[%dma_wait3A, %dma_wait3A_1253] : memref<32x8xi32, #tpu.memory_space<vmem>> -> memref<1x8xi32, #tpu.memory_space<vmem>>
        %dma_wait3A_1255 = tpu.memref_squeeze %dma_wait3A_1254 : memref<1x8xi32, #tpu.memory_space<vmem>> -> memref<8xi32, #tpu.memory_space<vmem>>
        %dma_wait3A_1256 = arith.constant 0 : i32
        %dma_wait3A_1257 = arith.constant 0 : i32
        %dma_wait3A_1258 = tpu.memref_slice %arg2[%dma_wait3A_1256, %dma_wait3A_1257] : memref<8192x2048xf32, #tpu.memory_space<hbm>> -> memref<8192x2048xf32, #tpu.memory_space<hbm>>
        tpu.wait_indirect_dma semaphore(%arg20 : memref<!tpu.dma_semaphore, #tpu.memory_space<semaphore_mem>>) src(%dma_wait3A_1258 : memref<8192x2048xf32, #tpu.memory_space<hbm>>) dst(%arg11 : memref<8x2048xf32, #tpu.memory_space<vmem>>)
        %lt3A_1259 = arith.cmpi slt, %add3A_1235, %shift_right_arithmetic3A_1078 : i32
        %convert_element_type3A_1260 = arith.extui %lt3A_1259 : i1 to i32
        %cond3A_1261 = arith.constant 0 : i32
        %cond3A_1262 = arith.cmpi ne, %convert_element_type3A_1260, %cond3A_1261 : i32
        scf.if %cond3A_1262 {
          %dma_start3A = arith.constant 0 : i32
          %dma_start3A_1267 = tpu.memref_slice %arg15[%add3A_1235, %dma_start3A] : memref<32x8xi32, #tpu.memory_space<vmem>> -> memref<1x8xi32, #tpu.memory_space<vmem>>
          %dma_start3A_1268 = tpu.memref_squeeze %dma_start3A_1267 : memref<1x8xi32, #tpu.memory_space<vmem>> -> memref<8xi32, #tpu.memory_space<vmem>>
          %dma_start3A_1269 = arith.constant 0 : i32
          %dma_start3A_1270 = arith.constant 0 : i32
          %dma_start3A_1271 = tpu.memref_slice %arg5[%dma_start3A_1269, %dma_start3A_1270] : memref<8192x2048xf32, #tpu.memory_space<hbm>> -> memref<8192x2048xf32, #tpu.memory_space<hbm>>
          tpu.enqueue_indirect_dma source(%arg11 : memref<8x2048xf32, #tpu.memory_space<vmem>>) target(%dma_start3A_1271 : memref<8192x2048xf32, #tpu.memory_space<hbm>>) offsets(%dma_start3A_1268 : memref<8xi32, #tpu.memory_space<vmem>>) semaphore(%arg25 : memref<!tpu.dma_semaphore, #tpu.memory_space<semaphore_mem>>)
        } else {
        }
        %ge3A_1263 = arith.cmpi sge, %add3A_1235, %shift_right_arithmetic3A_1078 : i32
        %convert_element_type3A_1264 = arith.extui %ge3A_1263 : i1 to i32
        %cond3A_1265 = arith.constant 0 : i32
        %cond3A_1266 = arith.cmpi ne, %convert_element_type3A_1264, %cond3A_1265 : i32
        scf.if %cond3A_1266 {
          %sub3A_1267 = arith.subi %add3A_1235, %shift_right_arithmetic3A_1078 : i32
          %dma_start3A = arith.constant 0 : i32
          %dma_start3A_1268 = tpu.memref_slice %arg13[%sub3A_1267, %dma_start3A] : memref<32x8xi32, #tpu.memory_space<vmem>> -> memref<1x8xi32, #tpu.memory_space<vmem>>
          %dma_start3A_1269 = tpu.memref_squeeze %dma_start3A_1268 : memref<1x8xi32, #tpu.memory_space<vmem>> -> memref<8xi32, #tpu.memory_space<vmem>>
          %dma_start3A_1270 = arith.constant 0 : i32
          %dma_start3A_1271 = arith.constant 0 : i32
          %dma_start3A_1272 = tpu.memref_slice %arg5[%dma_start3A_1270, %dma_start3A_1271] : memref<8192x2048xf32, #tpu.memory_space<hbm>> -> memref<8192x2048xf32, #tpu.memory_space<hbm>>
          tpu.enqueue_indirect_dma source(%arg11 : memref<8x2048xf32, #tpu.memory_space<vmem>>) target(%dma_start3A_1272 : memref<8192x2048xf32, #tpu.memory_space<hbm>>) offsets(%dma_start3A_1269 : memref<8xi32, #tpu.memory_space<vmem>>) semaphore(%arg25 : memref<!tpu.dma_semaphore, #tpu.memory_space<semaphore_mem>>)
        } else {
        }
      } else {
      }
      %while3A_1240 = arith.constant 0 : i32
      scf.yield %while3A_1240 : i32
    }
    %while3A_1153 = arith.constant 1 : i32
    %while3A_1154 = scf.for %while3A_1199 = %while3A_1150 to %while3A_1146 step %while3A_1153 iter_args(%while3A_1200 = %while3A_1152) -> (i32)  : i32 {
      %mul3A_1201 = arith.constant 5 : i32
      %mul3A_1202 = arith.muli %mul3A_1201, %while3A_1199 : i32
      %add3A_1203 = arith.constant 0 : i32
      %add3A_1204 = arith.addi %mul3A_1202, %add3A_1203 : i32
      %lt3A = arith.cmpi slt, %add3A_1204, %add3A_1079 : i32
      %convert_element_type3A_1205 = arith.extui %lt3A : i1 to i32
      %cond3A_1206 = arith.constant 0 : i32
      %cond3A_1207 = arith.cmpi ne, %convert_element_type3A_1205, %cond3A_1206 : i32
      scf.if %cond3A_1207 {
        %ge3A = arith.constant 1 : i32
        %ge3A_1241 = arith.cmpi sge, %add3A_1204, %ge3A : i32
        %convert_element_type3A_1242 = arith.extui %ge3A_1241 : i1 to i32
        %cond3A_1243 = arith.constant 0 : i32
        %cond3A_1244 = arith.cmpi ne, %convert_element_type3A_1242, %cond3A_1243 : i32
        scf.if %cond3A_1244 {
          %dma_wait3A_1267 = arith.constant 0 : i32
          %dma_wait3A_1268 = arith.constant 0 : i32
          %dma_wait3A_1269 = tpu.memref_slice %arg15[%dma_wait3A_1267, %dma_wait3A_1268] : memref<32x8xi32, #tpu.memory_space<vmem>> -> memref<1x8xi32, #tpu.memory_space<vmem>>
          %dma_wait3A_1270 = tpu.memref_squeeze %dma_wait3A_1269 : memref<1x8xi32, #tpu.memory_space<vmem>> -> memref<8xi32, #tpu.memory_space<vmem>>
          %dma_wait3A_1271 = arith.constant 0 : i32
          %dma_wait3A_1272 = arith.constant 0 : i32
          %dma_wait3A_1273 = tpu.memref_slice %arg5[%dma_wait3A_1271, %dma_wait3A_1272] : memref<8192x2048xf32, #tpu.memory_space<hbm>> -> memref<8192x2048xf32, #tpu.memory_space<hbm>>
          tpu.wait_indirect_dma semaphore(%arg25 : memref<!tpu.dma_semaphore, #tpu.memory_space<semaphore_mem>>) src(%arg11 : memref<8x2048xf32, #tpu.memory_space<vmem>>) dst(%dma_wait3A_1273 : memref<8192x2048xf32, #tpu.memory_space<hbm>>)
        } else {
        }
        %add3A_1245 = arith.constant 5 : i32
        %add3A_1246 = arith.addi %add3A_1204, %add3A_1245 : i32
        %sub3A_1247 = arith.constant 1 : i32
        %sub3A_1248 = arith.subi %add3A_1246, %sub3A_1247 : i32
        %lt3A_1249 = arith.cmpi slt, %sub3A_1248, %add3A_1079 : i32
        %convert_element_type3A_1250 = arith.extui %lt3A_1249 : i1 to i32
        %cond3A_1251 = arith.constant 0 : i32
        %cond3A_1252 = arith.cmpi ne, %convert_element_type3A_1250, %cond3A_1251 : i32
        scf.if %cond3A_1252 {
          %add3A_1267 = arith.constant 5 : i32
          %add3A_1268 = arith.addi %add3A_1204, %add3A_1267 : i32
          %sub3A_1269 = arith.constant 1 : i32
          %sub3A_1270 = arith.subi %add3A_1268, %sub3A_1269 : i32
          %lt3A_1271 = arith.cmpi slt, %sub3A_1270, %shift_right_arithmetic3A_1078 : i32
          %convert_element_type3A_1272 = arith.extui %lt3A_1271 : i1 to i32
          %cond3A_1273 = arith.constant 0 : i32
          %cond3A_1274 = arith.cmpi ne, %convert_element_type3A_1272, %cond3A_1273 : i32
          scf.if %cond3A_1274 {
            %dma_start3A = arith.constant 0 : i32
            %dma_start3A_1279 = tpu.memref_slice %arg14[%sub3A_1270, %dma_start3A] : memref<32x8xi32, #tpu.memory_space<vmem>> -> memref<1x8xi32, #tpu.memory_space<vmem>>
            %dma_start3A_1280 = tpu.memref_squeeze %dma_start3A_1279 : memref<1x8xi32, #tpu.memory_space<vmem>> -> memref<8xi32, #tpu.memory_space<vmem>>
            %dma_start3A_1281 = arith.constant 0 : i32
            %dma_start3A_1282 = arith.constant 0 : i32
            %dma_start3A_1283 = tpu.memref_slice %arg2[%dma_start3A_1281, %dma_start3A_1282] : memref<8192x2048xf32, #tpu.memory_space<hbm>> -> memref<8192x2048xf32, #tpu.memory_space<hbm>>
            tpu.enqueue_indirect_dma source(%dma_start3A_1283 : memref<8192x2048xf32, #tpu.memory_space<hbm>>) target(%arg11 : memref<8x2048xf32, #tpu.memory_space<vmem>>) offsets(%dma_start3A_1280 : memref<8xi32, #tpu.memory_space<vmem>>) semaphore(%arg20 : memref<!tpu.dma_semaphore, #tpu.memory_space<semaphore_mem>>)
          } else {
          }
          %ge3A_1275 = arith.cmpi sge, %sub3A_1270, %shift_right_arithmetic3A_1078 : i32
          %convert_element_type3A_1276 = arith.extui %ge3A_1275 : i1 to i32
          %cond3A_1277 = arith.constant 0 : i32
          %cond3A_1278 = arith.cmpi ne, %convert_element_type3A_1276, %cond3A_1277 : i32
          scf.if %cond3A_1278 {
            %sub3A_1279 = arith.subi %sub3A_1270, %shift_right_arithmetic3A_1078 : i32
            %dma_start3A = arith.constant 0 : i32
            %dma_start3A_1280 = tpu.memref_slice %arg12[%sub3A_1279, %dma_start3A] : memref<32x8xi32, #tpu.memory_space<vmem>> -> memref<1x8xi32, #tpu.memory_space<vmem>>
            %dma_start3A_1281 = tpu.memref_squeeze %dma_start3A_1280 : memref<1x8xi32, #tpu.memory_space<vmem>> -> memref<8xi32, #tpu.memory_space<vmem>>
            %dma_start3A_1282 = arith.constant 0 : i32
            %dma_start3A_1283 = arith.constant 0 : i32
            %dma_start3A_1284 = tpu.memref_slice %arg4[%dma_start3A_1282, %dma_start3A_1283] : memref<8192x2048xf32, #tpu.memory_space<hbm>> -> memref<8192x2048xf32, #tpu.memory_space<hbm>>
            tpu.enqueue_indirect_dma source(%dma_start3A_1284 : memref<8192x2048xf32, #tpu.memory_space<hbm>>) target(%arg11 : memref<8x2048xf32, #tpu.memory_space<vmem>>) offsets(%dma_start3A_1281 : memref<8xi32, #tpu.memory_space<vmem>>) semaphore(%arg20 : memref<!tpu.dma_semaphore, #tpu.memory_space<semaphore_mem>>)
          } else {
          }
        } else {
        }
        %dma_wait3A = arith.constant 0 : i32
        %dma_wait3A_1253 = arith.constant 0 : i32
        %dma_wait3A_1254 = tpu.memref_slice %arg14[%dma_wait3A, %dma_wait3A_1253] : memref<32x8xi32, #tpu.memory_space<vmem>> -> memref<1x8xi32, #tpu.memory_space<vmem>>
        %dma_wait3A_1255 = tpu.memref_squeeze %dma_wait3A_1254 : memref<1x8xi32, #tpu.memory_space<vmem>> -> memref<8xi32, #tpu.memory_space<vmem>>
        %dma_wait3A_1256 = arith.constant 0 : i32
        %dma_wait3A_1257 = arith.constant 0 : i32
        %dma_wait3A_1258 = tpu.memref_slice %arg2[%dma_wait3A_1256, %dma_wait3A_1257] : memref<8192x2048xf32, #tpu.memory_space<hbm>> -> memref<8192x2048xf32, #tpu.memory_space<hbm>>
        tpu.wait_indirect_dma semaphore(%arg16 : memref<!tpu.dma_semaphore, #tpu.memory_space<semaphore_mem>>) src(%dma_wait3A_1258 : memref<8192x2048xf32, #tpu.memory_space<hbm>>) dst(%arg7 : memref<8x2048xf32, #tpu.memory_space<vmem>>)
        %lt3A_1259 = arith.cmpi slt, %add3A_1204, %shift_right_arithmetic3A_1078 : i32
        %convert_element_type3A_1260 = arith.extui %lt3A_1259 : i1 to i32
        %cond3A_1261 = arith.constant 0 : i32
        %cond3A_1262 = arith.cmpi ne, %convert_element_type3A_1260, %cond3A_1261 : i32
        scf.if %cond3A_1262 {
          %dma_start3A = arith.constant 0 : i32
          %dma_start3A_1267 = tpu.memref_slice %arg15[%add3A_1204, %dma_start3A] : memref<32x8xi32, #tpu.memory_space<vmem>> -> memref<1x8xi32, #tpu.memory_space<vmem>>
          %dma_start3A_1268 = tpu.memref_squeeze %dma_start3A_1267 : memref<1x8xi32, #tpu.memory_space<vmem>> -> memref<8xi32, #tpu.memory_space<vmem>>
          %dma_start3A_1269 = arith.constant 0 : i32
          %dma_start3A_1270 = arith.constant 0 : i32
          %dma_start3A_1271 = tpu.memref_slice %arg5[%dma_start3A_1269, %dma_start3A_1270] : memref<8192x2048xf32, #tpu.memory_space<hbm>> -> memref<8192x2048xf32, #tpu.memory_space<hbm>>
          tpu.enqueue_indirect_dma source(%arg7 : memref<8x2048xf32, #tpu.memory_space<vmem>>) target(%dma_start3A_1271 : memref<8192x2048xf32, #tpu.memory_space<hbm>>) offsets(%dma_start3A_1268 : memref<8xi32, #tpu.memory_space<vmem>>) semaphore(%arg21 : memref<!tpu.dma_semaphore, #tpu.memory_space<semaphore_mem>>)
        } else {
        }
        %ge3A_1263 = arith.cmpi sge, %add3A_1204, %shift_right_arithmetic3A_1078 : i32
        %convert_element_type3A_1264 = arith.extui %ge3A_1263 : i1 to i32
        %cond3A_1265 = arith.constant 0 : i32
        %cond3A_1266 = arith.cmpi ne, %convert_element_type3A_1264, %cond3A_1265 : i32
        scf.if %cond3A_1266 {
          %sub3A_1267 = arith.subi %add3A_1204, %shift_right_arithmetic3A_1078 : i32
          %dma_start3A = arith.constant 0 : i32
          %dma_start3A_1268 = tpu.memref_slice %arg13[%sub3A_1267, %dma_start3A] : memref<32x8xi32, #tpu.memory_space<vmem>> -> memref<1x8xi32, #tpu.memory_space<vmem>>
          %dma_start3A_1269 = tpu.memref_squeeze %dma_start3A_1268 : memref<1x8xi32, #tpu.memory_space<vmem>> -> memref<8xi32, #tpu.memory_space<vmem>>
          %dma_start3A_1270 = arith.constant 0 : i32
          %dma_start3A_1271 = arith.constant 0 : i32
          %dma_start3A_1272 = tpu.memref_slice %arg5[%dma_start3A_1270, %dma_start3A_1271] : memref<8192x2048xf32, #tpu.memory_space<hbm>> -> memref<8192x2048xf32, #tpu.memory_space<hbm>>
          tpu.enqueue_indirect_dma source(%arg7 : memref<8x2048xf32, #tpu.memory_space<vmem>>) target(%dma_start3A_1272 : memref<8192x2048xf32, #tpu.memory_space<hbm>>) offsets(%dma_start3A_1269 : memref<8xi32, #tpu.memory_space<vmem>>) semaphore(%arg21 : memref<!tpu.dma_semaphore, #tpu.memory_space<semaphore_mem>>)
        } else {
        }
      } else {
      }
      %mul3A_1208 = arith.constant 5 : i32
      %mul3A_1209 = arith.muli %mul3A_1208, %while3A_1199 : i32
      %add3A_1210 = arith.constant 1 : i32
      %add3A_1211 = arith.addi %mul3A_1209, %add3A_1210 : i32
      %lt3A_1212 = arith.cmpi slt, %add3A_1211, %add3A_1079 : i32
      %convert_element_type3A_1213 = arith.extui %lt3A_1212 : i1 to i32
      %cond3A_1214 = arith.constant 0 : i32
      %cond3A_1215 = arith.cmpi ne, %convert_element_type3A_1213, %cond3A_1214 : i32
      scf.if %cond3A_1215 {
        %ge3A = arith.constant 1 : i32
        %ge3A_1241 = arith.cmpi sge, %add3A_1211, %ge3A : i32
        %convert_element_type3A_1242 = arith.extui %ge3A_1241 : i1 to i32
        %cond3A_1243 = arith.constant 0 : i32
        %cond3A_1244 = arith.cmpi ne, %convert_element_type3A_1242, %cond3A_1243 : i32
        scf.if %cond3A_1244 {
          %dma_wait3A_1267 = arith.constant 0 : i32
          %dma_wait3A_1268 = arith.constant 0 : i32
          %dma_wait3A_1269 = tpu.memref_slice %arg15[%dma_wait3A_1267, %dma_wait3A_1268] : memref<32x8xi32, #tpu.memory_space<vmem>> -> memref<1x8xi32, #tpu.memory_space<vmem>>
          %dma_wait3A_1270 = tpu.memref_squeeze %dma_wait3A_1269 : memref<1x8xi32, #tpu.memory_space<vmem>> -> memref<8xi32, #tpu.memory_space<vmem>>
          %dma_wait3A_1271 = arith.constant 0 : i32
          %dma_wait3A_1272 = arith.constant 0 : i32
          %dma_wait3A_1273 = tpu.memref_slice %arg5[%dma_wait3A_1271, %dma_wait3A_1272] : memref<8192x2048xf32, #tpu.memory_space<hbm>> -> memref<8192x2048xf32, #tpu.memory_space<hbm>>
          tpu.wait_indirect_dma semaphore(%arg21 : memref<!tpu.dma_semaphore, #tpu.memory_space<semaphore_mem>>) src(%arg7 : memref<8x2048xf32, #tpu.memory_space<vmem>>) dst(%dma_wait3A_1273 : memref<8192x2048xf32, #tpu.memory_space<hbm>>)
        } else {
        }
        %add3A_1245 = arith.constant 5 : i32
        %add3A_1246 = arith.addi %add3A_1211, %add3A_1245 : i32
        %sub3A_1247 = arith.constant 1 : i32
        %sub3A_1248 = arith.subi %add3A_1246, %sub3A_1247 : i32
        %lt3A_1249 = arith.cmpi slt, %sub3A_1248, %add3A_1079 : i32
        %convert_element_type3A_1250 = arith.extui %lt3A_1249 : i1 to i32
        %cond3A_1251 = arith.constant 0 : i32
        %cond3A_1252 = arith.cmpi ne, %convert_element_type3A_1250, %cond3A_1251 : i32
        scf.if %cond3A_1252 {
          %add3A_1267 = arith.constant 5 : i32
          %add3A_1268 = arith.addi %add3A_1211, %add3A_1267 : i32
          %sub3A_1269 = arith.constant 1 : i32
          %sub3A_1270 = arith.subi %add3A_1268, %sub3A_1269 : i32
          %lt3A_1271 = arith.cmpi slt, %sub3A_1270, %shift_right_arithmetic3A_1078 : i32
          %convert_element_type3A_1272 = arith.extui %lt3A_1271 : i1 to i32
          %cond3A_1273 = arith.constant 0 : i32
          %cond3A_1274 = arith.cmpi ne, %convert_element_type3A_1272, %cond3A_1273 : i32
          scf.if %cond3A_1274 {
            %dma_start3A = arith.constant 0 : i32
            %dma_start3A_1279 = tpu.memref_slice %arg14[%sub3A_1270, %dma_start3A] : memref<32x8xi32, #tpu.memory_space<vmem>> -> memref<1x8xi32, #tpu.memory_space<vmem>>
            %dma_start3A_1280 = tpu.memref_squeeze %dma_start3A_1279 : memref<1x8xi32, #tpu.memory_space<vmem>> -> memref<8xi32, #tpu.memory_space<vmem>>
            %dma_start3A_1281 = arith.constant 0 : i32
            %dma_start3A_1282 = arith.constant 0 : i32
            %dma_start3A_1283 = tpu.memref_slice %arg2[%dma_start3A_1281, %dma_start3A_1282] : memref<8192x2048xf32, #tpu.memory_space<hbm>> -> memref<8192x2048xf32, #tpu.memory_space<hbm>>
            tpu.enqueue_indirect_dma source(%dma_start3A_1283 : memref<8192x2048xf32, #tpu.memory_space<hbm>>) target(%arg7 : memref<8x2048xf32, #tpu.memory_space<vmem>>) offsets(%dma_start3A_1280 : memref<8xi32, #tpu.memory_space<vmem>>) semaphore(%arg16 : memref<!tpu.dma_semaphore, #tpu.memory_space<semaphore_mem>>)
          } else {
          }
          %ge3A_1275 = arith.cmpi sge, %sub3A_1270, %shift_right_arithmetic3A_1078 : i32
          %convert_element_type3A_1276 = arith.extui %ge3A_1275 : i1 to i32
          %cond3A_1277 = arith.constant 0 : i32
          %cond3A_1278 = arith.cmpi ne, %convert_element_type3A_1276, %cond3A_1277 : i32
          scf.if %cond3A_1278 {
            %sub3A_1279 = arith.subi %sub3A_1270, %shift_right_arithmetic3A_1078 : i32
            %dma_start3A = arith.constant 0 : i32
            %dma_start3A_1280 = tpu.memref_slice %arg12[%sub3A_1279, %dma_start3A] : memref<32x8xi32, #tpu.memory_space<vmem>> -> memref<1x8xi32, #tpu.memory_space<vmem>>
            %dma_start3A_1281 = tpu.memref_squeeze %dma_start3A_1280 : memref<1x8xi32, #tpu.memory_space<vmem>> -> memref<8xi32, #tpu.memory_space<vmem>>
            %dma_start3A_1282 = arith.constant 0 : i32
            %dma_start3A_1283 = arith.constant 0 : i32
            %dma_start3A_1284 = tpu.memref_slice %arg4[%dma_start3A_1282, %dma_start3A_1283] : memref<8192x2048xf32, #tpu.memory_space<hbm>> -> memref<8192x2048xf32, #tpu.memory_space<hbm>>
            tpu.enqueue_indirect_dma source(%dma_start3A_1284 : memref<8192x2048xf32, #tpu.memory_space<hbm>>) target(%arg7 : memref<8x2048xf32, #tpu.memory_space<vmem>>) offsets(%dma_start3A_1281 : memref<8xi32, #tpu.memory_space<vmem>>) semaphore(%arg16 : memref<!tpu.dma_semaphore, #tpu.memory_space<semaphore_mem>>)
          } else {
          }
        } else {
        }
        %dma_wait3A = arith.constant 0 : i32
        %dma_wait3A_1253 = arith.constant 0 : i32
        %dma_wait3A_1254 = tpu.memref_slice %arg14[%dma_wait3A, %dma_wait3A_1253] : memref<32x8xi32, #tpu.memory_space<vmem>> -> memref<1x8xi32, #tpu.memory_space<vmem>>
        %dma_wait3A_1255 = tpu.memref_squeeze %dma_wait3A_1254 : memref<1x8xi32, #tpu.memory_space<vmem>> -> memref<8xi32, #tpu.memory_space<vmem>>
        %dma_wait3A_1256 = arith.constant 0 : i32
        %dma_wait3A_1257 = arith.constant 0 : i32
        %dma_wait3A_1258 = tpu.memref_slice %arg2[%dma_wait3A_1256, %dma_wait3A_1257] : memref<8192x2048xf32, #tpu.memory_space<hbm>> -> memref<8192x2048xf32, #tpu.memory_space<hbm>>
        tpu.wait_indirect_dma semaphore(%arg17 : memref<!tpu.dma_semaphore, #tpu.memory_space<semaphore_mem>>) src(%dma_wait3A_1258 : memref<8192x2048xf32, #tpu.memory_space<hbm>>) dst(%arg8 : memref<8x2048xf32, #tpu.memory_space<vmem>>)
        %lt3A_1259 = arith.cmpi slt, %add3A_1211, %shift_right_arithmetic3A_1078 : i32
        %convert_element_type3A_1260 = arith.extui %lt3A_1259 : i1 to i32
        %cond3A_1261 = arith.constant 0 : i32
        %cond3A_1262 = arith.cmpi ne, %convert_element_type3A_1260, %cond3A_1261 : i32
        scf.if %cond3A_1262 {
          %dma_start3A = arith.constant 0 : i32
          %dma_start3A_1267 = tpu.memref_slice %arg15[%add3A_1211, %dma_start3A] : memref<32x8xi32, #tpu.memory_space<vmem>> -> memref<1x8xi32, #tpu.memory_space<vmem>>
          %dma_start3A_1268 = tpu.memref_squeeze %dma_start3A_1267 : memref<1x8xi32, #tpu.memory_space<vmem>> -> memref<8xi32, #tpu.memory_space<vmem>>
          %dma_start3A_1269 = arith.constant 0 : i32
          %dma_start3A_1270 = arith.constant 0 : i32
          %dma_start3A_1271 = tpu.memref_slice %arg5[%dma_start3A_1269, %dma_start3A_1270] : memref<8192x2048xf32, #tpu.memory_space<hbm>> -> memref<8192x2048xf32, #tpu.memory_space<hbm>>
          tpu.enqueue_indirect_dma source(%arg8 : memref<8x2048xf32, #tpu.memory_space<vmem>>) target(%dma_start3A_1271 : memref<8192x2048xf32, #tpu.memory_space<hbm>>) offsets(%dma_start3A_1268 : memref<8xi32, #tpu.memory_space<vmem>>) semaphore(%arg22 : memref<!tpu.dma_semaphore, #tpu.memory_space<semaphore_mem>>)
        } else {
        }
        %ge3A_1263 = arith.cmpi sge, %add3A_1211, %shift_right_arithmetic3A_1078 : i32
        %convert_element_type3A_1264 = arith.extui %ge3A_1263 : i1 to i32
        %cond3A_1265 = arith.constant 0 : i32
        %cond3A_1266 = arith.cmpi ne, %convert_element_type3A_1264, %cond3A_1265 : i32
        scf.if %cond3A_1266 {
          %sub3A_1267 = arith.subi %add3A_1211, %shift_right_arithmetic3A_1078 : i32
          %dma_start3A = arith.constant 0 : i32
          %dma_start3A_1268 = tpu.memref_slice %arg13[%sub3A_1267, %dma_start3A] : memref<32x8xi32, #tpu.memory_space<vmem>> -> memref<1x8xi32, #tpu.memory_space<vmem>>
          %dma_start3A_1269 = tpu.memref_squeeze %dma_start3A_1268 : memref<1x8xi32, #tpu.memory_space<vmem>> -> memref<8xi32, #tpu.memory_space<vmem>>
          %dma_start3A_1270 = arith.constant 0 : i32
          %dma_start3A_1271 = arith.constant 0 : i32
          %dma_start3A_1272 = tpu.memref_slice %arg5[%dma_start3A_1270, %dma_start3A_1271] : memref<8192x2048xf32, #tpu.memory_space<hbm>> -> memref<8192x2048xf32, #tpu.memory_space<hbm>>
          tpu.enqueue_indirect_dma source(%arg8 : memref<8x2048xf32, #tpu.memory_space<vmem>>) target(%dma_start3A_1272 : memref<8192x2048xf32, #tpu.memory_space<hbm>>) offsets(%dma_start3A_1269 : memref<8xi32, #tpu.memory_space<vmem>>) semaphore(%arg22 : memref<!tpu.dma_semaphore, #tpu.memory_space<semaphore_mem>>)
        } else {
        }
      } else {
      }
      %mul3A_1216 = arith.constant 5 : i32
      %mul3A_1217 = arith.muli %mul3A_1216, %while3A_1199 : i32
      %add3A_1218 = arith.constant 2 : i32
      %add3A_1219 = arith.addi %mul3A_1217, %add3A_1218 : i32
      %lt3A_1220 = arith.cmpi slt, %add3A_1219, %add3A_1079 : i32
      %convert_element_type3A_1221 = arith.extui %lt3A_1220 : i1 to i32
      %cond3A_1222 = arith.constant 0 : i32
      %cond3A_1223 = arith.cmpi ne, %convert_element_type3A_1221, %cond3A_1222 : i32
      scf.if %cond3A_1223 {
        %ge3A = arith.constant 1 : i32
        %ge3A_1241 = arith.cmpi sge, %add3A_1219, %ge3A : i32
        %convert_element_type3A_1242 = arith.extui %ge3A_1241 : i1 to i32
        %cond3A_1243 = arith.constant 0 : i32
        %cond3A_1244 = arith.cmpi ne, %convert_element_type3A_1242, %cond3A_1243 : i32
        scf.if %cond3A_1244 {
          %dma_wait3A_1267 = arith.constant 0 : i32
          %dma_wait3A_1268 = arith.constant 0 : i32
          %dma_wait3A_1269 = tpu.memref_slice %arg15[%dma_wait3A_1267, %dma_wait3A_1268] : memref<32x8xi32, #tpu.memory_space<vmem>> -> memref<1x8xi32, #tpu.memory_space<vmem>>
          %dma_wait3A_1270 = tpu.memref_squeeze %dma_wait3A_1269 : memref<1x8xi32, #tpu.memory_space<vmem>> -> memref<8xi32, #tpu.memory_space<vmem>>
          %dma_wait3A_1271 = arith.constant 0 : i32
          %dma_wait3A_1272 = arith.constant 0 : i32
          %dma_wait3A_1273 = tpu.memref_slice %arg5[%dma_wait3A_1271, %dma_wait3A_1272] : memref<8192x2048xf32, #tpu.memory_space<hbm>> -> memref<8192x2048xf32, #tpu.memory_space<hbm>>
          tpu.wait_indirect_dma semaphore(%arg22 : memref<!tpu.dma_semaphore, #tpu.memory_space<semaphore_mem>>) src(%arg8 : memref<8x2048xf32, #tpu.memory_space<vmem>>) dst(%dma_wait3A_1273 : memref<8192x2048xf32, #tpu.memory_space<hbm>>)
        } else {
        }
        %add3A_1245 = arith.constant 5 : i32
        %add3A_1246 = arith.addi %add3A_1219, %add3A_1245 : i32
        %sub3A_1247 = arith.constant 1 : i32
        %sub3A_1248 = arith.subi %add3A_1246, %sub3A_1247 : i32
        %lt3A_1249 = arith.cmpi slt, %sub3A_1248, %add3A_1079 : i32
        %convert_element_type3A_1250 = arith.extui %lt3A_1249 : i1 to i32
        %cond3A_1251 = arith.constant 0 : i32
        %cond3A_1252 = arith.cmpi ne, %convert_element_type3A_1250, %cond3A_1251 : i32
        scf.if %cond3A_1252 {
          %add3A_1267 = arith.constant 5 : i32
          %add3A_1268 = arith.addi %add3A_1219, %add3A_1267 : i32
          %sub3A_1269 = arith.constant 1 : i32
          %sub3A_1270 = arith.subi %add3A_1268, %sub3A_1269 : i32
          %lt3A_1271 = arith.cmpi slt, %sub3A_1270, %shift_right_arithmetic3A_1078 : i32
          %convert_element_type3A_1272 = arith.extui %lt3A_1271 : i1 to i32
          %cond3A_1273 = arith.constant 0 : i32
          %cond3A_1274 = arith.cmpi ne, %convert_element_type3A_1272, %cond3A_1273 : i32
          scf.if %cond3A_1274 {
            %dma_start3A = arith.constant 0 : i32
            %dma_start3A_1279 = tpu.memref_slice %arg14[%sub3A_1270, %dma_start3A] : memref<32x8xi32, #tpu.memory_space<vmem>> -> memref<1x8xi32, #tpu.memory_space<vmem>>
            %dma_start3A_1280 = tpu.memref_squeeze %dma_start3A_1279 : memref<1x8xi32, #tpu.memory_space<vmem>> -> memref<8xi32, #tpu.memory_space<vmem>>
            %dma_start3A_1281 = arith.constant 0 : i32
            %dma_start3A_1282 = arith.constant 0 : i32
            %dma_start3A_1283 = tpu.memref_slice %arg2[%dma_start3A_1281, %dma_start3A_1282] : memref<8192x2048xf32, #tpu.memory_space<hbm>> -> memref<8192x2048xf32, #tpu.memory_space<hbm>>
            tpu.enqueue_indirect_dma source(%dma_start3A_1283 : memref<8192x2048xf32, #tpu.memory_space<hbm>>) target(%arg8 : memref<8x2048xf32, #tpu.memory_space<vmem>>) offsets(%dma_start3A_1280 : memref<8xi32, #tpu.memory_space<vmem>>) semaphore(%arg17 : memref<!tpu.dma_semaphore, #tpu.memory_space<semaphore_mem>>)
          } else {
          }
          %ge3A_1275 = arith.cmpi sge, %sub3A_1270, %shift_right_arithmetic3A_1078 : i32
          %convert_element_type3A_1276 = arith.extui %ge3A_1275 : i1 to i32
          %cond3A_1277 = arith.constant 0 : i32
          %cond3A_1278 = arith.cmpi ne, %convert_element_type3A_1276, %cond3A_1277 : i32
          scf.if %cond3A_1278 {
            %sub3A_1279 = arith.subi %sub3A_1270, %shift_right_arithmetic3A_1078 : i32
            %dma_start3A = arith.constant 0 : i32
            %dma_start3A_1280 = tpu.memref_slice %arg12[%sub3A_1279, %dma_start3A] : memref<32x8xi32, #tpu.memory_space<vmem>> -> memref<1x8xi32, #tpu.memory_space<vmem>>
            %dma_start3A_1281 = tpu.memref_squeeze %dma_start3A_1280 : memref<1x8xi32, #tpu.memory_space<vmem>> -> memref<8xi32, #tpu.memory_space<vmem>>
            %dma_start3A_1282 = arith.constant 0 : i32
            %dma_start3A_1283 = arith.constant 0 : i32
            %dma_start3A_1284 = tpu.memref_slice %arg4[%dma_start3A_1282, %dma_start3A_1283] : memref<8192x2048xf32, #tpu.memory_space<hbm>> -> memref<8192x2048xf32, #tpu.memory_space<hbm>>
            tpu.enqueue_indirect_dma source(%dma_start3A_1284 : memref<8192x2048xf32, #tpu.memory_space<hbm>>) target(%arg8 : memref<8x2048xf32, #tpu.memory_space<vmem>>) offsets(%dma_start3A_1281 : memref<8xi32, #tpu.memory_space<vmem>>) semaphore(%arg17 : memref<!tpu.dma_semaphore, #tpu.memory_space<semaphore_mem>>)
          } else {
          }
        } else {
        }
        %dma_wait3A = arith.constant 0 : i32
        %dma_wait3A_1253 = arith.constant 0 : i32
        %dma_wait3A_1254 = tpu.memref_slice %arg14[%dma_wait3A, %dma_wait3A_1253] : memref<32x8xi32, #tpu.memory_space<vmem>> -> memref<1x8xi32, #tpu.memory_space<vmem>>
        %dma_wait3A_1255 = tpu.memref_squeeze %dma_wait3A_1254 : memref<1x8xi32, #tpu.memory_space<vmem>> -> memref<8xi32, #tpu.memory_space<vmem>>
        %dma_wait3A_1256 = arith.constant 0 : i32
        %dma_wait3A_1257 = arith.constant 0 : i32
        %dma_wait3A_1258 = tpu.memref_slice %arg2[%dma_wait3A_1256, %dma_wait3A_1257] : memref<8192x2048xf32, #tpu.memory_space<hbm>> -> memref<8192x2048xf32, #tpu.memory_space<hbm>>
        tpu.wait_indirect_dma semaphore(%arg18 : memref<!tpu.dma_semaphore, #tpu.memory_space<semaphore_mem>>) src(%dma_wait3A_1258 : memref<8192x2048xf32, #tpu.memory_space<hbm>>) dst(%arg9 : memref<8x2048xf32, #tpu.memory_space<vmem>>)
        %lt3A_1259 = arith.cmpi slt, %add3A_1219, %shift_right_arithmetic3A_1078 : i32
        %convert_element_type3A_1260 = arith.extui %lt3A_1259 : i1 to i32
        %cond3A_1261 = arith.constant 0 : i32
        %cond3A_1262 = arith.cmpi ne, %convert_element_type3A_1260, %cond3A_1261 : i32
        scf.if %cond3A_1262 {
          %dma_start3A = arith.constant 0 : i32
          %dma_start3A_1267 = tpu.memref_slice %arg15[%add3A_1219, %dma_start3A] : memref<32x8xi32, #tpu.memory_space<vmem>> -> memref<1x8xi32, #tpu.memory_space<vmem>>
          %dma_start3A_1268 = tpu.memref_squeeze %dma_start3A_1267 : memref<1x8xi32, #tpu.memory_space<vmem>> -> memref<8xi32, #tpu.memory_space<vmem>>
          %dma_start3A_1269 = arith.constant 0 : i32
          %dma_start3A_1270 = arith.constant 0 : i32
          %dma_start3A_1271 = tpu.memref_slice %arg5[%dma_start3A_1269, %dma_start3A_1270] : memref<8192x2048xf32, #tpu.memory_space<hbm>> -> memref<8192x2048xf32, #tpu.memory_space<hbm>>
          tpu.enqueue_indirect_dma source(%arg9 : memref<8x2048xf32, #tpu.memory_space<vmem>>) target(%dma_start3A_1271 : memref<8192x2048xf32, #tpu.memory_space<hbm>>) offsets(%dma_start3A_1268 : memref<8xi32, #tpu.memory_space<vmem>>) semaphore(%arg23 : memref<!tpu.dma_semaphore, #tpu.memory_space<semaphore_mem>>)
        } else {
        }
        %ge3A_1263 = arith.cmpi sge, %add3A_1219, %shift_right_arithmetic3A_1078 : i32
        %convert_element_type3A_1264 = arith.extui %ge3A_1263 : i1 to i32
        %cond3A_1265 = arith.constant 0 : i32
        %cond3A_1266 = arith.cmpi ne, %convert_element_type3A_1264, %cond3A_1265 : i32
        scf.if %cond3A_1266 {
          %sub3A_1267 = arith.subi %add3A_1219, %shift_right_arithmetic3A_1078 : i32
          %dma_start3A = arith.constant 0 : i32
          %dma_start3A_1268 = tpu.memref_slice %arg13[%sub3A_1267, %dma_start3A] : memref<32x8xi32, #tpu.memory_space<vmem>> -> memref<1x8xi32, #tpu.memory_space<vmem>>
          %dma_start3A_1269 = tpu.memref_squeeze %dma_start3A_1268 : memref<1x8xi32, #tpu.memory_space<vmem>> -> memref<8xi32, #tpu.memory_space<vmem>>
          %dma_start3A_1270 = arith.constant 0 : i32
          %dma_start3A_1271 = arith.constant 0 : i32
          %dma_start3A_1272 = tpu.memref_slice %arg5[%dma_start3A_1270, %dma_start3A_1271] : memref<8192x2048xf32, #tpu.memory_space<hbm>> -> memref<8192x2048xf32, #tpu.memory_space<hbm>>
          tpu.enqueue_indirect_dma source(%arg9 : memref<8x2048xf32, #tpu.memory_space<vmem>>) target(%dma_start3A_1272 : memref<8192x2048xf32, #tpu.memory_space<hbm>>) offsets(%dma_start3A_1269 : memref<8xi32, #tpu.memory_space<vmem>>) semaphore(%arg23 : memref<!tpu.dma_semaphore, #tpu.memory_space<semaphore_mem>>)
        } else {
        }
      } else {
      }
      %mul3A_1224 = arith.constant 5 : i32
      %mul3A_1225 = arith.muli %mul3A_1224, %while3A_1199 : i32
      %add3A_1226 = arith.constant 3 : i32
      %add3A_1227 = arith.addi %mul3A_1225, %add3A_1226 : i32
      %lt3A_1228 = arith.cmpi slt, %add3A_1227, %add3A_1079 : i32
      %convert_element_type3A_1229 = arith.extui %lt3A_1228 : i1 to i32
      %cond3A_1230 = arith.constant 0 : i32
      %cond3A_1231 = arith.cmpi ne, %convert_element_type3A_1229, %cond3A_1230 : i32
      scf.if %cond3A_1231 {
        %ge3A = arith.constant 1 : i32
        %ge3A_1241 = arith.cmpi sge, %add3A_1227, %ge3A : i32
        %convert_element_type3A_1242 = arith.extui %ge3A_1241 : i1 to i32
        %cond3A_1243 = arith.constant 0 : i32
        %cond3A_1244 = arith.cmpi ne, %convert_element_type3A_1242, %cond3A_1243 : i32
        scf.if %cond3A_1244 {
          %dma_wait3A_1267 = arith.constant 0 : i32
          %dma_wait3A_1268 = arith.constant 0 : i32
          %dma_wait3A_1269 = tpu.memref_slice %arg15[%dma_wait3A_1267, %dma_wait3A_1268] : memref<32x8xi32, #tpu.memory_space<vmem>> -> memref<1x8xi32, #tpu.memory_space<vmem>>
          %dma_wait3A_1270 = tpu.memref_squeeze %dma_wait3A_1269 : memref<1x8xi32, #tpu.memory_space<vmem>> -> memref<8xi32, #tpu.memory_space<vmem>>
          %dma_wait3A_1271 = arith.constant 0 : i32
          %dma_wait3A_1272 = arith.constant 0 : i32
          %dma_wait3A_1273 = tpu.memref_slice %arg5[%dma_wait3A_1271, %dma_wait3A_1272] : memref<8192x2048xf32, #tpu.memory_space<hbm>> -> memref<8192x2048xf32, #tpu.memory_space<hbm>>
          tpu.wait_indirect_dma semaphore(%arg23 : memref<!tpu.dma_semaphore, #tpu.memory_space<semaphore_mem>>) src(%arg9 : memref<8x2048xf32, #tpu.memory_space<vmem>>) dst(%dma_wait3A_1273 : memref<8192x2048xf32, #tpu.memory_space<hbm>>)
        } else {
        }
        %add3A_1245 = arith.constant 5 : i32
        %add3A_1246 = arith.addi %add3A_1227, %add3A_1245 : i32
        %sub3A_1247 = arith.constant 1 : i32
        %sub3A_1248 = arith.subi %add3A_1246, %sub3A_1247 : i32
        %lt3A_1249 = arith.cmpi slt, %sub3A_1248, %add3A_1079 : i32
        %convert_element_type3A_1250 = arith.extui %lt3A_1249 : i1 to i32
        %cond3A_1251 = arith.constant 0 : i32
        %cond3A_1252 = arith.cmpi ne, %convert_element_type3A_1250, %cond3A_1251 : i32
        scf.if %cond3A_1252 {
          %add3A_1267 = arith.constant 5 : i32
          %add3A_1268 = arith.addi %add3A_1227, %add3A_1267 : i32
          %sub3A_1269 = arith.constant 1 : i32
          %sub3A_1270 = arith.subi %add3A_1268, %sub3A_1269 : i32
          %lt3A_1271 = arith.cmpi slt, %sub3A_1270, %shift_right_arithmetic3A_1078 : i32
          %convert_element_type3A_1272 = arith.extui %lt3A_1271 : i1 to i32
          %cond3A_1273 = arith.constant 0 : i32
          %cond3A_1274 = arith.cmpi ne, %convert_element_type3A_1272, %cond3A_1273 : i32
          scf.if %cond3A_1274 {
            %dma_start3A = arith.constant 0 : i32
            %dma_start3A_1279 = tpu.memref_slice %arg14[%sub3A_1270, %dma_start3A] : memref<32x8xi32, #tpu.memory_space<vmem>> -> memref<1x8xi32, #tpu.memory_space<vmem>>
            %dma_start3A_1280 = tpu.memref_squeeze %dma_start3A_1279 : memref<1x8xi32, #tpu.memory_space<vmem>> -> memref<8xi32, #tpu.memory_space<vmem>>
            %dma_start3A_1281 = arith.constant 0 : i32
            %dma_start3A_1282 = arith.constant 0 : i32
            %dma_start3A_1283 = tpu.memref_slice %arg2[%dma_start3A_1281, %dma_start3A_1282] : memref<8192x2048xf32, #tpu.memory_space<hbm>> -> memref<8192x2048xf32, #tpu.memory_space<hbm>>
            tpu.enqueue_indirect_dma source(%dma_start3A_1283 : memref<8192x2048xf32, #tpu.memory_space<hbm>>) target(%arg9 : memref<8x2048xf32, #tpu.memory_space<vmem>>) offsets(%dma_start3A_1280 : memref<8xi32, #tpu.memory_space<vmem>>) semaphore(%arg18 : memref<!tpu.dma_semaphore, #tpu.memory_space<semaphore_mem>>)
          } else {
          }
          %ge3A_1275 = arith.cmpi sge, %sub3A_1270, %shift_right_arithmetic3A_1078 : i32
          %convert_element_type3A_1276 = arith.extui %ge3A_1275 : i1 to i32
          %cond3A_1277 = arith.constant 0 : i32
          %cond3A_1278 = arith.cmpi ne, %convert_element_type3A_1276, %cond3A_1277 : i32
          scf.if %cond3A_1278 {
            %sub3A_1279 = arith.subi %sub3A_1270, %shift_right_arithmetic3A_1078 : i32
            %dma_start3A = arith.constant 0 : i32
            %dma_start3A_1280 = tpu.memref_slice %arg12[%sub3A_1279, %dma_start3A] : memref<32x8xi32, #tpu.memory_space<vmem>> -> memref<1x8xi32, #tpu.memory_space<vmem>>
            %dma_start3A_1281 = tpu.memref_squeeze %dma_start3A_1280 : memref<1x8xi32, #tpu.memory_space<vmem>> -> memref<8xi32, #tpu.memory_space<vmem>>
            %dma_start3A_1282 = arith.constant 0 : i32
            %dma_start3A_1283 = arith.constant 0 : i32
            %dma_start3A_1284 = tpu.memref_slice %arg4[%dma_start3A_1282, %dma_start3A_1283] : memref<8192x2048xf32, #tpu.memory_space<hbm>> -> memref<8192x2048xf32, #tpu.memory_space<hbm>>
            tpu.enqueue_indirect_dma source(%dma_start3A_1284 : memref<8192x2048xf32, #tpu.memory_space<hbm>>) target(%arg9 : memref<8x2048xf32, #tpu.memory_space<vmem>>) offsets(%dma_start3A_1281 : memref<8xi32, #tpu.memory_space<vmem>>) semaphore(%arg18 : memref<!tpu.dma_semaphore, #tpu.memory_space<semaphore_mem>>)
          } else {
          }
        } else {
        }
        %dma_wait3A = arith.constant 0 : i32
        %dma_wait3A_1253 = arith.constant 0 : i32
        %dma_wait3A_1254 = tpu.memref_slice %arg14[%dma_wait3A, %dma_wait3A_1253] : memref<32x8xi32, #tpu.memory_space<vmem>> -> memref<1x8xi32, #tpu.memory_space<vmem>>
        %dma_wait3A_1255 = tpu.memref_squeeze %dma_wait3A_1254 : memref<1x8xi32, #tpu.memory_space<vmem>> -> memref<8xi32, #tpu.memory_space<vmem>>
        %dma_wait3A_1256 = arith.constant 0 : i32
        %dma_wait3A_1257 = arith.constant 0 : i32
        %dma_wait3A_1258 = tpu.memref_slice %arg2[%dma_wait3A_1256, %dma_wait3A_1257] : memref<8192x2048xf32, #tpu.memory_space<hbm>> -> memref<8192x2048xf32, #tpu.memory_space<hbm>>
        tpu.wait_indirect_dma semaphore(%arg19 : memref<!tpu.dma_semaphore, #tpu.memory_space<semaphore_mem>>) src(%dma_wait3A_1258 : memref<8192x2048xf32, #tpu.memory_space<hbm>>) dst(%arg10 : memref<8x2048xf32, #tpu.memory_space<vmem>>)
        %lt3A_1259 = arith.cmpi slt, %add3A_1227, %shift_right_arithmetic3A_1078 : i32
        %convert_element_type3A_1260 = arith.extui %lt3A_1259 : i1 to i32
        %cond3A_1261 = arith.constant 0 : i32
        %cond3A_1262 = arith.cmpi ne, %convert_element_type3A_1260, %cond3A_1261 : i32
        scf.if %cond3A_1262 {
          %dma_start3A = arith.constant 0 : i32
          %dma_start3A_1267 = tpu.memref_slice %arg15[%add3A_1227, %dma_start3A] : memref<32x8xi32, #tpu.memory_space<vmem>> -> memref<1x8xi32, #tpu.memory_space<vmem>>
          %dma_start3A_1268 = tpu.memref_squeeze %dma_start3A_1267 : memref<1x8xi32, #tpu.memory_space<vmem>> -> memref<8xi32, #tpu.memory_space<vmem>>
          %dma_start3A_1269 = arith.constant 0 : i32
          %dma_start3A_1270 = arith.constant 0 : i32
          %dma_start3A_1271 = tpu.memref_slice %arg5[%dma_start3A_1269, %dma_start3A_1270] : memref<8192x2048xf32, #tpu.memory_space<hbm>> -> memref<8192x2048xf32, #tpu.memory_space<hbm>>
          tpu.enqueue_indirect_dma source(%arg10 : memref<8x2048xf32, #tpu.memory_space<vmem>>) target(%dma_start3A_1271 : memref<8192x2048xf32, #tpu.memory_space<hbm>>) offsets(%dma_start3A_1268 : memref<8xi32, #tpu.memory_space<vmem>>) semaphore(%arg24 : memref<!tpu.dma_semaphore, #tpu.memory_space<semaphore_mem>>)
        } else {
        }
        %ge3A_1263 = arith.cmpi sge, %add3A_1227, %shift_right_arithmetic3A_1078 : i32
        %convert_element_type3A_1264 = arith.extui %ge3A_1263 : i1 to i32
        %cond3A_1265 = arith.constant 0 : i32
        %cond3A_1266 = arith.cmpi ne, %convert_element_type3A_1264, %cond3A_1265 : i32
        scf.if %cond3A_1266 {
          %sub3A_1267 = arith.subi %add3A_1227, %shift_right_arithmetic3A_1078 : i32
          %dma_start3A = arith.constant 0 : i32
          %dma_start3A_1268 = tpu.memref_slice %arg13[%sub3A_1267, %dma_start3A] : memref<32x8xi32, #tpu.memory_space<vmem>> -> memref<1x8xi32, #tpu.memory_space<vmem>>
          %dma_start3A_1269 = tpu.memref_squeeze %dma_start3A_1268 : memref<1x8xi32, #tpu.memory_space<vmem>> -> memref<8xi32, #tpu.memory_space<vmem>>
          %dma_start3A_1270 = arith.constant 0 : i32
          %dma_start3A_1271 = arith.constant 0 : i32
          %dma_start3A_1272 = tpu.memref_slice %arg5[%dma_start3A_1270, %dma_start3A_1271] : memref<8192x2048xf32, #tpu.memory_space<hbm>> -> memref<8192x2048xf32, #tpu.memory_space<hbm>>
          tpu.enqueue_indirect_dma source(%arg10 : memref<8x2048xf32, #tpu.memory_space<vmem>>) target(%dma_start3A_1272 : memref<8192x2048xf32, #tpu.memory_space<hbm>>) offsets(%dma_start3A_1269 : memref<8xi32, #tpu.memory_space<vmem>>) semaphore(%arg24 : memref<!tpu.dma_semaphore, #tpu.memory_space<semaphore_mem>>)
        } else {
        }
      } else {
      }
      %mul3A_1232 = arith.constant 5 : i32
      %mul3A_1233 = arith.muli %mul3A_1232, %while3A_1199 : i32
      %add3A_1234 = arith.constant 4 : i32
      %add3A_1235 = arith.addi %mul3A_1233, %add3A_1234 : i32
      %lt3A_1236 = arith.cmpi slt, %add3A_1235, %add3A_1079 : i32
      %convert_element_type3A_1237 = arith.extui %lt3A_1236 : i1 to i32
      %cond3A_1238 = arith.constant 0 : i32
      %cond3A_1239 = arith.cmpi ne, %convert_element_type3A_1237, %cond3A_1238 : i32
      scf.if %cond3A_1239 {
        %ge3A = arith.constant 1 : i32
        %ge3A_1241 = arith.cmpi sge, %add3A_1235, %ge3A : i32
        %convert_element_type3A_1242 = arith.extui %ge3A_1241 : i1 to i32
        %cond3A_1243 = arith.constant 0 : i32
        %cond3A_1244 = arith.cmpi ne, %convert_element_type3A_1242, %cond3A_1243 : i32
        scf.if %cond3A_1244 {
          %dma_wait3A_1267 = arith.constant 0 : i32
          %dma_wait3A_1268 = arith.constant 0 : i32
          %dma_wait3A_1269 = tpu.memref_slice %arg15[%dma_wait3A_1267, %dma_wait3A_1268] : memref<32x8xi32, #tpu.memory_space<vmem>> -> memref<1x8xi32, #tpu.memory_space<vmem>>
          %dma_wait3A_1270 = tpu.memref_squeeze %dma_wait3A_1269 : memref<1x8xi32, #tpu.memory_space<vmem>> -> memref<8xi32, #tpu.memory_space<vmem>>
          %dma_wait3A_1271 = arith.constant 0 : i32
          %dma_wait3A_1272 = arith.constant 0 : i32
          %dma_wait3A_1273 = tpu.memref_slice %arg5[%dma_wait3A_1271, %dma_wait3A_1272] : memref<8192x2048xf32, #tpu.memory_space<hbm>> -> memref<8192x2048xf32, #tpu.memory_space<hbm>>
          tpu.wait_indirect_dma semaphore(%arg24 : memref<!tpu.dma_semaphore, #tpu.memory_space<semaphore_mem>>) src(%arg10 : memref<8x2048xf32, #tpu.memory_space<vmem>>) dst(%dma_wait3A_1273 : memref<8192x2048xf32, #tpu.memory_space<hbm>>)
        } else {
        }
        %add3A_1245 = arith.constant 5 : i32
        %add3A_1246 = arith.addi %add3A_1235, %add3A_1245 : i32
        %sub3A_1247 = arith.constant 1 : i32
        %sub3A_1248 = arith.subi %add3A_1246, %sub3A_1247 : i32
        %lt3A_1249 = arith.cmpi slt, %sub3A_1248, %add3A_1079 : i32
        %convert_element_type3A_1250 = arith.extui %lt3A_1249 : i1 to i32
        %cond3A_1251 = arith.constant 0 : i32
        %cond3A_1252 = arith.cmpi ne, %convert_element_type3A_1250, %cond3A_1251 : i32
        scf.if %cond3A_1252 {
          %add3A_1267 = arith.constant 5 : i32
          %add3A_1268 = arith.addi %add3A_1235, %add3A_1267 : i32
          %sub3A_1269 = arith.constant 1 : i32
          %sub3A_1270 = arith.subi %add3A_1268, %sub3A_1269 : i32
          %lt3A_1271 = arith.cmpi slt, %sub3A_1270, %shift_right_arithmetic3A_1078 : i32
          %convert_element_type3A_1272 = arith.extui %lt3A_1271 : i1 to i32
          %cond3A_1273 = arith.constant 0 : i32
          %cond3A_1274 = arith.cmpi ne, %convert_element_type3A_1272, %cond3A_1273 : i32
          scf.if %cond3A_1274 {
            %dma_start3A = arith.constant 0 : i32
            %dma_start3A_1279 = tpu.memref_slice %arg14[%sub3A_1270, %dma_start3A] : memref<32x8xi32, #tpu.memory_space<vmem>> -> memref<1x8xi32, #tpu.memory_space<vmem>>
            %dma_start3A_1280 = tpu.memref_squeeze %dma_start3A_1279 : memref<1x8xi32, #tpu.memory_space<vmem>> -> memref<8xi32, #tpu.memory_space<vmem>>
            %dma_start3A_1281 = arith.constant 0 : i32
            %dma_start3A_1282 = arith.constant 0 : i32
            %dma_start3A_1283 = tpu.memref_slice %arg2[%dma_start3A_1281, %dma_start3A_1282] : memref<8192x2048xf32, #tpu.memory_space<hbm>> -> memref<8192x2048xf32, #tpu.memory_space<hbm>>
            tpu.enqueue_indirect_dma source(%dma_start3A_1283 : memref<8192x2048xf32, #tpu.memory_space<hbm>>) target(%arg10 : memref<8x2048xf32, #tpu.memory_space<vmem>>) offsets(%dma_start3A_1280 : memref<8xi32, #tpu.memory_space<vmem>>) semaphore(%arg19 : memref<!tpu.dma_semaphore, #tpu.memory_space<semaphore_mem>>)
          } else {
          }
          %ge3A_1275 = arith.cmpi sge, %sub3A_1270, %shift_right_arithmetic3A_1078 : i32
          %convert_element_type3A_1276 = arith.extui %ge3A_1275 : i1 to i32
          %cond3A_1277 = arith.constant 0 : i32
          %cond3A_1278 = arith.cmpi ne, %convert_element_type3A_1276, %cond3A_1277 : i32
          scf.if %cond3A_1278 {
            %sub3A_1279 = arith.subi %sub3A_1270, %shift_right_arithmetic3A_1078 : i32
            %dma_start3A = arith.constant 0 : i32
            %dma_start3A_1280 = tpu.memref_slice %arg12[%sub3A_1279, %dma_start3A] : memref<32x8xi32, #tpu.memory_space<vmem>> -> memref<1x8xi32, #tpu.memory_space<vmem>>
            %dma_start3A_1281 = tpu.memref_squeeze %dma_start3A_1280 : memref<1x8xi32, #tpu.memory_space<vmem>> -> memref<8xi32, #tpu.memory_space<vmem>>
            %dma_start3A_1282 = arith.constant 0 : i32
            %dma_start3A_1283 = arith.constant 0 : i32
            %dma_start3A_1284 = tpu.memref_slice %arg4[%dma_start3A_1282, %dma_start3A_1283] : memref<8192x2048xf32, #tpu.memory_space<hbm>> -> memref<8192x2048xf32, #tpu.memory_space<hbm>>
            tpu.enqueue_indirect_dma source(%dma_start3A_1284 : memref<8192x2048xf32, #tpu.memory_space<hbm>>) target(%arg10 : memref<8x2048xf32, #tpu.memory_space<vmem>>) offsets(%dma_start3A_1281 : memref<8xi32, #tpu.memory_space<vmem>>) semaphore(%arg19 : memref<!tpu.dma_semaphore, #tpu.memory_space<semaphore_mem>>)
          } else {
          }
        } else {
        }
        %dma_wait3A = arith.constant 0 : i32
        %dma_wait3A_1253 = arith.constant 0 : i32
        %dma_wait3A_1254 = tpu.memref_slice %arg14[%dma_wait3A, %dma_wait3A_1253] : memref<32x8xi32, #tpu.memory_space<vmem>> -> memref<1x8xi32, #tpu.memory_space<vmem>>
        %dma_wait3A_1255 = tpu.memref_squeeze %dma_wait3A_1254 : memref<1x8xi32, #tpu.memory_space<vmem>> -> memref<8xi32, #tpu.memory_space<vmem>>
        %dma_wait3A_1256 = arith.constant 0 : i32
        %dma_wait3A_1257 = arith.constant 0 : i32
        %dma_wait3A_1258 = tpu.memref_slice %arg2[%dma_wait3A_1256, %dma_wait3A_1257] : memref<8192x2048xf32, #tpu.memory_space<hbm>> -> memref<8192x2048xf32, #tpu.memory_space<hbm>>
        tpu.wait_indirect_dma semaphore(%arg20 : memref<!tpu.dma_semaphore, #tpu.memory_space<semaphore_mem>>) src(%dma_wait3A_1258 : memref<8192x2048xf32, #tpu.memory_space<hbm>>) dst(%arg11 : memref<8x2048xf32, #tpu.memory_space<vmem>>)
        %lt3A_1259 = arith.cmpi slt, %add3A_1235, %shift_right_arithmetic3A_1078 : i32
        %convert_element_type3A_1260 = arith.extui %lt3A_1259 : i1 to i32
        %cond3A_1261 = arith.constant 0 : i32
        %cond3A_1262 = arith.cmpi ne, %convert_element_type3A_1260, %cond3A_1261 : i32
        scf.if %cond3A_1262 {
          %dma_start3A = arith.constant 0 : i32
          %dma_start3A_1267 = tpu.memref_slice %arg15[%add3A_1235, %dma_start3A] : memref<32x8xi32, #tpu.memory_space<vmem>> -> memref<1x8xi32, #tpu.memory_space<vmem>>
          %dma_start3A_1268 = tpu.memref_squeeze %dma_start3A_1267 : memref<1x8xi32, #tpu.memory_space<vmem>> -> memref<8xi32, #tpu.memory_space<vmem>>
          %dma_start3A_1269 = arith.constant 0 : i32
          %dma_start3A_1270 = arith.constant 0 : i32
          %dma_start3A_1271 = tpu.memref_slice %arg5[%dma_start3A_1269, %dma_start3A_1270] : memref<8192x2048xf32, #tpu.memory_space<hbm>> -> memref<8192x2048xf32, #tpu.memory_space<hbm>>
          tpu.enqueue_indirect_dma source(%arg11 : memref<8x2048xf32, #tpu.memory_space<vmem>>) target(%dma_start3A_1271 : memref<8192x2048xf32, #tpu.memory_space<hbm>>) offsets(%dma_start3A_1268 : memref<8xi32, #tpu.memory_space<vmem>>) semaphore(%arg25 : memref<!tpu.dma_semaphore, #tpu.memory_space<semaphore_mem>>)
        } else {
        }
        %ge3A_1263 = arith.cmpi sge, %add3A_1235, %shift_right_arithmetic3A_1078 : i32
        %convert_element_type3A_1264 = arith.extui %ge3A_1263 : i1 to i32
        %cond3A_1265 = arith.constant 0 : i32
        %cond3A_1266 = arith.cmpi ne, %convert_element_type3A_1264, %cond3A_1265 : i32
        scf.if %cond3A_1266 {
          %sub3A_1267 = arith.subi %add3A_1235, %shift_right_arithmetic3A_1078 : i32
          %dma_start3A = arith.constant 0 : i32
          %dma_start3A_1268 = tpu.memref_slice %arg13[%sub3A_1267, %dma_start3A] : memref<32x8xi32, #tpu.memory_space<vmem>> -> memref<1x8xi32, #tpu.memory_space<vmem>>
          %dma_start3A_1269 = tpu.memref_squeeze %dma_start3A_1268 : memref<1x8xi32, #tpu.memory_space<vmem>> -> memref<8xi32, #tpu.memory_space<vmem>>
          %dma_start3A_1270 = arith.constant 0 : i32
          %dma_start3A_1271 = arith.constant 0 : i32
          %dma_start3A_1272 = tpu.memref_slice %arg5[%dma_start3A_1270, %dma_start3A_1271] : memref<8192x2048xf32, #tpu.memory_space<hbm>> -> memref<8192x2048xf32, #tpu.memory_space<hbm>>
          tpu.enqueue_indirect_dma source(%arg11 : memref<8x2048xf32, #tpu.memory_space<vmem>>) target(%dma_start3A_1272 : memref<8192x2048xf32, #tpu.memory_space<hbm>>) offsets(%dma_start3A_1269 : memref<8xi32, #tpu.memory_space<vmem>>) semaphore(%arg25 : memref<!tpu.dma_semaphore, #tpu.memory_space<semaphore_mem>>)
        } else {
        }
      } else {
      }
      %while3A_1240 = arith.constant 0 : i32
      scf.yield %while3A_1240 : i32
    }
    %sub3A_1155 = arith.constant 1 : i32
    %sub3A_1156 = arith.subi %add3A_1079, %sub3A_1155 : i32
    %rem3A_1157 = arith.constant 5 : i32
    %rem3A_1158 = arith.remsi %sub3A_1156, %rem3A_1157 : i32
    %eq3A = arith.constant 0 : i32
    %eq3A_1159 = arith.cmpi eq, %rem3A_1158, %eq3A : i32
    %convert_element_type3A_1160 = arith.extui %eq3A_1159 : i1 to i32
    %cond3A_1161 = arith.constant 0 : i32
    %cond3A_1162 = arith.cmpi ne, %convert_element_type3A_1160, %cond3A_1161 : i32
    scf.if %cond3A_1162 {
      %dma_wait3A = arith.constant 0 : i32
      %dma_wait3A_1199 = arith.constant 0 : i32
      %dma_wait3A_1200 = tpu.memref_slice %arg15[%dma_wait3A, %dma_wait3A_1199] : memref<32x8xi32, #tpu.memory_space<vmem>> -> memref<1x8xi32, #tpu.memory_space<vmem>>
      %dma_wait3A_1201 = tpu.memref_squeeze %dma_wait3A_1200 : memref<1x8xi32, #tpu.memory_space<vmem>> -> memref<8xi32, #tpu.memory_space<vmem>>
      %dma_wait3A_1202 = arith.constant 0 : i32
      %dma_wait3A_1203 = arith.constant 0 : i32
      %dma_wait3A_1204 = tpu.memref_slice %arg5[%dma_wait3A_1202, %dma_wait3A_1203] : memref<8192x2048xf32, #tpu.memory_space<hbm>> -> memref<8192x2048xf32, #tpu.memory_space<hbm>>
      tpu.wait_indirect_dma semaphore(%arg21 : memref<!tpu.dma_semaphore, #tpu.memory_space<semaphore_mem>>) src(%arg7 : memref<8x2048xf32, #tpu.memory_space<vmem>>) dst(%dma_wait3A_1204 : memref<8192x2048xf32, #tpu.memory_space<hbm>>)
    } else {
    }
    %sub3A_1163 = arith.constant 1 : i32
    %sub3A_1164 = arith.subi %add3A_1079, %sub3A_1163 : i32
    %rem3A_1165 = arith.constant 5 : i32
    %rem3A_1166 = arith.remsi %sub3A_1164, %rem3A_1165 : i32
    %eq3A_1167 = arith.constant 1 : i32
    %eq3A_1168 = arith.cmpi eq, %rem3A_1166, %eq3A_1167 : i32
    %convert_element_type3A_1169 = arith.extui %eq3A_1168 : i1 to i32
    %cond3A_1170 = arith.constant 0 : i32
    %cond3A_1171 = arith.cmpi ne, %convert_element_type3A_1169, %cond3A_1170 : i32
    scf.if %cond3A_1171 {
      %dma_wait3A = arith.constant 0 : i32
      %dma_wait3A_1199 = arith.constant 0 : i32
      %dma_wait3A_1200 = tpu.memref_slice %arg15[%dma_wait3A, %dma_wait3A_1199] : memref<32x8xi32, #tpu.memory_space<vmem>> -> memref<1x8xi32, #tpu.memory_space<vmem>>
      %dma_wait3A_1201 = tpu.memref_squeeze %dma_wait3A_1200 : memref<1x8xi32, #tpu.memory_space<vmem>> -> memref<8xi32, #tpu.memory_space<vmem>>
      %dma_wait3A_1202 = arith.constant 0 : i32
      %dma_wait3A_1203 = arith.constant 0 : i32
      %dma_wait3A_1204 = tpu.memref_slice %arg5[%dma_wait3A_1202, %dma_wait3A_1203] : memref<8192x2048xf32, #tpu.memory_space<hbm>> -> memref<8192x2048xf32, #tpu.memory_space<hbm>>
      tpu.wait_indirect_dma semaphore(%arg22 : memref<!tpu.dma_semaphore, #tpu.memory_space<semaphore_mem>>) src(%arg8 : memref<8x2048xf32, #tpu.memory_space<vmem>>) dst(%dma_wait3A_1204 : memref<8192x2048xf32, #tpu.memory_space<hbm>>)
    } else {
    }
    %sub3A_1172 = arith.constant 1 : i32
    %sub3A_1173 = arith.subi %add3A_1079, %sub3A_1172 : i32
    %rem3A_1174 = arith.constant 5 : i32
    %rem3A_1175 = arith.remsi %sub3A_1173, %rem3A_1174 : i32
    %eq3A_1176 = arith.constant 2 : i32
    %eq3A_1177 = arith.cmpi eq, %rem3A_1175, %eq3A_1176 : i32
    %convert_element_type3A_1178 = arith.extui %eq3A_1177 : i1 to i32
    %cond3A_1179 = arith.constant 0 : i32
    %cond3A_1180 = arith.cmpi ne, %convert_element_type3A_1178, %cond3A_1179 : i32
    scf.if %cond3A_1180 {
      %dma_wait3A = arith.constant 0 : i32
      %dma_wait3A_1199 = arith.constant 0 : i32
      %dma_wait3A_1200 = tpu.memref_slice %arg15[%dma_wait3A, %dma_wait3A_1199] : memref<32x8xi32, #tpu.memory_space<vmem>> -> memref<1x8xi32, #tpu.memory_space<vmem>>
      %dma_wait3A_1201 = tpu.memref_squeeze %dma_wait3A_1200 : memref<1x8xi32, #tpu.memory_space<vmem>> -> memref<8xi32, #tpu.memory_space<vmem>>
      %dma_wait3A_1202 = arith.constant 0 : i32
      %dma_wait3A_1203 = arith.constant 0 : i32
      %dma_wait3A_1204 = tpu.memref_slice %arg5[%dma_wait3A_1202, %dma_wait3A_1203] : memref<8192x2048xf32, #tpu.memory_space<hbm>> -> memref<8192x2048xf32, #tpu.memory_space<hbm>>
      tpu.wait_indirect_dma semaphore(%arg23 : memref<!tpu.dma_semaphore, #tpu.memory_space<semaphore_mem>>) src(%arg9 : memref<8x2048xf32, #tpu.memory_space<vmem>>) dst(%dma_wait3A_1204 : memref<8192x2048xf32, #tpu.memory_space<hbm>>)
    } else {
    }
    %sub3A_1181 = arith.constant 1 : i32
    %sub3A_1182 = arith.subi %add3A_1079, %sub3A_1181 : i32
    %rem3A_1183 = arith.constant 5 : i32
    %rem3A_1184 = arith.remsi %sub3A_1182, %rem3A_1183 : i32
    %eq3A_1185 = arith.constant 3 : i32
    %eq3A_1186 = arith.cmpi eq, %rem3A_1184, %eq3A_1185 : i32
    %convert_element_type3A_1187 = arith.extui %eq3A_1186 : i1 to i32
    %cond3A_1188 = arith.constant 0 : i32
    %cond3A_1189 = arith.cmpi ne, %convert_element_type3A_1187, %cond3A_1188 : i32
    scf.if %cond3A_1189 {
      %dma_wait3A = arith.constant 0 : i32
      %dma_wait3A_1199 = arith.constant 0 : i32
      %dma_wait3A_1200 = tpu.memref_slice %arg15[%dma_wait3A, %dma_wait3A_1199] : memref<32x8xi32, #tpu.memory_space<vmem>> -> memref<1x8xi32, #tpu.memory_space<vmem>>
      %dma_wait3A_1201 = tpu.memref_squeeze %dma_wait3A_1200 : memref<1x8xi32, #tpu.memory_space<vmem>> -> memref<8xi32, #tpu.memory_space<vmem>>
      %dma_wait3A_1202 = arith.constant 0 : i32
      %dma_wait3A_1203 = arith.constant 0 : i32
      %dma_wait3A_1204 = tpu.memref_slice %arg5[%dma_wait3A_1202, %dma_wait3A_1203] : memref<8192x2048xf32, #tpu.memory_space<hbm>> -> memref<8192x2048xf32, #tpu.memory_space<hbm>>
      tpu.wait_indirect_dma semaphore(%arg24 : memref<!tpu.dma_semaphore, #tpu.memory_space<semaphore_mem>>) src(%arg10 : memref<8x2048xf32, #tpu.memory_space<vmem>>) dst(%dma_wait3A_1204 : memref<8192x2048xf32, #tpu.memory_space<hbm>>)
    } else {
    }
    %sub3A_1190 = arith.constant 1 : i32
    %sub3A_1191 = arith.subi %add3A_1079, %sub3A_1190 : i32
    %rem3A_1192 = arith.constant 5 : i32
    %rem3A_1193 = arith.remsi %sub3A_1191, %rem3A_1192 : i32
    %eq3A_1194 = arith.constant 4 : i32
    %eq3A_1195 = arith.cmpi eq, %rem3A_1193, %eq3A_1194 : i32
    %convert_element_type3A_1196 = arith.extui %eq3A_1195 : i1 to i32
    %cond3A_1197 = arith.constant 0 : i32
    %cond3A_1198 = arith.cmpi ne, %convert_element_type3A_1196, %cond3A_1197 : i32
    scf.if %cond3A_1198 {
      %dma_wait3A = arith.constant 0 : i32
      %dma_wait3A_1199 = arith.constant 0 : i32
      %dma_wait3A_1200 = tpu.memref_slice %arg15[%dma_wait3A, %dma_wait3A_1199] : memref<32x8xi32, #tpu.memory_space<vmem>> -> memref<1x8xi32, #tpu.memory_space<vmem>>
      %dma_wait3A_1201 = tpu.memref_squeeze %dma_wait3A_1200 : memref<1x8xi32, #tpu.memory_space<vmem>> -> memref<8xi32, #tpu.memory_space<vmem>>
      %dma_wait3A_1202 = arith.constant 0 : i32
      %dma_wait3A_1203 = arith.constant 0 : i32
      %dma_wait3A_1204 = tpu.memref_slice %arg5[%dma_wait3A_1202, %dma_wait3A_1203] : memref<8192x2048xf32, #tpu.memory_space<hbm>> -> memref<8192x2048xf32, #tpu.memory_space<hbm>>
      tpu.wait_indirect_dma semaphore(%arg25 : memref<!tpu.dma_semaphore, #tpu.memory_space<semaphore_mem>>) src(%arg11 : memref<8x2048xf32, #tpu.memory_space<vmem>>) dst(%dma_wait3A_1204 : memref<8192x2048xf32, #tpu.memory_space<hbm>>)
    } else {
    }
    return
  }
}

</mosaic_0001>

<sc_bundles>
// kernel: kernel.3.cloned.1.call-start
scs
__scs_entry_jumppad:
0x0: {  	(pc) =	sbr.rel $0x88, $3  }
0x1: {  	(tag) =	ssettag $0x0;
	lr =	simm.s32 $0x1  }
0x2: {  	[smem:$0x3F9E] =	sst lr;
	_ =	strace $0xD0000000  }
0x3: {  	_ = 	snop  }
0x4: {  	_ = 	snop  }
0x5: {  	_ = 	snop  }
0x6: {  	_ = 	snop  }
0x7: {  	_ = 	snop  }
__scs_overlays_trampoline_lowered:
0x8: {  	[smem:$0x3FAD] =	sst s0  }
0x9: {  	[smem:$0x3FAE] =	sst s1  }
0xa: {  	[smem:$0x3FAF] =	sst s2  }
0xb: {  	[smem:$0x3FB0] =	sst s3  }
0xc: {  	[smem:$0x3FB1] =	sst s4  }
0xd: {  	[smem:$0x3FB2] =	sst s5  }
0xe: {  	[smem:$0x3FB3] =	sst s6  }
0xf: {  	[smem:$0x3FB4] =	sst s7  }
0x10: {  	[smem:$0x3FB5] =	sst s8  }
0x11: {  	[smem:$0x3FB6] =	sst s9;
	s0 =	simm.s32 @!p0 $0x0  }
0x12: {  	s1 =	sld [smem:$0x3F9C];
	s0 =	simm.s32 @p0 $0x1  }
0x13: {  	[smem:$0x3FB7] =	sst s0;
	s0 =	simm.s32 @!p1 $0x0  }
0x14: {  	s2 =	sld [smem:$0x3F9B];
	s0 =	simm.s32 @p1 $0x1  }
0x15: {  	[smem:$0x3FB8] =	sst s0;
	s0 =	simm.s32 @!p2 $0x0  }
0x16: {  	s3 =	sld [smem:$0x3FDB];
	s0 =	simm.s32 @p2 $0x1  }
0x17: {  	s4 =	simm.s32 $0x1BF5;
	[smem:$0x3FBA] =	sst s0  }
0x18: {  	s0 =	sld [smem:$0x3F9D];
	_ =	swait.ge [sflag:s4], $0x0  }
0x19: {  	s7 =	sld [smem:$0x3F9E]  }
0x1a: {  	s8 =	sadd.s32 $0xFFFFE003, lr  }
0x1b: {  	s9 =	sadd.s32 $0xFFFFFEF7, lr;
	s5 =	simm.s32 $0xFFFFFFFF;
	p2 =	slt.u32 s8, $0xFFFFF086  }
0x1c: {  	p1 =	slt.u32 s9, $0xF7A;
	s5 =	simm.s32 @!p2 $0x0  }
0x1d: {  	s5 =	simm.s32 @p1 $0x1;
	p0 =	seq.s32 s7, s2  }
0x1e: {  	s7 =	smul.u32 @!p0 $0xF7A, s2;
	p2 =	seq.s32 @!p0 s5, $0x0  }
0x1f: {  	s9 =	smul.u32 $0xF7A, s1;
	s8 =	simm.s32 @!p0 $0x1BF5;
	p2 =	por !p2, p0  }
0x20: {  	[sflag:s8] =	ssyncset.s32 @!p0 $0xFFFFF086;
	s6 =	sadd.s32 @!p0 s3, s7;
	s7 =	simm.s32 @!p0 $0x108  }
0x21: {  	s3 =	sadd.s32 s3, s9;
	s6 =	sadd.s32 @!p0 $0x88, s6;
	s7 =	simm.s32 @p2 $0x1082  }
0x22: {  	[simem:s7], [sflag:s8] =	dma.local @!p0 [hbm:s6], $0xF7A  }
0x23: {  	s9 =	sor.u32 $0xD0000000, s2;
	s6 =	simm.s32 $0x108;
	_ =	swait.ge @!p0 [sflag:s8], $0x0  }
0x24: {  	s3 =	sadd.s32 $0x88, s3;
	s6 =	simm.s32 @!p1 $0x1082;
	[sflag:s4] =	ssyncset.s32 $0xFFFFF086  }
0x25: {  	[simem:s6], [sflag:s4] =	dma.local [hbm:s3], $0xF7A  }
0x26: {  	[smem:$0x3F9E] =	sst s1;
	(tag) =	ssettag s2;
	_ =	strace s9  }
0x27: {  	s1 =	sld [smem:$0x3FAE]  }
0x28: {  	s2 =	sld [smem:$0x3FAF]  }
0x29: {  	s4 =	sld [smem:$0x3FB1]  }
0x2a: {  	p0 =	seq.s32 s5, $0x0;
	s5 =	sld [smem:$0x3FB2]  }
0x2b: {  	s6 =	sld [smem:$0x3FB3]  }
0x2c: {  	s7 =	sld [smem:$0x3FB4]  }
0x2d: {  	s3 =	simm.s32 $0x108;
	s8 =	sld [smem:$0x3FB5]  }
0x2e: {  	s3 =	simm.s32 @!p0 $0x1082;
	s9 =	sld [smem:$0x3FB6]  }
0x2f: {  	lr =	sadd.s32 s0, s3;
	s0 =	sld [smem:$0x3FAD]  }
0x30: {  	s3 =	sld [smem:$0x3FB0]  }
0x31: {  	[smem:$0x3FB9] =	sst s10  }
0x32: {  	s10 =	sld [smem:$0x3FB7];
	_ =	sdelay $0x3  }
0x33: {  	p0 =	seq.s32 s10, $0x1;
	s10 =	sld [smem:$0x3FB9];
	_ =	sdelay $0x3  }
0x34: {  	[smem:$0x3FB9] =	sst s10  }
0x35: {  	s10 =	sld [smem:$0x3FB8];
	_ =	sdelay $0x3  }
0x36: {  	p1 =	seq.s32 s10, $0x1;
	s10 =	sld [smem:$0x3FB9];
	_ =	sdelay $0x3  }
0x37: {  	[smem:$0x3FB9] =	sst s10  }
0x38: {  	s10 =	sld [smem:$0x3FBA]  }
0x39: {  	_ = 	snop;
	(pc) =	sbr.ind lr, $3  }
0x3a: {  	_ = 	snop  }
0x3b: {  	_ = 	snop  }
0x3c: {  	p2 =	seq.s32 s10, $0x1;
	s10 =	sld [smem:$0x3FB9]  }
0x3d: {  	_ =	shalt  }
0x3e: {  	_ =	shalt  }
0x3f: {  	_ =	shalt  }
0x40: {  	_ =	shalt  }
0x41: {  	_ =	shalt  }
0x42: {  	_ =	shalt  }
0x43: {  	_ =	shalt  }
0x44: {  	_ =	shalt  }
0x45: {  	_ =	shalt  }
0x46: {  	_ =	shalt  }
0x47: {  	_ =	shalt  }
0x48: {  	_ =	shalt  }
0x49: {  	_ =	shalt  }
0x4a: {  	_ =	shalt  }
0x4b: {  	_ =	shalt  }
0x4c: {  	_ =	shalt  }
0x4d: {  	_ =	shalt  }
0x4e: {  	_ =	shalt  }
0x4f: {  	_ =	shalt  }
0x50: {  	_ =	shalt  }
0x51: {  	_ =	shalt  }
0x52: {  	_ =	shalt  }
0x53: {  	_ =	shalt  }
0x54: {  	_ =	shalt  }
0x55: {  	_ =	shalt  }
0x56: {  	_ =	shalt  }
0x57: {  	_ =	shalt  }
0x58: {  	_ =	shalt  }
0x59: {  	_ =	shalt  }
0x5a: {  	_ =	shalt  }
0x5b: {  	_ =	shalt  }
0x5c: {  	_ =	shalt  }
0x5d: {  	_ =	shalt  }
0x5e: {  	_ =	shalt  }
0x5f: {  	_ =	shalt  }
0x60: {  	_ =	shalt  }
0x61: {  	_ =	shalt  }
0x62: {  	_ =	shalt  }
0x63: {  	_ =	shalt  }
0x64: {  	_ =	shalt  }
0x65: {  	_ =	shalt  }
0x66: {  	_ =	shalt  }
0x67: {  	_ =	shalt  }
0x68: {  	_ =	shalt  }
0x69: {  	_ =	shalt  }
0x6a: {  	_ =	shalt  }
0x6b: {  	_ =	shalt  }
0x6c: {  	_ =	shalt  }
0x6d: {  	_ =	shalt  }
0x6e: {  	_ =	shalt  }
0x6f: {  	_ =	shalt  }
0x70: {  	_ =	shalt  }
0x71: {  	_ =	shalt  }
0x72: {  	_ =	shalt  }
0x73: {  	_ =	shalt  }
0x74: {  	_ =	shalt  }
0x75: {  	_ =	shalt  }
0x76: {  	_ =	shalt  }
0x77: {  	_ =	shalt  }
0x78: {  	_ =	shalt  }
0x79: {  	_ =	shalt  }
0x7a: {  	_ =	shalt  }
0x7b: {  	_ =	shalt  }
0x7c: {  	_ =	shalt  }
0x7d: {  	_ =	shalt  }
0x7e: {  	_ =	shalt  }
0x7f: {  	_ =	shalt  }
0x80: {  	_ =	shalt  }
0x81: {  	_ =	shalt  }
0x82: {  	_ =	shalt  }
0x83: {  	_ =	shalt  }
0x84: {  	_ =	shalt  }
0x85: {  	_ =	shalt  }
0x86: {  	_ =	shalt  }
0x87: {  	_ =	shalt  }
.Lfunc_end0:
.L_simem_size_0:
called_computation_lowered:
.L_overlay_start_0:
0x88: {  	s2 =	sld [smem:$0x3FD9]  }
0x89: {  	s3 =	sld [smem:$0x3FFE];
	_ =	sdelay $0x1  }
0x8a: {  	s1 =	srdreg.scid  }
0x8b: {  	s0 =	sand.u32 $0x1, s1  }
0x8c: {  	s17 =	sshll.u32 s0, $0xA;
	s2 =	sadd.s32 s3, s2  }
0x8d: {  	s2 =	sadd.s32 s2, s17  }
0x8e: {  	[smem:$0x3FC5] =	sst s2  }
0x8f: {  	_ = 	snop  }
0x90: {  	s2 =	sld [smem:$0x3FC9]  }
0x91: {  	s18 =	sld [smem:$0x3FC7]  }
0x92: {  	s4 =	sld [smem:$0x3FD0];
	(tm) =	ssettm $0x1  }
0x93: {  	s5 =	sld [smem:$0x3FFB];
	_ =	sdelay $0x3  }
0x94: {  	_ =	strace s5  }
0x95: {  	s5 =	sld [smem:$0x3FFC];
	_ =	sdelay $0x3  }
0x96: {  	_ =	strace s5  }
0x97: {  	s5 =	sld [smem:$0x3FFD];
	_ =	sdelay $0x3  }
0x98: {  	_ =	strace s5  }
0x99: {  	_ =	strace $0x8FFFFFFF  }
0x9a: {  	s19 =	sld [smem:$0x3FDB];
	_ =	sdelay $0x1  }
0x9b: {  	s6 =	simm.s32 $_scs_section_size  }
0x9c: {  	s7 =	simm.s32 $_size__tile_overlayer_lowered;
	s8 =	simm.s32 $_tile_overlayer_lowered  }
0x9d: {  	s22 =	simm.s32 $0x1BFF;
	s21 =	sshll.u32 s8, $0x1;
	s5 =	sadd.s32 s6, s19  }
0x9e: {  	s9 =	simm.s32 $0x0;
	s20 =	sshll.u32 s7, $0x1;
	s7 =	sadd.s32 s21, s5  }
0x9f: {  	[timem:s9], [sflag:s22] =	dma.local [hbm:s7], s20  }
0xa0: {  	_ =	swait.ge [sflag:s22], s20  }
0xa1: {  	s6 =	ssub.s32 $0x0, s20;
	[sflag:s22] =	ssyncset.done $0x0  }
0xa2: {  	[sflag:s22] =	ssyncadd.s32 s6;
	_ =	sdelay $0x1  }
0xa3: {  	s23 =	simm.s32 $0x1B8B  }
0xa4: {  	_ =	swait.ge [sflag:s23], $0x1  }
0xa5: {  	[sflag:s23] =	ssyncset.done $0x0  }
0xa6: {  	s25 =	simm.s32 $0x1B8E;
	s24 =	sld [smem:$0x3FFE];
	[sflag:s23] =	ssyncadd.s32 $0xFFFFFFFF  }
0xa7: {  	s26 =	simm.s32 $execute0_lowered;
	[smem:$0x3FD2] =	sst s25  }
0xa8: {  	s7 =	sshll.u32 s26, $0x1;
	_ =	strace $0x80000046;
	[dreg:$0x1] =	wrdreg $0xFFFFFFFF  }
0xa9: {  	s28 =	simm.s32 $_size_execute0_lowered;
	s5 =	sadd.s32 s5, s7;
	[dreg:$0x0] =	wrdreg $0x0  }
0xaa: {  	s7 =	sshll.u32 s28, $0x1;
	[dreg:$0x2] =	wrdreg s5  }
0xab: {  	[dreg:$0x3] =	wrdreg s7  }
0xac: {  	[dreg:$0x4] =	wrdreg $0xC0  }
0xad: {  	_ =	task [dreg:s9], $0x5FFFF  }
0xae: {  	[dreg:$0x1] =	wrdreg $0xFFFFFFFF  }
0xaf: {  	[dreg:$0x0] =	wrdreg $0x60  }
0xb0: {  	[dreg:$0x2] =	wrdreg s2  }
0xb1: {  	[dreg:$0x3] =	wrdreg s24  }
0xb2: {  	[dreg:$0x4] =	wrdreg s18  }
0xb3: {  	[dreg:$0x5] =	wrdreg s4  }
0xb4: {  	[dreg:$0x6] =	wrdreg $0x9  }
0xb5: {  	_ =	task.clear_ibuf [dreg:s9], $0x7FFFF;
	_ =	strace $0x90000046  }
0xb6: {  	s29 =	simm.s32 $0x9;
	_ =	strace $0x80000048  }
0xb7: {  	_ =	swait.ge [sflag:s29], $0x1  }
0xb8: {  	[sflag:s29] =	ssyncadd.s32 $0xFFFFFFFF  }
0xb9: {  	_ =	strace $0x90000048  }
0xba: {  	_ =	sfence  }
0xbb: {  	s30 =	sld [smem:$0x0];
	_ =	sdelay $0x2  }
0xbc: {  	s31 =	sshll.u32 s1, $0xD;
	s1 =	sshrl.u32 s1, $0x2  }
0xbd: {  	s3 =	sand.u32 $0x4000, s31;
	s1 =	sadd.s32 s1, s30  }
0xbe: {  	s0 =	sor.u32 s3, s0;
	s1 =	sshll.u32 s1, $0x11  }
0xbf: {  	s0 =	sor.u32 s1, s0  }
0xc0: {  	s0 =	sadd.s32 $0x8F2B, s0  }
0xc1: {  	[sflag:s0] =	ssyncadd.remote.s32 $0x1  }
0xc2: {  	_ =	sfence.sel $0xFFFF  }
0xc3: {  	[dreg:$0x0] =	wrdreg $0xFFFFFFFF;
	(pc) =	sbr.abs _section_cstart, $3  }
0xc4: {  	[dreg:$0x1] =	wrdreg $0xFFFFFFFF  }
0xc5: {  	_ =	task.clear_ibuf [dreg:s9], $0x2FFFF;
	_ =	strace $0x9FFFFFFF  }
0xc6: {  	(tm) =	ssettm $0x7FFFFFFF  }
0xc7: {  	_ =	shalt  }
tec
execute0_lowered:
.L_overlay_start_1:
0x0: {  	(tag) =	ssettag $0x1  }
0x1: {  	s23 =	rddreg [dreg:$0x0]  }
0x2: {  	s0 =	rddreg [dreg:$0x1]  }
0x3: {  	s16 =	rddreg [dreg:$0x2]  }
0x4: {  	s30 =	rddreg [dreg:$0x3]  }
0x5: {  	s1 =	srdreg.scid;
	s12 =	stileid.u32  }
0x6: {  	_ =	strace $0x80000047;
	s8 =	sand.u32 $0x1, s1;
	s18 =	sshll.u32 s12, $0x1  }
0x7: {  	s0 =	sadd.s32 $0x400, s0;
	s12 =	sshll.u32 s12, $0x3;
	s13 =	sadd.s32 $0x400, s16  }
0x8: {  	s14 =	sadd.s32 $0x500, s16;
	s15 =	sadd.s32 $0x600, s16;
	s17 =	sadd.s32 $0x100, s23  }
0x9: {  	s1 =	sadd.s32 $0x100, s30;
	s2 =	ssub.s32 $0x2, s8;
	s9 =	sor.u32 s8, s18  }
0xa: {  	[dreg:$0x5] =	wrdreg s0;
	s8 =	sshll.u32 s8, $0x2;
	s18 =	sadd.s32 $0x200, s23  }
0xb: {  	[dreg:$0x15] =	wrdreg s17;
	s19 =	sshrl.u32 s2, $0x1;
	s29 =	sshll.u32 s9, $0x8  }
0xc: {  	s12 =	sor.u32 s8, s12;
	s8 =	sadd.s32 $0x100, s16;
	p0 =	seq.s32 s9, $0x0  }
0xd: {  	s9 =	sadd.s32 $0x200, s16;
	s0 =	ssub.s32 s2, s19;
	s28 =	sor.u32 $0x10, s29  }
0xe: {  	s25 =	sor.u32 $0x20, s29;
	s26 =	sor.u32 $0x30, s29;
	s2 =	sor.u32 $0x40, s29  }
0xf: {  	s10 =	sor.u32 $0x50, s29;
	s20 =	sor.u32 $0xC0, s29;
	[dreg:$0x6] =	wrdreg s29  }
0x10: {  	s11 =	sor.u32 $0x60, s29;
	s21 =	sor.u32 $0xF0, s29;
	[dreg:$0x1f] =	wrdreg s20  }
0x11: {  	s24 =	sor.u32 $0x70, s29;
	s22 =	smax.u32 s12, $0x1;
	[dreg:$0x1e] =	wrdreg s21  }
0x12: {  	s31 =	sor.u32 $0x80, s29;
	s5 =	sor.u32 $0x90, s29;
	[dreg:$0x9] =	wrdreg s22  }
0x13: {  	v0 =	vlaneseq.u32;
	s6 =	sor.u32 $0xA0, s29;
	s0 =	smax.u32 s0, $0x1;
	[dreg:$0x7] =	wrdreg s31  }
0x14: {  	vm1 =	vcmask $0x704;
	vm2 =	vcmask $0xB08;
	vm3 =	vcmask $0xF0C;
	s7 =	sor.u32 $0xB0, s29;
	s3 =	sor.u32 $0xD0, s29;
	[dreg:$0x8] =	wrdreg s0  }
0x15: {  	vm4 =	vcmask $0x1310;
	vm5 =	vcmask $0x1714;
	s4 =	sor.u32 $0xE0, s29;
	s12 =	sadd.s32 $0x300, s16;
	v3 =	vor.u32 s26, v0;
	s26 =	rddreg [dreg:$0x1f]  }
0x16: {  	vm6 =	vcmask $0x1B18;
	s16 =	sadd.s32 $0x700, s16;
	v1 =	vor.u32 s28, v0;
	v16 =	vor.u32 s31, v0;
	s31 =	smov.u32 s1;
	s28 =	rddreg [dreg:$0x1e]  }
0x17: {  	vm7 =	vcmask $0x1F1C;
	vm8 =	vcmask $0x2320;
	vm9 =	vcmask $0x2724;
	s19 =	sadd.s32 $0x300, s23;
	s0 =	sadd.s32 $0x200, s30;
	[dreg:$0xa] =	wrdreg s31  }
0x18: {  	vm10 =	vcmask $0x2B28;
	vm11 =	vcmask $0x2F2C;
	vm12 =	vcmask $0x3330;
	s20 =	sadd.s32 $0x400, s23;
	[dreg:$0xb] =	wrdreg s0;
	s0 =	sadd.s32 $0x300, s30  }
.Ltmp0:
0x19: {  	vm13 =	vcmask $0x3734;
	vm14 =	vcmask $0x3B38;
	v15 =	vor.u32 s29, v0;
	[dreg:$0xc] =	wrdreg s0;
	s0 =	sadd.s32 $0x400, s30;
	(pc) =	sbr.rel .LBB2_1-.Ltmp0, $4  }
0x1a: {  	s21 =	sadd.s32 $0x500, s23;
	v2 =	vor.u32 s25, v0;
	v4 =	vor.u32 s2, v0;
	v5 =	vor.u32 s10, v0;
	[dreg:$0xd] =	wrdreg s0;
	s0 =	sadd.s32 $0x500, s30  }
0x1b: {  	s22 =	sadd.s32 $0x600, s23;
	v6 =	vor.u32 s11, v0;
	v7 =	vor.u32 s24, v0;
	v8 =	vor.u32 s5, v0;
	[dreg:$0xe] =	wrdreg s0;
	s0 =	sadd.s32 $0x600, s30  }
0x1c: {  	s23 =	sadd.s32 $0x700, s23;
	v9 =	vor.u32 s6, v0;
	v10 =	vor.u32 s7, v0;
	v12 =	vor.u32 s3, v0;
	[dreg:$0xf] =	wrdreg s0;
	s0 =	sadd.s32 $0x700, s30  }
0x1d: {  	v13 =	vor.u32 s4, v0;
	s2 =	simm.s32 $0x0;
	v11 =	vor.u32 s26, v0;
	v14 =	vor.u32 s28, v0;
	[dreg:$0x10] =	wrdreg s0;
	s0 =	simm.s32 $0x0  }
.LBB2_40:
0x1e: {  	s2 =	simm.s32 $0x8  }
.LBB2_42:
0x1f: {  	_ =	swait.ge [sflag:s2], $0x4000  }
0x20: {  	[sflag:s2] =	ssyncset.done $0x0  }
0x21: {  	[sflag:s2] =	ssyncadd.s32 $0xFFFFC000;
	s2 =	rddreg [dreg:$0x11]  }
.LBB2_43:
0x22: {  	s2 =	sadd.s32 $0x1, s2;
	s1 =	rddreg [dreg:$0x8]  }
0x23: {  	p1 =	sne.s32 s2, s1  }
.Ltmp1:
0x24: {  	_ = 	snop;
	(pc) =	sbr.rel @!p1 .LBB2_44-.Ltmp1, $1  }
0x25: {  	_ =	sdelay $0x3  }
.LBB2_1:
0x26: {  	[dreg:$0x11] =	wrdreg s2  }
.Ltmp2:
0x27: {  	s1 =	rddreg [dreg:$0x5];
	s29 =	simm.s32 $0xB;
	(pc) =	sbr.rel @p0 .LBB2_2-.Ltmp2, $4  }
0x28: {  	[tilespmem:s0], [sflag:$0xB] =	stream.linear.gather [hbm4b:s1+s0], $0x2000, $0x38;
	[tilespmem:$0x1A000] =	vst v63  }
0x29: {  	_ =	swait.ge [sflag:s29], $0x2000  }
0x2a: {  	[sflag:s29] =	ssyncset.done $0x0  }
0x2b: {  	s2 =	simm.s32 $0x20;
	v20 =	vimm.s32 $0x0;
	[sflag:s29] =	ssyncadd.s32 $0xFFFFE000  }
0x2c: {  	s1 =	rddreg [dreg:$0x9]  }
0x2d: {  	v21 =	vld [tilespmem:s2+$0xFFFFFFE0];
	p1 =	sne.s32 s1, $0x1  }
.Ltmp3:
0x2e: {  	v17 =	vld [tilespmem:s2+$0xFFFFFFF0];
	(pc) =	sbr.rel @!p1 .LBB2_5-.Ltmp3, $4  }
0x2f: {  	v18 =	vld [tilespmem:s2+$0x0]  }
0x30: {  	v19 =	vld [tilespmem:s2+$0x10]  }
0x31: {  	s2 =	sadd.s32 $0x40, s2  }
0x32: {  	s5 =	simm.s32 $0x18000;
	s6 =	simm.s32 $0x19000;
	s1 =	sadd.s32 $0xFFFFFFFF, s1;
	v20 =	vadd.s32 v20, v21  }
.LBB2_4:
0x33: {  	v21 =	vld [tilespmem:s2+$0xFFFFFFE0];
	p1 =	sne.s32 s1, $0x1;
	s1 =	sadd.s32 $0xFFFFFFFF, s1;
	v20 =	vadd.s32 v17, v20  }
.Ltmp4:
0x34: {  	v17 =	vld [tilespmem:s2+$0xFFFFFFF0];
	v20 =	vadd.s32 v18, v20;
	(pc) =	sbr.rel @p1 .LBB2_4-.Ltmp4, $3  }
0x35: {  	v18 =	vld [tilespmem:s2+$0x0];
	v20 =	vadd.s32 v19, v20  }
0x36: {  	v19 =	vld [tilespmem:s2+$0x10];
	_ =	sdelay $0x1  }
0x37: {  	s2 =	sadd.s32 $0x40, s2;
	v20 =	vadd.s32 v20, v21  }
.LBB2_5:
.Ltmp5:
0x38: {  	(pc) =	sbr.rel .LBB2_6-.Ltmp5, $4  }
0x39: {  	_ = 	snop  }
0x3a: {  	v17 =	vadd.s32 v17, v20  }
0x3b: {  	v17 =	vadd.s32 v18, v17  }
0x3c: {  	v20 =	vadd.s32 v19, v17  }
.LBB2_2:
0x3d: {  	s5 =	simm.s32 $0x18000;
	s6 =	simm.s32 $0x19000  }
.LBB2_6:
0x3e: {  	s1 =	rddreg [dreg:$0x6]  }
0x3f: {  	v17 =	vld [tilespmem:s1+$0x0];
	_ =	sdelay $0x3  }
0x40: {  	(xrf0) =	vadd.scan.msk.s32 $0xffff, v20  }
0x41: {  	(xrf0) =	vadd.scan.msk.s32 $0xffff, v17  }
0x42: {  	v18 =	vsub.s32 $0x1, v17  }
0x43: {  	(xrf0) =	vadd.scan.msk.s32 $0xffff, v18;
	_ =	sdelay $0x2  }
0x44: {  	v18, _, _ =	vpop (xrf0)  }
0x45: {  	v19, _, _ =	vpop (xrf0)  }
0x46: {  	v19 =	vadd.s32 $0xFFFFFFFF, v19  }
0x47: {  	vm15 =	vgt.s32 v17, $0x0;
	v21, _, _ =	vpop (xrf0);
	v54 =	vshll.u32 v19, $0x4  }
0x48: {  	v22 =	vand.u32 $0x7, v19;
	v21 =	vadd.s32 $0xFFFFFFFF, v21;
	v20 =	vand.u32 $0xFFFFFF80, v54  }
0x49: {  	v55 =	vshll.u32 v21, $0x4;
	v20 =	vor.u32 v22, v20  }
0x4a: {  	vm0 =	vle.s32 v17, $0x0;
	v17 =	vand.u32 $0x7, v21;
	v56 =	vand.u32 $0xFFFFFF80, v55  }
0x4b: {  	v18 =	vbroadcast v18, $0xF;
	v17 =	vor.u32 v17, v56;
	_ =	sdelay $0x1  }
0x4c: {  	s3 =	simm.s32 $0x16000;
	v19 =	vadd.s32 v18, v19  }
0x4d: {  	s4 =	simm.s32 $0x17000;
	[tilespmem:v20+s3+$0x0] =	vst.idx.msk vm15, v19  }
0x4e: {  	[tilespmem:v20+s4+$0x0] =	vst.idx.msk vm15, v15  }
0x4f: {  	[tilespmem:v17+s5+$0x0] =	vst.idx.msk vm0, v15  }
0x50: {  	[tilespmem:v17+s6+$0x0] =	vst.idx.msk vm0, v15  }
0x51: {  	v17 =	vld [tilespmem:s1+$0x10];
	_ =	sdelay $0x4  }
0x52: {  	(xrf0) =	vadd.scan.msk.s32 $0xffff, v17  }
0x53: {  	v19 =	vsub.s32 $0x1, v17  }
0x54: {  	(xrf0) =	vadd.scan.msk.s32 $0xffff, v19;
	_ =	sdelay $0x3  }
0x55: {  	v19 =	vmpcnt.ones.xlane vm15;
	v57, _, _ =	vpop (xrf0)  }
0x56: {  	v20 =	vadd.s32 $0xFFFFFFFF, v57  }
0x57: {  	v59, _, _ =	vpop (xrf0);
	v58 =	vadd.s32 v19, v20  }
0x58: {  	vm0 =	vgt.s32 v17, $0x0;
	v22 =	vsub.s32 v59, v19;
	v23 =	vshll.u32 v58, $0x4  }
0x59: {  	v21 =	vand.u32 $0x7, v58;
	v22 =	vadd.s32 $0xF, v22;
	v23 =	vand.u32 $0xFFFFFF80, v23  }
0x5a: {  	v60 =	vshll.u32 v22, $0x4;
	v21 =	vor.u32 v21, v23  }
0x5b: {  	vm15 =	vle.s32 v17, $0x0;
	v17 =	vand.u32 $0x7, v22;
	v61 =	vand.u32 $0xFFFFFF80, v60  }
0x5c: {  	v17 =	vor.u32 v17, v61  }
0x5d: {  	v18 =	vadd.s32 v18, v19  }
0x5e: {  	v20 =	vadd.s32 v18, v20  }
0x5f: {  	[tilespmem:v21+s3+$0x0] =	vst.idx.msk vm0, v20  }
0x60: {  	[tilespmem:v21+s4+$0x0] =	vst.idx.msk vm0, v1  }
0x61: {  	[tilespmem:v17+s5+$0x0] =	vst.idx.msk vm15, v1  }
0x62: {  	[tilespmem:v17+s6+$0x0] =	vst.idx.msk vm15, v1  }
0x63: {  	v17 =	vld [tilespmem:s1+$0x20];
	_ =	sdelay $0x4  }
0x64: {  	(xrf0) =	vadd.scan.msk.s32 $0xffff, v17  }
0x65: {  	v62 =	vsub.s32 $0x1, v17  }
0x66: {  	(xrf0) =	vadd.scan.msk.s32 $0xffff, v62;
	_ =	sdelay $0x2  }
0x67: {  	v63 =	vmpcnt.ones.xlane vm0  }
0x68: {  	v28, _, _ =	vpop (xrf0)  }
0x69: {  	v19 =	vadd.s32 v19, v63;
	v21 =	vadd.s32 $0xFFFFFFFF, v28  }
0x6a: {  	v30, _, _ =	vpop (xrf0);
	v29 =	vadd.s32 v19, v21  }
0x6b: {  	vm0 =	vgt.s32 v17, $0x0;
	v23 =	vsub.s32 v30, v19;
	v24 =	vshll.u32 v29, $0x4  }
0x6c: {  	v22 =	vand.u32 $0x7, v29;
	v23 =	vadd.s32 $0x1F, v23;
	v24 =	vand.u32 $0xFFFFFF80, v24  }
0x6d: {  	v31 =	vshll.u32 v23, $0x4;
	v22 =	vor.u32 v22, v24  }
0x6e: {  	vm15 =	vle.s32 v17, $0x0;
	v17 =	vand.u32 $0x7, v23;
	v32 =	vand.u32 $0xFFFFFF80, v31  }
0x6f: {  	v17 =	vor.u32 v17, v32  }
0x70: {  	v18 =	vadd.s32 v18, v63  }
0x71: {  	v20 =	vadd.s32 v18, v21  }
0x72: {  	[tilespmem:v22+s3+$0x0] =	vst.idx.msk vm0, v20  }
0x73: {  	[tilespmem:v22+s4+$0x0] =	vst.idx.msk vm0, v2  }
0x74: {  	[tilespmem:v17+s5+$0x0] =	vst.idx.msk vm15, v2  }
0x75: {  	[tilespmem:v17+s6+$0x0] =	vst.idx.msk vm15, v2  }
0x76: {  	v17 =	vld [tilespmem:s1+$0x30];
	_ =	sdelay $0x4  }
0x77: {  	(xrf0) =	vadd.scan.msk.s32 $0xffff, v17  }
0x78: {  	v33 =	vsub.s32 $0x1, v17  }
0x79: {  	(xrf0) =	vadd.scan.msk.s32 $0xffff, v33;
	_ =	sdelay $0x2  }
0x7a: {  	v34 =	vmpcnt.ones.xlane vm0  }
0x7b: {  	v35, _, _ =	vpop (xrf0)  }
0x7c: {  	v19 =	vadd.s32 v19, v34;
	v21 =	vadd.s32 $0xFFFFFFFF, v35  }
0x7d: {  	v37, _, _ =	vpop (xrf0);
	v36 =	vadd.s32 v19, v21  }
0x7e: {  	vm0 =	vgt.s32 v17, $0x0;
	v23 =	vsub.s32 v37, v19;
	v38 =	vshll.u32 v36, $0x4  }
0x7f: {  	v22 =	vand.u32 $0x7, v36;
	v23 =	vadd.s32 $0x2F, v23;
	v24 =	vand.u32 $0xFFFFFF80, v38  }
0x80: {  	v39 =	vshll.u32 v23, $0x4;
	v22 =	vor.u32 v22, v24  }
0x81: {  	vm15 =	vle.s32 v17, $0x0;
	v17 =	vand.u32 $0x7, v23;
	v40 =	vand.u32 $0xFFFFFF80, v39  }
0x82: {  	v17 =	vor.u32 v17, v40  }
0x83: {  	v18 =	vadd.s32 v18, v34  }
0x84: {  	v20 =	vadd.s32 v18, v21  }
0x85: {  	[tilespmem:v22+s3+$0x0] =	vst.idx.msk vm0, v20  }
0x86: {  	[tilespmem:v22+s4+$0x0] =	vst.idx.msk vm0, v3  }
0x87: {  	[tilespmem:v17+s5+$0x0] =	vst.idx.msk vm15, v3  }
0x88: {  	[tilespmem:v17+s6+$0x0] =	vst.idx.msk vm15, v3  }
0x89: {  	v17 =	vld [tilespmem:s1+$0x40];
	_ =	sdelay $0x4  }
0x8a: {  	(xrf0) =	vadd.scan.msk.s32 $0xffff, v17  }
0x8b: {  	v41 =	vsub.s32 $0x1, v17  }
0x8c: {  	(xrf0) =	vadd.scan.msk.s32 $0xffff, v41;
	_ =	sdelay $0x2  }
0x8d: {  	v42 =	vmpcnt.ones.xlane vm0  }
0x8e: {  	v43, _, _ =	vpop (xrf0)  }
0x8f: {  	v19 =	vadd.s32 v19, v42;
	v21 =	vadd.s32 $0xFFFFFFFF, v43  }
0x90: {  	v45, _, _ =	vpop (xrf0);
	v44 =	vadd.s32 v19, v21  }
0x91: {  	vm0 =	vgt.s32 v17, $0x0;
	v23 =	vsub.s32 v45, v19;
	v46 =	vshll.u32 v44, $0x4  }
0x92: {  	v22 =	vand.u32 $0x7, v44;
	v23 =	vadd.s32 $0x3F, v23;
	v24 =	vand.u32 $0xFFFFFF80, v46  }
0x93: {  	v47 =	vshll.u32 v23, $0x4;
	v22 =	vor.u32 v22, v24  }
0x94: {  	vm15 =	vle.s32 v17, $0x0;
	v17 =	vand.u32 $0x7, v23;
	v48 =	vand.u32 $0xFFFFFF80, v47  }
0x95: {  	v17 =	vor.u32 v17, v48  }
0x96: {  	v18 =	vadd.s32 v18, v42  }
0x97: {  	v20 =	vadd.s32 v18, v21  }
0x98: {  	[tilespmem:v22+s3+$0x0] =	vst.idx.msk vm0, v20  }
0x99: {  	[tilespmem:v22+s4+$0x0] =	vst.idx.msk vm0, v4  }
0x9a: {  	[tilespmem:v17+s5+$0x0] =	vst.idx.msk vm15, v4  }
0x9b: {  	[tilespmem:v17+s6+$0x0] =	vst.idx.msk vm15, v4  }
0x9c: {  	v17 =	vld [tilespmem:s1+$0x50];
	_ =	sdelay $0x4  }
0x9d: {  	(xrf0) =	vadd.scan.msk.s32 $0xffff, v17  }
0x9e: {  	v49 =	vsub.s32 $0x1, v17  }
0x9f: {  	(xrf0) =	vadd.scan.msk.s32 $0xffff, v49;
	_ =	sdelay $0x2  }
0xa0: {  	v50 =	vmpcnt.ones.xlane vm0  }
0xa1: {  	v51, _, _ =	vpop (xrf0)  }
0xa2: {  	v19 =	vadd.s32 v19, v50;
	v21 =	vadd.s32 $0xFFFFFFFF, v51  }
0xa3: {  	v53, _, _ =	vpop (xrf0);
	v52 =	vadd.s32 v19, v21  }
0xa4: {  	vm0 =	vgt.s32 v17, $0x0;
	v23 =	vsub.s32 v53, v19;
	v54 =	vshll.u32 v52, $0x4  }
0xa5: {  	v22 =	vand.u32 $0x7, v52;
	v23 =	vadd.s32 $0x4F, v23;
	v24 =	vand.u32 $0xFFFFFF80, v54  }
0xa6: {  	v55 =	vshll.u32 v23, $0x4;
	v22 =	vor.u32 v22, v24  }
0xa7: {  	vm15 =	vle.s32 v17, $0x0;
	v17 =	vand.u32 $0x7, v23;
	v56 =	vand.u32 $0xFFFFFF80, v55  }
0xa8: {  	v17 =	vor.u32 v17, v56  }
0xa9: {  	v18 =	vadd.s32 v18, v50  }
0xaa: {  	v20 =	vadd.s32 v18, v21  }
0xab: {  	[tilespmem:v22+s3+$0x0] =	vst.idx.msk vm0, v20  }
0xac: {  	[tilespmem:v22+s4+$0x0] =	vst.idx.msk vm0, v5  }
0xad: {  	[tilespmem:v17+s5+$0x0] =	vst.idx.msk vm15, v5  }
0xae: {  	[tilespmem:v17+s6+$0x0] =	vst.idx.msk vm15, v5  }
0xaf: {  	v17 =	vld [tilespmem:s1+$0x60];
	_ =	sdelay $0x4  }
0xb0: {  	(xrf0) =	vadd.scan.msk.s32 $0xffff, v17  }
0xb1: {  	v57 =	vsub.s32 $0x1, v17  }
0xb2: {  	(xrf0) =	vadd.scan.msk.s32 $0xffff, v57;
	_ =	sdelay $0x2  }
0xb3: {  	v58 =	vmpcnt.ones.xlane vm0  }
0xb4: {  	v59, _, _ =	vpop (xrf0)  }
0xb5: {  	v19 =	vadd.s32 v19, v58;
	v21 =	vadd.s32 $0xFFFFFFFF, v59  }
0xb6: {  	v61, _, _ =	vpop (xrf0);
	v60 =	vadd.s32 v19, v21  }
0xb7: {  	vm0 =	vgt.s32 v17, $0x0;
	v23 =	vsub.s32 v61, v19;
	v62 =	vshll.u32 v60, $0x4  }
0xb8: {  	v22 =	vand.u32 $0x7, v60;
	v23 =	vadd.s32 $0x5F, v23;
	v24 =	vand.u32 $0xFFFFFF80, v62  }
0xb9: {  	v63 =	vshll.u32 v23, $0x4;
	v22 =	vor.u32 v22, v24  }
0xba: {  	vm15 =	vle.s32 v17, $0x0;
	v17 =	vand.u32 $0x7, v23;
	v26 =	vand.u32 $0xFFFFFF80, v63  }
0xbb: {  	v17 =	vor.u32 v17, v26  }
0xbc: {  	v18 =	vadd.s32 v18, v58  }
0xbd: {  	v20 =	vadd.s32 v18, v21  }
0xbe: {  	[tilespmem:v22+s3+$0x0] =	vst.idx.msk vm0, v20  }
0xbf: {  	[tilespmem:v22+s4+$0x0] =	vst.idx.msk vm0, v6  }
0xc0: {  	[tilespmem:v17+s5+$0x0] =	vst.idx.msk vm15, v6  }
0xc1: {  	[tilespmem:v17+s6+$0x0] =	vst.idx.msk vm15, v6  }
0xc2: {  	v17 =	vld [tilespmem:s1+$0x70];
	_ =	sdelay $0x4  }
0xc3: {  	(xrf0) =	vadd.scan.msk.s32 $0xffff, v17  }
0xc4: {  	v27 =	vsub.s32 $0x1, v17  }
0xc5: {  	(xrf0) =	vadd.scan.msk.s32 $0xffff, v27;
	_ =	sdelay $0x2  }
0xc6: {  	v28 =	vmpcnt.ones.xlane vm0  }
0xc7: {  	v29, _, _ =	vpop (xrf0)  }
0xc8: {  	v19 =	vadd.s32 v19, v28;
	v21 =	vadd.s32 $0xFFFFFFFF, v29  }
0xc9: {  	v31, _, _ =	vpop (xrf0);
	v30 =	vadd.s32 v19, v21  }
0xca: {  	vm0 =	vgt.s32 v17, $0x0;
	v23 =	vsub.s32 v31, v19;
	v32 =	vshll.u32 v30, $0x4  }
0xcb: {  	v22 =	vand.u32 $0x7, v30;
	v23 =	vadd.s32 $0x6F, v23;
	v24 =	vand.u32 $0xFFFFFF80, v32  }
0xcc: {  	v33 =	vshll.u32 v23, $0x4;
	v22 =	vor.u32 v22, v24  }
0xcd: {  	vm15 =	vle.s32 v17, $0x0;
	v17 =	vand.u32 $0x7, v23;
	v34 =	vand.u32 $0xFFFFFF80, v33  }
0xce: {  	v17 =	vor.u32 v17, v34  }
0xcf: {  	v18 =	vadd.s32 v18, v28  }
0xd0: {  	v20 =	vadd.s32 v18, v21  }
0xd1: {  	[tilespmem:v22+s3+$0x0] =	vst.idx.msk vm0, v20  }
0xd2: {  	[tilespmem:v22+s4+$0x0] =	vst.idx.msk vm0, v7  }
0xd3: {  	[tilespmem:v17+s5+$0x0] =	vst.idx.msk vm15, v7  }
0xd4: {  	s2 =	rddreg [dreg:$0x7];
	[tilespmem:v17+s6+$0x0] =	vst.idx.msk vm15, v7  }
0xd5: {  	v17 =	vld [tilespmem:s2+$0x0];
	_ =	sdelay $0x4  }
0xd6: {  	(xrf0) =	vadd.scan.msk.s32 $0xffff, v17  }
0xd7: {  	v35 =	vsub.s32 $0x1, v17  }
0xd8: {  	(xrf0) =	vadd.scan.msk.s32 $0xffff, v35;
	_ =	sdelay $0x2  }
0xd9: {  	v36 =	vmpcnt.ones.xlane vm0  }
0xda: {  	v37, _, _ =	vpop (xrf0)  }
0xdb: {  	v19 =	vadd.s32 v19, v36;
	v21 =	vadd.s32 $0xFFFFFFFF, v37  }
0xdc: {  	v39, _, _ =	vpop (xrf0);
	v38 =	vadd.s32 v19, v21  }
0xdd: {  	vm0 =	vgt.s32 v17, $0x0;
	v23 =	vsub.s32 v39, v19;
	v40 =	vshll.u32 v38, $0x4  }
0xde: {  	v22 =	vand.u32 $0x7, v38;
	v23 =	vadd.s32 $0x7F, v23;
	v24 =	vand.u32 $0xFFFFFF80, v40  }
0xdf: {  	v41 =	vshll.u32 v23, $0x4;
	v22 =	vor.u32 v22, v24  }
0xe0: {  	vm15 =	vle.s32 v17, $0x0;
	v17 =	vand.u32 $0x7, v23;
	v42 =	vand.u32 $0xFFFFFF80, v41  }
0xe1: {  	v17 =	vor.u32 v17, v42  }
0xe2: {  	v18 =	vadd.s32 v18, v36  }
0xe3: {  	v20 =	vadd.s32 v18, v21  }
0xe4: {  	[tilespmem:v22+s3+$0x0] =	vst.idx.msk vm0, v20  }
0xe5: {  	[tilespmem:v22+s4+$0x0] =	vst.idx.msk vm0, v16  }
0xe6: {  	[tilespmem:v17+s5+$0x0] =	vst.idx.msk vm15, v16  }
0xe7: {  	[tilespmem:v17+s6+$0x0] =	vst.idx.msk vm15, v16  }
0xe8: {  	v17 =	vld [tilespmem:s1+$0x90];
	_ =	sdelay $0x4  }
0xe9: {  	(xrf0) =	vadd.scan.msk.s32 $0xffff, v17  }
0xea: {  	v43 =	vsub.s32 $0x1, v17  }
0xeb: {  	(xrf0) =	vadd.scan.msk.s32 $0xffff, v43;
	_ =	sdelay $0x2  }
0xec: {  	v44 =	vmpcnt.ones.xlane vm0  }
0xed: {  	v45, _, _ =	vpop (xrf0)  }
0xee: {  	v19 =	vadd.s32 v19, v44;
	v21 =	vadd.s32 $0xFFFFFFFF, v45  }
0xef: {  	v47, _, _ =	vpop (xrf0);
	v46 =	vadd.s32 v19, v21  }
0xf0: {  	vm0 =	vgt.s32 v17, $0x0;
	v23 =	vsub.s32 v47, v19;
	v48 =	vshll.u32 v46, $0x4  }
0xf1: {  	v22 =	vand.u32 $0x7, v46;
	v23 =	vadd.s32 $0x8F, v23;
	v24 =	vand.u32 $0xFFFFFF80, v48  }
0xf2: {  	v49 =	vshll.u32 v23, $0x4;
	v22 =	vor.u32 v22, v24  }
0xf3: {  	vm15 =	vle.s32 v17, $0x0;
	v17 =	vand.u32 $0x7, v23;
	v50 =	vand.u32 $0xFFFFFF80, v49  }
0xf4: {  	v17 =	vor.u32 v17, v50  }
0xf5: {  	v18 =	vadd.s32 v18, v44  }
0xf6: {  	v20 =	vadd.s32 v18, v21  }
0xf7: {  	[tilespmem:v22+s3+$0x0] =	vst.idx.msk vm0, v20  }
0xf8: {  	[tilespmem:v22+s4+$0x0] =	vst.idx.msk vm0, v8  }
0xf9: {  	[tilespmem:v17+s5+$0x0] =	vst.idx.msk vm15, v8  }
0xfa: {  	[tilespmem:v17+s6+$0x0] =	vst.idx.msk vm15, v8  }
0xfb: {  	v17 =	vld [tilespmem:s1+$0xA0];
	_ =	sdelay $0x4  }
0xfc: {  	(xrf0) =	vadd.scan.msk.s32 $0xffff, v17  }
0xfd: {  	v51 =	vsub.s32 $0x1, v17  }
0xfe: {  	(xrf0) =	vadd.scan.msk.s32 $0xffff, v51;
	_ =	sdelay $0x2  }
0xff: {  	v52 =	vmpcnt.ones.xlane vm0  }
0x100: {  	v53, _, _ =	vpop (xrf0)  }
0x101: {  	v19 =	vadd.s32 v19, v52;
	v21 =	vadd.s32 $0xFFFFFFFF, v53  }
0x102: {  	v55, _, _ =	vpop (xrf0);
	v54 =	vadd.s32 v19, v21  }
0x103: {  	vm0 =	vgt.s32 v17, $0x0;
	v23 =	vsub.s32 v55, v19;
	v56 =	vshll.u32 v54, $0x4  }
0x104: {  	v22 =	vand.u32 $0x7, v54;
	v23 =	vadd.s32 $0x9F, v23;
	v24 =	vand.u32 $0xFFFFFF80, v56  }
0x105: {  	v57 =	vshll.u32 v23, $0x4;
	v22 =	vor.u32 v22, v24  }
0x106: {  	vm15 =	vle.s32 v17, $0x0;
	v17 =	vand.u32 $0x7, v23;
	v58 =	vand.u32 $0xFFFFFF80, v57  }
0x107: {  	v17 =	vor.u32 v17, v58  }
0x108: {  	v18 =	vadd.s32 v18, v52  }
0x109: {  	v20 =	vadd.s32 v18, v21  }
0x10a: {  	[tilespmem:v22+s3+$0x0] =	vst.idx.msk vm0, v20  }
0x10b: {  	[tilespmem:v22+s4+$0x0] =	vst.idx.msk vm0, v9  }
0x10c: {  	[tilespmem:v17+s5+$0x0] =	vst.idx.msk vm15, v9  }
0x10d: {  	[tilespmem:v17+s6+$0x0] =	vst.idx.msk vm15, v9  }
0x10e: {  	v17 =	vld [tilespmem:s1+$0xB0];
	_ =	sdelay $0x4  }
0x10f: {  	(xrf0) =	vadd.scan.msk.s32 $0xffff, v17  }
0x110: {  	v59 =	vsub.s32 $0x1, v17  }
0x111: {  	(xrf0) =	vadd.scan.msk.s32 $0xffff, v59;
	_ =	sdelay $0x2  }
0x112: {  	v60 =	vmpcnt.ones.xlane vm0  }
0x113: {  	v61, _, _ =	vpop (xrf0)  }
0x114: {  	v19 =	vadd.s32 v19, v60;
	v21 =	vadd.s32 $0xFFFFFFFF, v61  }
0x115: {  	v63, _, _ =	vpop (xrf0);
	v62 =	vadd.s32 v19, v21  }
0x116: {  	vm0 =	vgt.s32 v17, $0x0;
	v23 =	vsub.s32 v63, v19;
	v28 =	vshll.u32 v62, $0x4  }
0x117: {  	v22 =	vand.u32 $0x7, v62;
	v23 =	vadd.s32 $0xAF, v23;
	v24 =	vand.u32 $0xFFFFFF80, v28  }
0x118: {  	v29 =	vshll.u32 v23, $0x4;
	v22 =	vor.u32 v22, v24  }
0x119: {  	vm15 =	vle.s32 v17, $0x0;
	v17 =	vand.u32 $0x7, v23;
	v30 =	vand.u32 $0xFFFFFF80, v29  }
0x11a: {  	v17 =	vor.u32 v17, v30  }
0x11b: {  	v18 =	vadd.s32 v18, v60  }
0x11c: {  	v20 =	vadd.s32 v18, v21  }
0x11d: {  	[tilespmem:v22+s3+$0x0] =	vst.idx.msk vm0, v20  }
0x11e: {  	[tilespmem:v22+s4+$0x0] =	vst.idx.msk vm0, v10  }
0x11f: {  	[tilespmem:v17+s5+$0x0] =	vst.idx.msk vm15, v10  }
0x120: {  	[tilespmem:v17+s6+$0x0] =	vst.idx.msk vm15, v10  }
0x121: {  	v17 =	vld [tilespmem:s1+$0xC0];
	_ =	sdelay $0x4  }
0x122: {  	(xrf0) =	vadd.scan.msk.s32 $0xffff, v17  }
0x123: {  	v31 =	vsub.s32 $0x1, v17  }
0x124: {  	(xrf0) =	vadd.scan.msk.s32 $0xffff, v31;
	_ =	sdelay $0x2  }
0x125: {  	v32 =	vmpcnt.ones.xlane vm0  }
0x126: {  	v33, _, _ =	vpop (xrf0)  }
0x127: {  	v19 =	vadd.s32 v19, v32;
	v21 =	vadd.s32 $0xFFFFFFFF, v33  }
0x128: {  	v35, _, _ =	vpop (xrf0);
	v34 =	vadd.s32 v19, v21  }
0x129: {  	vm0 =	vgt.s32 v17, $0x0;
	v23 =	vsub.s32 v35, v19;
	v36 =	vshll.u32 v34, $0x4  }
0x12a: {  	v22 =	vand.u32 $0x7, v34;
	v23 =	vadd.s32 $0xBF, v23;
	v24 =	vand.u32 $0xFFFFFF80, v36  }
0x12b: {  	v37 =	vshll.u32 v23, $0x4;
	v22 =	vor.u32 v22, v24  }
0x12c: {  	vm15 =	vle.s32 v17, $0x0;
	v17 =	vand.u32 $0x7, v23;
	v38 =	vand.u32 $0xFFFFFF80, v37  }
0x12d: {  	v17 =	vor.u32 v17, v38  }
0x12e: {  	v18 =	vadd.s32 v18, v32  }
0x12f: {  	v20 =	vadd.s32 v18, v21  }
0x130: {  	[tilespmem:v22+s3+$0x0] =	vst.idx.msk vm0, v20  }
0x131: {  	[tilespmem:v22+s4+$0x0] =	vst.idx.msk vm0, v11  }
0x132: {  	[tilespmem:v17+s5+$0x0] =	vst.idx.msk vm15, v11  }
0x133: {  	[tilespmem:v17+s6+$0x0] =	vst.idx.msk vm15, v11  }
0x134: {  	v17 =	vld [tilespmem:s1+$0xD0];
	_ =	sdelay $0x4  }
0x135: {  	(xrf0) =	vadd.scan.msk.s32 $0xffff, v17  }
0x136: {  	v39 =	vsub.s32 $0x1, v17  }
0x137: {  	(xrf0) =	vadd.scan.msk.s32 $0xffff, v39;
	_ =	sdelay $0x2  }
0x138: {  	v40 =	vmpcnt.ones.xlane vm0  }
0x139: {  	v41, _, _ =	vpop (xrf0)  }
0x13a: {  	v19 =	vadd.s32 v19, v40;
	v21 =	vadd.s32 $0xFFFFFFFF, v41  }
0x13b: {  	v43, _, _ =	vpop (xrf0);
	v42 =	vadd.s32 v19, v21  }
0x13c: {  	vm0 =	vgt.s32 v17, $0x0;
	v23 =	vsub.s32 v43, v19;
	v44 =	vshll.u32 v42, $0x4  }
0x13d: {  	v22 =	vand.u32 $0x7, v42;
	v23 =	vadd.s32 $0xCF, v23;
	v24 =	vand.u32 $0xFFFFFF80, v44  }
0x13e: {  	v45 =	vshll.u32 v23, $0x4;
	v22 =	vor.u32 v22, v24  }
0x13f: {  	vm15 =	vle.s32 v17, $0x0;
	v17 =	vand.u32 $0x7, v23;
	v46 =	vand.u32 $0xFFFFFF80, v45  }
0x140: {  	v17 =	vor.u32 v17, v46  }
0x141: {  	v18 =	vadd.s32 v18, v40  }
0x142: {  	v20 =	vadd.s32 v18, v21  }
0x143: {  	[tilespmem:v22+s3+$0x0] =	vst.idx.msk vm0, v20  }
0x144: {  	[tilespmem:v22+s4+$0x0] =	vst.idx.msk vm0, v12  }
0x145: {  	[tilespmem:v17+s5+$0x0] =	vst.idx.msk vm15, v12  }
0x146: {  	[tilespmem:v17+s6+$0x0] =	vst.idx.msk vm15, v12  }
0x147: {  	v17 =	vld [tilespmem:s1+$0xE0];
	_ =	sdelay $0x4  }
0x148: {  	(xrf0) =	vadd.scan.msk.s32 $0xffff, v17  }
0x149: {  	v47 =	vsub.s32 $0x1, v17  }
0x14a: {  	(xrf0) =	vadd.scan.msk.s32 $0xffff, v47;
	_ =	sdelay $0x1  }
0x14b: {  	v48 =	vmpcnt.ones.xlane vm0;
	_ =	sdelay $0x1  }
0x14c: {  	v19 =	vadd.s32 v19, v48;
	v49, _, _ =	vpop (xrf0)  }
0x14d: {  	v50 =	vadd.s32 v19, v49  }
0x14e: {  	v51, _, _ =	vpop (xrf0);
	v22 =	vadd.s32 $0xFFFFFFFF, v50  }
0x14f: {  	vm0 =	vgt.s32 v17, $0x0;
	v23 =	vsub.s32 v51, v19;
	v52 =	vshll.u32 v22, $0x4  }
0x150: {  	v22 =	vand.u32 $0x7, v22;
	v23 =	vadd.s32 $0xDF, v23;
	v24 =	vand.u32 $0xFFFFFF80, v52  }
0x151: {  	v53 =	vshll.u32 v23, $0x4;
	v22 =	vor.u32 v22, v24  }
0x152: {  	vm15 =	vle.s32 v17, $0x0;
	v17 =	vand.u32 $0x7, v23;
	v54 =	vand.u32 $0xFFFFFF80, v53  }
0x153: {  	v18 =	vadd.s32 v18, v48;
	v17 =	vor.u32 v17, v54  }
0x154: {  	v18 =	vadd.s32 $0xFFFFFFFF, v18  }
0x155: {  	v55 =	vadd.s32 v49, v18  }
0x156: {  	[tilespmem:v22+s3+$0x0] =	vst.idx.msk vm0, v55  }
0x157: {  	[tilespmem:v22+s4+$0x0] =	vst.idx.msk vm0, v13  }
0x158: {  	[tilespmem:v17+s5+$0x0] =	vst.idx.msk vm15, v13  }
0x159: {  	[tilespmem:v17+s6+$0x0] =	vst.idx.msk vm15, v13  }
0x15a: {  	v17 =	vld [tilespmem:s1+$0xF0];
	_ =	sdelay $0x4  }
0x15b: {  	v56 =	vmpcnt.ones.xlane vm0;
	vm0 =	vgt.s32 v17, $0x0  }
0x15c: {  	v57 =	vmpcnt.ones.xlane vm0  }
0x15d: {  	v19 =	vadd.s32 v19, v56  }
0x15e: {  	(xrf0) =	vadd.scan.msk.s32 $0xffff, v17;
	v58 =	vsub.s32 $0x1, v17;
	v21 =	vadd.s32 v19, v57  }
0x15f: {  	(xrf0) =	vadd.scan.msk.s32 $0xffff, v58;
	v21 =	vxor.u32 $0x80000000, v21  }
0x160: {  	(xrf0) =	vmax.scan.msk.u32 $0xffff, v21;
	_ =	sdelay $0x3  }
0x161: {  	v59, _, _ =	vpop (xrf0)  }
0x162: {  	v22, _, _ =	vpop (xrf0)  }
0x163: {  	v60, _, _ =	vpop (xrf0)  }
0x164: {  	(v2sf) =	vpush v60, $0xF;
	_ =	sdelay $0xb  }
0x165: {  	v61 =	vadd.s32 v19, v59  }
0x166: {  	v23 =	vadd.s32 $0xFFFFFFFF, v61  }
0x167: {  	v19 =	vsub.s32 v22, v19;
	v62 =	vshll.u32 v23, $0x4  }
0x168: {  	v23 =	vand.u32 $0x7, v23;
	v19 =	vadd.s32 $0xEF, v19;
	v22 =	vand.u32 $0xFFFFFF80, v62;
	s10 =	spop (v2sf)  }
0x169: {  	v63 =	vshll.u32 v19, $0x4;
	v22 =	vor.u32 v23, v22;
	s7 =	sxor.u32 $0x80000000, s10  }
0x16a: {  	vm15 =	vle.s32 v17, $0x0;
	v17 =	vand.u32 $0x7, v19;
	v19 =	vand.u32 $0xFFFFFF80, v63;
	s2 =	ssub.s32 $0x100, s7  }
0x16b: {  	v17 =	vor.u32 v17, v19;
	s29 =	sand.u32 $0x7, s2  }
0x16c: {  	v18 =	vadd.s32 v56, v18;
	p1 =	seq.s32 s29, $0x0  }
.Ltmp6:
0x16d: {  	v18 =	vadd.s32 v59, v18;
	(pc) =	sbr.rel @p1 .LBB2_8-.Ltmp6, $4  }
0x16e: {  	[tilespmem:v22+s3+$0x0] =	vst.idx.msk vm0, v18  }
0x16f: {  	[tilespmem:v22+s4+$0x0] =	vst.idx.msk vm0, v14  }
0x170: {  	[tilespmem:v17+s5+$0x0] =	vst.idx.msk vm15, v14;
	[dreg:$0x12] =	wrdreg s10  }
0x171: {  	[tilespmem:v17+s6+$0x0] =	vst.idx.msk vm15, v14;
	[dreg:$0x13] =	wrdreg s7  }
0x172: {  	s1 =	sand.u32 $0xFFFFFFF8, s2  }
0x173: {  	v17 =	vadd.s32 s1, v0  }
0x174: {  	v18 =	vmov s2;
	(v2sf) =	vpush v17, $0x0  }
0x175: {  	(v2sf) =	vpush v18, $0x0  }
0x176: {  	(v2sf) =	vpush v17, $0xF;
	_ =	sdelay $0x1  }
0x177: {  	(v2sf) =	vpush v18, $0xF  }
0x178: {  	(v2sf) =	vpush v17, $0x1  }
0x179: {  	(v2sf) =	vpush v18, $0x1;
	_ =	sdelay $0x1  }
0x17a: {  	(v2sf) =	vpush v17, $0x2  }
0x17b: {  	(v2sf) =	vpush v18, $0x2  }
0x17c: {  	(v2sf) =	vpush v17, $0x3  }
0x17d: {  	(v2sf) =	vpush v18, $0x3  }
0x17e: {  	(v2sf) =	vpush v17, $0x4  }
0x17f: {  	(v2sf) =	vpush v18, $0x4  }
0x180: {  	(v2sf) =	vpush v17, $0x5  }
0x181: {  	(v2sf) =	vpush v18, $0x5;
	s29 =	spop (v2sf)  }
0x182: {  	(v2sf) =	vpush v17, $0x6;
	s25 =	spop (v2sf)  }
0x183: {  	[dreg:$0x14] =	wrdreg s2;
	(v2sf) =	vpush v18, $0x6;
	s17 =	sshra.s32 s29, $0x1F;
	s3 =	spop (v2sf)  }
0x184: {  	(v2sf) =	vpush v17, $0x7;
	[dreg:$0x17] =	wrdreg s17;
	s1 =	sxor.u32 s17, s29;
	s29 =	sshra.s32 s25, $0x1F  }
0x185: {  	s4 =	spop (v2sf);
	(v2sf) =	vpush v18, $0x7;
	s2 =	sxor.u32 s29, s25;
	s30 =	sshra.s32 s3, $0x1F  }
0x186: {  	s1 =	ssub.s32 s1, s17;
	s5 =	spop (v2sf);
	s2 =	ssub.s32 s2, s29  }
0x187: {  	[dreg:$0x18] =	wrdreg s30;
	s3 =	sxor.u32 s30, s3;
	s6 =	spop (v2sf)  }
0x188: {  	(drf) =	srem.u32 s1, s2;
	s1 =	ssub.s32 s3, s30;
	s3 =	sshra.s32 s4, $0x1F  }
0x189: {  	s29 =	sshra.s32 s5, $0x1F;
	s7 =	spop (v2sf);
	s17 =	sxor.u32 s3, s4  }
0x18a: {  	(v2sf) =	vpush v17, $0x8;
	[dreg:$0x1a] =	wrdreg s29;
	s5 =	sxor.u32 s29, s5;
	s10 =	spop (v2sf)  }
0x18b: {  	(v2sf) =	vpush v18, $0x8;
	s2 =	ssub.s32 s17, s3;
	s17 =	sshra.s32 s6, $0x1F;
	s11 =	spop (v2sf)  }
0x18c: {  	s29 =	ssub.s32 s5, s29;
	s5 =	sshra.s32 s7, $0x1F;
	s24 =	spop (v2sf)  }
0x18d: {  	(v2sf) =	vpush v17, $0x9;
	(drf) =	srem.u32 s1, s2;
	s4 =	sxor.u32 s17, s6;
	s28 =	spop (v2sf)  }
0x18e: {  	[dreg:$0x1c] =	wrdreg s5;
	s6 =	sxor.u32 s5, s7;
	s26 =	spop (v2sf)  }
0x18f: {  	s7 =	sshra.s32 s10, $0x1F;
	s2 =	ssub.s32 s4, s17;
	s31 =	spop (v2sf)  }
0x190: {  	s1 =	ssub.s32 s6, s5;
	(drf) =	srem.u32 s29, s2;
	s25 =	spop (v2sf)  }
0x191: {  	s10 =	sxor.u32 s7, s10;
	[smem:$0x7FD] =	sst s25;
	s25 =	spop (v2sf);
	(v2sf) =	vpush v18, $0x9  }
0x192: {  	s2 =	ssub.s32 s10, s7;
	s10 =	sshra.s32 s11, $0x1F;
	s3 =	spop (v2sf);
	(v2sf) =	vpush v17, $0xA  }
0x193: {  	s17 =	sshra.s32 s24, $0x1F;
	s11 =	sxor.u32 s10, s11;
	s29 =	spop (v2sf);
	(v2sf) =	vpush v18, $0xA  }
0x194: {  	(drf) =	srem.u32 s1, s2;
	s6 =	sxor.u32 s17, s24;
	s30 =	spop (v2sf);
	(v2sf) =	vpush v17, $0xB  }
0x195: {  	s5 =	ssub.s32 s11, s10;
	s11 =	sshra.s32 s28, $0x1F;
	s7 =	sshra.s32 s26, $0x1F  }
0x196: {  	s2 =	ssub.s32 s6, s17;
	s17 =	sxor.u32 s11, s28;
	s28 =	sxor.u32 s7, s26  }
0x197: {  	(drf) =	srem.u32 s5, s2;
	s2 =	ssub.s32 s17, s11;
	s17 =	sld [smem:$0x7FD]  }
0x198: {  	s6 =	ssub.s32 s28, s7  }
0x199: {  	s7 =	sshra.s32 s31, $0x1F;
	(drf) =	srem.u32 s2, s6;
	s4 =	spop (v2sf);
	(v2sf) =	vpush v18, $0xB  }
0x19a: {  	s2 =	sxor.u32 s7, s31;
	s28 =	sshra.s32 s17, $0x1F;
	s24 =	spop (v2sf);
	(v2sf) =	vpush v17, $0xC  }
0x19b: {  	s1 =	ssub.s32 s2, s7;
	s17 =	sxor.u32 s28, s17  }
0x19c: {  	s6 =	sshra.s32 s25, $0x1F;
	s2 =	ssub.s32 s17, s28;
	s26 =	spop (v2sf);
	(v2sf) =	vpush v18, $0xC  }
0x19d: {  	s25 =	sxor.u32 s6, s25;
	s17 =	sshra.s32 s3, $0x1F;
	(drf) =	srem.u32 s1, s2  }
0x19e: {  	s1 =	ssub.s32 s25, s6;
	s5 =	sxor.u32 s17, s3;
	s3 =	sshra.s32 s30, $0x1F  }
0x19f: {  	s2 =	ssub.s32 s5, s17;
	s5 =	sshra.s32 s29, $0x1F;
	s17 =	sxor.u32 s3, s30  }
0x1a0: {  	s25 =	sxor.u32 s5, s29;
	(drf) =	srem.u32 s1, s2;
	s28 =	spop (v2sf);
	(v2sf) =	vpush v17, $0xD  }
0x1a1: {  	s3 =	ssub.s32 s17, s3;
	s2 =	ssub.s32 s25, s5;
	s30 =	spop (v2sf);
	(v2sf) =	vpush v18, $0xD  }
0x1a2: {  	(drf) =	srem.u32 s2, s3;
	s3 =	sshra.s32 s4, $0x1F;
	s2 =	spop (v2sf);
	(v2sf) =	vpush v17, $0xE  }
0x1a3: {  	s17 =	sshra.s32 s24, $0x1F;
	s4 =	sxor.u32 s3, s4;
	s25 =	spop (v2sf);
	(v2sf) =	vpush v18, $0xE  }
0x1a4: {  	s24 =	sxor.u32 s17, s24;
	s31 =	ssub.s32 s4, s3  }
0x1a5: {  	s4 =	ssub.s32 s24, s17;
	s17 =	sshra.s32 s26, $0x1F;
	s24 =	sshra.s32 s28, $0x1F  }
0x1a6: {  	(drf) =	srem.u32 s31, s4;
	s26 =	sxor.u32 s17, s26;
	s1 =	sxor.u32 s24, s28  }
0x1a7: {  	s4 =	ssub.s32 s26, s17;
	s24 =	ssub.s32 s1, s24;
	s1 =	sshra.s32 s2, $0x1F  }
0x1a8: {  	s29 =	spop (v2sf);
	(drf) =	srem.u32 s4, s24;
	s24 =	sshra.s32 s30, $0x1F  }
0x1a9: {  	s2 =	sxor.u32 s1, s2;
	s28 =	spop (v2sf);
	s30 =	sxor.u32 s24, s30  }
0x1aa: {  	s4 =	ssub.s32 s2, s1;
	s2 =	sshra.s32 s25, $0x1F;
	s1 =	sshra.s32 s29, $0x1F  }
0x1ab: {  	s26 =	spop (v2sf);
	s30 =	ssub.s32 s30, s24;
	s25 =	sxor.u32 s2, s25  }
0x1ac: {  	s29 =	sxor.u32 s1, s29;
	(drf) =	srem.u32 s30, s4;
	s4 =	ssub.s32 s25, s2  }
0x1ad: {  	s29 =	ssub.s32 s29, s1;
	s25 =	sshra.s32 s28, $0x1F;
	s31 =	sshra.s32 s26, $0x1F  }
0x1ae: {  	(drf) =	srem.u32 s4, s29;
	s29 =	sxor.u32 s25, s28;
	s26 =	sxor.u32 s31, s26  }
0x1af: {  	s4 =	ssub.s32 s29, s25;
	s26 =	ssub.s32 s26, s31;
	s30 =	spop (v2sf)  }
0x1b0: {  	(drf) =	srem.u32 s4, s26;
	s28 =	spop (v2sf)  }
0x1b1: {  	s26 =	sshra.s32 s30, $0x1F;
	s1 =	sshra.s32 s28, $0x1F;
	s29 =	spop (v2sf)  }
0x1b2: {  	s30 =	sxor.u32 s26, s30;
	s28 =	sxor.u32 s1, s28;
	s31 =	spop (v2sf)  }
0x1b3: {  	s30 =	ssub.s32 s30, s26;
	s4 =	ssub.s32 s28, s1;
	s1 =	sshra.s32 s31, $0x1F  }
0x1b4: {  	s28 =	sshra.s32 s29, $0x1F;
	(drf) =	srem.u32 s30, s4;
	s31 =	sxor.u32 s1, s31  }
0x1b5: {  	s30 =	spop (drf);
	s29 =	sxor.u32 s28, s29;
	s4 =	ssub.s32 s31, s1  }
0x1b6: {  	s31 =	spop (drf);
	s29 =	ssub.s32 s29, s28;
	s1 =	rddreg [dreg:$0x17]  }
0x1b7: {  	(drf) =	srem.u32 s29, s4;
	s4 =	rddreg [dreg:$0x18];
	s30 =	sxor.u32 s1, s30  }
0x1b8: {  	s29 =	sxor.u32 s4, s31;
	s30 =	ssub.s32 s30, s1  }
0x1b9: {  	s1 =	rddreg [dreg:$0x1a];
	s4 =	ssub.s32 s29, s4;
	s29 =	spop (drf)  }
0x1ba: {  	s29 =	sxor.u32 s1, s29  }
0x1bb: {  	vm0 =	vcmask $0x300;
	v17 =	vmov s4;
	s4 =	spop (drf);
	s29 =	ssub.s32 s29, s1;
	s1 =	rddreg [dreg:$0x1c]  }
0x1bc: {  	v17 =	vsel vm0, s30, v17;
	s30 =	spop (drf);
	s4 =	sxor.u32 s1, s4  }
0x1bd: {  	v17 =	vsel vm1, s29, v17;
	s29 =	spop (drf);
	s30 =	sxor.u32 s10, s30;
	s4 =	ssub.s32 s4, s1  }
0x1be: {  	s1 =	ssub.s32 s30, s10;
	s10 =	spop (drf);
	s29 =	sxor.u32 s11, s29;
	v17 =	vsel vm2, s4, v17  }
0x1bf: {  	s29 =	ssub.s32 s29, s11;
	s10 =	sxor.u32 s7, s10;
	v17 =	vsel vm3, s1, v17;
	s1 =	spop (drf)  }
0x1c0: {  	s10 =	ssub.s32 s10, s7;
	v17 =	vsel vm4, s29, v17;
	s7 =	spop (drf);
	s11 =	sxor.u32 s6, s1  }
0x1c1: {  	v17 =	vsel vm5, s10, v17;
	s29 =	ssub.s32 s11, s6;
	s1 =	spop (drf);
	s7 =	sxor.u32 s5, s7  }
0x1c2: {  	v17 =	vsel vm6, s29, v17;
	s11 =	ssub.s32 s7, s5;
	s29 =	spop (drf);
	s6 =	sxor.u32 s3, s1  }
0x1c3: {  	v17 =	vsel vm7, s11, v17;
	s3 =	ssub.s32 s6, s3;
	s1 =	spop (drf);
	s5 =	sxor.u32 s17, s29  }
0x1c4: {  	v17 =	vsel vm8, s3, v17;
	s5 =	ssub.s32 s5, s17;
	s6 =	spop (drf);
	s4 =	sxor.u32 s24, s1  }
0x1c5: {  	v17 =	vsel vm9, s5, v17;
	s11 =	ssub.s32 s4, s24;
	s17 =	spop (drf);
	s3 =	sxor.u32 s2, s6  }
0x1c6: {  	v17 =	vsel vm10, s11, v17;
	s24 =	ssub.s32 s3, s2;
	s29 =	spop (drf);
	s5 =	sxor.u32 s25, s17  }
0x1c7: {  	v17 =	vsel vm11, s24, v17;
	s6 =	ssub.s32 s5, s25;
	s2 =	sxor.u32 s26, s29;
	s11 =	spop (drf)  }
0x1c8: {  	v17 =	vsel vm12, s6, v17;
	s17 =	ssub.s32 s2, s26;
	s24 =	sxor.u32 s28, s11  }
0x1c9: {  	v17 =	vsel vm13, s17, v17;
	s25 =	ssub.s32 s24, s28  }
0x1ca: {  	v17 =	vsel vm14, s25, v17  }
0x1cb: {  	v18 =	vshll.u32 v17, $0x4  }
0x1cc: {  	v17 =	vand.u32 $0x7, v17;
	v18 =	vand.u32 $0xFFFFFF80, v18  }
0x1cd: {  	v17 =	vor.u32 v17, v18;
	_ =	sdelay $0x1  }
0x1ce: {  	s26 =	rddreg [dreg:$0x14]  }
0x1cf: {  	s1 =	sshll.u32 s26, $0x4  }
0x1d0: {  	s28 =	simm.s32 $0x18000;
	s1 =	sand.u32 $0xFFFFFF80, s1  }
0x1d1: {  	v19 =	vor.u32 s1, v0;
	v18 =	vld.idx.msk [tilespmem:v17+s28+$0x0], $0xffff;
	_ =	sdelay $0x4  }
0x1d2: {  	s29 =	simm.s32 $0x19000;
	[tilespmem:v19+s28+$0x0] =	vst.idx.msk $0xff, v18  }
0x1d3: {  	v17 =	vld.idx.msk [tilespmem:v17+s29+$0x0], $0xffff;
	_ =	sdelay $0x1  }
0x1d4: {  	s31 =	rddreg [dreg:$0xa]  }
0x1d5: {  	s30 =	rddreg [dreg:$0x3]  }
0x1d6: {  	s10 =	rddreg [dreg:$0x12]  }
0x1d7: {  	s7 =	rddreg [dreg:$0x13];
	[tilespmem:v19+s29+$0x0] =	vst.idx.msk $0xff, v17  }
.LBB2_8:
0x1d8: {  	s1 =	sand.u32 $0x7, s10  }
0x1d9: {  	p1 =	seq.s32 s1, $0x0  }
.Ltmp7:
0x1da: {  	_ = 	snop;
	(pc) =	sbr.rel @p1 .LBB2_10-.Ltmp7, $1  }
0x1db: {  	_ =	sdelay $0x3  }
0x1dc: {  	s1 =	sand.u32 $0xFFFFFFF8, s7  }
0x1dd: {  	v17 =	vadd.s32 s1, v0  }
0x1de: {  	v18 =	vmov s7;
	(v2sf) =	vpush v17, $0x0  }
0x1df: {  	(v2sf) =	vpush v18, $0x0;
	_ =	sdelay $0x1  }
0x1e0: {  	(v2sf) =	vpush v17, $0xF  }
0x1e1: {  	(v2sf) =	vpush v18, $0xF  }
0x1e2: {  	(v2sf) =	vpush v17, $0x1  }
0x1e3: {  	(v2sf) =	vpush v18, $0x1  }
0x1e4: {  	(v2sf) =	vpush v17, $0x2  }
0x1e5: {  	(v2sf) =	vpush v18, $0x2  }
0x1e6: {  	(v2sf) =	vpush v17, $0x3  }
0x1e7: {  	(v2sf) =	vpush v18, $0x3  }
0x1e8: {  	(v2sf) =	vpush v17, $0x4  }
0x1e9: {  	(v2sf) =	vpush v18, $0x4  }
0x1ea: {  	(v2sf) =	vpush v17, $0x5  }
0x1eb: {  	(v2sf) =	vpush v18, $0x5  }
0x1ec: {  	s29 =	spop (v2sf);
	(v2sf) =	vpush v17, $0x6  }
0x1ed: {  	s2 =	spop (v2sf);
	(v2sf) =	vpush v18, $0x6  }
0x1ee: {  	s31 =	sshra.s32 s29, $0x1F  }
0x1ef: {  	s3 =	spop (v2sf);
	(v2sf) =	vpush v17, $0x7;
	[dreg:$0x16] =	wrdreg s31  }
0x1f0: {  	s1 =	sxor.u32 s31, s29;
	s29 =	sshra.s32 s2, $0x1F;
	s4 =	spop (v2sf);
	(v2sf) =	vpush v18, $0x7  }
0x1f1: {  	s2 =	sxor.u32 s29, s2;
	s17 =	sshra.s32 s3, $0x1F;
	s5 =	spop (v2sf)  }
0x1f2: {  	s1 =	ssub.s32 s1, s31;
	s2 =	ssub.s32 s2, s29;
	s6 =	spop (v2sf)  }
0x1f3: {  	[dreg:$0x19] =	wrdreg s17;
	s3 =	sxor.u32 s17, s3;
	s7 =	spop (v2sf)  }
0x1f4: {  	(drf) =	srem.u32 s1, s2;
	s1 =	ssub.s32 s3, s17;
	s10 =	spop (v2sf)  }
0x1f5: {  	s3 =	sshra.s32 s4, $0x1F;
	s17 =	sshra.s32 s5, $0x1F;
	s11 =	spop (v2sf)  }
0x1f6: {  	(v2sf) =	vpush v17, $0x8;
	s29 =	sxor.u32 s3, s4;
	[dreg:$0x1b] =	wrdreg s17;
	s24 =	spop (v2sf)  }
0x1f7: {  	s5 =	sxor.u32 s17, s5;
	s2 =	ssub.s32 s29, s3;
	s25 =	spop (v2sf)  }
0x1f8: {  	(v2sf) =	vpush v18, $0x8;
	s29 =	sshra.s32 s6, $0x1F;
	s3 =	ssub.s32 s5, s17;
	s26 =	spop (v2sf)  }
0x1f9: {  	(v2sf) =	vpush v17, $0x9;
	(drf) =	srem.u32 s1, s2;
	s17 =	sxor.u32 s29, s6;
	s28 =	spop (v2sf)  }
0x1fa: {  	s2 =	ssub.s32 s17, s29;
	s29 =	sshra.s32 s7, $0x1F;
	s30 =	spop (v2sf)  }
0x1fb: {  	s6 =	sshra.s32 s10, $0x1F;
	[dreg:$0x1d] =	wrdreg s29;
	s4 =	spop (v2sf);
	(v2sf) =	vpush v18, $0x9  }
0x1fc: {  	(drf) =	srem.u32 s3, s2;
	s2 =	sxor.u32 s29, s7;
	s5 =	spop (v2sf);
	(v2sf) =	vpush v17, $0xA  }
0x1fd: {  	s7 =	sxor.u32 s6, s10;
	s17 =	sshra.s32 s24, $0x1F;
	s1 =	ssub.s32 s2, s29  }
0x1fe: {  	s2 =	ssub.s32 s7, s6;
	s6 =	sshra.s32 s11, $0x1F;
	s29 =	spop (v2sf);
	(v2sf) =	vpush v18, $0xA  }
0x1ff: {  	s24 =	sxor.u32 s17, s24;
	s10 =	sxor.u32 s6, s11;
	s31 =	spop (v2sf);
	(v2sf) =	vpush v17, $0xB  }
0x200: {  	(drf) =	srem.u32 s1, s2;
	s1 =	ssub.s32 s10, s6;
	s10 =	sshra.s32 s25, $0x1F  }
0x201: {  	s2 =	ssub.s32 s24, s17;
	s7 =	sshra.s32 s26, $0x1F;
	s3 =	sxor.u32 s10, s25  }
0x202: {  	s17 =	sxor.u32 s7, s26;
	(drf) =	srem.u32 s1, s2;
	s2 =	ssub.s32 s3, s10  }
0x203: {  	s3 =	ssub.s32 s17, s7;
	s7 =	sshra.s32 s28, $0x1F;
	s17 =	sshra.s32 s30, $0x1F  }
0x204: {  	(drf) =	srem.u32 s2, s3;
	s2 =	sxor.u32 s7, s28;
	s3 =	sxor.u32 s17, s30  }
0x205: {  	s24 =	sshra.s32 s4, $0x1F;
	s1 =	ssub.s32 s2, s7;
	s11 =	spop (v2sf);
	(v2sf) =	vpush v18, $0xB  }
0x206: {  	s2 =	ssub.s32 s3, s17;
	s4 =	sxor.u32 s24, s4;
	s17 =	sshra.s32 s5, $0x1F  }
0x207: {  	(drf) =	srem.u32 s1, s2;
	s1 =	ssub.s32 s4, s24;
	s26 =	spop (v2sf);
	(v2sf) =	vpush v17, $0xC  }
0x208: {  	s5 =	sxor.u32 s17, s5;
	s30 =	sshra.s32 s29, $0x1F;
	s25 =	spop (v2sf);
	(v2sf) =	vpush v18, $0xC  }
0x209: {  	s2 =	ssub.s32 s5, s17;
	s4 =	sshra.s32 s31, $0x1F;
	s5 =	sxor.u32 s30, s29  }
0x20a: {  	s17 =	sxor.u32 s4, s31;
	(drf) =	srem.u32 s1, s2;
	s3 =	spop (v2sf);
	(v2sf) =	vpush v17, $0xD  }
0x20b: {  	s2 =	ssub.s32 s5, s30;
	s4 =	ssub.s32 s17, s4;
	s29 =	spop (v2sf);
	(v2sf) =	vpush v18, $0xD  }
0x20c: {  	s17 =	sshra.s32 s26, $0x1F;
	(drf) =	srem.u32 s2, s4  }
0x20d: {  	s4 =	sshra.s32 s11, $0x1F;
	s26 =	sxor.u32 s17, s26;
	s2 =	spop (v2sf);
	(v2sf) =	vpush v17, $0xE  }
0x20e: {  	s1 =	sshra.s32 s25, $0x1F;
	s5 =	sxor.u32 s4, s11;
	s11 =	spop (v2sf);
	(v2sf) =	vpush v18, $0xE  }
0x20f: {  	s31 =	ssub.s32 s5, s4;
	s5 =	ssub.s32 s26, s17;
	s17 =	sshra.s32 s3, $0x1F  }
0x210: {  	s25 =	sxor.u32 s1, s25;
	s3 =	sxor.u32 s17, s3  }
0x211: {  	(drf) =	srem.u32 s31, s5;
	s5 =	ssub.s32 s25, s1;
	s3 =	ssub.s32 s3, s17  }
0x212: {  	s17 =	sshra.s32 s2, $0x1F;
	(drf) =	srem.u32 s5, s3;
	s3 =	sshra.s32 s29, $0x1F  }
0x213: {  	s2 =	sxor.u32 s17, s2;
	s29 =	sxor.u32 s3, s29  }
0x214: {  	s28 =	spop (v2sf);
	s5 =	ssub.s32 s2, s17;
	s25 =	ssub.s32 s29, s3  }
0x215: {  	s2 =	sshra.s32 s11, $0x1F;
	(drf) =	srem.u32 s25, s5;
	s25 =	sshra.s32 s28, $0x1F  }
0x216: {  	s31 =	spop (v2sf);
	s17 =	sxor.u32 s2, s11;
	s28 =	sxor.u32 s25, s28  }
0x217: {  	s26 =	spop (v2sf);
	s5 =	ssub.s32 s17, s2;
	s11 =	ssub.s32 s28, s25  }
0x218: {  	s25 =	sshra.s32 s31, $0x1F;
	s28 =	sshra.s32 s26, $0x1F;
	(drf) =	srem.u32 s5, s11  }
0x219: {  	s17 =	sxor.u32 s25, s31;
	s26 =	sxor.u32 s28, s26;
	s29 =	spop (v2sf)  }
0x21a: {  	s5 =	ssub.s32 s17, s25;
	s11 =	ssub.s32 s26, s28;
	s31 =	spop (v2sf)  }
0x21b: {  	(drf) =	srem.u32 s5, s11;
	s26 =	sshra.s32 s29, $0x1F;
	s5 =	sshra.s32 s31, $0x1F  }
0x21c: {  	s11 =	spop (v2sf);
	s28 =	sxor.u32 s26, s29;
	s17 =	sxor.u32 s5, s31  }
0x21d: {  	s28 =	ssub.s32 s28, s26;
	s29 =	spop (v2sf);
	s5 =	ssub.s32 s17, s5  }
0x21e: {  	s17 =	sshra.s32 s29, $0x1F;
	(drf) =	srem.u32 s28, s5;
	s28 =	sshra.s32 s11, $0x1F  }
0x21f: {  	s31 =	spop (drf);
	s29 =	sxor.u32 s17, s29;
	s11 =	sxor.u32 s28, s11  }
0x220: {  	s5 =	ssub.s32 s29, s17;
	s29 =	spop (drf);
	s17 =	rddreg [dreg:$0x19]  }
0x221: {  	s11 =	ssub.s32 s11, s28;
	s29 =	sxor.u32 s17, s29  }
0x222: {  	(drf) =	srem.u32 s11, s5;
	s5 =	ssub.s32 s29, s17;
	s17 =	rddreg [dreg:$0x16]  }
0x223: {  	s29 =	sxor.u32 s17, s31  }
0x224: {  	s11 =	spop (drf);
	s29 =	ssub.s32 s29, s17;
	s17 =	rddreg [dreg:$0x1b]  }
0x225: {  	s11 =	sxor.u32 s17, s11  }
0x226: {  	vm0 =	vcmask $0x300;
	v17 =	vmov s5;
	s5 =	spop (drf);
	s11 =	ssub.s32 s11, s17;
	s17 =	rddreg [dreg:$0x1d]  }
0x227: {  	v17 =	vsel vm0, s29, v17;
	s29 =	spop (drf);
	s5 =	sxor.u32 s17, s5  }
0x228: {  	s29 =	sxor.u32 s6, s29;
	v17 =	vsel vm1, s11, v17;
	s11 =	spop (drf);
	s5 =	ssub.s32 s5, s17  }
0x229: {  	s17 =	ssub.s32 s29, s6;
	s29 =	spop (drf);
	s11 =	sxor.u32 s10, s11;
	v17 =	vsel vm2, s5, v17  }
0x22a: {  	s10 =	ssub.s32 s11, s10;
	s11 =	spop (drf);
	s6 =	sxor.u32 s7, s29;
	v17 =	vsel vm3, s17, v17  }
0x22b: {  	s17 =	ssub.s32 s6, s7;
	s6 =	spop (drf);
	s29 =	sxor.u32 s24, s11;
	v17 =	vsel vm4, s10, v17  }
0x22c: {  	s11 =	ssub.s32 s29, s24;
	s6 =	sxor.u32 s30, s6;
	v17 =	vsel vm5, s17, v17;
	s17 =	spop (drf)  }
0x22d: {  	s24 =	ssub.s32 s6, s30;
	v17 =	vsel vm6, s11, v17;
	s29 =	spop (drf);
	s7 =	sxor.u32 s4, s17  }
0x22e: {  	v17 =	vsel vm7, s24, v17;
	s4 =	ssub.s32 s7, s4;
	s11 =	spop (drf);
	s6 =	sxor.u32 s1, s29  }
0x22f: {  	v17 =	vsel vm8, s4, v17;
	s1 =	ssub.s32 s6, s1;
	s17 =	spop (drf);
	s5 =	sxor.u32 s3, s11  }
0x230: {  	v17 =	vsel vm9, s1, v17;
	s24 =	ssub.s32 s5, s3;
	s29 =	spop (drf);
	s4 =	sxor.u32 s2, s17  }
0x231: {  	v17 =	vsel vm10, s24, v17;
	s4 =	ssub.s32 s4, s2;
	s5 =	spop (drf);
	s3 =	sxor.u32 s25, s29  }
0x232: {  	v17 =	vsel vm11, s4, v17;
	s6 =	ssub.s32 s3, s25;
	s2 =	sxor.u32 s26, s5;
	s11 =	spop (drf)  }
0x233: {  	v17 =	vsel vm12, s6, v17;
	s17 =	ssub.s32 s2, s26;
	s24 =	sxor.u32 s28, s11  }
0x234: {  	v17 =	vsel vm13, s17, v17;
	s25 =	ssub.s32 s24, s28  }
0x235: {  	v17 =	vsel vm14, s25, v17  }
0x236: {  	v18 =	vshll.u32 v17, $0x4  }
0x237: {  	v17 =	vand.u32 $0x7, v17;
	v18 =	vand.u32 $0xFFFFFF80, v18  }
0x238: {  	v17 =	vor.u32 v17, v18;
	_ =	sdelay $0x1  }
0x239: {  	s7 =	rddreg [dreg:$0x13]  }
0x23a: {  	s26 =	sshll.u32 s7, $0x4  }
0x23b: {  	s1 =	sand.u32 $0xFFFFFF80, s26;
	s28 =	simm.s32 $0x16000  }
0x23c: {  	v19 =	vor.u32 s1, v0;
	v18 =	vld.idx.msk [tilespmem:v17+s28+$0x0], $0xffff;
	_ =	sdelay $0x4  }
0x23d: {  	s29 =	simm.s32 $0x17000;
	[tilespmem:v19+s28+$0x0] =	vst.idx.msk $0xff, v18  }
0x23e: {  	v17 =	vld.idx.msk [tilespmem:v17+s29+$0x0], $0xffff;
	_ =	sdelay $0x2  }
0x23f: {  	s31 =	rddreg [dreg:$0xa]  }
0x240: {  	s10 =	rddreg [dreg:$0x12]  }
0x241: {  	s30 =	rddreg [dreg:$0x3];
	[tilespmem:v19+s29+$0x0] =	vst.idx.msk $0xff, v17  }
.LBB2_10:
0x242: {  	s1 =	ssub.s32 $0x107, s7  }
0x243: {  	s7 =	sshra.s32 s1, $0x3  }
0x244: {  	p1 =	sgt.s32 s7, $0x0  }
.Ltmp8:
0x245: {  	_ = 	snop;
	(pc) =	sbr.rel @!p1 .LBB2_11-.Ltmp8, $1  }
0x246: {  	_ =	sdelay $0x3  }
0x247: {  	v17 =	vld.msk [tilespmem:$0x18000], $0xff;
	_ =	sdelay $0x4  }
0x248: {  	v18 =	vshll.u32 v17, $0x4  }
0x249: {  	v17 =	vand.u32 $0x7, v17;
	v18 =	vand.u32 $0xFFFFFF80, v18  }
0x24a: {  	v19 =	vshrl.u32 v0, $0x3;
	v18 =	vor.u32 v17, v18;
	v17 =	vand.u32 $0x7, v0  }
0x24b: {  	v20 =	vperm.xlane v18, v17;
	v18 =	vmul.u32 $0x8, v19;
	_ =	sdelay $0x1  }
0x24c: {  	v19 =	vadd.s32 v18, v20;
	_ =	sdelay $0x3  }
0x24d: {  	vm15 =	vmmov $0xffff;
	s28 =	rddreg [dreg:$0x0];
	s1 =	simm.s32 $0x2000  }
0x24e: {  	[tilespmem:s1], [sflag:$0x1] =	stream.indirect_vreg.gather [hbm4b:s28+s0], $0x80, v19, vm15, $0xb8;
	[tilespmem:$0x1A000] =	vst v63  }
0x24f: {  	s4 =	simm.s32 $0x2800;
	s17 =	rddreg [dreg:$0x15]  }
0x250: {  	[tilespmem:s4], [sflag:$0x1] =	stream.indirect_vreg.gather [hbm4b:s17+s0], $0x80, v19, vm15, $0xb8;
	[tilespmem:$0x1A000] =	vst v63  }
0x251: {  	s5 =	simm.s32 $0x3000  }
0x252: {  	[tilespmem:s5], [sflag:$0x1] =	stream.indirect_vreg.gather [hbm4b:s18+s0], $0x80, v19, vm15, $0xb8;
	[tilespmem:$0x1A000] =	vst v63  }
0x253: {  	s6 =	simm.s32 $0x3800  }
0x254: {  	[tilespmem:s6], [sflag:$0x1] =	stream.indirect_vreg.gather [hbm4b:s19+s0], $0x80, v19, vm15, $0xb8;
	[tilespmem:$0x1A000] =	vst v63  }
0x255: {  	s11 =	simm.s32 $0x4000  }
0x256: {  	[tilespmem:s11], [sflag:$0x1] =	stream.indirect_vreg.gather [hbm4b:s20+s0], $0x80, v19, vm15, $0xb8;
	[tilespmem:$0x1A000] =	vst v63  }
0x257: {  	s24 =	simm.s32 $0x4800;
	p1 =	sne.s32 s7, $0x1  }
0x258: {  	[tilespmem:s24], [sflag:$0x1] =	stream.indirect_vreg.gather [hbm4b:s21+s0], $0x80, v19, vm15, $0xb8;
	[tilespmem:$0x1A000] =	vst v63  }
.Ltmp9:
0x259: {  	_ = 	snop;
	(pc) =	sbr.rel @!p1 .LBB2_13-.Ltmp9, $4  }
0x25a: {  	s25 =	simm.s32 $0x5000  }
0x25b: {  	[tilespmem:s25], [sflag:$0x1] =	stream.indirect_vreg.gather [hbm4b:s22+s0], $0x80, v19, vm15, $0xb8;
	[tilespmem:$0x1A000] =	vst v63  }
0x25c: {  	s26 =	simm.s32 $0x5800;
	s29 =	rddreg [dreg:$0x2]  }
0x25d: {  	[tilespmem:s26], [sflag:$0x1] =	stream.indirect_vreg.gather [hbm4b:s23+s0], $0x80, v19, vm15, $0xb8;
	[tilespmem:$0x1A000] =	vst v63  }
0x25e: {  	v19 =	vld.msk [tilespmem:$0x18080], $0xff;
	_ =	sdelay $0x4  }
0x25f: {  	v20 =	vshll.u32 v19, $0x4  }
0x260: {  	v19 =	vand.u32 $0x7, v19;
	v20 =	vand.u32 $0xFFFFFF80, v20  }
0x261: {  	v19 =	vor.u32 v19, v20  }
0x262: {  	v19 =	vperm.xlane v19, v17;
	_ =	sdelay $0x1  }
0x263: {  	v19 =	vadd.s32 v18, v19;
	_ =	sdelay $0x3  }
0x264: {  	s1 =	simm.s32 $0x6000  }
0x265: {  	[tilespmem:s1], [sflag:$0x2] =	stream.indirect_vreg.gather [hbm4b:s28+s0], $0x80, v19, vm15, $0xb8;
	[tilespmem:$0x1A000] =	vst v63  }
0x266: {  	s4 =	simm.s32 $0x6800  }
0x267: {  	[tilespmem:s4], [sflag:$0x2] =	stream.indirect_vreg.gather [hbm4b:s17+s0], $0x80, v19, vm15, $0xb8;
	[tilespmem:$0x1A000] =	vst v63  }
0x268: {  	s5 =	simm.s32 $0x7000  }
0x269: {  	[tilespmem:s5], [sflag:$0x2] =	stream.indirect_vreg.gather [hbm4b:s18+s0], $0x80, v19, vm15, $0xb8;
	[tilespmem:$0x1A000] =	vst v63  }
0x26a: {  	s6 =	simm.s32 $0x7800  }
0x26b: {  	[tilespmem:s6], [sflag:$0x2] =	stream.indirect_vreg.gather [hbm4b:s19+s0], $0x80, v19, vm15, $0xb8;
	[tilespmem:$0x1A000] =	vst v63  }
0x26c: {  	s11 =	simm.s32 $0x8000  }
0x26d: {  	[tilespmem:s11], [sflag:$0x2] =	stream.indirect_vreg.gather [hbm4b:s20+s0], $0x80, v19, vm15, $0xb8;
	[tilespmem:$0x1A000] =	vst v63  }
0x26e: {  	s24 =	simm.s32 $0x8800;
	p1 =	sgt.u32 s7, $0x2  }
0x26f: {  	[tilespmem:s24], [sflag:$0x2] =	stream.indirect_vreg.gather [hbm4b:s21+s0], $0x80, v19, vm15, $0xb8;
	[tilespmem:$0x1A000] =	vst v63  }
.Ltmp10:
0x270: {  	_ = 	snop;
	(pc) =	sbr.rel @!p1 .LBB2_15-.Ltmp10, $4  }
0x271: {  	s25 =	simm.s32 $0x9000  }
0x272: {  	[tilespmem:s25], [sflag:$0x2] =	stream.indirect_vreg.gather [hbm4b:s22+s0], $0x80, v19, vm15, $0xb8;
	[tilespmem:$0x1A000] =	vst v63  }
0x273: {  	s26 =	simm.s32 $0x9800;
	s1 =	simm.s32 $0x100  }
0x274: {  	[tilespmem:s26], [sflag:$0x2] =	stream.indirect_vreg.gather [hbm4b:s23+s0], $0x80, v19, vm15, $0xb8;
	[tilespmem:$0x1A000] =	vst v63  }
0x275: {  	v19 =	vld.msk [tilespmem:$0x18100], $0xff;
	_ =	sdelay $0x4  }
0x276: {  	v20 =	vshll.u32 v19, $0x4  }
0x277: {  	v19 =	vand.u32 $0x7, v19;
	v20 =	vand.u32 $0xFFFFFF80, v20  }
0x278: {  	v19 =	vor.u32 v19, v20  }
0x279: {  	v19 =	vperm.xlane v19, v17;
	_ =	sdelay $0x1  }
0x27a: {  	v19 =	vadd.s32 v18, v19;
	_ =	sdelay $0x3  }
0x27b: {  	s1 =	simm.s32 $0x0;
	s2 =	simm.s32 $0xA000  }
0x27c: {  	[tilespmem:s2], [sflag:$0x3] =	stream.indirect_vreg.gather [hbm4b:s28+s1], $0x80, v19, vm15, $0xb8;
	[tilespmem:$0x1A000] =	vst v63  }
0x27d: {  	s4 =	simm.s32 $0xA800  }
0x27e: {  	[tilespmem:s4], [sflag:$0x3] =	stream.indirect_vreg.gather [hbm4b:s17+s1], $0x80, v19, vm15, $0xb8;
	[tilespmem:$0x1A000] =	vst v63  }
0x27f: {  	s5 =	simm.s32 $0xB000  }
0x280: {  	[tilespmem:s5], [sflag:$0x3] =	stream.indirect_vreg.gather [hbm4b:s18+s1], $0x80, v19, vm15, $0xb8;
	[tilespmem:$0x1A000] =	vst v63  }
0x281: {  	s6 =	simm.s32 $0xB800  }
0x282: {  	[tilespmem:s6], [sflag:$0x3] =	stream.indirect_vreg.gather [hbm4b:s19+s1], $0x80, v19, vm15, $0xb8;
	[tilespmem:$0x1A000] =	vst v63  }
0x283: {  	s11 =	simm.s32 $0xC000  }
0x284: {  	[tilespmem:s11], [sflag:$0x3] =	stream.indirect_vreg.gather [hbm4b:s20+s1], $0x80, v19, vm15, $0xb8;
	[tilespmem:$0x1A000] =	vst v63  }
0x285: {  	s24 =	simm.s32 $0xC800;
	p1 =	seq.s32 s7, $0x3  }
0x286: {  	[tilespmem:s24], [sflag:$0x3] =	stream.indirect_vreg.gather [hbm4b:s21+s1], $0x80, v19, vm15, $0xb8;
	[tilespmem:$0x1A000] =	vst v63  }
.Ltmp11:
0x287: {  	_ = 	snop;
	(pc) =	sbr.rel @p1 .LBB2_16-.Ltmp11, $4  }
0x288: {  	s25 =	simm.s32 $0xD000  }
0x289: {  	[tilespmem:s25], [sflag:$0x3] =	stream.indirect_vreg.gather [hbm4b:s22+s1], $0x80, v19, vm15, $0xb8;
	[tilespmem:$0x1A000] =	vst v63  }
0x28a: {  	s26 =	simm.s32 $0xD800  }
0x28b: {  	[tilespmem:s26], [sflag:$0x3] =	stream.indirect_vreg.gather [hbm4b:s23+s1], $0x80, v19, vm15, $0xb8;
	[tilespmem:$0x1A000] =	vst v63  }
0x28c: {  	v19 =	vld.msk [tilespmem:$0x18180], $0xff;
	_ =	sdelay $0x4  }
0x28d: {  	v20 =	vshll.u32 v19, $0x4  }
0x28e: {  	v19 =	vand.u32 $0x7, v19;
	v20 =	vand.u32 $0xFFFFFF80, v20  }
0x28f: {  	v19 =	vor.u32 v19, v20  }
0x290: {  	v17 =	vperm.xlane v19, v17;
	_ =	sdelay $0x1  }
0x291: {  	v17 =	vadd.s32 v18, v17;
	_ =	sdelay $0x3  }
0x292: {  	s1 =	simm.s32 $0xE000  }
0x293: {  	[tilespmem:s1], [sflag:$0x4] =	stream.indirect_vreg.gather [hbm4b:s28+s0], $0x80, v17, vm15, $0xb8;
	[tilespmem:$0x1A000] =	vst v63  }
0x294: {  	s4 =	simm.s32 $0xE800  }
0x295: {  	[tilespmem:s4], [sflag:$0x4] =	stream.indirect_vreg.gather [hbm4b:s17+s0], $0x80, v17, vm15, $0xb8;
	[tilespmem:$0x1A000] =	vst v63  }
0x296: {  	s5 =	simm.s32 $0xF000  }
0x297: {  	[tilespmem:s5], [sflag:$0x4] =	stream.indirect_vreg.gather [hbm4b:s18+s0], $0x80, v17, vm15, $0xb8;
	[tilespmem:$0x1A000] =	vst v63  }
0x298: {  	s6 =	simm.s32 $0xF800  }
0x299: {  	[tilespmem:s6], [sflag:$0x4] =	stream.indirect_vreg.gather [hbm4b:s19+s0], $0x80, v17, vm15, $0xb8;
	[tilespmem:$0x1A000] =	vst v63  }
0x29a: {  	s11 =	simm.s32 $0x10000  }
0x29b: {  	[tilespmem:s11], [sflag:$0x4] =	stream.indirect_vreg.gather [hbm4b:s20+s0], $0x80, v17, vm15, $0xb8;
	[tilespmem:$0x1A000] =	vst v63  }
0x29c: {  	s24 =	simm.s32 $0x10800  }
0x29d: {  	[tilespmem:s24], [sflag:$0x4] =	stream.indirect_vreg.gather [hbm4b:s21+s0], $0x80, v17, vm15, $0xb8;
	[tilespmem:$0x1A000] =	vst v63  }
.Ltmp12:
0x29e: {  	_ = 	snop;
	(pc) =	sbr.rel .LBB2_19-.Ltmp12, $4  }
0x29f: {  	s25 =	simm.s32 $0x11000  }
0x2a0: {  	[tilespmem:s25], [sflag:$0x4] =	stream.indirect_vreg.gather [hbm4b:s22+s0], $0x80, v17, vm15, $0xb8;
	[tilespmem:$0x1A000] =	vst v63  }
0x2a1: {  	s26 =	simm.s32 $0x11800  }
0x2a2: {  	[tilespmem:s26], [sflag:$0x4] =	stream.indirect_vreg.gather [hbm4b:s23+s0], $0x80, v17, vm15, $0xb8;
	[tilespmem:$0x1A000] =	vst v63  }
.LBB2_11:
0x2a3: {  	s1 =	sshll.u32 s7, $0x9  }
0x2a4: {  	s1 =	ssub.s32 $0x0, s1  }
0x2a5: {  	s1 =	sshra.s32 s1, $0x2  }
0x2a6: {  	v17 =	vld.msk [tilespmem:s1+$0x16000], $0xff;
	_ =	sdelay $0x4  }
0x2a7: {  	v18 =	vshll.u32 v17, $0x4  }
0x2a8: {  	v17 =	vand.u32 $0x7, v17;
	v18 =	vand.u32 $0xFFFFFF80, v18  }
0x2a9: {  	v19 =	vshrl.u32 v0, $0x3;
	v17 =	vor.u32 v17, v18;
	v18 =	vand.u32 $0x7, v0  }
0x2aa: {  	v17 =	vperm.xlane v17, v18;
	v18 =	vmul.u32 $0x8, v19;
	_ =	sdelay $0x1  }
0x2ab: {  	v17 =	vadd.s32 v18, v17;
	_ =	sdelay $0x3  }
0x2ac: {  	vm0 =	vmmov $0xffff;
	s29 =	rddreg [dreg:$0x2];
	s4 =	simm.s32 $0x2000  }
0x2ad: {  	[tilespmem:s4], [sflag:$0x1] =	stream.indirect_vreg.gather [hbm4b:s29+s0], $0x80, v17, vm0, $0xb8;
	[tilespmem:$0x1A000] =	vst v63  }
0x2ae: {  	s5 =	simm.s32 $0x2800  }
0x2af: {  	[tilespmem:s5], [sflag:$0x1] =	stream.indirect_vreg.gather [hbm4b:s8+s0], $0x80, v17, vm0, $0xb8;
	[tilespmem:$0x1A000] =	vst v63  }
0x2b0: {  	s6 =	simm.s32 $0x3000  }
0x2b1: {  	[tilespmem:s6], [sflag:$0x1] =	stream.indirect_vreg.gather [hbm4b:s9+s0], $0x80, v17, vm0, $0xb8;
	[tilespmem:$0x1A000] =	vst v63  }
0x2b2: {  	s11 =	simm.s32 $0x3800  }
0x2b3: {  	[tilespmem:s11], [sflag:$0x1] =	stream.indirect_vreg.gather [hbm4b:s12+s0], $0x80, v17, vm0, $0xb8;
	[tilespmem:$0x1A000] =	vst v63  }
0x2b4: {  	s17 =	simm.s32 $0x4000  }
0x2b5: {  	[tilespmem:s17], [sflag:$0x1] =	stream.indirect_vreg.gather [hbm4b:s13+s0], $0x80, v17, vm0, $0xb8;
	[tilespmem:$0x1A000] =	vst v63  }
0x2b6: {  	s24 =	simm.s32 $0x4800  }
0x2b7: {  	[tilespmem:s24], [sflag:$0x1] =	stream.indirect_vreg.gather [hbm4b:s14+s0], $0x80, v17, vm0, $0xb8;
	[tilespmem:$0x1A000] =	vst v63  }
0x2b8: {  	s25 =	simm.s32 $0x5000;
	s28 =	rddreg [dreg:$0x0]  }
0x2b9: {  	[tilespmem:s25], [sflag:$0x1] =	stream.indirect_vreg.gather [hbm4b:s15+s0], $0x80, v17, vm0, $0xb8;
	[tilespmem:$0x1A000] =	vst v63  }
0x2ba: {  	s26 =	simm.s32 $0x5800;
	s17 =	rddreg [dreg:$0x15]  }
0x2bb: {  	[tilespmem:s26], [sflag:$0x1] =	stream.indirect_vreg.gather [hbm4b:s16+s0], $0x80, v17, vm0, $0xb8;
	[tilespmem:$0x1A000] =	vst v63  }
.LBB2_13:
0x2bc: {  	s1 =	sshll.u32 s7, $0x7  }
0x2bd: {  	s2 =	ssub.s32 $0x16080, s1  }
0x2be: {  	v17 =	vld.msk [tilespmem:s2+$0x0], $0xff;
	_ =	sdelay $0x4  }
0x2bf: {  	v18 =	vshll.u32 v17, $0x4  }
0x2c0: {  	v17 =	vand.u32 $0x7, v17;
	v18 =	vand.u32 $0xFFFFFF80, v18  }
0x2c1: {  	v19 =	vshrl.u32 v0, $0x3;
	v17 =	vor.u32 v17, v18;
	v18 =	vand.u32 $0x7, v0  }
0x2c2: {  	v17 =	vperm.xlane v17, v18;
	v18 =	vmul.u32 $0x8, v19;
	_ =	sdelay $0x1  }
0x2c3: {  	v17 =	vadd.s32 v18, v17;
	_ =	sdelay $0x3  }
0x2c4: {  	vm0 =	vmmov $0xffff;
	s3 =	simm.s32 $0x6000  }
0x2c5: {  	[tilespmem:s3], [sflag:$0x2] =	stream.indirect_vreg.gather [hbm4b:s29+s0], $0x80, v17, vm0, $0xb8;
	[tilespmem:$0x1A000] =	vst v63  }
0x2c6: {  	s4 =	simm.s32 $0x6800  }
0x2c7: {  	[tilespmem:s4], [sflag:$0x2] =	stream.indirect_vreg.gather [hbm4b:s8+s0], $0x80, v17, vm0, $0xb8;
	[tilespmem:$0x1A000] =	vst v63  }
0x2c8: {  	s5 =	simm.s32 $0x7000  }
0x2c9: {  	[tilespmem:s5], [sflag:$0x2] =	stream.indirect_vreg.gather [hbm4b:s9+s0], $0x80, v17, vm0, $0xb8;
	[tilespmem:$0x1A000] =	vst v63  }
0x2ca: {  	s6 =	simm.s32 $0x7800  }
0x2cb: {  	[tilespmem:s6], [sflag:$0x2] =	stream.indirect_vreg.gather [hbm4b:s12+s0], $0x80, v17, vm0, $0xb8;
	[tilespmem:$0x1A000] =	vst v63  }
0x2cc: {  	s11 =	simm.s32 $0x8000  }
0x2cd: {  	[tilespmem:s11], [sflag:$0x2] =	stream.indirect_vreg.gather [hbm4b:s13+s0], $0x80, v17, vm0, $0xb8;
	[tilespmem:$0x1A000] =	vst v63  }
0x2ce: {  	s24 =	simm.s32 $0x8800  }
0x2cf: {  	[tilespmem:s24], [sflag:$0x2] =	stream.indirect_vreg.gather [hbm4b:s14+s0], $0x80, v17, vm0, $0xb8;
	[tilespmem:$0x1A000] =	vst v63  }
0x2d0: {  	s25 =	simm.s32 $0x9000  }
0x2d1: {  	[tilespmem:s25], [sflag:$0x2] =	stream.indirect_vreg.gather [hbm4b:s15+s0], $0x80, v17, vm0, $0xb8;
	[tilespmem:$0x1A000] =	vst v63  }
0x2d2: {  	s26 =	simm.s32 $0x9800  }
0x2d3: {  	[tilespmem:s26], [sflag:$0x2] =	stream.indirect_vreg.gather [hbm4b:s16+s0], $0x80, v17, vm0, $0xb8;
	[tilespmem:$0x1A000] =	vst v63  }
.LBB2_15:
0x2d4: {  	s2 =	ssub.s32 $0x16100, s1  }
0x2d5: {  	v17 =	vld.msk [tilespmem:s2+$0x0], $0xff;
	_ =	sdelay $0x4  }
0x2d6: {  	v18 =	vshll.u32 v17, $0x4  }
0x2d7: {  	v17 =	vand.u32 $0x7, v17;
	v18 =	vand.u32 $0xFFFFFF80, v18  }
0x2d8: {  	v19 =	vshrl.u32 v0, $0x3;
	v17 =	vor.u32 v17, v18;
	v18 =	vand.u32 $0x7, v0  }
0x2d9: {  	v17 =	vperm.xlane v17, v18;
	v18 =	vmul.u32 $0x8, v19;
	_ =	sdelay $0x1  }
0x2da: {  	v17 =	vadd.s32 v18, v17;
	_ =	sdelay $0x3  }
0x2db: {  	vm0 =	vmmov $0xffff;
	s3 =	simm.s32 $0xA000  }
0x2dc: {  	[tilespmem:s3], [sflag:$0x3] =	stream.indirect_vreg.gather [hbm4b:s29+s0], $0x80, v17, vm0, $0xb8;
	[tilespmem:$0x1A000] =	vst v63  }
0x2dd: {  	s4 =	simm.s32 $0xA800  }
0x2de: {  	[tilespmem:s4], [sflag:$0x3] =	stream.indirect_vreg.gather [hbm4b:s8+s0], $0x80, v17, vm0, $0xb8;
	[tilespmem:$0x1A000] =	vst v63  }
0x2df: {  	s5 =	simm.s32 $0xB000  }
0x2e0: {  	[tilespmem:s5], [sflag:$0x3] =	stream.indirect_vreg.gather [hbm4b:s9+s0], $0x80, v17, vm0, $0xb8;
	[tilespmem:$0x1A000] =	vst v63  }
0x2e1: {  	s6 =	simm.s32 $0xB800  }
0x2e2: {  	[tilespmem:s6], [sflag:$0x3] =	stream.indirect_vreg.gather [hbm4b:s12+s0], $0x80, v17, vm0, $0xb8;
	[tilespmem:$0x1A000] =	vst v63  }
0x2e3: {  	s11 =	simm.s32 $0xC000  }
0x2e4: {  	[tilespmem:s11], [sflag:$0x3] =	stream.indirect_vreg.gather [hbm4b:s13+s0], $0x80, v17, vm0, $0xb8;
	[tilespmem:$0x1A000] =	vst v63  }
0x2e5: {  	s24 =	simm.s32 $0xC800  }
0x2e6: {  	[tilespmem:s24], [sflag:$0x3] =	stream.indirect_vreg.gather [hbm4b:s14+s0], $0x80, v17, vm0, $0xb8;
	[tilespmem:$0x1A000] =	vst v63  }
0x2e7: {  	s25 =	simm.s32 $0xD000  }
0x2e8: {  	[tilespmem:s25], [sflag:$0x3] =	stream.indirect_vreg.gather [hbm4b:s15+s0], $0x80, v17, vm0, $0xb8;
	[tilespmem:$0x1A000] =	vst v63  }
0x2e9: {  	s26 =	simm.s32 $0xD800;
	s1 =	ssub.s32 $0x180, s1  }
0x2ea: {  	[tilespmem:s26], [sflag:$0x3] =	stream.indirect_vreg.gather [hbm4b:s16+s0], $0x80, v17, vm0, $0xb8;
	[tilespmem:$0x1A000] =	vst v63  }
.LBB2_16:
0x2eb: {  	v17 =	vld.msk [tilespmem:s1+$0x16000], $0xff;
	_ =	sdelay $0x4  }
0x2ec: {  	v18 =	vshll.u32 v17, $0x4  }
0x2ed: {  	v17 =	vand.u32 $0x7, v17;
	v18 =	vand.u32 $0xFFFFFF80, v18  }
0x2ee: {  	v19 =	vshrl.u32 v0, $0x3;
	v17 =	vor.u32 v17, v18;
	v18 =	vand.u32 $0x7, v0  }
0x2ef: {  	v17 =	vperm.xlane v17, v18;
	v18 =	vmul.u32 $0x8, v19;
	_ =	sdelay $0x1  }
0x2f0: {  	v17 =	vadd.s32 v18, v17;
	_ =	sdelay $0x3  }
0x2f1: {  	vm0 =	vmmov $0xffff;
	s3 =	simm.s32 $0xE000  }
0x2f2: {  	[tilespmem:s3], [sflag:$0x4] =	stream.indirect_vreg.gather [hbm4b:s29+s0], $0x80, v17, vm0, $0xb8;
	[tilespmem:$0x1A000] =	vst v63  }
0x2f3: {  	s4 =	simm.s32 $0xE800  }
0x2f4: {  	[tilespmem:s4], [sflag:$0x4] =	stream.indirect_vreg.gather [hbm4b:s8+s0], $0x80, v17, vm0, $0xb8;
	[tilespmem:$0x1A000] =	vst v63  }
0x2f5: {  	s5 =	simm.s32 $0xF000  }
0x2f6: {  	[tilespmem:s5], [sflag:$0x4] =	stream.indirect_vreg.gather [hbm4b:s9+s0], $0x80, v17, vm0, $0xb8;
	[tilespmem:$0x1A000] =	vst v63  }
0x2f7: {  	s6 =	simm.s32 $0xF800  }
0x2f8: {  	[tilespmem:s6], [sflag:$0x4] =	stream.indirect_vreg.gather [hbm4b:s12+s0], $0x80, v17, vm0, $0xb8;
	[tilespmem:$0x1A000] =	vst v63  }
0x2f9: {  	s11 =	simm.s32 $0x10000  }
0x2fa: {  	[tilespmem:s11], [sflag:$0x4] =	stream.indirect_vreg.gather [hbm4b:s13+s0], $0x80, v17, vm0, $0xb8;
	[tilespmem:$0x1A000] =	vst v63  }
0x2fb: {  	s24 =	simm.s32 $0x10800  }
0x2fc: {  	[tilespmem:s24], [sflag:$0x4] =	stream.indirect_vreg.gather [hbm4b:s14+s0], $0x80, v17, vm0, $0xb8;
	[tilespmem:$0x1A000] =	vst v63  }
0x2fd: {  	s25 =	simm.s32 $0x11000  }
0x2fe: {  	[tilespmem:s25], [sflag:$0x4] =	stream.indirect_vreg.gather [hbm4b:s15+s0], $0x80, v17, vm0, $0xb8;
	[tilespmem:$0x1A000] =	vst v63  }
0x2ff: {  	s26 =	simm.s32 $0x11800  }
0x300: {  	[tilespmem:s26], [sflag:$0x4] =	stream.indirect_vreg.gather [hbm4b:s16+s0], $0x80, v17, vm0, $0xb8;
	[tilespmem:$0x1A000] =	vst v63  }
.LBB2_19:
0x301: {  	s1 =	sadd.s32 $0x80000007, s10  }
0x302: {  	s1 =	sshra.s32 s1, $0x3  }
0x303: {  	s11 =	sadd.s32 s1, s7  }
0x304: {  	s1 =	sadd.s32 $0x4, s11  }
0x305: {  	s2 =	smulhi.u32 $0x66666667, s1;
	s1 =	sshra.s32 s1, $0x1F  }
0x306: {  	s1 =	smul.u32 $0x66666667, s1;
	_ =	sdelay $0x1  }
0x307: {  	s1 =	sadd.s32 s1, s2  }
0x308: {  	s2 =	sshrl.u32 s1, $0x1F;
	s1 =	sshra.s32 s1, $0x1  }
0x309: {  	s1 =	sadd.s32 s2, s1  }
0x30a: {  	s2 =	smul.u32 $0xFFFFFFFB, s1  }
0x30b: {  	s3 =	ssub.s32 $0xFFFFFFFC, s11  }
0x30c: {  	p1 =	slt.s32 s11, $0xFFFFFFFD;
	p2 =	sne.s32 s2, s3  }
0x30d: {  	p1 =	por !p1, !p2  }
0x30e: {  	s2 =	simm.s32 $0x1;
	p1 =	por !p1, !p1  }
0x30f: {  	s2 =	simm.s32 @!p1 $0x0  }
0x310: {  	s6 =	ssub.s32 s1, s2  }
0x311: {  	p1 =	slt.s32 s6, $0x1  }
.Ltmp13:
0x312: {  	_ = 	snop;
	(pc) =	sbr.rel @p1 .LBB2_32-.Ltmp13, $1  }
0x313: {  	_ =	sdelay $0x3  }
.Ltmp14:
0x314: {  	(pc) =	sbr.rel .LBB2_21-.Ltmp14, $4  }
0x315: {  	s1 =	sshll.u32 s7, $0x9  }
0x316: {  	s1 =	ssub.s32 $0x0, s1  }
0x317: {  	s5 =	simm.s32 $0x4;
	s1 =	sshra.s32 s1, $0x2  }
0x318: {  	s10 =	simm.s32 $0x0;
	s4 =	simm.s32 $0x0;
	s3 =	sadd.s32 $0x17000, s1  }
.LBB2_31:
0x319: {  	s6 =	sadd.s32 $0xFFFFFFFF, s6  }
0x31a: {  	p1 =	sne.s32 s6, $0x0  }
.Ltmp15:
0x31b: {  	_ = 	snop;
	(pc) =	sbr.rel @!p1 .LBB2_32-.Ltmp15, $2  }
0x31c: {  	_ =	sdelay $0x2  }
0x31d: {  	s4 =	sadd.s32 $0x1, s4;
	s5 =	sadd.s32 $0x5, s5;
	s10 =	sadd.s32 $0xA00, s10  }
.LBB2_21:
0x31e: {  	s2 =	sadd.s32 $0xFFFFFFFC, s5  }
0x31f: {  	p1 =	sge.s32 s2, s11  }
.Ltmp16:
0x320: {  	_ = 	snop;
	(pc) =	sbr.rel @p1 .LBB2_23-.Ltmp16, $2  }
0x321: {  	_ =	sdelay $0x2  }
0x322: {  	s1 =	smul.u32 $0x5, s4  }
0x323: {  	p1 =	sge.u32 s5, s11  }
0x324: {  	p2 =	slt.s32 @!p1 s5, s7  }
0x325: {  	s25 =	smov.u32 s5;
	s24 =	sadd.s32 $0x4, s1;
	p3 =	por p2, p1  }
0x326: {  	p2 =	por !p2, p1;
	s24 =	ssub.s32 @!p3 s24, s7;
	p3 =	seq.s32 s5, $0x4  }
0x327: {  	s26 =	simm.s32 @!p3 $0xA;
	s25 =	smov.u32 @p2 s24  }
0x328: {  	s24 =	simm.s32 @!p1 $0x18000;
	_ =	swait.ge @!p3 [sflag:s26], $0x4000;
	s25 =	sshll.u32 @!p1 s25, $0x9  }
0x329: {  	s24 =	simm.s32 @p2 $0x16000;
	[sflag:s26] =	ssyncset.done @!p3 $0x0;
	s25 =	sshra.s32 @!p1 s25, $0x2  }
0x32a: {  	[sflag:s26] =	ssyncadd.s32 @!p3 $0xFFFFC000;
	s24 =	sadd.s32 @!p1 s25, s24  }
0x32b: {  	v17 =	vld.msk @!p1 [tilespmem:s24+$0x0], $0xff;
	_ =	sdelay $0x4  }
0x32c: {  	v18 =	vshll.u32 @!p1 v17, $0x4  }
0x32d: {  	v19 =	vlaneseq.u32 @!p1;
	v17 =	vand.u32 @!p1 $0x7, v17;
	v18 =	vand.u32 @!p1 $0xFFFFFF80, v18  }
0x32e: {  	v17 =	vor.u32 @!p1 v17, v18;
	v18 =	vand.u32 @!p1 $0x7, v19;
	v19 =	vshrl.u32 @!p1 v19, $0x3  }
0x32f: {  	v17 =	vperm.xlane @!p1 v17, v18;
	v18 =	vmul.u32 @!p1 $0x8, v19;
	_ =	sdelay $0x1  }
0x330: {  	v17 =	vadd.s32 @!p1 v18, v17;
	_ =	sdelay $0x2  }
0x331: {  	s24 =	smov.u32 s28  }
0x332: {  	vm0 =	vmmov @!p1 $0xffff;
	s25 =	simm.s32 @!p1 $0x0;
	s26 =	simm.s32 @!p1 $0x12000;
	s24 =	smov.u32 @p2 s29  }
0x333: {  	[tilespmem:s26], [sflag:$0x5] =	stream.indirect_vreg.gather @!p1 [hbm4b:s24+s25], $0x80, v17, vm0, $0xb8;
	[tilespmem:$0x1A000] =	vst v63  }
0x334: {  	s24 =	smov.u32 s17  }
0x335: {  	s26 =	simm.s32 @!p1 $0x12800;
	s24 =	smov.u32 @p2 s8  }
0x336: {  	[tilespmem:s26], [sflag:$0x5] =	stream.indirect_vreg.gather @!p1 [hbm4b:s24+s25], $0x80, v17, vm0, $0xb8;
	[tilespmem:$0x1A000] =	vst v63  }
0x337: {  	s24 =	smov.u32 s18  }
0x338: {  	s26 =	simm.s32 @!p1 $0x13000;
	s24 =	smov.u32 @p2 s9  }
0x339: {  	[tilespmem:s26], [sflag:$0x5] =	stream.indirect_vreg.gather @!p1 [hbm4b:s24+s25], $0x80, v17, vm0, $0xb8;
	[tilespmem:$0x1A000] =	vst v63  }
0x33a: {  	s24 =	smov.u32 s19  }
0x33b: {  	s26 =	simm.s32 @!p1 $0x13800;
	s24 =	smov.u32 @p2 s12  }
0x33c: {  	[tilespmem:s26], [sflag:$0x5] =	stream.indirect_vreg.gather @!p1 [hbm4b:s24+s25], $0x80, v17, vm0, $0xb8;
	[tilespmem:$0x1A000] =	vst v63  }
0x33d: {  	s24 =	smov.u32 s20  }
0x33e: {  	s26 =	simm.s32 @!p1 $0x14000;
	s24 =	smov.u32 @p2 s13  }
0x33f: {  	[tilespmem:s26], [sflag:$0x5] =	stream.indirect_vreg.gather @!p1 [hbm4b:s24+s25], $0x80, v17, vm0, $0xb8;
	[tilespmem:$0x1A000] =	vst v63  }
0x340: {  	s24 =	smov.u32 s21  }
0x341: {  	s26 =	simm.s32 @!p1 $0x14800;
	s24 =	smov.u32 @p2 s14  }
0x342: {  	[tilespmem:s26], [sflag:$0x5] =	stream.indirect_vreg.gather @!p1 [hbm4b:s24+s25], $0x80, v17, vm0, $0xb8;
	[tilespmem:$0x1A000] =	vst v63  }
0x343: {  	s24 =	smov.u32 s22  }
0x344: {  	s26 =	simm.s32 @!p1 $0x15000;
	s24 =	smov.u32 @p2 s15  }
0x345: {  	[tilespmem:s26], [sflag:$0x5] =	stream.indirect_vreg.gather @!p1 [hbm4b:s24+s25], $0x80, v17, vm0, $0xb8;
	[tilespmem:$0x1A000] =	vst v63  }
0x346: {  	s24 =	smov.u32 s23  }
0x347: {  	s26 =	simm.s32 @!p1 $0x15800;
	s24 =	smov.u32 @p2 s16  }
0x348: {  	[tilespmem:s26], [sflag:$0x5] =	stream.indirect_vreg.gather @!p1 [hbm4b:s24+s25], $0x80, v17, vm0, $0xb8;
	[tilespmem:$0x1A000] =	vst v63  }
0x349: {  	s25 =	simm.s32 $0x1  }
0x34a: {  	s26 =	sshra.s32 s10, $0x2;
	p1 =	slt.s32 s2, s7;
	_ =	swait.ge [sflag:s25], $0x4000  }
0x34b: {  	s2 =	sadd.s32 $0x19000, s26;
	s24 =	sadd.s32 s26, s3;
	[sflag:s25] =	ssyncset.done $0x0  }
0x34c: {  	s24 =	smov.u32 @p1 s2;
	[sflag:s25] =	ssyncadd.s32 $0xFFFFC000  }
0x34d: {  	v17 =	vld.msk [tilespmem:s24+$0x0], $0xff;
	_ =	sdelay $0x4  }
0x34e: {  	v18 =	vshll.u32 v17, $0x4  }
0x34f: {  	v17 =	vand.u32 $0x7, v17;
	v18 =	vand.u32 $0xFFFFFF80, v18  }
0x350: {  	v19 =	vshrl.u32 v0, $0x3;
	v17 =	vor.u32 v17, v18;
	v18 =	vand.u32 $0x7, v0  }
0x351: {  	v17 =	vperm.xlane v17, v18;
	v18 =	vmul.u32 $0x8, v19;
	_ =	sdelay $0x1  }
0x352: {  	v17 =	vadd.s32 v18, v17;
	_ =	sdelay $0x3  }
0x353: {  	vm0 =	vmmov $0xffff;
	s26 =	simm.s32 $0x2000  }
0x354: {  	[hbm4b:s30+s0] =	stream.indirect_vreg.scatter [tilespmem:s26], [sflag:$0x6], $0x80, v17, vm0, $0xb8;
	[tilespmem:$0x1A000] =	vst v63  }
0x355: {  	s24 =	simm.s32 $0x2800  }
0x356: {  	[hbm4b:s31+s0] =	stream.indirect_vreg.scatter [tilespmem:s24], [sflag:$0x6], $0x80, v17, vm0, $0xb8;
	[tilespmem:$0x1A000] =	vst v63  }
0x357: {  	s25 =	rddreg [dreg:$0xb];
	s26 =	simm.s32 $0x3000  }
0x358: {  	[hbm4b:s25+s0] =	stream.indirect_vreg.scatter [tilespmem:s26], [sflag:$0x6], $0x80, v17, vm0, $0xb8;
	[tilespmem:$0x1A000] =	vst v63  }
0x359: {  	s25 =	rddreg [dreg:$0xc];
	s26 =	simm.s32 $0x3800  }
0x35a: {  	[hbm4b:s25+s0] =	stream.indirect_vreg.scatter [tilespmem:s26], [sflag:$0x6], $0x80, v17, vm0, $0xb8;
	[tilespmem:$0x1A000] =	vst v63  }
0x35b: {  	s25 =	rddreg [dreg:$0xd];
	s26 =	simm.s32 $0x4000  }
0x35c: {  	[hbm4b:s25+s0] =	stream.indirect_vreg.scatter [tilespmem:s26], [sflag:$0x6], $0x80, v17, vm0, $0xb8;
	[tilespmem:$0x1A000] =	vst v63  }
0x35d: {  	s25 =	rddreg [dreg:$0xe];
	s26 =	simm.s32 $0x4800  }
0x35e: {  	[hbm4b:s25+s0] =	stream.indirect_vreg.scatter [tilespmem:s26], [sflag:$0x6], $0x80, v17, vm0, $0xb8;
	[tilespmem:$0x1A000] =	vst v63  }
0x35f: {  	s25 =	rddreg [dreg:$0xf];
	s26 =	simm.s32 $0x5000  }
0x360: {  	[hbm4b:s25+s0] =	stream.indirect_vreg.scatter [tilespmem:s26], [sflag:$0x6], $0x80, v17, vm0, $0xb8;
	[tilespmem:$0x1A000] =	vst v63  }
0x361: {  	s25 =	rddreg [dreg:$0x10];
	s26 =	simm.s32 $0x5800  }
0x362: {  	[hbm4b:s25+s0] =	stream.indirect_vreg.scatter [tilespmem:s26], [sflag:$0x6], $0x80, v17, vm0, $0xb8;
	[tilespmem:$0x1A000] =	vst v63  }
.LBB2_23:
0x363: {  	s2 =	sadd.s32 $0xFFFFFFFD, s5  }
0x364: {  	p1 =	sge.s32 s2, s11  }
.Ltmp17:
0x365: {  	_ = 	snop;
	(pc) =	sbr.rel @p1 .LBB2_25-.Ltmp17, $1  }
0x366: {  	_ =	sdelay $0x3  }
0x367: {  	s24 =	sadd.s32 $0x1, s5  }
0x368: {  	p1 =	sge.s32 s24, s11  }
0x369: {  	p2 =	slt.s32 @!p1 s24, s7  }
0x36a: {  	s25 =	sadd.s32 $0x5, s1;
	p3 =	por p2, p1  }
0x36b: {  	p2 =	por !p2, p1;
	s25 =	ssub.s32 @!p3 s25, s7  }
0x36c: {  	s26 =	simm.s32 $0x6;
	s24 =	smov.u32 @p2 s25  }
0x36d: {  	_ =	swait.ge [sflag:s26], $0x4000;
	s25 =	simm.s32 @!p1 $0x18000;
	s24 =	sshll.u32 @!p1 s24, $0x9  }
0x36e: {  	[sflag:s26] =	ssyncset.done $0x0;
	s25 =	simm.s32 @p2 $0x16000;
	s24 =	sshra.s32 @!p1 s24, $0x2  }
0x36f: {  	[sflag:s26] =	ssyncadd.s32 $0xFFFFC000;
	s24 =	sadd.s32 @!p1 s24, s25  }
0x370: {  	v17 =	vld.msk @!p1 [tilespmem:s24+$0x0], $0xff;
	_ =	sdelay $0x4  }
0x371: {  	v18 =	vshll.u32 @!p1 v17, $0x4  }
0x372: {  	v19 =	vlaneseq.u32 @!p1;
	v17 =	vand.u32 @!p1 $0x7, v17;
	v18 =	vand.u32 @!p1 $0xFFFFFF80, v18  }
0x373: {  	v17 =	vor.u32 @!p1 v17, v18;
	v18 =	vand.u32 @!p1 $0x7, v19;
	v19 =	vshrl.u32 @!p1 v19, $0x3  }
0x374: {  	v17 =	vperm.xlane @!p1 v17, v18;
	v18 =	vmul.u32 @!p1 $0x8, v19;
	_ =	sdelay $0x1  }
0x375: {  	v17 =	vadd.s32 @!p1 v18, v17;
	_ =	sdelay $0x2  }
0x376: {  	s24 =	smov.u32 s28  }
0x377: {  	vm0 =	vmmov @!p1 $0xffff;
	s26 =	simm.s32 @!p1 $0x2000;
	s25 =	simm.s32 @!p1 $0x0;
	s24 =	smov.u32 @p2 s29  }
0x378: {  	[tilespmem:s26], [sflag:$0x1] =	stream.indirect_vreg.gather @!p1 [hbm4b:s24+s25], $0x80, v17, vm0, $0xb8;
	[tilespmem:$0x1A000] =	vst v63  }
0x379: {  	s24 =	smov.u32 s17  }
0x37a: {  	s26 =	simm.s32 @!p1 $0x2800;
	s24 =	smov.u32 @p2 s8  }
0x37b: {  	[tilespmem:s26], [sflag:$0x1] =	stream.indirect_vreg.gather @!p1 [hbm4b:s24+s25], $0x80, v17, vm0, $0xb8;
	[tilespmem:$0x1A000] =	vst v63  }
0x37c: {  	s24 =	smov.u32 s18  }
0x37d: {  	s26 =	simm.s32 @!p1 $0x3000;
	s24 =	smov.u32 @p2 s9  }
0x37e: {  	[tilespmem:s26], [sflag:$0x1] =	stream.indirect_vreg.gather @!p1 [hbm4b:s24+s25], $0x80, v17, vm0, $0xb8;
	[tilespmem:$0x1A000] =	vst v63  }
0x37f: {  	s24 =	smov.u32 s19  }
0x380: {  	s26 =	simm.s32 @!p1 $0x3800;
	s24 =	smov.u32 @p2 s12  }
0x381: {  	[tilespmem:s26], [sflag:$0x1] =	stream.indirect_vreg.gather @!p1 [hbm4b:s24+s25], $0x80, v17, vm0, $0xb8;
	[tilespmem:$0x1A000] =	vst v63  }
0x382: {  	s24 =	smov.u32 s20  }
0x383: {  	s26 =	simm.s32 @!p1 $0x4000;
	s24 =	smov.u32 @p2 s13  }
0x384: {  	[tilespmem:s26], [sflag:$0x1] =	stream.indirect_vreg.gather @!p1 [hbm4b:s24+s25], $0x80, v17, vm0, $0xb8;
	[tilespmem:$0x1A000] =	vst v63  }
0x385: {  	s24 =	smov.u32 s21  }
0x386: {  	s26 =	simm.s32 @!p1 $0x4800;
	s24 =	smov.u32 @p2 s14  }
0x387: {  	[tilespmem:s26], [sflag:$0x1] =	stream.indirect_vreg.gather @!p1 [hbm4b:s24+s25], $0x80, v17, vm0, $0xb8;
	[tilespmem:$0x1A000] =	vst v63  }
0x388: {  	s24 =	smov.u32 s22  }
0x389: {  	s26 =	simm.s32 @!p1 $0x5000;
	s24 =	smov.u32 @p2 s15  }
0x38a: {  	[tilespmem:s26], [sflag:$0x1] =	stream.indirect_vreg.gather @!p1 [hbm4b:s24+s25], $0x80, v17, vm0, $0xb8;
	[tilespmem:$0x1A000] =	vst v63  }
0x38b: {  	s24 =	smov.u32 s23  }
0x38c: {  	s26 =	simm.s32 @!p1 $0x5800;
	s24 =	smov.u32 @p2 s16  }
0x38d: {  	[tilespmem:s26], [sflag:$0x1] =	stream.indirect_vreg.gather @!p1 [hbm4b:s24+s25], $0x80, v17, vm0, $0xb8;
	[tilespmem:$0x1A000] =	vst v63  }
0x38e: {  	p1 =	slt.s32 s2, s7;
	s2 =	smov.u32 s7  }
0x38f: {  	s2 =	simm.s32 @p1 $0x0  }
0x390: {  	s2 =	sshll.u32 s2, $0x9  }
0x391: {  	s24 =	simm.s32 $0x19000;
	s25 =	simm.s32 $0x2;
	s2 =	ssub.s32 $0x0, s2  }
0x392: {  	_ =	swait.ge [sflag:s25], $0x4000;
	s24 =	simm.s32 @!p1 $0x17000;
	s2 =	sshra.s32 s2, $0x2  }
0x393: {  	s26 =	sshra.s32 s10, $0x2;
	[sflag:s25] =	ssyncset.done $0x0;
	s2 =	sadd.s32 s2, s24  }
0x394: {  	[sflag:s25] =	ssyncadd.s32 $0xFFFFC000;
	s2 =	sadd.s32 s26, s2  }
0x395: {  	v17 =	vld.msk [tilespmem:s2+$0x80], $0xff;
	_ =	sdelay $0x4  }
0x396: {  	v18 =	vshll.u32 v17, $0x4  }
0x397: {  	v17 =	vand.u32 $0x7, v17;
	v18 =	vand.u32 $0xFFFFFF80, v18  }
0x398: {  	v19 =	vshrl.u32 v0, $0x3;
	v17 =	vor.u32 v17, v18;
	v18 =	vand.u32 $0x7, v0  }
0x399: {  	v17 =	vperm.xlane v17, v18;
	v18 =	vmul.u32 $0x8, v19;
	_ =	sdelay $0x1  }
0x39a: {  	v17 =	vadd.s32 v18, v17;
	_ =	sdelay $0x3  }
0x39b: {  	vm0 =	vmmov $0xffff;
	s26 =	simm.s32 $0x6000  }
0x39c: {  	[hbm4b:s30+s0] =	stream.indirect_vreg.scatter [tilespmem:s26], [sflag:$0x7], $0x80, v17, vm0, $0xb8;
	[tilespmem:$0x1A000] =	vst v63  }
0x39d: {  	s24 =	simm.s32 $0x6800  }
0x39e: {  	[hbm4b:s31+s0] =	stream.indirect_vreg.scatter [tilespmem:s24], [sflag:$0x7], $0x80, v17, vm0, $0xb8;
	[tilespmem:$0x1A000] =	vst v63  }
0x39f: {  	s25 =	rddreg [dreg:$0xb];
	s26 =	simm.s32 $0x7000  }
0x3a0: {  	[hbm4b:s25+s0] =	stream.indirect_vreg.scatter [tilespmem:s26], [sflag:$0x7], $0x80, v17, vm0, $0xb8;
	[tilespmem:$0x1A000] =	vst v63  }
0x3a1: {  	s25 =	rddreg [dreg:$0xc];
	s26 =	simm.s32 $0x7800  }
0x3a2: {  	[hbm4b:s25+s0] =	stream.indirect_vreg.scatter [tilespmem:s26], [sflag:$0x7], $0x80, v17, vm0, $0xb8;
	[tilespmem:$0x1A000] =	vst v63  }
0x3a3: {  	s25 =	rddreg [dreg:$0xd];
	s26 =	simm.s32 $0x8000  }
0x3a4: {  	[hbm4b:s25+s0] =	stream.indirect_vreg.scatter [tilespmem:s26], [sflag:$0x7], $0x80, v17, vm0, $0xb8;
	[tilespmem:$0x1A000] =	vst v63  }
0x3a5: {  	s25 =	rddreg [dreg:$0xe];
	s26 =	simm.s32 $0x8800  }
0x3a6: {  	[hbm4b:s25+s0] =	stream.indirect_vreg.scatter [tilespmem:s26], [sflag:$0x7], $0x80, v17, vm0, $0xb8;
	[tilespmem:$0x1A000] =	vst v63  }
0x3a7: {  	s25 =	rddreg [dreg:$0xf];
	s26 =	simm.s32 $0x9000  }
0x3a8: {  	[hbm4b:s25+s0] =	stream.indirect_vreg.scatter [tilespmem:s26], [sflag:$0x7], $0x80, v17, vm0, $0xb8;
	[tilespmem:$0x1A000] =	vst v63  }
0x3a9: {  	s25 =	rddreg [dreg:$0x10];
	s26 =	simm.s32 $0x9800  }
0x3aa: {  	[hbm4b:s25+s0] =	stream.indirect_vreg.scatter [tilespmem:s26], [sflag:$0x7], $0x80, v17, vm0, $0xb8;
	[tilespmem:$0x1A000] =	vst v63  }
.LBB2_25:
0x3ab: {  	s2 =	sadd.s32 $0xFFFFFFFE, s5  }
0x3ac: {  	p1 =	sge.s32 s2, s11  }
.Ltmp18:
0x3ad: {  	_ = 	snop;
	(pc) =	sbr.rel @p1 .LBB2_27-.Ltmp18, $1  }
0x3ae: {  	_ =	sdelay $0x3  }
0x3af: {  	s24 =	sadd.s32 $0x2, s5  }
0x3b0: {  	p1 =	sge.s32 s24, s11  }
0x3b1: {  	p2 =	slt.s32 @!p1 s24, s7  }
0x3b2: {  	s25 =	sadd.s32 $0x6, s1;
	p3 =	por p2, p1  }
0x3b3: {  	p2 =	por !p2, p1;
	s25 =	ssub.s32 @!p3 s25, s7  }
0x3b4: {  	s26 =	simm.s32 $0x7;
	s24 =	smov.u32 @p2 s25  }
0x3b5: {  	_ =	swait.ge [sflag:s26], $0x4000;
	s25 =	simm.s32 @!p1 $0x18000;
	s24 =	sshll.u32 @!p1 s24, $0x9  }
0x3b6: {  	[sflag:s26] =	ssyncset.done $0x0;
	s25 =	simm.s32 @p2 $0x16000;
	s24 =	sshra.s32 @!p1 s24, $0x2  }
0x3b7: {  	[sflag:s26] =	ssyncadd.s32 $0xFFFFC000;
	s24 =	sadd.s32 @!p1 s24, s25  }
0x3b8: {  	v17 =	vld.msk @!p1 [tilespmem:s24+$0x0], $0xff;
	_ =	sdelay $0x4  }
0x3b9: {  	v18 =	vshll.u32 @!p1 v17, $0x4  }
0x3ba: {  	v19 =	vlaneseq.u32 @!p1;
	v17 =	vand.u32 @!p1 $0x7, v17;
	v18 =	vand.u32 @!p1 $0xFFFFFF80, v18  }
0x3bb: {  	v17 =	vor.u32 @!p1 v17, v18;
	v18 =	vand.u32 @!p1 $0x7, v19;
	v19 =	vshrl.u32 @!p1 v19, $0x3  }
0x3bc: {  	v17 =	vperm.xlane @!p1 v17, v18;
	v18 =	vmul.u32 @!p1 $0x8, v19;
	_ =	sdelay $0x1  }
0x3bd: {  	v17 =	vadd.s32 @!p1 v18, v17;
	_ =	sdelay $0x2  }
0x3be: {  	s24 =	smov.u32 s28  }
0x3bf: {  	vm0 =	vmmov @!p1 $0xffff;
	s26 =	simm.s32 @!p1 $0x6000;
	s25 =	simm.s32 @!p1 $0x0;
	s24 =	smov.u32 @p2 s29  }
0x3c0: {  	[tilespmem:s26], [sflag:$0x2] =	stream.indirect_vreg.gather @!p1 [hbm4b:s24+s25], $0x80, v17, vm0, $0xb8;
	[tilespmem:$0x1A000] =	vst v63  }
0x3c1: {  	s24 =	smov.u32 s17  }
0x3c2: {  	s26 =	simm.s32 @!p1 $0x6800;
	s24 =	smov.u32 @p2 s8  }
0x3c3: {  	[tilespmem:s26], [sflag:$0x2] =	stream.indirect_vreg.gather @!p1 [hbm4b:s24+s25], $0x80, v17, vm0, $0xb8;
	[tilespmem:$0x1A000] =	vst v63  }
0x3c4: {  	s24 =	smov.u32 s18  }
0x3c5: {  	s26 =	simm.s32 @!p1 $0x7000;
	s24 =	smov.u32 @p2 s9  }
0x3c6: {  	[tilespmem:s26], [sflag:$0x2] =	stream.indirect_vreg.gather @!p1 [hbm4b:s24+s25], $0x80, v17, vm0, $0xb8;
	[tilespmem:$0x1A000] =	vst v63  }
0x3c7: {  	s24 =	smov.u32 s19  }
0x3c8: {  	s26 =	simm.s32 @!p1 $0x7800;
	s24 =	smov.u32 @p2 s12  }
0x3c9: {  	[tilespmem:s26], [sflag:$0x2] =	stream.indirect_vreg.gather @!p1 [hbm4b:s24+s25], $0x80, v17, vm0, $0xb8;
	[tilespmem:$0x1A000] =	vst v63  }
0x3ca: {  	s24 =	smov.u32 s20  }
0x3cb: {  	s26 =	simm.s32 @!p1 $0x8000;
	s24 =	smov.u32 @p2 s13  }
0x3cc: {  	[tilespmem:s26], [sflag:$0x2] =	stream.indirect_vreg.gather @!p1 [hbm4b:s24+s25], $0x80, v17, vm0, $0xb8;
	[tilespmem:$0x1A000] =	vst v63  }
0x3cd: {  	s24 =	smov.u32 s21  }
0x3ce: {  	s26 =	simm.s32 @!p1 $0x8800;
	s24 =	smov.u32 @p2 s14  }
0x3cf: {  	[tilespmem:s26], [sflag:$0x2] =	stream.indirect_vreg.gather @!p1 [hbm4b:s24+s25], $0x80, v17, vm0, $0xb8;
	[tilespmem:$0x1A000] =	vst v63  }
0x3d0: {  	s24 =	smov.u32 s22  }
0x3d1: {  	s26 =	simm.s32 @!p1 $0x9000;
	s24 =	smov.u32 @p2 s15  }
0x3d2: {  	[tilespmem:s26], [sflag:$0x2] =	stream.indirect_vreg.gather @!p1 [hbm4b:s24+s25], $0x80, v17, vm0, $0xb8;
	[tilespmem:$0x1A000] =	vst v63  }
0x3d3: {  	s24 =	smov.u32 s23  }
0x3d4: {  	s26 =	simm.s32 @!p1 $0x9800;
	s24 =	smov.u32 @p2 s16  }
0x3d5: {  	[tilespmem:s26], [sflag:$0x2] =	stream.indirect_vreg.gather @!p1 [hbm4b:s24+s25], $0x80, v17, vm0, $0xb8;
	[tilespmem:$0x1A000] =	vst v63  }
0x3d6: {  	p1 =	slt.s32 s2, s7;
	s2 =	smov.u32 s7  }
0x3d7: {  	s2 =	simm.s32 @p1 $0x0  }
0x3d8: {  	s2 =	sshll.u32 s2, $0x9  }
0x3d9: {  	s24 =	simm.s32 $0x19000;
	s25 =	simm.s32 $0x3;
	s2 =	ssub.s32 $0x0, s2  }
0x3da: {  	_ =	swait.ge [sflag:s25], $0x4000;
	s24 =	simm.s32 @!p1 $0x17000;
	s2 =	sshra.s32 s2, $0x2  }
0x3db: {  	s26 =	sshra.s32 s10, $0x2;
	[sflag:s25] =	ssyncset.done $0x0;
	s2 =	sadd.s32 s2, s24  }
0x3dc: {  	[sflag:s25] =	ssyncadd.s32 $0xFFFFC000;
	s2 =	sadd.s32 s26, s2  }
0x3dd: {  	v17 =	vld.msk [tilespmem:s2+$0x100], $0xff;
	_ =	sdelay $0x4  }
0x3de: {  	v18 =	vshll.u32 v17, $0x4  }
0x3df: {  	v17 =	vand.u32 $0x7, v17;
	v18 =	vand.u32 $0xFFFFFF80, v18  }
0x3e0: {  	v19 =	vshrl.u32 v0, $0x3;
	v17 =	vor.u32 v17, v18;
	v18 =	vand.u32 $0x7, v0  }
0x3e1: {  	v17 =	vperm.xlane v17, v18;
	v18 =	vmul.u32 $0x8, v19;
	_ =	sdelay $0x1  }
0x3e2: {  	v17 =	vadd.s32 v18, v17;
	_ =	sdelay $0x3  }
0x3e3: {  	vm0 =	vmmov $0xffff;
	s26 =	simm.s32 $0xA000  }
0x3e4: {  	[hbm4b:s30+s0] =	stream.indirect_vreg.scatter [tilespmem:s26], [sflag:$0x8], $0x80, v17, vm0, $0xb8;
	[tilespmem:$0x1A000] =	vst v63  }
0x3e5: {  	s24 =	simm.s32 $0xA800  }
0x3e6: {  	[hbm4b:s31+s0] =	stream.indirect_vreg.scatter [tilespmem:s24], [sflag:$0x8], $0x80, v17, vm0, $0xb8;
	[tilespmem:$0x1A000] =	vst v63  }
0x3e7: {  	s25 =	rddreg [dreg:$0xb];
	s26 =	simm.s32 $0xB000  }
0x3e8: {  	[hbm4b:s25+s0] =	stream.indirect_vreg.scatter [tilespmem:s26], [sflag:$0x8], $0x80, v17, vm0, $0xb8;
	[tilespmem:$0x1A000] =	vst v63  }
0x3e9: {  	s25 =	rddreg [dreg:$0xc];
	s26 =	simm.s32 $0xB800  }
0x3ea: {  	[hbm4b:s25+s0] =	stream.indirect_vreg.scatter [tilespmem:s26], [sflag:$0x8], $0x80, v17, vm0, $0xb8;
	[tilespmem:$0x1A000] =	vst v63  }
0x3eb: {  	s25 =	rddreg [dreg:$0xd];
	s26 =	simm.s32 $0xC000  }
0x3ec: {  	[hbm4b:s25+s0] =	stream.indirect_vreg.scatter [tilespmem:s26], [sflag:$0x8], $0x80, v17, vm0, $0xb8;
	[tilespmem:$0x1A000] =	vst v63  }
0x3ed: {  	s25 =	rddreg [dreg:$0xe];
	s26 =	simm.s32 $0xC800  }
0x3ee: {  	[hbm4b:s25+s0] =	stream.indirect_vreg.scatter [tilespmem:s26], [sflag:$0x8], $0x80, v17, vm0, $0xb8;
	[tilespmem:$0x1A000] =	vst v63  }
0x3ef: {  	s25 =	rddreg [dreg:$0xf];
	s26 =	simm.s32 $0xD000  }
0x3f0: {  	[hbm4b:s25+s0] =	stream.indirect_vreg.scatter [tilespmem:s26], [sflag:$0x8], $0x80, v17, vm0, $0xb8;
	[tilespmem:$0x1A000] =	vst v63  }
0x3f1: {  	s25 =	rddreg [dreg:$0x10];
	s26 =	simm.s32 $0xD800  }
0x3f2: {  	[hbm4b:s25+s0] =	stream.indirect_vreg.scatter [tilespmem:s26], [sflag:$0x8], $0x80, v17, vm0, $0xb8;
	[tilespmem:$0x1A000] =	vst v63  }
.LBB2_27:
0x3f3: {  	s2 =	sadd.s32 $0xFFFFFFFF, s5  }
0x3f4: {  	p1 =	sge.s32 s2, s11  }
.Ltmp19:
0x3f5: {  	_ = 	snop;
	(pc) =	sbr.rel @p1 .LBB2_29-.Ltmp19, $1  }
0x3f6: {  	_ =	sdelay $0x3  }
0x3f7: {  	s24 =	sadd.s32 $0x3, s5  }
0x3f8: {  	p1 =	sge.s32 s24, s11  }
0x3f9: {  	p2 =	slt.s32 @!p1 s24, s7  }
0x3fa: {  	s25 =	sadd.s32 $0x7, s1;
	p3 =	por p2, p1  }
0x3fb: {  	p2 =	por !p2, p1;
	s25 =	ssub.s32 @!p3 s25, s7  }
0x3fc: {  	s26 =	simm.s32 $0x8;
	s24 =	smov.u32 @p2 s25  }
0x3fd: {  	_ =	swait.ge [sflag:s26], $0x4000;
	s25 =	simm.s32 @!p1 $0x18000;
	s24 =	sshll.u32 @!p1 s24, $0x9  }
0x3fe: {  	[sflag:s26] =	ssyncset.done $0x0;
	s25 =	simm.s32 @p2 $0x16000;
	s24 =	sshra.s32 @!p1 s24, $0x2  }
0x3ff: {  	[sflag:s26] =	ssyncadd.s32 $0xFFFFC000;
	s24 =	sadd.s32 @!p1 s24, s25  }
0x400: {  	v17 =	vld.msk @!p1 [tilespmem:s24+$0x0], $0xff;
	_ =	sdelay $0x4  }
0x401: {  	v18 =	vshll.u32 @!p1 v17, $0x4  }
0x402: {  	v19 =	vlaneseq.u32 @!p1;
	v17 =	vand.u32 @!p1 $0x7, v17;
	v18 =	vand.u32 @!p1 $0xFFFFFF80, v18  }
0x403: {  	v17 =	vor.u32 @!p1 v17, v18;
	v18 =	vand.u32 @!p1 $0x7, v19;
	v19 =	vshrl.u32 @!p1 v19, $0x3  }
0x404: {  	v17 =	vperm.xlane @!p1 v17, v18;
	v18 =	vmul.u32 @!p1 $0x8, v19;
	_ =	sdelay $0x1  }
0x405: {  	v17 =	vadd.s32 @!p1 v18, v17;
	_ =	sdelay $0x2  }
0x406: {  	s24 =	smov.u32 s28  }
0x407: {  	vm0 =	vmmov @!p1 $0xffff;
	s26 =	simm.s32 @!p1 $0xA000;
	s25 =	simm.s32 @!p1 $0x0;
	s24 =	smov.u32 @p2 s29  }
0x408: {  	[tilespmem:s26], [sflag:$0x3] =	stream.indirect_vreg.gather @!p1 [hbm4b:s24+s25], $0x80, v17, vm0, $0xb8;
	[tilespmem:$0x1A000] =	vst v63  }
0x409: {  	s24 =	smov.u32 s17  }
0x40a: {  	s26 =	simm.s32 @!p1 $0xA800;
	s24 =	smov.u32 @p2 s8  }
0x40b: {  	[tilespmem:s26], [sflag:$0x3] =	stream.indirect_vreg.gather @!p1 [hbm4b:s24+s25], $0x80, v17, vm0, $0xb8;
	[tilespmem:$0x1A000] =	vst v63  }
0x40c: {  	s24 =	smov.u32 s18  }
0x40d: {  	s26 =	simm.s32 @!p1 $0xB000;
	s24 =	smov.u32 @p2 s9  }
0x40e: {  	[tilespmem:s26], [sflag:$0x3] =	stream.indirect_vreg.gather @!p1 [hbm4b:s24+s25], $0x80, v17, vm0, $0xb8;
	[tilespmem:$0x1A000] =	vst v63  }
0x40f: {  	s24 =	smov.u32 s19  }
0x410: {  	s26 =	simm.s32 @!p1 $0xB800;
	s24 =	smov.u32 @p2 s12  }
0x411: {  	[tilespmem:s26], [sflag:$0x3] =	stream.indirect_vreg.gather @!p1 [hbm4b:s24+s25], $0x80, v17, vm0, $0xb8;
	[tilespmem:$0x1A000] =	vst v63  }
0x412: {  	s24 =	smov.u32 s20  }
0x413: {  	s26 =	simm.s32 @!p1 $0xC000;
	s24 =	smov.u32 @p2 s13  }
0x414: {  	[tilespmem:s26], [sflag:$0x3] =	stream.indirect_vreg.gather @!p1 [hbm4b:s24+s25], $0x80, v17, vm0, $0xb8;
	[tilespmem:$0x1A000] =	vst v63  }
0x415: {  	s24 =	smov.u32 s21  }
0x416: {  	s26 =	simm.s32 @!p1 $0xC800;
	s24 =	smov.u32 @p2 s14  }
0x417: {  	[tilespmem:s26], [sflag:$0x3] =	stream.indirect_vreg.gather @!p1 [hbm4b:s24+s25], $0x80, v17, vm0, $0xb8;
	[tilespmem:$0x1A000] =	vst v63  }
0x418: {  	s24 =	smov.u32 s22  }
0x419: {  	s26 =	simm.s32 @!p1 $0xD000;
	s24 =	smov.u32 @p2 s15  }
0x41a: {  	[tilespmem:s26], [sflag:$0x3] =	stream.indirect_vreg.gather @!p1 [hbm4b:s24+s25], $0x80, v17, vm0, $0xb8;
	[tilespmem:$0x1A000] =	vst v63  }
0x41b: {  	s24 =	smov.u32 s23  }
0x41c: {  	s26 =	simm.s32 @!p1 $0xD800;
	s24 =	smov.u32 @p2 s16  }
0x41d: {  	[tilespmem:s26], [sflag:$0x3] =	stream.indirect_vreg.gather @!p1 [hbm4b:s24+s25], $0x80, v17, vm0, $0xb8;
	[tilespmem:$0x1A000] =	vst v63  }
0x41e: {  	p1 =	slt.s32 s2, s7;
	s2 =	smov.u32 s7  }
0x41f: {  	s2 =	simm.s32 @p1 $0x0  }
0x420: {  	s2 =	sshll.u32 s2, $0x9  }
0x421: {  	s24 =	simm.s32 $0x19000;
	s25 =	simm.s32 $0x4;
	s2 =	ssub.s32 $0x0, s2  }
0x422: {  	_ =	swait.ge [sflag:s25], $0x4000;
	s24 =	simm.s32 @!p1 $0x17000;
	s2 =	sshra.s32 s2, $0x2  }
0x423: {  	s26 =	sshra.s32 s10, $0x2;
	[sflag:s25] =	ssyncset.done $0x0;
	s2 =	sadd.s32 s2, s24  }
0x424: {  	[sflag:s25] =	ssyncadd.s32 $0xFFFFC000;
	s2 =	sadd.s32 s26, s2  }
0x425: {  	v17 =	vld.msk [tilespmem:s2+$0x180], $0xff;
	_ =	sdelay $0x4  }
0x426: {  	v18 =	vshll.u32 v17, $0x4  }
0x427: {  	v17 =	vand.u32 $0x7, v17;
	v18 =	vand.u32 $0xFFFFFF80, v18  }
0x428: {  	v19 =	vshrl.u32 v0, $0x3;
	v17 =	vor.u32 v17, v18;
	v18 =	vand.u32 $0x7, v0  }
0x429: {  	v17 =	vperm.xlane v17, v18;
	v18 =	vmul.u32 $0x8, v19;
	_ =	sdelay $0x1  }
0x42a: {  	v17 =	vadd.s32 v18, v17;
	_ =	sdelay $0x3  }
0x42b: {  	vm0 =	vmmov $0xffff;
	s26 =	simm.s32 $0xE000  }
0x42c: {  	[hbm4b:s30+s0] =	stream.indirect_vreg.scatter [tilespmem:s26], [sflag:$0x9], $0x80, v17, vm0, $0xb8;
	[tilespmem:$0x1A000] =	vst v63  }
0x42d: {  	s24 =	simm.s32 $0xE800  }
0x42e: {  	[hbm4b:s31+s0] =	stream.indirect_vreg.scatter [tilespmem:s24], [sflag:$0x9], $0x80, v17, vm0, $0xb8;
	[tilespmem:$0x1A000] =	vst v63  }
0x42f: {  	s25 =	rddreg [dreg:$0xb];
	s26 =	simm.s32 $0xF000  }
0x430: {  	[hbm4b:s25+s0] =	stream.indirect_vreg.scatter [tilespmem:s26], [sflag:$0x9], $0x80, v17, vm0, $0xb8;
	[tilespmem:$0x1A000] =	vst v63  }
0x431: {  	s25 =	rddreg [dreg:$0xc];
	s26 =	simm.s32 $0xF800  }
0x432: {  	[hbm4b:s25+s0] =	stream.indirect_vreg.scatter [tilespmem:s26], [sflag:$0x9], $0x80, v17, vm0, $0xb8;
	[tilespmem:$0x1A000] =	vst v63  }
0x433: {  	s25 =	rddreg [dreg:$0xd];
	s26 =	simm.s32 $0x10000  }
0x434: {  	[hbm4b:s25+s0] =	stream.indirect_vreg.scatter [tilespmem:s26], [sflag:$0x9], $0x80, v17, vm0, $0xb8;
	[tilespmem:$0x1A000] =	vst v63  }
0x435: {  	s25 =	rddreg [dreg:$0xe];
	s26 =	simm.s32 $0x10800  }
0x436: {  	[hbm4b:s25+s0] =	stream.indirect_vreg.scatter [tilespmem:s26], [sflag:$0x9], $0x80, v17, vm0, $0xb8;
	[tilespmem:$0x1A000] =	vst v63  }
0x437: {  	s25 =	rddreg [dreg:$0xf];
	s26 =	simm.s32 $0x11000  }
0x438: {  	[hbm4b:s25+s0] =	stream.indirect_vreg.scatter [tilespmem:s26], [sflag:$0x9], $0x80, v17, vm0, $0xb8;
	[tilespmem:$0x1A000] =	vst v63  }
0x439: {  	s25 =	rddreg [dreg:$0x10];
	s26 =	simm.s32 $0x11800  }
0x43a: {  	[hbm4b:s25+s0] =	stream.indirect_vreg.scatter [tilespmem:s26], [sflag:$0x9], $0x80, v17, vm0, $0xb8;
	[tilespmem:$0x1A000] =	vst v63  }
.LBB2_29:
0x43b: {  	p1 =	sge.s32 s5, s11  }
.Ltmp20:
0x43c: {  	_ = 	snop;
	(pc) =	sbr.rel @p1 .LBB2_31-.Ltmp20, $1  }
0x43d: {  	_ =	sdelay $0x3  }
0x43e: {  	s2 =	sadd.s32 $0x4, s5  }
0x43f: {  	p1 =	sge.s32 s2, s11  }
0x440: {  	p2 =	slt.s32 @!p1 s2, s7  }
0x441: {  	s1 =	sadd.s32 $0x8, s1;
	p3 =	por p2, p1  }
0x442: {  	p2 =	por !p2, p1;
	s1 =	ssub.s32 @!p3 s1, s7  }
0x443: {  	s24 =	simm.s32 $0x9;
	s2 =	smov.u32 @p2 s1  }
0x444: {  	_ =	swait.ge [sflag:s24], $0x4000;
	s1 =	simm.s32 @!p1 $0x18000;
	s2 =	sshll.u32 @!p1 s2, $0x9  }
0x445: {  	[sflag:s24] =	ssyncset.done $0x0;
	s1 =	simm.s32 @p2 $0x16000;
	s2 =	sshra.s32 @!p1 s2, $0x2  }
0x446: {  	[sflag:s24] =	ssyncadd.s32 $0xFFFFC000;
	s1 =	sadd.s32 @!p1 s2, s1  }
0x447: {  	v17 =	vld.msk @!p1 [tilespmem:s1+$0x0], $0xff;
	_ =	sdelay $0x4  }
0x448: {  	v18 =	vshll.u32 @!p1 v17, $0x4  }
0x449: {  	v19 =	vlaneseq.u32 @!p1;
	v17 =	vand.u32 @!p1 $0x7, v17;
	v18 =	vand.u32 @!p1 $0xFFFFFF80, v18  }
0x44a: {  	v17 =	vor.u32 @!p1 v17, v18;
	v18 =	vand.u32 @!p1 $0x7, v19;
	v19 =	vshrl.u32 @!p1 v19, $0x3  }
0x44b: {  	v17 =	vperm.xlane @!p1 v17, v18;
	v18 =	vmul.u32 @!p1 $0x8, v19;
	_ =	sdelay $0x1  }
0x44c: {  	v17 =	vadd.s32 @!p1 v18, v17;
	_ =	sdelay $0x2  }
0x44d: {  	s1 =	smov.u32 s28  }
0x44e: {  	vm0 =	vmmov @!p1 $0xffff;
	s24 =	simm.s32 @!p1 $0xE000;
	s2 =	simm.s32 @!p1 $0x0;
	s1 =	smov.u32 @p2 s29  }
0x44f: {  	[tilespmem:s24], [sflag:$0x4] =	stream.indirect_vreg.gather @!p1 [hbm4b:s1+s2], $0x80, v17, vm0, $0xb8;
	[tilespmem:$0x1A000] =	vst v63  }
0x450: {  	s1 =	smov.u32 s17  }
0x451: {  	s24 =	simm.s32 @!p1 $0xE800;
	s1 =	smov.u32 @p2 s8  }
0x452: {  	[tilespmem:s24], [sflag:$0x4] =	stream.indirect_vreg.gather @!p1 [hbm4b:s1+s2], $0x80, v17, vm0, $0xb8;
	[tilespmem:$0x1A000] =	vst v63  }
0x453: {  	s1 =	smov.u32 s18  }
0x454: {  	s24 =	simm.s32 @!p1 $0xF000;
	s1 =	smov.u32 @p2 s9  }
0x455: {  	[tilespmem:s24], [sflag:$0x4] =	stream.indirect_vreg.gather @!p1 [hbm4b:s1+s2], $0x80, v17, vm0, $0xb8;
	[tilespmem:$0x1A000] =	vst v63  }
0x456: {  	s1 =	smov.u32 s19  }
0x457: {  	s24 =	simm.s32 @!p1 $0xF800;
	s1 =	smov.u32 @p2 s12  }
0x458: {  	[tilespmem:s24], [sflag:$0x4] =	stream.indirect_vreg.gather @!p1 [hbm4b:s1+s2], $0x80, v17, vm0, $0xb8;
	[tilespmem:$0x1A000] =	vst v63  }
0x459: {  	s1 =	smov.u32 s20  }
0x45a: {  	s24 =	simm.s32 @!p1 $0x10000;
	s1 =	smov.u32 @p2 s13  }
0x45b: {  	[tilespmem:s24], [sflag:$0x4] =	stream.indirect_vreg.gather @!p1 [hbm4b:s1+s2], $0x80, v17, vm0, $0xb8;
	[tilespmem:$0x1A000] =	vst v63  }
0x45c: {  	s1 =	smov.u32 s21  }
0x45d: {  	s24 =	simm.s32 @!p1 $0x10800;
	s1 =	smov.u32 @p2 s14  }
0x45e: {  	[tilespmem:s24], [sflag:$0x4] =	stream.indirect_vreg.gather @!p1 [hbm4b:s1+s2], $0x80, v17, vm0, $0xb8;
	[tilespmem:$0x1A000] =	vst v63  }
0x45f: {  	s1 =	smov.u32 s22  }
0x460: {  	s24 =	simm.s32 @!p1 $0x11000;
	s1 =	smov.u32 @p2 s15  }
0x461: {  	[tilespmem:s24], [sflag:$0x4] =	stream.indirect_vreg.gather @!p1 [hbm4b:s1+s2], $0x80, v17, vm0, $0xb8;
	[tilespmem:$0x1A000] =	vst v63  }
0x462: {  	s1 =	smov.u32 s23  }
0x463: {  	s24 =	simm.s32 @!p1 $0x11800;
	s1 =	smov.u32 @p2 s16  }
0x464: {  	[tilespmem:s24], [sflag:$0x4] =	stream.indirect_vreg.gather @!p1 [hbm4b:s1+s2], $0x80, v17, vm0, $0xb8;
	[tilespmem:$0x1A000] =	vst v63  }
0x465: {  	p1 =	slt.s32 s5, s7;
	s1 =	smov.u32 s7  }
0x466: {  	s1 =	simm.s32 @p1 $0x0  }
0x467: {  	s1 =	sshll.u32 s1, $0x9  }
0x468: {  	s25 =	simm.s32 $0x5;
	s2 =	simm.s32 $0x19000;
	s1 =	ssub.s32 $0x0, s1  }
0x469: {  	_ =	swait.ge [sflag:s25], $0x4000;
	s2 =	simm.s32 @!p1 $0x17000;
	s1 =	sshra.s32 s1, $0x2  }
0x46a: {  	s26 =	sshra.s32 s10, $0x2;
	[sflag:s25] =	ssyncset.done $0x0;
	s1 =	sadd.s32 s1, s2  }
0x46b: {  	[sflag:s25] =	ssyncadd.s32 $0xFFFFC000;
	s1 =	sadd.s32 s26, s1  }
0x46c: {  	v17 =	vld.msk [tilespmem:s1+$0x200], $0xff;
	_ =	sdelay $0x4  }
0x46d: {  	v18 =	vshll.u32 v17, $0x4  }
0x46e: {  	v17 =	vand.u32 $0x7, v17;
	v18 =	vand.u32 $0xFFFFFF80, v18  }
0x46f: {  	v19 =	vshrl.u32 v0, $0x3;
	v17 =	vor.u32 v17, v18;
	v18 =	vand.u32 $0x7, v0  }
0x470: {  	v17 =	vperm.xlane v17, v18;
	v18 =	vmul.u32 $0x8, v19;
	_ =	sdelay $0x1  }
0x471: {  	v17 =	vadd.s32 v18, v17;
	_ =	sdelay $0x3  }
0x472: {  	vm0 =	vmmov $0xffff;
	s25 =	simm.s32 $0x12000  }
0x473: {  	[hbm4b:s30+s0] =	stream.indirect_vreg.scatter [tilespmem:s25], [sflag:$0xA], $0x80, v17, vm0, $0xb8;
	[tilespmem:$0x1A000] =	vst v63  }
0x474: {  	s26 =	simm.s32 $0x12800  }
0x475: {  	[hbm4b:s31+s0] =	stream.indirect_vreg.scatter [tilespmem:s26], [sflag:$0xA], $0x80, v17, vm0, $0xb8;
	[tilespmem:$0x1A000] =	vst v63  }
0x476: {  	s24 =	simm.s32 $0x13000;
	s2 =	rddreg [dreg:$0xb]  }
0x477: {  	[hbm4b:s2+s0] =	stream.indirect_vreg.scatter [tilespmem:s24], [sflag:$0xA], $0x80, v17, vm0, $0xb8;
	[tilespmem:$0x1A000] =	vst v63  }
0x478: {  	s25 =	rddreg [dreg:$0xc];
	s26 =	simm.s32 $0x13800  }
0x479: {  	[hbm4b:s25+s0] =	stream.indirect_vreg.scatter [tilespmem:s26], [sflag:$0xA], $0x80, v17, vm0, $0xb8;
	[tilespmem:$0x1A000] =	vst v63  }
0x47a: {  	s2 =	rddreg [dreg:$0xd];
	s24 =	simm.s32 $0x14000  }
0x47b: {  	[hbm4b:s2+s0] =	stream.indirect_vreg.scatter [tilespmem:s24], [sflag:$0xA], $0x80, v17, vm0, $0xb8;
	[tilespmem:$0x1A000] =	vst v63  }
0x47c: {  	s25 =	rddreg [dreg:$0xe];
	s26 =	simm.s32 $0x14800  }
0x47d: {  	[hbm4b:s25+s0] =	stream.indirect_vreg.scatter [tilespmem:s26], [sflag:$0xA], $0x80, v17, vm0, $0xb8;
	[tilespmem:$0x1A000] =	vst v63  }
.Ltmp21:
0x47e: {  	_ = 	snop;
	(pc) =	sbr.rel .LBB2_31-.Ltmp21, $4  }
0x47f: {  	s2 =	rddreg [dreg:$0xf];
	s24 =	simm.s32 $0x15000  }
0x480: {  	[hbm4b:s2+s0] =	stream.indirect_vreg.scatter [tilespmem:s24], [sflag:$0xA], $0x80, v17, vm0, $0xb8;
	[tilespmem:$0x1A000] =	vst v63  }
0x481: {  	s25 =	rddreg [dreg:$0x10];
	s26 =	simm.s32 $0x15800  }
0x482: {  	[hbm4b:s25+s0] =	stream.indirect_vreg.scatter [tilespmem:s26], [sflag:$0xA], $0x80, v17, vm0, $0xb8;
	[tilespmem:$0x1A000] =	vst v63  }
.LBB2_32:
0x483: {  	s1 =	sadd.s32 $0xFFFFFFFF, s11  }
0x484: {  	s2 =	smulhi.u32 $0x66666667, s1;
	s3 =	sshra.s32 s1, $0x1F  }
0x485: {  	s3 =	smul.u32 $0x66666667, s3;
	_ =	sdelay $0x1  }
0x486: {  	s2 =	sadd.s32 s3, s2  }
0x487: {  	s3 =	sshrl.u32 s2, $0x1F;
	s2 =	sshra.s32 s2, $0x1  }
0x488: {  	s2 =	sadd.s32 s3, s2  }
0x489: {  	s2 =	smul.u32 $0x5, s2;
	_ =	sdelay $0x1  }
0x48a: {  	s1 =	ssub.s32 s1, s2  }
0x48b: {  	p1 =	sgt.s32 s1, $0x1  }
.Ltmp22:
0x48c: {  	_ = 	snop;
	(pc) =	sbr.rel @!p1 .LBB2_33-.Ltmp22, $1  }
0x48d: {  	_ =	sdelay $0x3  }
0x48e: {  	p1 =	seq.s32 s1, $0x2  }
.Ltmp23:
0x48f: {  	_ = 	snop;
	(pc) =	sbr.rel @p1 .LBB2_40-.Ltmp23, $1  }
0x490: {  	_ =	sdelay $0x3  }
0x491: {  	p1 =	seq.s32 s1, $0x3  }
.Ltmp24:
0x492: {  	_ = 	snop;
	(pc) =	sbr.rel @p1 .LBB2_41-.Ltmp24, $1  }
0x493: {  	_ =	sdelay $0x3  }
0x494: {  	p1 =	seq.s32 s1, $0x4  }
.Ltmp25:
0x495: {  	_ = 	snop;
	(pc) =	sbr.rel @!p1 .LBB2_43-.Ltmp25, $2  }
0x496: {  	_ =	sdelay $0x2  }
0x497: {  	s2 =	rddreg [dreg:$0x11]  }
.Ltmp26:
0x498: {  	(pc) =	sbr.rel .LBB2_42-.Ltmp26, $2  }
0x499: {  	_ =	sdelay $0x2  }
0x49a: {  	s2 =	simm.s32 $0xA  }
.LBB2_33:
0x49b: {  	p1 =	seq.s32 s1, $0x0  }
.Ltmp27:
0x49c: {  	_ = 	snop;
	(pc) =	sbr.rel @p1 .LBB2_42-.Ltmp27, $2  }
0x49d: {  	_ =	sdelay $0x2  }
0x49e: {  	s2 =	simm.s32 $0x6  }
0x49f: {  	p1 =	seq.s32 s1, $0x1  }
.Ltmp28:
0x4a0: {  	_ = 	snop;
	(pc) =	sbr.rel @!p1 .LBB2_43-.Ltmp28, $2  }
0x4a1: {  	_ =	sdelay $0x2  }
0x4a2: {  	s2 =	rddreg [dreg:$0x11]  }
.Ltmp29:
0x4a3: {  	(pc) =	sbr.rel .LBB2_42-.Ltmp29, $2  }
0x4a4: {  	_ =	sdelay $0x2  }
0x4a5: {  	s2 =	simm.s32 $0x7  }
.LBB2_41:
.Ltmp30:
0x4a6: {  	(pc) =	sbr.rel .LBB2_42-.Ltmp30, $2  }
0x4a7: {  	_ =	sdelay $0x2  }
0x4a8: {  	s2 =	simm.s32 $0x9  }
.LBB2_44:
0x4a9: {  	_ =	sfence.sel $0x180000  }
0x4aa: {  	[bflag:$0x0] =	sbarrier.arrive $0xFFFF  }
0x4ab: {  	_ =	strace $0x90000047  }
0x4ac: {  	s0 =	stileid.u32;
	[bflag:$0x2] =	sbarrier.arrive $0xFFFF  }
0x4ad: {  	p0 =	sne.s32 s0, $0x0;
	s0 =	rddreg [dreg:$0x4]  }
0x4ae: {  	s0 =	sadd.s32 @!p0 $0x100000, s0  }
0x4af: {  	[sflag:s0] =	ssyncadd.tile.s32 @!p0 $0x1;
	_ =	shalt  }
.Lfunc_end2:
_tile_overlayer_lowered:
.L_overlay_start_2:
0x4b0: {  	(tag) =	ssettag $0x2  }
0x4b1: {  	s0 =	rddreg [dreg:$0x0];
	s2 =	stileid.u32  }
0x4b2: {  	s1 =	rddreg [dreg:$0x1];
	p0 =	sne.s32 s2, $0x0  }
0x4b3: {  	s3 =	rddreg [dreg:$0x2];
	[bflag:$0x3] =	sbarrier.arrive $0xFFFF;
	s2 =	simm.s32 @!p0 $0x1C0B  }
0x4b4: {  	[timem:s3], [sflag:s2] =	dma.local @!p0 [hbm:s0], s1  }
0x4b5: {  	s0 =	simm.s32 @!p0 $0xB  }
0x4b6: {  	_ =	swait.ge @!p0 [sflag:s0], s1  }
0x4b7: {  	s1 =	ssub.s32 @!p0 $0x0, s1;
	[sflag:s0] =	ssyncset.done @!p0 $0x0  }
0x4b8: {  	[sflag:s0] =	ssyncadd.s32 @!p0 s1  }
0x4b9: {  	[bflag:$0x3] =	sbarrier.arrive $0xFFFF  }
0x4ba: {  	_ =	shalt  }

</sc_bundles>
